<compile_context>
chip_gen: v7x
topology: tpu7x:2x2x1
jax: 0.10.2.dev20260603
libtpu: 0.0.44.dev20260713+nightly
codegen_flags: <defaults>
</compile_context>

<pallas_src>
import functools

import jax
import jax.numpy as jnp
from jax import lax
from jax.experimental import pallas as pl
from jax.experimental.pallas import tpu as pltpu
from jax.experimental.pallas import tpu_sc as plsc

N = 10000
NPAD = 10240
E = 320000
D = 128
NG = 8
NCOUT = 2
NW = 32
EPW = E // NW
K = 80
NCHUNK = EPW // K
RPT = NPAD // 16

_mesh = plsc.VectorSubcoreMesh(core_axis_name="c", subcore_axis_name="s")

_GATHER_DNUMS = lax.GatherDimensionNumbers(
    offset_dims=(), collapsed_slice_dims=(0,), start_index_map=(0,))


def _lane_bcast(vec, l):
    idx = jnp.full((16, 1), l, jnp.int32)
    return lax.gather(vec, idx, _GATHER_DNUMS, (1,),
                      mode=lax.GatherScatterMode.PROMISE_IN_BOUNDS)


@functools.partial(
    pl.kernel,
    out_type=jax.ShapeDtypeStruct((2, NPAD), jnp.float32),
    mesh=_mesh,
    scratch_types=[
        pltpu.VMEM((K,), jnp.int32),
        pltpu.VMEM((K,), jnp.float32),
        pltpu.VMEM((RPT,), jnp.float32),
        pltpu.VMEM_SHARED((NPAD,), jnp.float32),
    ],
)
def _sc_deg(dst_hbm, w_hbm, out_hbm, dst_v, w_v, zb_v, acc_sh):
    c = lax.axis_index("c")
    s = lax.axis_index("s")
    wid = s * 2 + c
    for i in range(RPT // 16):
        zb_v[pl.ds(i * 16, 16)] = jnp.zeros((16,), jnp.float32)
    pltpu.sync_copy(zb_v, acc_sh.at[pl.ds(s * RPT, RPT)])
    plsc.subcore_barrier()

    def chunk(ci, carry):
        off = pl.multiple_of(wid * EPW + ci * K, 8)
        pltpu.sync_copy(dst_hbm.at[pl.ds(off, K)], dst_v)
        pltpu.sync_copy(w_hbm.at[pl.ds(off, K)], w_v)

        def absgrp(g, cc):
            w_v[pl.ds(g * 16, 16)] = jnp.abs(w_v[pl.ds(g * 16, 16)])
            return cc

        lax.fori_loop(0, K // 16, absgrp, 0)
        pltpu.sync_copy(w_v, acc_sh.at[dst_v], add=True)
        return carry

    lax.fori_loop(0, NCHUNK, chunk, 0)
    plsc.subcore_barrier()
    pltpu.sync_copy(acc_sh.at[pl.ds(s * RPT, RPT)],
                    out_hbm.at[c, pl.ds(s * RPT, RPT)])


KE = 112
EPWP = 10080
NCH2 = EPWP // KE
PADE = EPWP - EPW
NB = 3


def _scale_rows(wbufs, b, rbuf):
    def grp(g, cc):
        wvec = jnp.abs(wbufs[b, pl.ds(g * 16, 16)])
        base = g * 16
        for l in range(16):
            sv = _lane_bcast(wvec, l)
            e = base + l
            for j in range(D // 16):
                rbuf[e, pl.ds(j * 16, 16)] = rbuf[e, pl.ds(j * 16, 16)] * sv
        return cc

    lax.fori_loop(0, KE // 16, grp, 0)


@functools.partial(
    pl.kernel,
    out_type=jax.ShapeDtypeStruct((2, NPAD, D), jnp.float32),
    mesh=_mesh,
    scratch_types=[
        pltpu.VMEM((NB, 2, KE), jnp.int32),
        pltpu.VMEM((NB, KE), jnp.float32),
        pltpu.VMEM((KE,), jnp.int32),
        pltpu.VMEM((KE,), jnp.int32),
        pltpu.VMEM((KE,), jnp.int32),
        pltpu.VMEM((KE,), jnp.int32),
        pltpu.VMEM((KE,), jnp.int32),
        pltpu.VMEM((KE,), jnp.int32),
        pltpu.VMEM((KE, D), jnp.float32),
        pltpu.VMEM((KE, D), jnp.float32),
        pltpu.VMEM((KE, D), jnp.float32),
        pltpu.VMEM_SHARED((NPAD, D), jnp.float32),
        pltpu.SemaphoreType.DMA,
        pltpu.SemaphoreType.DMA,
        pltpu.SemaphoreType.DMA,
        pltpu.SemaphoreType.DMA,
        pltpu.SemaphoreType.DMA,
        pltpu.SemaphoreType.DMA,
        pltpu.SemaphoreType.DMA,
        pltpu.SemaphoreType.DMA,
        pltpu.SemaphoreType.DMA,
    ],
)
def _sc_edge(hp_hbm, epk_hbm, ew_hbm, out_hbm,
             ebuf, wbufs, srcb0, srcb1, srcb2, dstb0, dstb1, dstb2,
             rbuf0, rbuf1, rbuf2, acc_sh,
             gsem0, gsem1, gsem2, ssem0, ssem1, ssem2, esem0, esem1, esem2):
    c = lax.axis_index("c")
    s = lax.axis_index("s")
    wid = s * 2 + c
    srcb = (srcb0, srcb1, srcb2)
    dstb = (dstb0, dstb1, dstb2)
    rbuf = (rbuf0, rbuf1, rbuf2)
    gsem = (gsem0, gsem1, gsem2)
    ssem = (ssem0, ssem1, ssem2)
    esem = (esem0, esem1, esem2)
    row0 = wid * NCH2

    pltpu.sync_copy(hp_hbm.at[pl.ds(s * RPT, RPT)], acc_sh.at[pl.ds(s * RPT, RPT)])

    def zrow(r, cc):
        for j in range(D // 16):
            rbuf1[r, pl.ds(j * 16, 16)] = jnp.zeros((16,), jnp.float32)
            rbuf2[r, pl.ds(j * 16, 16)] = jnp.zeros((16,), jnp.float32)
        return cc

    lax.fori_loop(0, KE, zrow, 0)
    for g in range(KE // 16):
        dstb1[pl.ds(g * 16, 16)] = jnp.zeros((16,), jnp.int32)
        dstb2[pl.ds(g * 16, 16)] = jnp.zeros((16,), jnp.int32)
    plsc.subcore_barrier()
    pltpu.async_copy(rbuf1, acc_sh.at[dstb1], ssem1, add=True)
    pltpu.async_copy(rbuf2, acc_sh.at[dstb2], ssem2, add=True)

    def _edata_async(j, x):
        pltpu.async_copy(epk_hbm.at[row0 + j], ebuf.at[x], esem[x])
        pltpu.async_copy(ew_hbm.at[row0 + j], wbufs.at[x], esem[x])

    def _edata_drain(x):
        pltpu.make_async_copy(epk_hbm.at[row0], ebuf.at[x], esem[x]).wait()
        pltpu.make_async_copy(ew_hbm.at[row0], wbufs.at[x], esem[x]).wait()

    def _dcp(x):
        def body(g, cc):
            srcb[x][pl.ds(g * 16, 16)] = ebuf[x, 0, pl.ds(g * 16, 16)]
            dstb[x][pl.ds(g * 16, 16)] = ebuf[x, 1, pl.ds(g * 16, 16)]
            return cc

        lax.fori_loop(0, KE // 16, body, 0)

    _edata_async(0, 0)
    _edata_async(1, 1)
    _edata_drain(0)
    _dcp(0)
    pltpu.async_copy(hp_hbm.at[srcb0], rbuf0, gsem0)

    def triple(t, carry):
        for b in (0, 1, 2):
            i = 3 * t + b
            o = (b + 1) % NB
            n = (b + 2) % NB
            j = i + 1

            @pl.when(j < NCH2)
            def _():
                @pl.when(j + 1 < NCH2)
                def _():
                    _edata_async(j + 1, n)

                pltpu.make_async_copy(hp_hbm.at[pl.ds(0, KE)], rbuf[o],
                                      ssem[o]).wait()
                _edata_drain(o)
                _dcp(o)
                pltpu.async_copy(hp_hbm.at[srcb[o]], rbuf[o], gsem[o])

            pltpu.make_async_copy(hp_hbm.at[pl.ds(0, KE)], rbuf[b],
                                  gsem[b]).wait()
            pass
            pltpu.async_copy(rbuf[b], acc_sh.at[dstb[b]], ssem[b], add=True)
        return carry

    lax.fori_loop(0, NCH2 // 3, triple, 0)
    for b in (0, 1, 2):
        pltpu.make_async_copy(hp_hbm.at[pl.ds(0, KE)], rbuf[b], ssem[b]).wait()
    plsc.subcore_barrier()
    pltpu.sync_copy(acc_sh.at[pl.ds(s * RPT, RPT)],
                    out_hbm.at[c, pl.ds(s * RPT, RPT)])


def _t_dinv_body(dp_ref, out_ref):
    dp = dp_ref[...]
    out_ref[...] = lax.rsqrt(1.0 + dp[0] + dp[1])


def _t_dinv(deg_parts):
    return pl.pallas_call(
        _t_dinv_body,
        out_shape=jax.ShapeDtypeStruct((NPAD,), jnp.float32),
    )(deg_parts)


def _store_h_hp(h, dv, h_ref, hp_ref):
    zpad = jnp.zeros((NPAD - N, D), jnp.float32)
    h_ref[0:N, :] = h
    h_ref[N:NPAD, :] = zpad
    hp_ref[0:N, :] = dv * h
    hp_ref[N:NPAD, :] = zpad


def _t_mm0_body(x_ref, w_ref, dv_ref, h_ref, hp_ref):
    h = jnp.dot(x_ref[...], w_ref[...], preferred_element_type=jnp.float32)
    _store_h_hp(h, dv_ref[0:N, :], h_ref, hp_ref)


_H_OUT = [jax.ShapeDtypeStruct((NPAD, D), jnp.float32),
          jax.ShapeDtypeStruct((NPAD, D), jnp.float32)]


def _t_mm0(x, W, dinv_col):
    return pl.pallas_call(_t_mm0_body, out_shape=_H_OUT)(x, W, dinv_col)


def _bn_block(parts_ref, h_ref, dv_ref, b_ref, g_ref, be_ref):
    p = parts_ref[0, 0:N, :] + parts_ref[1, 0:N, :]
    dv = dv_ref[0:N, :]
    h = h_ref[0:N, :]
    hp = dv * h
    z = dv * (p - hp) + b_ref[...]
    z = jnp.where(z > 0, z, 0.2 * z)
    m = jnp.sum(z, axis=0) * (1.0 / N)
    zc = z - m
    v = jnp.sum(zc * zc, axis=0) * (1.0 / N)
    return zc * lax.rsqrt(v + 1e-5) * g_ref[...] + be_ref[...]


def _t_layer_body(parts_ref, h_ref, dv_ref, b_ref, g_ref, be_ref, w_ref,
                  hn_ref, hpn_ref):
    z = _bn_block(parts_ref, h_ref, dv_ref, b_ref, g_ref, be_ref)
    hn = jnp.dot(z, w_ref[...], preferred_element_type=jnp.float32)
    _store_h_hp(hn, dv_ref[0:N, :], hn_ref, hpn_ref)


def _t_layer(parts, h_prev, dinv_col, b, g, be, W_next):
    return pl.pallas_call(_t_layer_body, out_shape=_H_OUT)(
        parts, h_prev, dinv_col, b, g, be, W_next)


def _t_final_body(parts_ref, h_ref, dv_ref, b_ref, g_ref, be_ref, batch_ref,
                  wm1_ref, bm1_ref, wm2_ref, bm2_ref, out_ref):
    z = _bn_block(parts_ref, h_ref, dv_ref, b_ref, g_ref, be_ref)
    bt = batch_ref[...]
    gid = lax.broadcasted_iota(jnp.int32, (NG, N), 0)
    oh = (gid == bt[None, :]).astype(jnp.float32)
    sums = jnp.dot(oh, z, preferred_element_type=jnp.float32)
    cnt = jnp.dot(oh, jnp.ones((N, 1), jnp.float32),
                  preferred_element_type=jnp.float32)
    pooled = sums / jnp.maximum(cnt, 1.0)
    h1 = jnp.maximum(
        jnp.dot(pooled, wm1_ref[...], preferred_element_type=jnp.float32)
        + bm1_ref[...], 0.0)
    out_ref[...] = (jnp.dot(h1, wm2_ref[...], preferred_element_type=jnp.float32)
                    + bm2_ref[...])


def _t_final(parts, h_prev, dinv_col, b, g, be, batch, Wm1, bm1, Wm2, bm2):
    return pl.pallas_call(
        _t_final_body,
        out_shape=jax.ShapeDtypeStruct((NG, NCOUT), jnp.float32),
    )(parts, h_prev, dinv_col, b, g, be, batch, Wm1, bm1, Wm2, bm2)


def _pack_edges(src, dst, edge_attr):
    parts = []
    for arr, padval in ((src, 0), (dst, NPAD - 1)):
        a = arr.reshape(NW, EPW)
        pad = jnp.full((NW, PADE), padval, jnp.int32)
        parts.append(jnp.concatenate([a, pad], axis=1).reshape(NW, NCH2, 1, KE))
    epk = jnp.concatenate(parts, axis=2).reshape(NW * NCH2, 2, KE)
    wpad = jnp.zeros((NW, PADE), jnp.float32)
    ew = jnp.concatenate([edge_attr.reshape(NW, EPW), wpad],
                         axis=1).reshape(NW * NCH2, KE)
    return epk, ew


def kernel(x, edge_index, edge_attr, batch,
           W0, b0, g0, be0, W1, b1, g1, be1, W2, b2, g2, be2,
           Wm1, bm1, Wm2, bm2):
    src = edge_index[0]
    dst = edge_index[1]
    epk, ew = _pack_edges(src, dst, edge_attr)
    deg_parts = _sc_deg(dst, edge_attr)
    dinv = _t_dinv(deg_parts)
    dinv_col = dinv[:, None]
    h0, hp0 = _t_mm0(x, W0, dinv_col)
    parts = _sc_edge(hp0, epk, ew)
    h1, hp1 = _t_layer(parts, h0, dinv_col, b0, g0, be0, W1)
    parts = _sc_edge(hp1, epk, ew)
    h2, hp2 = _t_layer(parts, h1, dinv_col, b1, g1, be1, W2)
    parts = _sc_edge(hp2, epk, ew)
    return _t_final(parts, h2, dinv_col, b2, g2, be2, batch, Wm1, bm1, Wm2, bm2)

# --- scband reference (transcript-rebuilt; emitter-appended) ---
"""Pipeline reference for scband-base-gnn-79293686218936 (READ-ONLY COPY).

The authoritative reference and input builder live on the scoring server;
editing this copy changes nothing except your own understanding.
"""

import jax, jax.numpy as jnp
import numpy as np

N = 10000
E = 320000
D = 128
H = 128
NC = 2
NG = 8


def _lin_init(k, fan_in, shape):
    bound = 1.0 / np.sqrt(fan_in)
    return jax.random.uniform(k, shape, minval=-bound, maxval=bound, dtype=jnp.float32)


def setup_inputs(seed: int = 0) -> dict:
    key = jax.random.key(seed)
    ks = jax.random.split(key, 24)
    inp = {}
    inp["x"] = jax.random.normal(ks[0], (N, D), dtype=jnp.float32)
    inp["edge_index"] = jax.random.randint(ks[1], (2, E), 0, N)
    inp["edge_attr"] = jax.random.uniform(ks[2], (E,), dtype=jnp.float32)
    inp["batch"] = jnp.sort(jax.random.randint(ks[3], (N,), 0, NG))
    dims = [D, H, H]
    for i in range(3):
        inp[f"W{i}"] = _lin_init(ks[4 + i], dims[i], (dims[i], H))
        inp[f"b{i}"] = jnp.zeros((H,), jnp.float32)
        inp[f"g{i}"] = jnp.ones((H,), jnp.float32)
        inp[f"be{i}"] = jnp.zeros((H,), jnp.float32)
    inp["Wm1"] = _lin_init(ks[16], H, (H, H))
    inp["bm1"] = jnp.zeros((H,), jnp.float32)
    inp["Wm2"] = _lin_init(ks[17], H, (H, NC))
    inp["bm2"] = jnp.zeros((NC,), jnp.float32)
    return inp


def _gcn_conv(x, src, dst, w, W, b):
    n = x.shape[0]
    h = x @ W
    loop = jnp.arange(n)
    s = jnp.concatenate([src, loop])
    d = jnp.concatenate([dst, loop])
    ww = jnp.concatenate([w, jnp.ones((n,), w.dtype)])
    deg = jnp.zeros((n,), x.dtype).at[d].add(ww)
    dinv = jnp.where(deg > 0, jax.lax.rsqrt(jnp.maximum(deg, 1e-12)), 0.0)
    norm = dinv[s] * ww * dinv[d]
    out = jnp.zeros_like(h).at[d].add(norm[:, None] * h[s])
    return out + b


def _bn(z, g, be, eps=1e-5):
    m = z.mean(axis=0)
    v = z.var(axis=0)
    return (z - m) * jax.lax.rsqrt(v + eps) * g + be


def reference(x, edge_index, edge_attr, batch, W0, b0, g0, be0, W1, b1, g1, be1, W2, b2, g2, be2, Wm1, bm1, Wm2, bm2):
    w = jnp.abs(edge_attr)
    src, dst = edge_index[0], edge_index[1]
    z = x
    for (W, b, g, be) in ((W0, b0, g0, be0), (W1, b1, g1, be1), (W2, b2, g2, be2)):
        z = _gcn_conv(z, src, dst, w, W, b)
        z = jnp.where(z > 0, z, 0.2 * z)
        z = _bn(z, g, be)
    sums = jax.ops.segment_sum(z, batch, num_segments=NG)
    cnt = jax.ops.segment_sum(jnp.ones((z.shape[0],), z.dtype), batch, num_segments=NG)
    pooled = sums / jnp.maximum(cnt, 1.0)[:, None]
    h1 = jnp.maximum(pooled @ Wm1 + bm1, 0.0)
    return h1 @ Wm2 + bm2

if __name__ == "__main__":
    import jax
    _d = setup_inputs()
    print(jax.jit(kernel)(*tuple(_d.values())))

</pallas_src>

<mosaic_0001>
#map = affine_map<(d0, d1) -> (0, 0)>
#map1 = affine_map<(d0, d1) -> (0, 0, 0)>
module attributes {stable_mosaic.version = 14 : i64} {
  func.func @_sc_edge(%arg0: i32, %arg1: i32, %arg2: memref<10240x128xf32, #tpu.memory_space<hbm>>, %arg3: memref<2880x2x112xi32, #tpu.memory_space<hbm>>, %arg4: memref<2880x112xf32, #tpu.memory_space<hbm>>, %arg5: memref<2x10240x128xf32, #tpu.memory_space<hbm>>, %arg6: memref<3x2x112xi32, #tpu.memory_space<vmem>>, %arg7: memref<3x112xf32, #tpu.memory_space<vmem>>, %arg8: memref<112xi32, #tpu.memory_space<vmem>>, %arg9: memref<112xi32, #tpu.memory_space<vmem>>, %arg10: memref<112xi32, #tpu.memory_space<vmem>>, %arg11: memref<112xi32, #tpu.memory_space<vmem>>, %arg12: memref<112xi32, #tpu.memory_space<vmem>>, %arg13: memref<112xi32, #tpu.memory_space<vmem>>, %arg14: memref<112x128xf32, #tpu.memory_space<vmem>>, %arg15: memref<112x128xf32, #tpu.memory_space<vmem>>, %arg16: memref<112x128xf32, #tpu.memory_space<vmem>>, %arg17: memref<10240x128xf32, #tpu.memory_space<vmem_shared>>, %arg18: memref<!tpu.dma_semaphore, #tpu.memory_space<semaphore_mem>>, %arg19: memref<!tpu.dma_semaphore, #tpu.memory_space<semaphore_mem>>, %arg20: memref<!tpu.dma_semaphore, #tpu.memory_space<semaphore_mem>>, %arg21: memref<!tpu.dma_semaphore, #tpu.memory_space<semaphore_mem>>, %arg22: memref<!tpu.dma_semaphore, #tpu.memory_space<semaphore_mem>>, %arg23: memref<!tpu.dma_semaphore, #tpu.memory_space<semaphore_mem>>, %arg24: memref<!tpu.dma_semaphore, #tpu.memory_space<semaphore_mem>>, %arg25: memref<!tpu.dma_semaphore, #tpu.memory_space<semaphore_mem>>, %arg26: memref<!tpu.dma_semaphore, #tpu.memory_space<semaphore_mem>>) attributes {dimension_semantics = [#tpu.dimension_semantics<core_parallel>, #tpu.dimension_semantics<subcore_parallel>], iteration_bounds = array<i64: 2, 16>, scalar_prefetch = 0 : i64, scratch_operands = 21 : i64, tpu.core_type = #tpu.core_type<sc_vector_subcore>, window_params = [{transform_indices = #map}, {transform_indices = #map1}, {transform_indices = #map}, {transform_indices = #map1}]} {
    %mul3A = arith.constant 2 : i32
    %mul3A_0 = arith.muli %arg1, %mul3A : i32
    %add3A = arith.addi %mul3A_0, %arg0 : i32
    %mul3A_1 = arith.constant 90 : i32
    %mul3A_2 = arith.muli %add3A, %mul3A_1 : i32
    %mul3A_3 = arith.constant 640 : i32
    %mul3A_4 = arith.muli %arg1, %mul3A_3 : i32
    %mul3A_5 = arith.constant 640 : i32
    %mul3A_6 = arith.muli %arg1, %mul3A_5 : i32
    "tpu.region"() ({
      %run_scoped3A = tpu.sem_alloc : memref<!tpu.dma_semaphore, #tpu.memory_space<semaphore_mem>>
      %dma_start3A_234 = arith.constant 0 : i32
      %dma_start3A_235 = tpu.memref_slice %arg17[%mul3A_6, %dma_start3A_234] : memref<10240x128xf32, #tpu.memory_space<vmem_shared>> -> memref<640x128xf32, #tpu.memory_space<vmem_shared>>
      %dma_start3A_236 = arith.constant 0 : i32
      %dma_start3A_237 = tpu.memref_slice %arg2[%mul3A_4, %dma_start3A_236] : memref<10240x128xf32, #tpu.memory_space<hbm>> -> memref<640x128xf32, #tpu.memory_space<hbm>>
      tpu.enqueue_dma source(%dma_start3A_237 : memref<640x128xf32, #tpu.memory_space<hbm>>) target(%dma_start3A_235 : memref<640x128xf32, #tpu.memory_space<vmem_shared>>) target_semaphore(%run_scoped3A : memref<!tpu.dma_semaphore, #tpu.memory_space<semaphore_mem>>)
      %dma_wait3A_238 = arith.constant 0 : i32
      %dma_wait3A_239 = tpu.memref_slice %arg17[%mul3A_6, %dma_wait3A_238] : memref<10240x128xf32, #tpu.memory_space<vmem_shared>> -> memref<640x128xf32, #tpu.memory_space<vmem_shared>>
      %dma_wait3A_240 = arith.constant 0 : i32
      %dma_wait3A_241 = tpu.memref_slice %arg2[%mul3A_4, %dma_wait3A_240] : memref<10240x128xf32, #tpu.memory_space<hbm>> -> memref<640x128xf32, #tpu.memory_space<hbm>>
      tpu.wait_dma2 semaphore(%run_scoped3A : memref<!tpu.dma_semaphore, #tpu.memory_space<semaphore_mem>>) src(%dma_wait3A_241 : memref<640x128xf32, #tpu.memory_space<hbm>>) dst(%dma_wait3A_239 : memref<640x128xf32, #tpu.memory_space<vmem_shared>>)
      tpu.yield
    }) : () -> ()
    %scan3A = arith.constant 0 : i32
    %scan3A_7 = arith.constant 0 : i32
    %scan3A_8 = arith.constant 112 : i32
    %scan3A_9 = arith.addi %scan3A_7, %scan3A_8 : i32
    %scan3A_10 = arith.constant 1 : i32
    scf.for %scan3A_234 = %scan3A_7 to %scan3A_9 step %scan3A_10  : i32 {
      %broadcast_in_dim3A_235 = arith.constant 0.000000e+00 : f32
      %broadcast_in_dim3A_236 = vector.broadcast %broadcast_in_dim3A_235 : f32 to vector<16xf32>
      %swap3A_237 = arith.index_cast %scan3A_234 : i32 to index
      %swap3A_238 = arith.constant 0 : index
      %swap3A_239 = tpu.vector_load %arg15[%swap3A_237, %swap3A_238] {strides = array<i32>} : memref<112x128xf32, #tpu.memory_space<vmem>>, vector<1x16xf32>,
      %swap3A_240 = vector.shape_cast %swap3A_239 : vector<1x16xf32> to vector<16xf32>
      %swap3A_241 = vector.shape_cast %broadcast_in_dim3A_236 : vector<16xf32> to vector<1x16xf32>
      tpu.vector_store %arg15[%swap3A_237, %swap3A_238], %swap3A_241 {strides = array<i32>} : memref<112x128xf32, #tpu.memory_space<vmem>>, vector<1x16xf32>,
      %broadcast_in_dim3A_242 = arith.constant 0.000000e+00 : f32
      %broadcast_in_dim3A_243 = vector.broadcast %broadcast_in_dim3A_242 : f32 to vector<16xf32>
      %swap3A_244 = arith.index_cast %scan3A_234 : i32 to index
      %swap3A_245 = arith.constant 0 : index
      %swap3A_246 = tpu.vector_load %arg16[%swap3A_244, %swap3A_245] {strides = array<i32>} : memref<112x128xf32, #tpu.memory_space<vmem>>, vector<1x16xf32>,
      %swap3A_247 = vector.shape_cast %swap3A_246 : vector<1x16xf32> to vector<16xf32>
      %swap3A_248 = vector.shape_cast %broadcast_in_dim3A_243 : vector<16xf32> to vector<1x16xf32>
      tpu.vector_store %arg16[%swap3A_244, %swap3A_245], %swap3A_248 {strides = array<i32>} : memref<112x128xf32, #tpu.memory_space<vmem>>, vector<1x16xf32>,
      %broadcast_in_dim3A_249 = arith.constant 0.000000e+00 : f32
      %broadcast_in_dim3A_250 = vector.broadcast %broadcast_in_dim3A_249 : f32 to vector<16xf32>
      %swap3A_251 = arith.index_cast %scan3A_234 : i32 to index
      %swap3A_252 = arith.constant 16 : index
      %swap3A_253 = tpu.vector_load %arg15[%swap3A_251, %swap3A_252] {strides = array<i32>} : memref<112x128xf32, #tpu.memory_space<vmem>>, vector<1x16xf32>,
      %swap3A_254 = vector.shape_cast %swap3A_253 : vector<1x16xf32> to vector<16xf32>
      %swap3A_255 = vector.shape_cast %broadcast_in_dim3A_250 : vector<16xf32> to vector<1x16xf32>
      tpu.vector_store %arg15[%swap3A_251, %swap3A_252], %swap3A_255 {strides = array<i32>} : memref<112x128xf32, #tpu.memory_space<vmem>>, vector<1x16xf32>,
      %broadcast_in_dim3A_256 = arith.constant 0.000000e+00 : f32
      %broadcast_in_dim3A_257 = vector.broadcast %broadcast_in_dim3A_256 : f32 to vector<16xf32>
      %swap3A_258 = arith.index_cast %scan3A_234 : i32 to index
      %swap3A_259 = arith.constant 16 : index
      %swap3A_260 = tpu.vector_load %arg16[%swap3A_258, %swap3A_259] {strides = array<i32>} : memref<112x128xf32, #tpu.memory_space<vmem>>, vector<1x16xf32>,
      %swap3A_261 = vector.shape_cast %swap3A_260 : vector<1x16xf32> to vector<16xf32>
      %swap3A_262 = vector.shape_cast %broadcast_in_dim3A_257 : vector<16xf32> to vector<1x16xf32>
      tpu.vector_store %arg16[%swap3A_258, %swap3A_259], %swap3A_262 {strides = array<i32>} : memref<112x128xf32, #tpu.memory_space<vmem>>, vector<1x16xf32>,
      %broadcast_in_dim3A_263 = arith.constant 0.000000e+00 : f32
      %broadcast_in_dim3A_264 = vector.broadcast %broadcast_in_dim3A_263 : f32 to vector<16xf32>
      %swap3A_265 = arith.index_cast %scan3A_234 : i32 to index
      %swap3A_266 = arith.constant 32 : index
      %swap3A_267 = tpu.vector_load %arg15[%swap3A_265, %swap3A_266] {strides = array<i32>} : memref<112x128xf32, #tpu.memory_space<vmem>>, vector<1x16xf32>,
      %swap3A_268 = vector.shape_cast %swap3A_267 : vector<1x16xf32> to vector<16xf32>
      %swap3A_269 = vector.shape_cast %broadcast_in_dim3A_264 : vector<16xf32> to vector<1x16xf32>
      tpu.vector_store %arg15[%swap3A_265, %swap3A_266], %swap3A_269 {strides = array<i32>} : memref<112x128xf32, #tpu.memory_space<vmem>>, vector<1x16xf32>,
      %broadcast_in_dim3A_270 = arith.constant 0.000000e+00 : f32
      %broadcast_in_dim3A_271 = vector.broadcast %broadcast_in_dim3A_270 : f32 to vector<16xf32>
      %swap3A_272 = arith.index_cast %scan3A_234 : i32 to index
      %swap3A_273 = arith.constant 32 : index
      %swap3A_274 = tpu.vector_load %arg16[%swap3A_272, %swap3A_273] {strides = array<i32>} : memref<112x128xf32, #tpu.memory_space<vmem>>, vector<1x16xf32>,
      %swap3A_275 = vector.shape_cast %swap3A_274 : vector<1x16xf32> to vector<16xf32>
      %swap3A_276 = vector.shape_cast %broadcast_in_dim3A_271 : vector<16xf32> to vector<1x16xf32>
      tpu.vector_store %arg16[%swap3A_272, %swap3A_273], %swap3A_276 {strides = array<i32>} : memref<112x128xf32, #tpu.memory_space<vmem>>, vector<1x16xf32>,
      %broadcast_in_dim3A_277 = arith.constant 0.000000e+00 : f32
      %broadcast_in_dim3A_278 = vector.broadcast %broadcast_in_dim3A_277 : f32 to vector<16xf32>
      %swap3A_279 = arith.index_cast %scan3A_234 : i32 to index
      %swap3A_280 = arith.constant 48 : index
      %swap3A_281 = tpu.vector_load %arg15[%swap3A_279, %swap3A_280] {strides = array<i32>} : memref<112x128xf32, #tpu.memory_space<vmem>>, vector<1x16xf32>,
      %swap3A_282 = vector.shape_cast %swap3A_281 : vector<1x16xf32> to vector<16xf32>
      %swap3A_283 = vector.shape_cast %broadcast_in_dim3A_278 : vector<16xf32> to vector<1x16xf32>
      tpu.vector_store %arg15[%swap3A_279, %swap3A_280], %swap3A_283 {strides = array<i32>} : memref<112x128xf32, #tpu.memory_space<vmem>>, vector<1x16xf32>,
      %broadcast_in_dim3A_284 = arith.constant 0.000000e+00 : f32
      %broadcast_in_dim3A_285 = vector.broadcast %broadcast_in_dim3A_284 : f32 to vector<16xf32>
      %swap3A_286 = arith.index_cast %scan3A_234 : i32 to index
      %swap3A_287 = arith.constant 48 : index
      %swap3A_288 = tpu.vector_load %arg16[%swap3A_286, %swap3A_287] {strides = array<i32>} : memref<112x128xf32, #tpu.memory_space<vmem>>, vector<1x16xf32>,
      %swap3A_289 = vector.shape_cast %swap3A_288 : vector<1x16xf32> to vector<16xf32>
      %swap3A_290 = vector.shape_cast %broadcast_in_dim3A_285 : vector<16xf32> to vector<1x16xf32>
      tpu.vector_store %arg16[%swap3A_286, %swap3A_287], %swap3A_290 {strides = array<i32>} : memref<112x128xf32, #tpu.memory_space<vmem>>, vector<1x16xf32>,
      %broadcast_in_dim3A_291 = arith.constant 0.000000e+00 : f32
      %broadcast_in_dim3A_292 = vector.broadcast %broadcast_in_dim3A_291 : f32 to vector<16xf32>
      %swap3A_293 = arith.index_cast %scan3A_234 : i32 to index
      %swap3A_294 = arith.constant 64 : index
      %swap3A_295 = tpu.vector_load %arg15[%swap3A_293, %swap3A_294] {strides = array<i32>} : memref<112x128xf32, #tpu.memory_space<vmem>>, vector<1x16xf32>,
      %swap3A_296 = vector.shape_cast %swap3A_295 : vector<1x16xf32> to vector<16xf32>
      %swap3A_297 = vector.shape_cast %broadcast_in_dim3A_292 : vector<16xf32> to vector<1x16xf32>
      tpu.vector_store %arg15[%swap3A_293, %swap3A_294], %swap3A_297 {strides = array<i32>} : memref<112x128xf32, #tpu.memory_space<vmem>>, vector<1x16xf32>,
      %broadcast_in_dim3A_298 = arith.constant 0.000000e+00 : f32
      %broadcast_in_dim3A_299 = vector.broadcast %broadcast_in_dim3A_298 : f32 to vector<16xf32>
      %swap3A_300 = arith.index_cast %scan3A_234 : i32 to index
      %swap3A_301 = arith.constant 64 : index
      %swap3A_302 = tpu.vector_load %arg16[%swap3A_300, %swap3A_301] {strides = array<i32>} : memref<112x128xf32, #tpu.memory_space<vmem>>, vector<1x16xf32>,
      %swap3A_303 = vector.shape_cast %swap3A_302 : vector<1x16xf32> to vector<16xf32>
      %swap3A_304 = vector.shape_cast %broadcast_in_dim3A_299 : vector<16xf32> to vector<1x16xf32>
      tpu.vector_store %arg16[%swap3A_300, %swap3A_301], %swap3A_304 {strides = array<i32>} : memref<112x128xf32, #tpu.memory_space<vmem>>, vector<1x16xf32>,
      %broadcast_in_dim3A_305 = arith.constant 0.000000e+00 : f32
      %broadcast_in_dim3A_306 = vector.broadcast %broadcast_in_dim3A_305 : f32 to vector<16xf32>
      %swap3A_307 = arith.index_cast %scan3A_234 : i32 to index
      %swap3A_308 = arith.constant 80 : index
      %swap3A_309 = tpu.vector_load %arg15[%swap3A_307, %swap3A_308] {strides = array<i32>} : memref<112x128xf32, #tpu.memory_space<vmem>>, vector<1x16xf32>,
      %swap3A_310 = vector.shape_cast %swap3A_309 : vector<1x16xf32> to vector<16xf32>
      %swap3A_311 = vector.shape_cast %broadcast_in_dim3A_306 : vector<16xf32> to vector<1x16xf32>
      tpu.vector_store %arg15[%swap3A_307, %swap3A_308], %swap3A_311 {strides = array<i32>} : memref<112x128xf32, #tpu.memory_space<vmem>>, vector<1x16xf32>,
      %broadcast_in_dim3A_312 = arith.constant 0.000000e+00 : f32
      %broadcast_in_dim3A_313 = vector.broadcast %broadcast_in_dim3A_312 : f32 to vector<16xf32>
      %swap3A_314 = arith.index_cast %scan3A_234 : i32 to index
      %swap3A_315 = arith.constant 80 : index
      %swap3A_316 = tpu.vector_load %arg16[%swap3A_314, %swap3A_315] {strides = array<i32>} : memref<112x128xf32, #tpu.memory_space<vmem>>, vector<1x16xf32>,
      %swap3A_317 = vector.shape_cast %swap3A_316 : vector<1x16xf32> to vector<16xf32>
      %swap3A_318 = vector.shape_cast %broadcast_in_dim3A_313 : vector<16xf32> to vector<1x16xf32>
      tpu.vector_store %arg16[%swap3A_314, %swap3A_315], %swap3A_318 {strides = array<i32>} : memref<112x128xf32, #tpu.memory_space<vmem>>, vector<1x16xf32>,
      %broadcast_in_dim3A_319 = arith.constant 0.000000e+00 : f32
      %broadcast_in_dim3A_320 = vector.broadcast %broadcast_in_dim3A_319 : f32 to vector<16xf32>
      %swap3A_321 = arith.index_cast %scan3A_234 : i32 to index
      %swap3A_322 = arith.constant 96 : index
      %swap3A_323 = tpu.vector_load %arg15[%swap3A_321, %swap3A_322] {strides = array<i32>} : memref<112x128xf32, #tpu.memory_space<vmem>>, vector<1x16xf32>,
      %swap3A_324 = vector.shape_cast %swap3A_323 : vector<1x16xf32> to vector<16xf32>
      %swap3A_325 = vector.shape_cast %broadcast_in_dim3A_320 : vector<16xf32> to vector<1x16xf32>
      tpu.vector_store %arg15[%swap3A_321, %swap3A_322], %swap3A_325 {strides = array<i32>} : memref<112x128xf32, #tpu.memory_space<vmem>>, vector<1x16xf32>,
      %broadcast_in_dim3A_326 = arith.constant 0.000000e+00 : f32
      %broadcast_in_dim3A_327 = vector.broadcast %broadcast_in_dim3A_326 : f32 to vector<16xf32>
      %swap3A_328 = arith.index_cast %scan3A_234 : i32 to index
      %swap3A_329 = arith.constant 96 : index
      %swap3A_330 = tpu.vector_load %arg16[%swap3A_328, %swap3A_329] {strides = array<i32>} : memref<112x128xf32, #tpu.memory_space<vmem>>, vector<1x16xf32>,
      %swap3A_331 = vector.shape_cast %swap3A_330 : vector<1x16xf32> to vector<16xf32>
      %swap3A_332 = vector.shape_cast %broadcast_in_dim3A_327 : vector<16xf32> to vector<1x16xf32>
      tpu.vector_store %arg16[%swap3A_328, %swap3A_329], %swap3A_332 {strides = array<i32>} : memref<112x128xf32, #tpu.memory_space<vmem>>, vector<1x16xf32>,
      %broadcast_in_dim3A_333 = arith.constant 0.000000e+00 : f32
      %broadcast_in_dim3A_334 = vector.broadcast %broadcast_in_dim3A_333 : f32 to vector<16xf32>
      %swap3A_335 = arith.index_cast %scan3A_234 : i32 to index
      %swap3A_336 = arith.constant 112 : index
      %swap3A_337 = tpu.vector_load %arg15[%swap3A_335, %swap3A_336] {strides = array<i32>} : memref<112x128xf32, #tpu.memory_space<vmem>>, vector<1x16xf32>,
      %swap3A_338 = vector.shape_cast %swap3A_337 : vector<1x16xf32> to vector<16xf32>
      %swap3A_339 = vector.shape_cast %broadcast_in_dim3A_334 : vector<16xf32> to vector<1x16xf32>
      tpu.vector_store %arg15[%swap3A_335, %swap3A_336], %swap3A_339 {strides = array<i32>} : memref<112x128xf32, #tpu.memory_space<vmem>>, vector<1x16xf32>,
      %broadcast_in_dim3A_340 = arith.constant 0.000000e+00 : f32
      %broadcast_in_dim3A_341 = vector.broadcast %broadcast_in_dim3A_340 : f32 to vector<16xf32>
      %swap3A_342 = arith.index_cast %scan3A_234 : i32 to index
      %swap3A_343 = arith.constant 112 : index
      %swap3A_344 = tpu.vector_load %arg16[%swap3A_342, %swap3A_343] {strides = array<i32>} : memref<112x128xf32, #tpu.memory_space<vmem>>, vector<1x16xf32>,
      %swap3A_345 = vector.shape_cast %swap3A_344 : vector<1x16xf32> to vector<16xf32>
      %swap3A_346 = vector.shape_cast %broadcast_in_dim3A_341 : vector<16xf32> to vector<1x16xf32>
      tpu.vector_store %arg16[%swap3A_342, %swap3A_343], %swap3A_346 {strides = array<i32>} : memref<112x128xf32, #tpu.memory_space<vmem>>, vector<1x16xf32>,
    }
    %scan3A_11 = arith.constant 112 : i32
    %broadcast_in_dim3A = arith.constant 0 : i32
    %broadcast_in_dim3A_12 = vector.broadcast %broadcast_in_dim3A : i32 to vector<16xi32>
    %swap3A = arith.constant 0 : index
    %swap3A_13 = tpu.vector_load %arg12[%swap3A] {strides = array<i32>} : memref<112xi32, #tpu.memory_space<vmem>>, vector<16xi32>,
    %swap3A_14 = vector.shape_cast %swap3A_13 : vector<16xi32> to vector<16xi32>
    %swap3A_15 = vector.shape_cast %broadcast_in_dim3A_12 : vector<16xi32> to vector<16xi32>
    tpu.vector_store %arg12[%swap3A], %swap3A_15 {strides = array<i32>} : memref<112xi32, #tpu.memory_space<vmem>>, vector<16xi32>,
    %broadcast_in_dim3A_16 = arith.constant 0 : i32
    %broadcast_in_dim3A_17 = vector.broadcast %broadcast_in_dim3A_16 : i32 to vector<16xi32>
    %swap3A_18 = arith.constant 0 : index
    %swap3A_19 = tpu.vector_load %arg13[%swap3A_18] {strides = array<i32>} : memref<112xi32, #tpu.memory_space<vmem>>, vector<16xi32>,
    %swap3A_20 = vector.shape_cast %swap3A_19 : vector<16xi32> to vector<16xi32>
    %swap3A_21 = vector.shape_cast %broadcast_in_dim3A_17 : vector<16xi32> to vector<16xi32>
    tpu.vector_store %arg13[%swap3A_18], %swap3A_21 {strides = array<i32>} : memref<112xi32, #tpu.memory_space<vmem>>, vector<16xi32>,
    %broadcast_in_dim3A_22 = arith.constant 0 : i32
    %broadcast_in_dim3A_23 = vector.broadcast %broadcast_in_dim3A_22 : i32 to vector<16xi32>
    %swap3A_24 = arith.constant 16 : index
    %swap3A_25 = tpu.vector_load %arg12[%swap3A_24] {strides = array<i32>} : memref<112xi32, #tpu.memory_space<vmem>>, vector<16xi32>,
    %swap3A_26 = vector.shape_cast %swap3A_25 : vector<16xi32> to vector<16xi32>
    %swap3A_27 = vector.shape_cast %broadcast_in_dim3A_23 : vector<16xi32> to vector<16xi32>
    tpu.vector_store %arg12[%swap3A_24], %swap3A_27 {strides = array<i32>} : memref<112xi32, #tpu.memory_space<vmem>>, vector<16xi32>,
    %broadcast_in_dim3A_28 = arith.constant 0 : i32
    %broadcast_in_dim3A_29 = vector.broadcast %broadcast_in_dim3A_28 : i32 to vector<16xi32>
    %swap3A_30 = arith.constant 16 : index
    %swap3A_31 = tpu.vector_load %arg13[%swap3A_30] {strides = array<i32>} : memref<112xi32, #tpu.memory_space<vmem>>, vector<16xi32>,
    %swap3A_32 = vector.shape_cast %swap3A_31 : vector<16xi32> to vector<16xi32>
    %swap3A_33 = vector.shape_cast %broadcast_in_dim3A_29 : vector<16xi32> to vector<16xi32>
    tpu.vector_store %arg13[%swap3A_30], %swap3A_33 {strides = array<i32>} : memref<112xi32, #tpu.memory_space<vmem>>, vector<16xi32>,
    %broadcast_in_dim3A_34 = arith.constant 0 : i32
    %broadcast_in_dim3A_35 = vector.broadcast %broadcast_in_dim3A_34 : i32 to vector<16xi32>
    %swap3A_36 = arith.constant 32 : index
    %swap3A_37 = tpu.vector_load %arg12[%swap3A_36] {strides = array<i32>} : memref<112xi32, #tpu.memory_space<vmem>>, vector<16xi32>,
    %swap3A_38 = vector.shape_cast %swap3A_37 : vector<16xi32> to vector<16xi32>
    %swap3A_39 = vector.shape_cast %broadcast_in_dim3A_35 : vector<16xi32> to vector<16xi32>
    tpu.vector_store %arg12[%swap3A_36], %swap3A_39 {strides = array<i32>} : memref<112xi32, #tpu.memory_space<vmem>>, vector<16xi32>,
    %broadcast_in_dim3A_40 = arith.constant 0 : i32
    %broadcast_in_dim3A_41 = vector.broadcast %broadcast_in_dim3A_40 : i32 to vector<16xi32>
    %swap3A_42 = arith.constant 32 : index
    %swap3A_43 = tpu.vector_load %arg13[%swap3A_42] {strides = array<i32>} : memref<112xi32, #tpu.memory_space<vmem>>, vector<16xi32>,
    %swap3A_44 = vector.shape_cast %swap3A_43 : vector<16xi32> to vector<16xi32>
    %swap3A_45 = vector.shape_cast %broadcast_in_dim3A_41 : vector<16xi32> to vector<16xi32>
    tpu.vector_store %arg13[%swap3A_42], %swap3A_45 {strides = array<i32>} : memref<112xi32, #tpu.memory_space<vmem>>, vector<16xi32>,
    %broadcast_in_dim3A_46 = arith.constant 0 : i32
    %broadcast_in_dim3A_47 = vector.broadcast %broadcast_in_dim3A_46 : i32 to vector<16xi32>
    %swap3A_48 = arith.constant 48 : index
    %swap3A_49 = tpu.vector_load %arg12[%swap3A_48] {strides = array<i32>} : memref<112xi32, #tpu.memory_space<vmem>>, vector<16xi32>,
    %swap3A_50 = vector.shape_cast %swap3A_49 : vector<16xi32> to vector<16xi32>
    %swap3A_51 = vector.shape_cast %broadcast_in_dim3A_47 : vector<16xi32> to vector<16xi32>
    tpu.vector_store %arg12[%swap3A_48], %swap3A_51 {strides = array<i32>} : memref<112xi32, #tpu.memory_space<vmem>>, vector<16xi32>,
    %broadcast_in_dim3A_52 = arith.constant 0 : i32
    %broadcast_in_dim3A_53 = vector.broadcast %broadcast_in_dim3A_52 : i32 to vector<16xi32>
    %swap3A_54 = arith.constant 48 : index
    %swap3A_55 = tpu.vector_load %arg13[%swap3A_54] {strides = array<i32>} : memref<112xi32, #tpu.memory_space<vmem>>, vector<16xi32>,
    %swap3A_56 = vector.shape_cast %swap3A_55 : vector<16xi32> to vector<16xi32>
    %swap3A_57 = vector.shape_cast %broadcast_in_dim3A_53 : vector<16xi32> to vector<16xi32>
    tpu.vector_store %arg13[%swap3A_54], %swap3A_57 {strides = array<i32>} : memref<112xi32, #tpu.memory_space<vmem>>, vector<16xi32>,
    %broadcast_in_dim3A_58 = arith.constant 0 : i32
    %broadcast_in_dim3A_59 = vector.broadcast %broadcast_in_dim3A_58 : i32 to vector<16xi32>
    %swap3A_60 = arith.constant 64 : index
    %swap3A_61 = tpu.vector_load %arg12[%swap3A_60] {strides = array<i32>} : memref<112xi32, #tpu.memory_space<vmem>>, vector<16xi32>,
    %swap3A_62 = vector.shape_cast %swap3A_61 : vector<16xi32> to vector<16xi32>
    %swap3A_63 = vector.shape_cast %broadcast_in_dim3A_59 : vector<16xi32> to vector<16xi32>
    tpu.vector_store %arg12[%swap3A_60], %swap3A_63 {strides = array<i32>} : memref<112xi32, #tpu.memory_space<vmem>>, vector<16xi32>,
    %broadcast_in_dim3A_64 = arith.constant 0 : i32
    %broadcast_in_dim3A_65 = vector.broadcast %broadcast_in_dim3A_64 : i32 to vector<16xi32>
    %swap3A_66 = arith.constant 64 : index
    %swap3A_67 = tpu.vector_load %arg13[%swap3A_66] {strides = array<i32>} : memref<112xi32, #tpu.memory_space<vmem>>, vector<16xi32>,
    %swap3A_68 = vector.shape_cast %swap3A_67 : vector<16xi32> to vector<16xi32>
    %swap3A_69 = vector.shape_cast %broadcast_in_dim3A_65 : vector<16xi32> to vector<16xi32>
    tpu.vector_store %arg13[%swap3A_66], %swap3A_69 {strides = array<i32>} : memref<112xi32, #tpu.memory_space<vmem>>, vector<16xi32>,
    %broadcast_in_dim3A_70 = arith.constant 0 : i32
    %broadcast_in_dim3A_71 = vector.broadcast %broadcast_in_dim3A_70 : i32 to vector<16xi32>
    %swap3A_72 = arith.constant 80 : index
    %swap3A_73 = tpu.vector_load %arg12[%swap3A_72] {strides = array<i32>} : memref<112xi32, #tpu.memory_space<vmem>>, vector<16xi32>,
    %swap3A_74 = vector.shape_cast %swap3A_73 : vector<16xi32> to vector<16xi32>
    %swap3A_75 = vector.shape_cast %broadcast_in_dim3A_71 : vector<16xi32> to vector<16xi32>
    tpu.vector_store %arg12[%swap3A_72], %swap3A_75 {strides = array<i32>} : memref<112xi32, #tpu.memory_space<vmem>>, vector<16xi32>,
    %broadcast_in_dim3A_76 = arith.constant 0 : i32
    %broadcast_in_dim3A_77 = vector.broadcast %broadcast_in_dim3A_76 : i32 to vector<16xi32>
    %swap3A_78 = arith.constant 80 : index
    %swap3A_79 = tpu.vector_load %arg13[%swap3A_78] {strides = array<i32>} : memref<112xi32, #tpu.memory_space<vmem>>, vector<16xi32>,
    %swap3A_80 = vector.shape_cast %swap3A_79 : vector<16xi32> to vector<16xi32>
    %swap3A_81 = vector.shape_cast %broadcast_in_dim3A_77 : vector<16xi32> to vector<16xi32>
    tpu.vector_store %arg13[%swap3A_78], %swap3A_81 {strides = array<i32>} : memref<112xi32, #tpu.memory_space<vmem>>, vector<16xi32>,
    %broadcast_in_dim3A_82 = arith.constant 0 : i32
    %broadcast_in_dim3A_83 = vector.broadcast %broadcast_in_dim3A_82 : i32 to vector<16xi32>
    %swap3A_84 = arith.constant 96 : index
    %swap3A_85 = tpu.vector_load %arg12[%swap3A_84] {strides = array<i32>} : memref<112xi32, #tpu.memory_space<vmem>>, vector<16xi32>,
    %swap3A_86 = vector.shape_cast %swap3A_85 : vector<16xi32> to vector<16xi32>
    %swap3A_87 = vector.shape_cast %broadcast_in_dim3A_83 : vector<16xi32> to vector<16xi32>
    tpu.vector_store %arg12[%swap3A_84], %swap3A_87 {strides = array<i32>} : memref<112xi32, #tpu.memory_space<vmem>>, vector<16xi32>,
    %broadcast_in_dim3A_88 = arith.constant 0 : i32
    %broadcast_in_dim3A_89 = vector.broadcast %broadcast_in_dim3A_88 : i32 to vector<16xi32>
    %swap3A_90 = arith.constant 96 : index
    %swap3A_91 = tpu.vector_load %arg13[%swap3A_90] {strides = array<i32>} : memref<112xi32, #tpu.memory_space<vmem>>, vector<16xi32>,
    %swap3A_92 = vector.shape_cast %swap3A_91 : vector<16xi32> to vector<16xi32>
    %swap3A_93 = vector.shape_cast %broadcast_in_dim3A_89 : vector<16xi32> to vector<16xi32>
    tpu.vector_store %arg13[%swap3A_90], %swap3A_93 {strides = array<i32>} : memref<112xi32, #tpu.memory_space<vmem>>, vector<16xi32>,
    %barrier3A = arith.constant 0 : index
    tpu.barrier barrier_id(%barrier3A)
    %dma_start3A = arith.constant 0 : i32
    %dma_start3A_94 = arith.constant 0 : i32
    %dma_start3A_95 = tpu.memref_slice %arg17[%dma_start3A, %dma_start3A_94] : memref<10240x128xf32, #tpu.memory_space<vmem_shared>> -> memref<10240x128xf32, #tpu.memory_space<vmem_shared>>
    tpu.enqueue_indirect_dma source(%arg15 : memref<112x128xf32, #tpu.memory_space<vmem>>) target(%dma_start3A_95 : memref<10240x128xf32, #tpu.memory_space<vmem_shared>>) offsets(%arg12 : memref<112xi32, #tpu.memory_space<vmem>>) semaphore(%arg22 : memref<!tpu.dma_semaphore, #tpu.memory_space<semaphore_mem>>) {add = true}
    %dma_start3A_96 = arith.constant 0 : i32
    %dma_start3A_97 = arith.constant 0 : i32
    %dma_start3A_98 = tpu.memref_slice %arg17[%dma_start3A_96, %dma_start3A_97] : memref<10240x128xf32, #tpu.memory_space<vmem_shared>> -> memref<10240x128xf32, #tpu.memory_space<vmem_shared>>
    tpu.enqueue_indirect_dma source(%arg16 : memref<112x128xf32, #tpu.memory_space<vmem>>) target(%dma_start3A_98 : memref<10240x128xf32, #tpu.memory_space<vmem_shared>>) offsets(%arg13 : memref<112xi32, #tpu.memory_space<vmem>>) semaphore(%arg23 : memref<!tpu.dma_semaphore, #tpu.memory_space<semaphore_mem>>) {add = true}
    %add3A_99 = arith.constant 0 : i32
    %add3A_100 = arith.addi %mul3A_2, %add3A_99 : i32
    %dma_start3A_101 = arith.constant 0 : i32
    %dma_start3A_102 = arith.constant 0 : i32
    %dma_start3A_103 = arith.constant 0 : i32
    %dma_start3A_104 = tpu.memref_slice %arg6[%dma_start3A_101, %dma_start3A_102, %dma_start3A_103] : memref<3x2x112xi32, #tpu.memory_space<vmem>> -> memref<1x2x112xi32, #tpu.memory_space<vmem>>
    %dma_start3A_105 = tpu.memref_squeeze %dma_start3A_104 : memref<1x2x112xi32, #tpu.memory_space<vmem>> -> memref<2x112xi32, #tpu.memory_space<vmem>>
    %dma_start3A_106 = arith.constant 0 : i32
    %dma_start3A_107 = arith.constant 0 : i32
    %dma_start3A_108 = tpu.memref_slice %arg3[%add3A_100, %dma_start3A_106, %dma_start3A_107] : memref<2880x2x112xi32, #tpu.memory_space<hbm>> -> memref<1x2x112xi32, #tpu.memory_space<hbm>>
    %dma_start3A_109 = tpu.memref_squeeze %dma_start3A_108 : memref<1x2x112xi32, #tpu.memory_space<hbm>> -> memref<2x112xi32, #tpu.memory_space<hbm>>
    %dma_start3A_110 = arith.constant 0 : i32
    %dma_start3A_111 = arith.constant 0 : i32
    %dma_start3A_112 = tpu.memref_slice %arg6[%dma_start3A_101, %dma_start3A_110, %dma_start3A_111] : memref<3x2x112xi32, #tpu.memory_space<vmem>> -> memref<1x2x112xi32, #tpu.memory_space<vmem>>
    %dma_start3A_113 = tpu.memref_squeeze %dma_start3A_112 : memref<1x2x112xi32, #tpu.memory_space<vmem>> -> memref<2x112xi32, #tpu.memory_space<vmem>>
    %dma_start3A_114 = arith.constant 0 : i32
    %dma_start3A_115 = arith.constant 0 : i32
    %dma_start3A_116 = tpu.memref_slice %arg3[%add3A_100, %dma_start3A_114, %dma_start3A_115] : memref<2880x2x112xi32, #tpu.memory_space<hbm>> -> memref<1x2x112xi32, #tpu.memory_space<hbm>>
    %dma_start3A_117 = tpu.memref_squeeze %dma_start3A_116 : memref<1x2x112xi32, #tpu.memory_space<hbm>> -> memref<2x112xi32, #tpu.memory_space<hbm>>
    tpu.enqueue_dma source(%dma_start3A_117 : memref<2x112xi32, #tpu.memory_space<hbm>>) target(%dma_start3A_113 : memref<2x112xi32, #tpu.memory_space<vmem>>) target_semaphore(%arg24 : memref<!tpu.dma_semaphore, #tpu.memory_space<semaphore_mem>>)
    %add3A_118 = arith.constant 0 : i32
    %add3A_119 = arith.addi %mul3A_2, %add3A_118 : i32
    %dma_start3A_120 = arith.constant 0 : i32
    %dma_start3A_121 = arith.constant 0 : i32
    %dma_start3A_122 = tpu.memref_slice %arg7[%dma_start3A_120, %dma_start3A_121] : memref<3x112xf32, #tpu.memory_space<vmem>> -> memref<1x112xf32, #tpu.memory_space<vmem>>
    %dma_start3A_123 = tpu.memref_squeeze %dma_start3A_122 : memref<1x112xf32, #tpu.memory_space<vmem>> -> memref<112xf32, #tpu.memory_space<vmem>>
    %dma_start3A_124 = arith.constant 0 : i32
    %dma_start3A_125 = tpu.memref_slice %arg4[%add3A_119, %dma_start3A_124] : memref<2880x112xf32, #tpu.memory_space<hbm>> -> memref<1x112xf32, #tpu.memory_space<hbm>>
    %dma_start3A_126 = tpu.memref_squeeze %dma_start3A_125 : memref<1x112xf32, #tpu.memory_space<hbm>> -> memref<112xf32, #tpu.memory_space<hbm>>
    %dma_start3A_127 = arith.constant 0 : i32
    %dma_start3A_128 = tpu.memref_slice %arg7[%dma_start3A_120, %dma_start3A_127] : memref<3x112xf32, #tpu.memory_space<vmem>> -> memref<1x112xf32, #tpu.memory_space<vmem>>
    %dma_start3A_129 = tpu.memref_squeeze %dma_start3A_128 : memref<1x112xf32, #tpu.memory_space<vmem>> -> memref<112xf32, #tpu.memory_space<vmem>>
    %dma_start3A_130 = arith.constant 0 : i32
    %dma_start3A_131 = tpu.memref_slice %arg4[%add3A_119, %dma_start3A_130] : memref<2880x112xf32, #tpu.memory_space<hbm>> -> memref<1x112xf32, #tpu.memory_space<hbm>>
    %dma_start3A_132 = tpu.memref_squeeze %dma_start3A_131 : memref<1x112xf32, #tpu.memory_space<hbm>> -> memref<112xf32, #tpu.memory_space<hbm>>
    tpu.enqueue_dma source(%dma_start3A_132 : memref<112xf32, #tpu.memory_space<hbm>>) target(%dma_start3A_129 : memref<112xf32, #tpu.memory_space<vmem>>) target_semaphore(%arg24 : memref<!tpu.dma_semaphore, #tpu.memory_space<semaphore_mem>>)
    %add3A_133 = arith.constant 1 : i32
    %add3A_134 = arith.addi %mul3A_2, %add3A_133 : i32
    %dma_start3A_135 = arith.constant 1 : i32
    %dma_start3A_136 = arith.constant 0 : i32
    %dma_start3A_137 = arith.constant 0 : i32
    %dma_start3A_138 = tpu.memref_slice %arg6[%dma_start3A_135, %dma_start3A_136, %dma_start3A_137] : memref<3x2x112xi32, #tpu.memory_space<vmem>> -> memref<1x2x112xi32, #tpu.memory_space<vmem>>
    %dma_start3A_139 = tpu.memref_squeeze %dma_start3A_138 : memref<1x2x112xi32, #tpu.memory_space<vmem>> -> memref<2x112xi32, #tpu.memory_space<vmem>>
    %dma_start3A_140 = arith.constant 0 : i32
    %dma_start3A_141 = arith.constant 0 : i32
    %dma_start3A_142 = tpu.memref_slice %arg3[%add3A_134, %dma_start3A_140, %dma_start3A_141] : memref<2880x2x112xi32, #tpu.memory_space<hbm>> -> memref<1x2x112xi32, #tpu.memory_space<hbm>>
    %dma_start3A_143 = tpu.memref_squeeze %dma_start3A_142 : memref<1x2x112xi32, #tpu.memory_space<hbm>> -> memref<2x112xi32, #tpu.memory_space<hbm>>
    %dma_start3A_144 = arith.constant 0 : i32
    %dma_start3A_145 = arith.constant 0 : i32
    %dma_start3A_146 = tpu.memref_slice %arg6[%dma_start3A_135, %dma_start3A_144, %dma_start3A_145] : memref<3x2x112xi32, #tpu.memory_space<vmem>> -> memref<1x2x112xi32, #tpu.memory_space<vmem>>
    %dma_start3A_147 = tpu.memref_squeeze %dma_start3A_146 : memref<1x2x112xi32, #tpu.memory_space<vmem>> -> memref<2x112xi32, #tpu.memory_space<vmem>>
    %dma_start3A_148 = arith.constant 0 : i32
    %dma_start3A_149 = arith.constant 0 : i32
    %dma_start3A_150 = tpu.memref_slice %arg3[%add3A_134, %dma_start3A_148, %dma_start3A_149] : memref<2880x2x112xi32, #tpu.memory_space<hbm>> -> memref<1x2x112xi32, #tpu.memory_space<hbm>>
    %dma_start3A_151 = tpu.memref_squeeze %dma_start3A_150 : memref<1x2x112xi32, #tpu.memory_space<hbm>> -> memref<2x112xi32, #tpu.memory_space<hbm>>
    tpu.enqueue_dma source(%dma_start3A_151 : memref<2x112xi32, #tpu.memory_space<hbm>>) target(%dma_start3A_147 : memref<2x112xi32, #tpu.memory_space<vmem>>) target_semaphore(%arg25 : memref<!tpu.dma_semaphore, #tpu.memory_space<semaphore_mem>>)
    %add3A_152 = arith.constant 1 : i32
    %add3A_153 = arith.addi %mul3A_2, %add3A_152 : i32
    %dma_start3A_154 = arith.constant 1 : i32
    %dma_start3A_155 = arith.constant 0 : i32
    %dma_start3A_156 = tpu.memref_slice %arg7[%dma_start3A_154, %dma_start3A_155] : memref<3x112xf32, #tpu.memory_space<vmem>> -> memref<1x112xf32, #tpu.memory_space<vmem>>
    %dma_start3A_157 = tpu.memref_squeeze %dma_start3A_156 : memref<1x112xf32, #tpu.memory_space<vmem>> -> memref<112xf32, #tpu.memory_space<vmem>>
    %dma_start3A_158 = arith.constant 0 : i32
    %dma_start3A_159 = tpu.memref_slice %arg4[%add3A_153, %dma_start3A_158] : memref<2880x112xf32, #tpu.memory_space<hbm>> -> memref<1x112xf32, #tpu.memory_space<hbm>>
    %dma_start3A_160 = tpu.memref_squeeze %dma_start3A_159 : memref<1x112xf32, #tpu.memory_space<hbm>> -> memref<112xf32, #tpu.memory_space<hbm>>
    %dma_start3A_161 = arith.constant 0 : i32
    %dma_start3A_162 = tpu.memref_slice %arg7[%dma_start3A_154, %dma_start3A_161] : memref<3x112xf32, #tpu.memory_space<vmem>> -> memref<1x112xf32, #tpu.memory_space<vmem>>
    %dma_start3A_163 = tpu.memref_squeeze %dma_start3A_162 : memref<1x112xf32, #tpu.memory_space<vmem>> -> memref<112xf32, #tpu.memory_space<vmem>>
    %dma_start3A_164 = arith.constant 0 : i32
    %dma_start3A_165 = tpu.memref_slice %arg4[%add3A_153, %dma_start3A_164] : memref<2880x112xf32, #tpu.memory_space<hbm>> -> memref<1x112xf32, #tpu.memory_space<hbm>>
    %dma_start3A_166 = tpu.memref_squeeze %dma_start3A_165 : memref<1x112xf32, #tpu.memory_space<hbm>> -> memref<112xf32, #tpu.memory_space<hbm>>
    tpu.enqueue_dma source(%dma_start3A_166 : memref<112xf32, #tpu.memory_space<hbm>>) target(%dma_start3A_163 : memref<112xf32, #tpu.memory_space<vmem>>) target_semaphore(%arg25 : memref<!tpu.dma_semaphore, #tpu.memory_space<semaphore_mem>>)
    %dma_wait3A = arith.constant 0 : i32
    %dma_wait3A_167 = arith.constant 0 : i32
    %dma_wait3A_168 = arith.constant 0 : i32
    %dma_wait3A_169 = tpu.memref_slice %arg6[%dma_wait3A, %dma_wait3A_167, %dma_wait3A_168] : memref<3x2x112xi32, #tpu.memory_space<vmem>> -> memref<1x2x112xi32, #tpu.memory_space<vmem>>
    %dma_wait3A_170 = tpu.memref_squeeze %dma_wait3A_169 : memref<1x2x112xi32, #tpu.memory_space<vmem>> -> memref<2x112xi32, #tpu.memory_space<vmem>>
    %dma_wait3A_171 = arith.constant 0 : i32
    %dma_wait3A_172 = arith.constant 0 : i32
    %dma_wait3A_173 = tpu.memref_slice %arg3[%mul3A_2, %dma_wait3A_171, %dma_wait3A_172] : memref<2880x2x112xi32, #tpu.memory_space<hbm>> -> memref<1x2x112xi32, #tpu.memory_space<hbm>>
    %dma_wait3A_174 = tpu.memref_squeeze %dma_wait3A_173 : memref<1x2x112xi32, #tpu.memory_space<hbm>> -> memref<2x112xi32, #tpu.memory_space<hbm>>
    %dma_wait3A_175 = arith.constant 0 : i32
    %dma_wait3A_176 = arith.constant 0 : i32
    %dma_wait3A_177 = tpu.memref_slice %arg6[%dma_wait3A, %dma_wait3A_175, %dma_wait3A_176] : memref<3x2x112xi32, #tpu.memory_space<vmem>> -> memref<1x2x112xi32, #tpu.memory_space<vmem>>
    %dma_wait3A_178 = tpu.memref_squeeze %dma_wait3A_177 : memref<1x2x112xi32, #tpu.memory_space<vmem>> -> memref<2x112xi32, #tpu.memory_space<vmem>>
    %dma_wait3A_179 = arith.constant 0 : i32
    %dma_wait3A_180 = arith.constant 0 : i32
    %dma_wait3A_181 = tpu.memref_slice %arg3[%mul3A_2, %dma_wait3A_179, %dma_wait3A_180] : memref<2880x2x112xi32, #tpu.memory_space<hbm>> -> memref<1x2x112xi32, #tpu.memory_space<hbm>>
    %dma_wait3A_182 = tpu.memref_squeeze %dma_wait3A_181 : memref<1x2x112xi32, #tpu.memory_space<hbm>> -> memref<2x112xi32, #tpu.memory_space<hbm>>
    tpu.wait_dma2 semaphore(%arg24 : memref<!tpu.dma_semaphore, #tpu.memory_space<semaphore_mem>>) src(%dma_wait3A_182 : memref<2x112xi32, #tpu.memory_space<hbm>>) dst(%dma_wait3A_178 : memref<2x112xi32, #tpu.memory_space<vmem>>)
    %dma_wait3A_183 = arith.constant 0 : i32
    %dma_wait3A_184 = arith.constant 0 : i32
    %dma_wait3A_185 = tpu.memref_slice %arg7[%dma_wait3A_183, %dma_wait3A_184] : memref<3x112xf32, #tpu.memory_space<vmem>> -> memref<1x112xf32, #tpu.memory_space<vmem>>
    %dma_wait3A_186 = tpu.memref_squeeze %dma_wait3A_185 : memref<1x112xf32, #tpu.memory_space<vmem>> -> memref<112xf32, #tpu.memory_space<vmem>>
    %dma_wait3A_187 = arith.constant 0 : i32
    %dma_wait3A_188 = tpu.memref_slice %arg4[%mul3A_2, %dma_wait3A_187] : memref<2880x112xf32, #tpu.memory_space<hbm>> -> memref<1x112xf32, #tpu.memory_space<hbm>>
    %dma_wait3A_189 = tpu.memref_squeeze %dma_wait3A_188 : memref<1x112xf32, #tpu.memory_space<hbm>> -> memref<112xf32, #tpu.memory_space<hbm>>
    %dma_wait3A_190 = arith.constant 0 : i32
    %dma_wait3A_191 = tpu.memref_slice %arg7[%dma_wait3A_183, %dma_wait3A_190] : memref<3x112xf32, #tpu.memory_space<vmem>> -> memref<1x112xf32, #tpu.memory_space<vmem>>
    %dma_wait3A_192 = tpu.memref_squeeze %dma_wait3A_191 : memref<1x112xf32, #tpu.memory_space<vmem>> -> memref<112xf32, #tpu.memory_space<vmem>>
    %dma_wait3A_193 = arith.constant 0 : i32
    %dma_wait3A_194 = tpu.memref_slice %arg4[%mul3A_2, %dma_wait3A_193] : memref<2880x112xf32, #tpu.memory_space<hbm>> -> memref<1x112xf32, #tpu.memory_space<hbm>>
    %dma_wait3A_195 = tpu.memref_squeeze %dma_wait3A_194 : memref<1x112xf32, #tpu.memory_space<hbm>> -> memref<112xf32, #tpu.memory_space<hbm>>
    tpu.wait_dma2 semaphore(%arg24 : memref<!tpu.dma_semaphore, #tpu.memory_space<semaphore_mem>>) src(%dma_wait3A_195 : memref<112xf32, #tpu.memory_space<hbm>>) dst(%dma_wait3A_192 : memref<112xf32, #tpu.memory_space<vmem>>)
    %scan3A_196 = arith.constant 0 : i32
    %scan3A_197 = arith.constant 0 : i32
    %scan3A_198 = arith.constant 7 : i32
    %scan3A_199 = arith.addi %scan3A_197, %scan3A_198 : i32
    %scan3A_200 = arith.constant 1 : i32
    scf.for %scan3A_234 = %scan3A_197 to %scan3A_199 step %scan3A_200  : i32 {
      %mul3A_235 = arith.constant 16 : i32
      %mul3A_236 = arith.muli %scan3A_234, %mul3A_235 : i32
      %get3A = arith.constant 0 : i32
      %get3A_237 = arith.constant 0 : i32
      %get3A_238 = arith.index_cast %get3A : i32 to index
      %get3A_239 = arith.index_cast %get3A_237 : i32 to index
      %get3A_240 = arith.index_cast %mul3A_236 : i32 to index
      %get3A_241 = tpu.vector_load %arg6[%get3A_238, %get3A_239, %get3A_240] {strides = array<i32>} : memref<3x2x112xi32, #tpu.memory_space<vmem>>, vector<1x1x16xi32>,
      %get3A_242 = vector.shape_cast %get3A_241 : vector<1x1x16xi32> to vector<16xi32>
      %mul3A_243 = arith.constant 16 : i32
      %mul3A_244 = arith.muli %scan3A_234, %mul3A_243 : i32
      %swap3A_245 = arith.index_cast %mul3A_244 : i32 to index
      %swap3A_246 = tpu.vector_load %arg8[%swap3A_245] {strides = array<i32>} : memref<112xi32, #tpu.memory_space<vmem>>, vector<16xi32>,
      %swap3A_247 = vector.shape_cast %swap3A_246 : vector<16xi32> to vector<16xi32>
      %swap3A_248 = vector.shape_cast %get3A_242 : vector<16xi32> to vector<16xi32>
      tpu.vector_store %arg8[%swap3A_245], %swap3A_248 {strides = array<i32>} : memref<112xi32, #tpu.memory_space<vmem>>, vector<16xi32>,
      %mul3A_249 = arith.constant 16 : i32
      %mul3A_250 = arith.muli %scan3A_234, %mul3A_249 : i32
      %get3A_251 = arith.constant 0 : i32
      %get3A_252 = arith.constant 1 : i32
      %get3A_253 = arith.index_cast %get3A_251 : i32 to index
      %get3A_254 = arith.index_cast %get3A_252 : i32 to index
      %get3A_255 = arith.index_cast %mul3A_250 : i32 to index
      %get3A_256 = tpu.vector_load %arg6[%get3A_253, %get3A_254, %get3A_255] {strides = array<i32>} : memref<3x2x112xi32, #tpu.memory_space<vmem>>, vector<1x1x16xi32>,
      %get3A_257 = vector.shape_cast %get3A_256 : vector<1x1x16xi32> to vector<16xi32>
      %mul3A_258 = arith.constant 16 : i32
      %mul3A_259 = arith.muli %scan3A_234, %mul3A_258 : i32
      %swap3A_260 = arith.index_cast %mul3A_259 : i32 to index
      %swap3A_261 = tpu.vector_load %arg11[%swap3A_260] {strides = array<i32>} : memref<112xi32, #tpu.memory_space<vmem>>, vector<16xi32>,
      %swap3A_262 = vector.shape_cast %swap3A_261 : vector<16xi32> to vector<16xi32>
      %swap3A_263 = vector.shape_cast %get3A_257 : vector<16xi32> to vector<16xi32>
      tpu.vector_store %arg11[%swap3A_260], %swap3A_263 {strides = array<i32>} : memref<112xi32, #tpu.memory_space<vmem>>, vector<16xi32>,
    }
    %scan3A_201 = arith.constant 7 : i32
    %dma_start3A_202 = arith.constant 0 : i32
    %dma_start3A_203 = arith.constant 0 : i32
    %dma_start3A_204 = tpu.memref_slice %arg2[%dma_start3A_202, %dma_start3A_203] : memref<10240x128xf32, #tpu.memory_space<hbm>> -> memref<10240x128xf32, #tpu.memory_space<hbm>>
    tpu.enqueue_indirect_dma source(%dma_start3A_204 : memref<10240x128xf32, #tpu.memory_space<hbm>>) target(%arg14 : memref<112x128xf32, #tpu.memory_space<vmem>>) offsets(%arg8 : memref<112xi32, #tpu.memory_space<vmem>>) semaphore(%arg18 : memref<!tpu.dma_semaphore, #tpu.memory_space<semaphore_mem>>)
    %scan3A_205 = arith.constant 0 : i32
    %scan3A_206 = arith.constant 0 : i32
    %scan3A_207 = arith.constant 30 : i32
    %scan3A_208 = arith.addi %scan3A_206, %scan3A_207 : i32
    %scan3A_209 = arith.constant 1 : i32
    scf.for %scan3A_234 = %scan3A_206 to %scan3A_208 step %scan3A_209  : i32 {
      %mul3A_235 = arith.constant 3 : i32
      %mul3A_236 = arith.muli %mul3A_235, %scan3A_234 : i32
      %add3A_237 = arith.constant 0 : i32
      %add3A_238 = arith.addi %mul3A_236, %add3A_237 : i32
      %add3A_239 = arith.constant 1 : i32
      %add3A_240 = arith.addi %add3A_238, %add3A_239 : i32
      %lt3A = arith.constant 90 : i32
      %lt3A_241 = arith.cmpi slt, %add3A_240, %lt3A : i32
      %convert_element_type3A = arith.extui %lt3A_241 : i1 to i32
      %cond3A = arith.constant 0 : i32
      %cond3A_242 = arith.cmpi ne, %convert_element_type3A, %cond3A : i32
      scf.if %cond3A_242 {
        %add3A_292 = arith.constant 1 : i32
        %add3A_293 = arith.addi %add3A_240, %add3A_292 : i32
        %lt3A_294 = arith.constant 90 : i32
        %lt3A_295 = arith.cmpi slt, %add3A_293, %lt3A_294 : i32
        %convert_element_type3A_296 = arith.extui %lt3A_295 : i1 to i32
        %cond3A_297 = arith.constant 0 : i32
        %cond3A_298 = arith.cmpi ne, %convert_element_type3A_296, %cond3A_297 : i32
        scf.if %cond3A_298 {
          %add3A_344 = arith.constant 1 : i32
          %add3A_345 = arith.addi %add3A_240, %add3A_344 : i32
          %add3A_346 = arith.addi %mul3A_2, %add3A_345 : i32
          %dma_start3A_347 = arith.constant 2 : i32
          %dma_start3A_348 = arith.constant 0 : i32
          %dma_start3A_349 = arith.constant 0 : i32
          %dma_start3A_350 = tpu.memref_slice %arg6[%dma_start3A_347, %dma_start3A_348, %dma_start3A_349] : memref<3x2x112xi32, #tpu.memory_space<vmem>> -> memref<1x2x112xi32, #tpu.memory_space<vmem>>
          %dma_start3A_351 = tpu.memref_squeeze %dma_start3A_350 : memref<1x2x112xi32, #tpu.memory_space<vmem>> -> memref<2x112xi32, #tpu.memory_space<vmem>>
          %dma_start3A_352 = arith.constant 0 : i32
          %dma_start3A_353 = arith.constant 0 : i32
          %dma_start3A_354 = tpu.memref_slice %arg3[%add3A_346, %dma_start3A_352, %dma_start3A_353] : memref<2880x2x112xi32, #tpu.memory_space<hbm>> -> memref<1x2x112xi32, #tpu.memory_space<hbm>>
          %dma_start3A_355 = tpu.memref_squeeze %dma_start3A_354 : memref<1x2x112xi32, #tpu.memory_space<hbm>> -> memref<2x112xi32, #tpu.memory_space<hbm>>
          %dma_start3A_356 = arith.constant 0 : i32
          %dma_start3A_357 = arith.constant 0 : i32
          %dma_start3A_358 = tpu.memref_slice %arg6[%dma_start3A_347, %dma_start3A_356, %dma_start3A_357] : memref<3x2x112xi32, #tpu.memory_space<vmem>> -> memref<1x2x112xi32, #tpu.memory_space<vmem>>
          %dma_start3A_359 = tpu.memref_squeeze %dma_start3A_358 : memref<1x2x112xi32, #tpu.memory_space<vmem>> -> memref<2x112xi32, #tpu.memory_space<vmem>>
          %dma_start3A_360 = arith.constant 0 : i32
          %dma_start3A_361 = arith.constant 0 : i32
          %dma_start3A_362 = tpu.memref_slice %arg3[%add3A_346, %dma_start3A_360, %dma_start3A_361] : memref<2880x2x112xi32, #tpu.memory_space<hbm>> -> memref<1x2x112xi32, #tpu.memory_space<hbm>>
          %dma_start3A_363 = tpu.memref_squeeze %dma_start3A_362 : memref<1x2x112xi32, #tpu.memory_space<hbm>> -> memref<2x112xi32, #tpu.memory_space<hbm>>
          tpu.enqueue_dma source(%dma_start3A_363 : memref<2x112xi32, #tpu.memory_space<hbm>>) target(%dma_start3A_359 : memref<2x112xi32, #tpu.memory_space<vmem>>) target_semaphore(%arg26 : memref<!tpu.dma_semaphore, #tpu.memory_space<semaphore_mem>>)
          %add3A_364 = arith.addi %mul3A_2, %add3A_345 : i32
          %dma_start3A_365 = arith.constant 2 : i32
          %dma_start3A_366 = arith.constant 0 : i32
          %dma_start3A_367 = tpu.memref_slice %arg7[%dma_start3A_365, %dma_start3A_366] : memref<3x112xf32, #tpu.memory_space<vmem>> -> memref<1x112xf32, #tpu.memory_space<vmem>>
          %dma_start3A_368 = tpu.memref_squeeze %dma_start3A_367 : memref<1x112xf32, #tpu.memory_space<vmem>> -> memref<112xf32, #tpu.memory_space<vmem>>
          %dma_start3A_369 = arith.constant 0 : i32
          %dma_start3A_370 = tpu.memref_slice %arg4[%add3A_364, %dma_start3A_369] : memref<2880x112xf32, #tpu.memory_space<hbm>> -> memref<1x112xf32, #tpu.memory_space<hbm>>
          %dma_start3A_371 = tpu.memref_squeeze %dma_start3A_370 : memref<1x112xf32, #tpu.memory_space<hbm>> -> memref<112xf32, #tpu.memory_space<hbm>>
          %dma_start3A_372 = arith.constant 0 : i32
          %dma_start3A_373 = tpu.memref_slice %arg7[%dma_start3A_365, %dma_start3A_372] : memref<3x112xf32, #tpu.memory_space<vmem>> -> memref<1x112xf32, #tpu.memory_space<vmem>>
          %dma_start3A_374 = tpu.memref_squeeze %dma_start3A_373 : memref<1x112xf32, #tpu.memory_space<vmem>> -> memref<112xf32, #tpu.memory_space<vmem>>
          %dma_start3A_375 = arith.constant 0 : i32
          %dma_start3A_376 = tpu.memref_slice %arg4[%add3A_364, %dma_start3A_375] : memref<2880x112xf32, #tpu.memory_space<hbm>> -> memref<1x112xf32, #tpu.memory_space<hbm>>
          %dma_start3A_377 = tpu.memref_squeeze %dma_start3A_376 : memref<1x112xf32, #tpu.memory_space<hbm>> -> memref<112xf32, #tpu.memory_space<hbm>>
          tpu.enqueue_dma source(%dma_start3A_377 : memref<112xf32, #tpu.memory_space<hbm>>) target(%dma_start3A_374 : memref<112xf32, #tpu.memory_space<vmem>>) target_semaphore(%arg26 : memref<!tpu.dma_semaphore, #tpu.memory_space<semaphore_mem>>)
        } else {
        }
        %dma_wait3A_299 = arith.constant 0 : i32
        %dma_wait3A_300 = arith.constant 0 : i32
        %dma_wait3A_301 = tpu.memref_slice %arg2[%dma_wait3A_299, %dma_wait3A_300] : memref<10240x128xf32, #tpu.memory_space<hbm>> -> memref<112x128xf32, #tpu.memory_space<hbm>>
        %dma_wait3A_302 = arith.constant 0 : i32
        %dma_wait3A_303 = arith.constant 0 : i32
        %dma_wait3A_304 = tpu.memref_slice %arg2[%dma_wait3A_302, %dma_wait3A_303] : memref<10240x128xf32, #tpu.memory_space<hbm>> -> memref<112x128xf32, #tpu.memory_space<hbm>>
        tpu.wait_dma2 semaphore(%arg22 : memref<!tpu.dma_semaphore, #tpu.memory_space<semaphore_mem>>) src(%dma_wait3A_304 : memref<112x128xf32, #tpu.memory_space<hbm>>) dst(%arg15 : memref<112x128xf32, #tpu.memory_space<vmem>>)
        %dma_wait3A_305 = arith.constant 1 : i32
        %dma_wait3A_306 = arith.constant 0 : i32
        %dma_wait3A_307 = arith.constant 0 : i32
        %dma_wait3A_308 = tpu.memref_slice %arg6[%dma_wait3A_305, %dma_wait3A_306, %dma_wait3A_307] : memref<3x2x112xi32, #tpu.memory_space<vmem>> -> memref<1x2x112xi32, #tpu.memory_space<vmem>>
        %dma_wait3A_309 = tpu.memref_squeeze %dma_wait3A_308 : memref<1x2x112xi32, #tpu.memory_space<vmem>> -> memref<2x112xi32, #tpu.memory_space<vmem>>
        %dma_wait3A_310 = arith.constant 0 : i32
        %dma_wait3A_311 = arith.constant 0 : i32
        %dma_wait3A_312 = tpu.memref_slice %arg3[%mul3A_2, %dma_wait3A_310, %dma_wait3A_311] : memref<2880x2x112xi32, #tpu.memory_space<hbm>> -> memref<1x2x112xi32, #tpu.memory_space<hbm>>
        %dma_wait3A_313 = tpu.memref_squeeze %dma_wait3A_312 : memref<1x2x112xi32, #tpu.memory_space<hbm>> -> memref<2x112xi32, #tpu.memory_space<hbm>>
        %dma_wait3A_314 = arith.constant 0 : i32
        %dma_wait3A_315 = arith.constant 0 : i32
        %dma_wait3A_316 = tpu.memref_slice %arg6[%dma_wait3A_305, %dma_wait3A_314, %dma_wait3A_315] : memref<3x2x112xi32, #tpu.memory_space<vmem>> -> memref<1x2x112xi32, #tpu.memory_space<vmem>>
        %dma_wait3A_317 = tpu.memref_squeeze %dma_wait3A_316 : memref<1x2x112xi32, #tpu.memory_space<vmem>> -> memref<2x112xi32, #tpu.memory_space<vmem>>
        %dma_wait3A_318 = arith.constant 0 : i32
        %dma_wait3A_319 = arith.constant 0 : i32
        %dma_wait3A_320 = tpu.memref_slice %arg3[%mul3A_2, %dma_wait3A_318, %dma_wait3A_319] : memref<2880x2x112xi32, #tpu.memory_space<hbm>> -> memref<1x2x112xi32, #tpu.memory_space<hbm>>
        %dma_wait3A_321 = tpu.memref_squeeze %dma_wait3A_320 : memref<1x2x112xi32, #tpu.memory_space<hbm>> -> memref<2x112xi32, #tpu.memory_space<hbm>>
        tpu.wait_dma2 semaphore(%arg25 : memref<!tpu.dma_semaphore, #tpu.memory_space<semaphore_mem>>) src(%dma_wait3A_321 : memref<2x112xi32, #tpu.memory_space<hbm>>) dst(%dma_wait3A_317 : memref<2x112xi32, #tpu.memory_space<vmem>>)
        %dma_wait3A_322 = arith.constant 1 : i32
        %dma_wait3A_323 = arith.constant 0 : i32
        %dma_wait3A_324 = tpu.memref_slice %arg7[%dma_wait3A_322, %dma_wait3A_323] : memref<3x112xf32, #tpu.memory_space<vmem>> -> memref<1x112xf32, #tpu.memory_space<vmem>>
        %dma_wait3A_325 = tpu.memref_squeeze %dma_wait3A_324 : memref<1x112xf32, #tpu.memory_space<vmem>> -> memref<112xf32, #tpu.memory_space<vmem>>
        %dma_wait3A_326 = arith.constant 0 : i32
        %dma_wait3A_327 = tpu.memref_slice %arg4[%mul3A_2, %dma_wait3A_326] : memref<2880x112xf32, #tpu.memory_space<hbm>> -> memref<1x112xf32, #tpu.memory_space<hbm>>
        %dma_wait3A_328 = tpu.memref_squeeze %dma_wait3A_327 : memref<1x112xf32, #tpu.memory_space<hbm>> -> memref<112xf32, #tpu.memory_space<hbm>>
        %dma_wait3A_329 = arith.constant 0 : i32
        %dma_wait3A_330 = tpu.memref_slice %arg7[%dma_wait3A_322, %dma_wait3A_329] : memref<3x112xf32, #tpu.memory_space<vmem>> -> memref<1x112xf32, #tpu.memory_space<vmem>>
        %dma_wait3A_331 = tpu.memref_squeeze %dma_wait3A_330 : memref<1x112xf32, #tpu.memory_space<vmem>> -> memref<112xf32, #tpu.memory_space<vmem>>
        %dma_wait3A_332 = arith.constant 0 : i32
        %dma_wait3A_333 = tpu.memref_slice %arg4[%mul3A_2, %dma_wait3A_332] : memref<2880x112xf32, #tpu.memory_space<hbm>> -> memref<1x112xf32, #tpu.memory_space<hbm>>
        %dma_wait3A_334 = tpu.memref_squeeze %dma_wait3A_333 : memref<1x112xf32, #tpu.memory_space<hbm>> -> memref<112xf32, #tpu.memory_space<hbm>>
        tpu.wait_dma2 semaphore(%arg25 : memref<!tpu.dma_semaphore, #tpu.memory_space<semaphore_mem>>) src(%dma_wait3A_334 : memref<112xf32, #tpu.memory_space<hbm>>) dst(%dma_wait3A_331 : memref<112xf32, #tpu.memory_space<vmem>>)
        %scan3A_335 = arith.constant 0 : i32
        %scan3A_336 = arith.constant 0 : i32
        %scan3A_337 = arith.constant 7 : i32
        %scan3A_338 = arith.addi %scan3A_336, %scan3A_337 : i32
        %scan3A_339 = arith.constant 1 : i32
        scf.for %scan3A_344 = %scan3A_336 to %scan3A_338 step %scan3A_339  : i32 {
          %mul3A_345 = arith.constant 16 : i32
          %mul3A_346 = arith.muli %scan3A_344, %mul3A_345 : i32
          %get3A = arith.constant 1 : i32
          %get3A_347 = arith.constant 0 : i32
          %get3A_348 = arith.index_cast %get3A : i32 to index
          %get3A_349 = arith.index_cast %get3A_347 : i32 to index
          %get3A_350 = arith.index_cast %mul3A_346 : i32 to index
          %get3A_351 = tpu.vector_load %arg6[%get3A_348, %get3A_349, %get3A_350] {strides = array<i32>} : memref<3x2x112xi32, #tpu.memory_space<vmem>>, vector<1x1x16xi32>,
          %get3A_352 = vector.shape_cast %get3A_351 : vector<1x1x16xi32> to vector<16xi32>
          %mul3A_353 = arith.constant 16 : i32
          %mul3A_354 = arith.muli %scan3A_344, %mul3A_353 : i32
          %swap3A_355 = arith.index_cast %mul3A_354 : i32 to index
          %swap3A_356 = tpu.vector_load %arg9[%swap3A_355] {strides = array<i32>} : memref<112xi32, #tpu.memory_space<vmem>>, vector<16xi32>,
          %swap3A_357 = vector.shape_cast %swap3A_356 : vector<16xi32> to vector<16xi32>
          %swap3A_358 = vector.shape_cast %get3A_352 : vector<16xi32> to vector<16xi32>
          tpu.vector_store %arg9[%swap3A_355], %swap3A_358 {strides = array<i32>} : memref<112xi32, #tpu.memory_space<vmem>>, vector<16xi32>,
          %mul3A_359 = arith.constant 16 : i32
          %mul3A_360 = arith.muli %scan3A_344, %mul3A_359 : i32
          %get3A_361 = arith.constant 1 : i32
          %get3A_362 = arith.constant 1 : i32
          %get3A_363 = arith.index_cast %get3A_361 : i32 to index
          %get3A_364 = arith.index_cast %get3A_362 : i32 to index
          %get3A_365 = arith.index_cast %mul3A_360 : i32 to index
          %get3A_366 = tpu.vector_load %arg6[%get3A_363, %get3A_364, %get3A_365] {strides = array<i32>} : memref<3x2x112xi32, #tpu.memory_space<vmem>>, vector<1x1x16xi32>,
          %get3A_367 = vector.shape_cast %get3A_366 : vector<1x1x16xi32> to vector<16xi32>
          %mul3A_368 = arith.constant 16 : i32
          %mul3A_369 = arith.muli %scan3A_344, %mul3A_368 : i32
          %swap3A_370 = arith.index_cast %mul3A_369 : i32 to index
          %swap3A_371 = tpu.vector_load %arg12[%swap3A_370] {strides = array<i32>} : memref<112xi32, #tpu.memory_space<vmem>>, vector<16xi32>,
          %swap3A_372 = vector.shape_cast %swap3A_371 : vector<16xi32> to vector<16xi32>
          %swap3A_373 = vector.shape_cast %get3A_367 : vector<16xi32> to vector<16xi32>
          tpu.vector_store %arg12[%swap3A_370], %swap3A_373 {strides = array<i32>} : memref<112xi32, #tpu.memory_space<vmem>>, vector<16xi32>,
        }
        %scan3A_340 = arith.constant 7 : i32
        %dma_start3A_341 = arith.constant 0 : i32
        %dma_start3A_342 = arith.constant 0 : i32
        %dma_start3A_343 = tpu.memref_slice %arg2[%dma_start3A_341, %dma_start3A_342] : memref<10240x128xf32, #tpu.memory_space<hbm>> -> memref<10240x128xf32, #tpu.memory_space<hbm>>
        tpu.enqueue_indirect_dma source(%dma_start3A_343 : memref<10240x128xf32, #tpu.memory_space<hbm>>) target(%arg15 : memref<112x128xf32, #tpu.memory_space<vmem>>) offsets(%arg9 : memref<112xi32, #tpu.memory_space<vmem>>) semaphore(%arg19 : memref<!tpu.dma_semaphore, #tpu.memory_space<semaphore_mem>>)
      } else {
      }
      %dma_wait3A_243 = arith.constant 0 : i32
      %dma_wait3A_244 = arith.constant 0 : i32
      %dma_wait3A_245 = tpu.memref_slice %arg2[%dma_wait3A_243, %dma_wait3A_244] : memref<10240x128xf32, #tpu.memory_space<hbm>> -> memref<112x128xf32, #tpu.memory_space<hbm>>
      %dma_wait3A_246 = arith.constant 0 : i32
      %dma_wait3A_247 = arith.constant 0 : i32
      %dma_wait3A_248 = tpu.memref_slice %arg2[%dma_wait3A_246, %dma_wait3A_247] : memref<10240x128xf32, #tpu.memory_space<hbm>> -> memref<112x128xf32, #tpu.memory_space<hbm>>
      tpu.wait_dma2 semaphore(%arg18 : memref<!tpu.dma_semaphore, #tpu.memory_space<semaphore_mem>>) src(%dma_wait3A_248 : memref<112x128xf32, #tpu.memory_space<hbm>>) dst(%arg14 : memref<112x128xf32, #tpu.memory_space<vmem>>)
      %dma_start3A_249 = arith.constant 0 : i32
      %dma_start3A_250 = arith.constant 0 : i32
      %dma_start3A_251 = tpu.memref_slice %arg17[%dma_start3A_249, %dma_start3A_250] : memref<10240x128xf32, #tpu.memory_space<vmem_shared>> -> memref<10240x128xf32, #tpu.memory_space<vmem_shared>>
      tpu.enqueue_indirect_dma source(%arg14 : memref<112x128xf32, #tpu.memory_space<vmem>>) target(%dma_start3A_251 : memref<10240x128xf32, #tpu.memory_space<vmem_shared>>) offsets(%arg11 : memref<112xi32, #tpu.memory_space<vmem>>) semaphore(%arg21 : memref<!tpu.dma_semaphore, #tpu.memory_space<semaphore_mem>>) {add = true}
      %mul3A_252 = arith.constant 3 : i32
      %mul3A_253 = arith.muli %mul3A_252, %scan3A_234 : i32
      %add3A_254 = arith.constant 1 : i32
      %add3A_255 = arith.addi %mul3A_253, %add3A_254 : i32
      %add3A_256 = arith.constant 1 : i32
      %add3A_257 = arith.addi %add3A_255, %add3A_256 : i32
      %lt3A_258 = arith.constant 90 : i32
      %lt3A_259 = arith.cmpi slt, %add3A_257, %lt3A_258 : i32
      %convert_element_type3A_260 = arith.extui %lt3A_259 : i1 to i32
      %cond3A_261 = arith.constant 0 : i32
      %cond3A_262 = arith.cmpi ne, %convert_element_type3A_260, %cond3A_261 : i32
      scf.if %cond3A_262 {
        %add3A_292 = arith.constant 1 : i32
        %add3A_293 = arith.addi %add3A_257, %add3A_292 : i32
        %lt3A_294 = arith.constant 90 : i32
        %lt3A_295 = arith.cmpi slt, %add3A_293, %lt3A_294 : i32
        %convert_element_type3A_296 = arith.extui %lt3A_295 : i1 to i32
        %cond3A_297 = arith.constant 0 : i32
        %cond3A_298 = arith.cmpi ne, %convert_element_type3A_296, %cond3A_297 : i32
        scf.if %cond3A_298 {
          %add3A_344 = arith.constant 1 : i32
          %add3A_345 = arith.addi %add3A_257, %add3A_344 : i32
          %add3A_346 = arith.addi %mul3A_2, %add3A_345 : i32
          %dma_start3A_347 = arith.constant 0 : i32
          %dma_start3A_348 = arith.constant 0 : i32
          %dma_start3A_349 = arith.constant 0 : i32
          %dma_start3A_350 = tpu.memref_slice %arg6[%dma_start3A_347, %dma_start3A_348, %dma_start3A_349] : memref<3x2x112xi32, #tpu.memory_space<vmem>> -> memref<1x2x112xi32, #tpu.memory_space<vmem>>
          %dma_start3A_351 = tpu.memref_squeeze %dma_start3A_350 : memref<1x2x112xi32, #tpu.memory_space<vmem>> -> memref<2x112xi32, #tpu.memory_space<vmem>>
          %dma_start3A_352 = arith.constant 0 : i32
          %dma_start3A_353 = arith.constant 0 : i32
          %dma_start3A_354 = tpu.memref_slice %arg3[%add3A_346, %dma_start3A_352, %dma_start3A_353] : memref<2880x2x112xi32, #tpu.memory_space<hbm>> -> memref<1x2x112xi32, #tpu.memory_space<hbm>>
          %dma_start3A_355 = tpu.memref_squeeze %dma_start3A_354 : memref<1x2x112xi32, #tpu.memory_space<hbm>> -> memref<2x112xi32, #tpu.memory_space<hbm>>
          %dma_start3A_356 = arith.constant 0 : i32
          %dma_start3A_357 = arith.constant 0 : i32
          %dma_start3A_358 = tpu.memref_slice %arg6[%dma_start3A_347, %dma_start3A_356, %dma_start3A_357] : memref<3x2x112xi32, #tpu.memory_space<vmem>> -> memref<1x2x112xi32, #tpu.memory_space<vmem>>
          %dma_start3A_359 = tpu.memref_squeeze %dma_start3A_358 : memref<1x2x112xi32, #tpu.memory_space<vmem>> -> memref<2x112xi32, #tpu.memory_space<vmem>>
          %dma_start3A_360 = arith.constant 0 : i32
          %dma_start3A_361 = arith.constant 0 : i32
          %dma_start3A_362 = tpu.memref_slice %arg3[%add3A_346, %dma_start3A_360, %dma_start3A_361] : memref<2880x2x112xi32, #tpu.memory_space<hbm>> -> memref<1x2x112xi32, #tpu.memory_space<hbm>>
          %dma_start3A_363 = tpu.memref_squeeze %dma_start3A_362 : memref<1x2x112xi32, #tpu.memory_space<hbm>> -> memref<2x112xi32, #tpu.memory_space<hbm>>
          tpu.enqueue_dma source(%dma_start3A_363 : memref<2x112xi32, #tpu.memory_space<hbm>>) target(%dma_start3A_359 : memref<2x112xi32, #tpu.memory_space<vmem>>) target_semaphore(%arg24 : memref<!tpu.dma_semaphore, #tpu.memory_space<semaphore_mem>>)
          %add3A_364 = arith.addi %mul3A_2, %add3A_345 : i32
          %dma_start3A_365 = arith.constant 0 : i32
          %dma_start3A_366 = arith.constant 0 : i32
          %dma_start3A_367 = tpu.memref_slice %arg7[%dma_start3A_365, %dma_start3A_366] : memref<3x112xf32, #tpu.memory_space<vmem>> -> memref<1x112xf32, #tpu.memory_space<vmem>>
          %dma_start3A_368 = tpu.memref_squeeze %dma_start3A_367 : memref<1x112xf32, #tpu.memory_space<vmem>> -> memref<112xf32, #tpu.memory_space<vmem>>
          %dma_start3A_369 = arith.constant 0 : i32
          %dma_start3A_370 = tpu.memref_slice %arg4[%add3A_364, %dma_start3A_369] : memref<2880x112xf32, #tpu.memory_space<hbm>> -> memref<1x112xf32, #tpu.memory_space<hbm>>
          %dma_start3A_371 = tpu.memref_squeeze %dma_start3A_370 : memref<1x112xf32, #tpu.memory_space<hbm>> -> memref<112xf32, #tpu.memory_space<hbm>>
          %dma_start3A_372 = arith.constant 0 : i32
          %dma_start3A_373 = tpu.memref_slice %arg7[%dma_start3A_365, %dma_start3A_372] : memref<3x112xf32, #tpu.memory_space<vmem>> -> memref<1x112xf32, #tpu.memory_space<vmem>>
          %dma_start3A_374 = tpu.memref_squeeze %dma_start3A_373 : memref<1x112xf32, #tpu.memory_space<vmem>> -> memref<112xf32, #tpu.memory_space<vmem>>
          %dma_start3A_375 = arith.constant 0 : i32
          %dma_start3A_376 = tpu.memref_slice %arg4[%add3A_364, %dma_start3A_375] : memref<2880x112xf32, #tpu.memory_space<hbm>> -> memref<1x112xf32, #tpu.memory_space<hbm>>
          %dma_start3A_377 = tpu.memref_squeeze %dma_start3A_376 : memref<1x112xf32, #tpu.memory_space<hbm>> -> memref<112xf32, #tpu.memory_space<hbm>>
          tpu.enqueue_dma source(%dma_start3A_377 : memref<112xf32, #tpu.memory_space<hbm>>) target(%dma_start3A_374 : memref<112xf32, #tpu.memory_space<vmem>>) target_semaphore(%arg24 : memref<!tpu.dma_semaphore, #tpu.memory_space<semaphore_mem>>)
        } else {
        }
        %dma_wait3A_299 = arith.constant 0 : i32
        %dma_wait3A_300 = arith.constant 0 : i32
        %dma_wait3A_301 = tpu.memref_slice %arg2[%dma_wait3A_299, %dma_wait3A_300] : memref<10240x128xf32, #tpu.memory_space<hbm>> -> memref<112x128xf32, #tpu.memory_space<hbm>>
        %dma_wait3A_302 = arith.constant 0 : i32
        %dma_wait3A_303 = arith.constant 0 : i32
        %dma_wait3A_304 = tpu.memref_slice %arg2[%dma_wait3A_302, %dma_wait3A_303] : memref<10240x128xf32, #tpu.memory_space<hbm>> -> memref<112x128xf32, #tpu.memory_space<hbm>>
        tpu.wait_dma2 semaphore(%arg23 : memref<!tpu.dma_semaphore, #tpu.memory_space<semaphore_mem>>) src(%dma_wait3A_304 : memref<112x128xf32, #tpu.memory_space<hbm>>) dst(%arg16 : memref<112x128xf32, #tpu.memory_space<vmem>>)
        %dma_wait3A_305 = arith.constant 2 : i32
        %dma_wait3A_306 = arith.constant 0 : i32
        %dma_wait3A_307 = arith.constant 0 : i32
        %dma_wait3A_308 = tpu.memref_slice %arg6[%dma_wait3A_305, %dma_wait3A_306, %dma_wait3A_307] : memref<3x2x112xi32, #tpu.memory_space<vmem>> -> memref<1x2x112xi32, #tpu.memory_space<vmem>>
        %dma_wait3A_309 = tpu.memref_squeeze %dma_wait3A_308 : memref<1x2x112xi32, #tpu.memory_space<vmem>> -> memref<2x112xi32, #tpu.memory_space<vmem>>
        %dma_wait3A_310 = arith.constant 0 : i32
        %dma_wait3A_311 = arith.constant 0 : i32
        %dma_wait3A_312 = tpu.memref_slice %arg3[%mul3A_2, %dma_wait3A_310, %dma_wait3A_311] : memref<2880x2x112xi32, #tpu.memory_space<hbm>> -> memref<1x2x112xi32, #tpu.memory_space<hbm>>
        %dma_wait3A_313 = tpu.memref_squeeze %dma_wait3A_312 : memref<1x2x112xi32, #tpu.memory_space<hbm>> -> memref<2x112xi32, #tpu.memory_space<hbm>>
        %dma_wait3A_314 = arith.constant 0 : i32
        %dma_wait3A_315 = arith.constant 0 : i32
        %dma_wait3A_316 = tpu.memref_slice %arg6[%dma_wait3A_305, %dma_wait3A_314, %dma_wait3A_315] : memref<3x2x112xi32, #tpu.memory_space<vmem>> -> memref<1x2x112xi32, #tpu.memory_space<vmem>>
        %dma_wait3A_317 = tpu.memref_squeeze %dma_wait3A_316 : memref<1x2x112xi32, #tpu.memory_space<vmem>> -> memref<2x112xi32, #tpu.memory_space<vmem>>
        %dma_wait3A_318 = arith.constant 0 : i32
        %dma_wait3A_319 = arith.constant 0 : i32
        %dma_wait3A_320 = tpu.memref_slice %arg3[%mul3A_2, %dma_wait3A_318, %dma_wait3A_319] : memref<2880x2x112xi32, #tpu.memory_space<hbm>> -> memref<1x2x112xi32, #tpu.memory_space<hbm>>
        %dma_wait3A_321 = tpu.memref_squeeze %dma_wait3A_320 : memref<1x2x112xi32, #tpu.memory_space<hbm>> -> memref<2x112xi32, #tpu.memory_space<hbm>>
        tpu.wait_dma2 semaphore(%arg26 : memref<!tpu.dma_semaphore, #tpu.memory_space<semaphore_mem>>) src(%dma_wait3A_321 : memref<2x112xi32, #tpu.memory_space<hbm>>) dst(%dma_wait3A_317 : memref<2x112xi32, #tpu.memory_space<vmem>>)
        %dma_wait3A_322 = arith.constant 2 : i32
        %dma_wait3A_323 = arith.constant 0 : i32
        %dma_wait3A_324 = tpu.memref_slice %arg7[%dma_wait3A_322, %dma_wait3A_323] : memref<3x112xf32, #tpu.memory_space<vmem>> -> memref<1x112xf32, #tpu.memory_space<vmem>>
        %dma_wait3A_325 = tpu.memref_squeeze %dma_wait3A_324 : memref<1x112xf32, #tpu.memory_space<vmem>> -> memref<112xf32, #tpu.memory_space<vmem>>
        %dma_wait3A_326 = arith.constant 0 : i32
        %dma_wait3A_327 = tpu.memref_slice %arg4[%mul3A_2, %dma_wait3A_326] : memref<2880x112xf32, #tpu.memory_space<hbm>> -> memref<1x112xf32, #tpu.memory_space<hbm>>
        %dma_wait3A_328 = tpu.memref_squeeze %dma_wait3A_327 : memref<1x112xf32, #tpu.memory_space<hbm>> -> memref<112xf32, #tpu.memory_space<hbm>>
        %dma_wait3A_329 = arith.constant 0 : i32
        %dma_wait3A_330 = tpu.memref_slice %arg7[%dma_wait3A_322, %dma_wait3A_329] : memref<3x112xf32, #tpu.memory_space<vmem>> -> memref<1x112xf32, #tpu.memory_space<vmem>>
        %dma_wait3A_331 = tpu.memref_squeeze %dma_wait3A_330 : memref<1x112xf32, #tpu.memory_space<vmem>> -> memref<112xf32, #tpu.memory_space<vmem>>
        %dma_wait3A_332 = arith.constant 0 : i32
        %dma_wait3A_333 = tpu.memref_slice %arg4[%mul3A_2, %dma_wait3A_332] : memref<2880x112xf32, #tpu.memory_space<hbm>> -> memref<1x112xf32, #tpu.memory_space<hbm>>
        %dma_wait3A_334 = tpu.memref_squeeze %dma_wait3A_333 : memref<1x112xf32, #tpu.memory_space<hbm>> -> memref<112xf32, #tpu.memory_space<hbm>>
        tpu.wait_dma2 semaphore(%arg26 : memref<!tpu.dma_semaphore, #tpu.memory_space<semaphore_mem>>) src(%dma_wait3A_334 : memref<112xf32, #tpu.memory_space<hbm>>) dst(%dma_wait3A_331 : memref<112xf32, #tpu.memory_space<vmem>>)
        %scan3A_335 = arith.constant 0 : i32
        %scan3A_336 = arith.constant 0 : i32
        %scan3A_337 = arith.constant 7 : i32
        %scan3A_338 = arith.addi %scan3A_336, %scan3A_337 : i32
        %scan3A_339 = arith.constant 1 : i32
        scf.for %scan3A_344 = %scan3A_336 to %scan3A_338 step %scan3A_339  : i32 {
          %mul3A_345 = arith.constant 16 : i32
          %mul3A_346 = arith.muli %scan3A_344, %mul3A_345 : i32
          %get3A = arith.constant 2 : i32
          %get3A_347 = arith.constant 0 : i32
          %get3A_348 = arith.index_cast %get3A : i32 to index
          %get3A_349 = arith.index_cast %get3A_347 : i32 to index
          %get3A_350 = arith.index_cast %mul3A_346 : i32 to index
          %get3A_351 = tpu.vector_load %arg6[%get3A_348, %get3A_349, %get3A_350] {strides = array<i32>} : memref<3x2x112xi32, #tpu.memory_space<vmem>>, vector<1x1x16xi32>,
          %get3A_352 = vector.shape_cast %get3A_351 : vector<1x1x16xi32> to vector<16xi32>
          %mul3A_353 = arith.constant 16 : i32
          %mul3A_354 = arith.muli %scan3A_344, %mul3A_353 : i32
          %swap3A_355 = arith.index_cast %mul3A_354 : i32 to index
          %swap3A_356 = tpu.vector_load %arg10[%swap3A_355] {strides = array<i32>} : memref<112xi32, #tpu.memory_space<vmem>>, vector<16xi32>,
          %swap3A_357 = vector.shape_cast %swap3A_356 : vector<16xi32> to vector<16xi32>
          %swap3A_358 = vector.shape_cast %get3A_352 : vector<16xi32> to vector<16xi32>
          tpu.vector_store %arg10[%swap3A_355], %swap3A_358 {strides = array<i32>} : memref<112xi32, #tpu.memory_space<vmem>>, vector<16xi32>,
          %mul3A_359 = arith.constant 16 : i32
          %mul3A_360 = arith.muli %scan3A_344, %mul3A_359 : i32
          %get3A_361 = arith.constant 2 : i32
          %get3A_362 = arith.constant 1 : i32
          %get3A_363 = arith.index_cast %get3A_361 : i32 to index
          %get3A_364 = arith.index_cast %get3A_362 : i32 to index
          %get3A_365 = arith.index_cast %mul3A_360 : i32 to index
          %get3A_366 = tpu.vector_load %arg6[%get3A_363, %get3A_364, %get3A_365] {strides = array<i32>} : memref<3x2x112xi32, #tpu.memory_space<vmem>>, vector<1x1x16xi32>,
          %get3A_367 = vector.shape_cast %get3A_366 : vector<1x1x16xi32> to vector<16xi32>
          %mul3A_368 = arith.constant 16 : i32
          %mul3A_369 = arith.muli %scan3A_344, %mul3A_368 : i32
          %swap3A_370 = arith.index_cast %mul3A_369 : i32 to index
          %swap3A_371 = tpu.vector_load %arg13[%swap3A_370] {strides = array<i32>} : memref<112xi32, #tpu.memory_space<vmem>>, vector<16xi32>,
          %swap3A_372 = vector.shape_cast %swap3A_371 : vector<16xi32> to vector<16xi32>
          %swap3A_373 = vector.shape_cast %get3A_367 : vector<16xi32> to vector<16xi32>
          tpu.vector_store %arg13[%swap3A_370], %swap3A_373 {strides = array<i32>} : memref<112xi32, #tpu.memory_space<vmem>>, vector<16xi32>,
        }
        %scan3A_340 = arith.constant 7 : i32
        %dma_start3A_341 = arith.constant 0 : i32
        %dma_start3A_342 = arith.constant 0 : i32
        %dma_start3A_343 = tpu.memref_slice %arg2[%dma_start3A_341, %dma_start3A_342] : memref<10240x128xf32, #tpu.memory_space<hbm>> -> memref<10240x128xf32, #tpu.memory_space<hbm>>
        tpu.enqueue_indirect_dma source(%dma_start3A_343 : memref<10240x128xf32, #tpu.memory_space<hbm>>) target(%arg16 : memref<112x128xf32, #tpu.memory_space<vmem>>) offsets(%arg10 : memref<112xi32, #tpu.memory_space<vmem>>) semaphore(%arg20 : memref<!tpu.dma_semaphore, #tpu.memory_space<semaphore_mem>>)
      } else {
      }
      %dma_wait3A_263 = arith.constant 0 : i32
      %dma_wait3A_264 = arith.constant 0 : i32
      %dma_wait3A_265 = tpu.memref_slice %arg2[%dma_wait3A_263, %dma_wait3A_264] : memref<10240x128xf32, #tpu.memory_space<hbm>> -> memref<112x128xf32, #tpu.memory_space<hbm>>
      %dma_wait3A_266 = arith.constant 0 : i32
      %dma_wait3A_267 = arith.constant 0 : i32
      %dma_wait3A_268 = tpu.memref_slice %arg2[%dma_wait3A_266, %dma_wait3A_267] : memref<10240x128xf32, #tpu.memory_space<hbm>> -> memref<112x128xf32, #tpu.memory_space<hbm>>
      tpu.wait_dma2 semaphore(%arg19 : memref<!tpu.dma_semaphore, #tpu.memory_space<semaphore_mem>>) src(%dma_wait3A_268 : memref<112x128xf32, #tpu.memory_space<hbm>>) dst(%arg15 : memref<112x128xf32, #tpu.memory_space<vmem>>)
      %dma_start3A_269 = arith.constant 0 : i32
      %dma_start3A_270 = arith.constant 0 : i32
      %dma_start3A_271 = tpu.memref_slice %arg17[%dma_start3A_269, %dma_start3A_270] : memref<10240x128xf32, #tpu.memory_space<vmem_shared>> -> memref<10240x128xf32, #tpu.memory_space<vmem_shared>>
      tpu.enqueue_indirect_dma source(%arg15 : memref<112x128xf32, #tpu.memory_space<vmem>>) target(%dma_start3A_271 : memref<10240x128xf32, #tpu.memory_space<vmem_shared>>) offsets(%arg12 : memref<112xi32, #tpu.memory_space<vmem>>) semaphore(%arg22 : memref<!tpu.dma_semaphore, #tpu.memory_space<semaphore_mem>>) {add = true}
      %mul3A_272 = arith.constant 3 : i32
      %mul3A_273 = arith.muli %mul3A_272, %scan3A_234 : i32
      %add3A_274 = arith.constant 2 : i32
      %add3A_275 = arith.addi %mul3A_273, %add3A_274 : i32
      %add3A_276 = arith.constant 1 : i32
      %add3A_277 = arith.addi %add3A_275, %add3A_276 : i32
      %lt3A_278 = arith.constant 90 : i32
      %lt3A_279 = arith.cmpi slt, %add3A_277, %lt3A_278 : i32
      %convert_element_type3A_280 = arith.extui %lt3A_279 : i1 to i32
      %cond3A_281 = arith.constant 0 : i32
      %cond3A_282 = arith.cmpi ne, %convert_element_type3A_280, %cond3A_281 : i32
      scf.if %cond3A_282 {
        %add3A_292 = arith.constant 1 : i32
        %add3A_293 = arith.addi %add3A_277, %add3A_292 : i32
        %lt3A_294 = arith.constant 90 : i32
        %lt3A_295 = arith.cmpi slt, %add3A_293, %lt3A_294 : i32
        %convert_element_type3A_296 = arith.extui %lt3A_295 : i1 to i32
        %cond3A_297 = arith.constant 0 : i32
        %cond3A_298 = arith.cmpi ne, %convert_element_type3A_296, %cond3A_297 : i32
        scf.if %cond3A_298 {
          %add3A_344 = arith.constant 1 : i32
          %add3A_345 = arith.addi %add3A_277, %add3A_344 : i32
          %add3A_346 = arith.addi %mul3A_2, %add3A_345 : i32
          %dma_start3A_347 = arith.constant 1 : i32
          %dma_start3A_348 = arith.constant 0 : i32
          %dma_start3A_349 = arith.constant 0 : i32
          %dma_start3A_350 = tpu.memref_slice %arg6[%dma_start3A_347, %dma_start3A_348, %dma_start3A_349] : memref<3x2x112xi32, #tpu.memory_space<vmem>> -> memref<1x2x112xi32, #tpu.memory_space<vmem>>
          %dma_start3A_351 = tpu.memref_squeeze %dma_start3A_350 : memref<1x2x112xi32, #tpu.memory_space<vmem>> -> memref<2x112xi32, #tpu.memory_space<vmem>>
          %dma_start3A_352 = arith.constant 0 : i32
          %dma_start3A_353 = arith.constant 0 : i32
          %dma_start3A_354 = tpu.memref_slice %arg3[%add3A_346, %dma_start3A_352, %dma_start3A_353] : memref<2880x2x112xi32, #tpu.memory_space<hbm>> -> memref<1x2x112xi32, #tpu.memory_space<hbm>>
          %dma_start3A_355 = tpu.memref_squeeze %dma_start3A_354 : memref<1x2x112xi32, #tpu.memory_space<hbm>> -> memref<2x112xi32, #tpu.memory_space<hbm>>
          %dma_start3A_356 = arith.constant 0 : i32
          %dma_start3A_357 = arith.constant 0 : i32
          %dma_start3A_358 = tpu.memref_slice %arg6[%dma_start3A_347, %dma_start3A_356, %dma_start3A_357] : memref<3x2x112xi32, #tpu.memory_space<vmem>> -> memref<1x2x112xi32, #tpu.memory_space<vmem>>
          %dma_start3A_359 = tpu.memref_squeeze %dma_start3A_358 : memref<1x2x112xi32, #tpu.memory_space<vmem>> -> memref<2x112xi32, #tpu.memory_space<vmem>>
          %dma_start3A_360 = arith.constant 0 : i32
          %dma_start3A_361 = arith.constant 0 : i32
          %dma_start3A_362 = tpu.memref_slice %arg3[%add3A_346, %dma_start3A_360, %dma_start3A_361] : memref<2880x2x112xi32, #tpu.memory_space<hbm>> -> memref<1x2x112xi32, #tpu.memory_space<hbm>>
          %dma_start3A_363 = tpu.memref_squeeze %dma_start3A_362 : memref<1x2x112xi32, #tpu.memory_space<hbm>> -> memref<2x112xi32, #tpu.memory_space<hbm>>
          tpu.enqueue_dma source(%dma_start3A_363 : memref<2x112xi32, #tpu.memory_space<hbm>>) target(%dma_start3A_359 : memref<2x112xi32, #tpu.memory_space<vmem>>) target_semaphore(%arg25 : memref<!tpu.dma_semaphore, #tpu.memory_space<semaphore_mem>>)
          %add3A_364 = arith.addi %mul3A_2, %add3A_345 : i32
          %dma_start3A_365 = arith.constant 1 : i32
          %dma_start3A_366 = arith.constant 0 : i32
          %dma_start3A_367 = tpu.memref_slice %arg7[%dma_start3A_365, %dma_start3A_366] : memref<3x112xf32, #tpu.memory_space<vmem>> -> memref<1x112xf32, #tpu.memory_space<vmem>>
          %dma_start3A_368 = tpu.memref_squeeze %dma_start3A_367 : memref<1x112xf32, #tpu.memory_space<vmem>> -> memref<112xf32, #tpu.memory_space<vmem>>
          %dma_start3A_369 = arith.constant 0 : i32
          %dma_start3A_370 = tpu.memref_slice %arg4[%add3A_364, %dma_start3A_369] : memref<2880x112xf32, #tpu.memory_space<hbm>> -> memref<1x112xf32, #tpu.memory_space<hbm>>
          %dma_start3A_371 = tpu.memref_squeeze %dma_start3A_370 : memref<1x112xf32, #tpu.memory_space<hbm>> -> memref<112xf32, #tpu.memory_space<hbm>>
          %dma_start3A_372 = arith.constant 0 : i32
          %dma_start3A_373 = tpu.memref_slice %arg7[%dma_start3A_365, %dma_start3A_372] : memref<3x112xf32, #tpu.memory_space<vmem>> -> memref<1x112xf32, #tpu.memory_space<vmem>>
          %dma_start3A_374 = tpu.memref_squeeze %dma_start3A_373 : memref<1x112xf32, #tpu.memory_space<vmem>> -> memref<112xf32, #tpu.memory_space<vmem>>
          %dma_start3A_375 = arith.constant 0 : i32
          %dma_start3A_376 = tpu.memref_slice %arg4[%add3A_364, %dma_start3A_375] : memref<2880x112xf32, #tpu.memory_space<hbm>> -> memref<1x112xf32, #tpu.memory_space<hbm>>
          %dma_start3A_377 = tpu.memref_squeeze %dma_start3A_376 : memref<1x112xf32, #tpu.memory_space<hbm>> -> memref<112xf32, #tpu.memory_space<hbm>>
          tpu.enqueue_dma source(%dma_start3A_377 : memref<112xf32, #tpu.memory_space<hbm>>) target(%dma_start3A_374 : memref<112xf32, #tpu.memory_space<vmem>>) target_semaphore(%arg25 : memref<!tpu.dma_semaphore, #tpu.memory_space<semaphore_mem>>)
        } else {
        }
        %dma_wait3A_299 = arith.constant 0 : i32
        %dma_wait3A_300 = arith.constant 0 : i32
        %dma_wait3A_301 = tpu.memref_slice %arg2[%dma_wait3A_299, %dma_wait3A_300] : memref<10240x128xf32, #tpu.memory_space<hbm>> -> memref<112x128xf32, #tpu.memory_space<hbm>>
        %dma_wait3A_302 = arith.constant 0 : i32
        %dma_wait3A_303 = arith.constant 0 : i32
        %dma_wait3A_304 = tpu.memref_slice %arg2[%dma_wait3A_302, %dma_wait3A_303] : memref<10240x128xf32, #tpu.memory_space<hbm>> -> memref<112x128xf32, #tpu.memory_space<hbm>>
        tpu.wait_dma2 semaphore(%arg21 : memref<!tpu.dma_semaphore, #tpu.memory_space<semaphore_mem>>) src(%dma_wait3A_304 : memref<112x128xf32, #tpu.memory_space<hbm>>) dst(%arg14 : memref<112x128xf32, #tpu.memory_space<vmem>>)
        %dma_wait3A_305 = arith.constant 0 : i32
        %dma_wait3A_306 = arith.constant 0 : i32
        %dma_wait3A_307 = arith.constant 0 : i32
        %dma_wait3A_308 = tpu.memref_slice %arg6[%dma_wait3A_305, %dma_wait3A_306, %dma_wait3A_307] : memref<3x2x112xi32, #tpu.memory_space<vmem>> -> memref<1x2x112xi32, #tpu.memory_space<vmem>>
        %dma_wait3A_309 = tpu.memref_squeeze %dma_wait3A_308 : memref<1x2x112xi32, #tpu.memory_space<vmem>> -> memref<2x112xi32, #tpu.memory_space<vmem>>
        %dma_wait3A_310 = arith.constant 0 : i32
        %dma_wait3A_311 = arith.constant 0 : i32
        %dma_wait3A_312 = tpu.memref_slice %arg3[%mul3A_2, %dma_wait3A_310, %dma_wait3A_311] : memref<2880x2x112xi32, #tpu.memory_space<hbm>> -> memref<1x2x112xi32, #tpu.memory_space<hbm>>
        %dma_wait3A_313 = tpu.memref_squeeze %dma_wait3A_312 : memref<1x2x112xi32, #tpu.memory_space<hbm>> -> memref<2x112xi32, #tpu.memory_space<hbm>>
        %dma_wait3A_314 = arith.constant 0 : i32
        %dma_wait3A_315 = arith.constant 0 : i32
        %dma_wait3A_316 = tpu.memref_slice %arg6[%dma_wait3A_305, %dma_wait3A_314, %dma_wait3A_315] : memref<3x2x112xi32, #tpu.memory_space<vmem>> -> memref<1x2x112xi32, #tpu.memory_space<vmem>>
        %dma_wait3A_317 = tpu.memref_squeeze %dma_wait3A_316 : memref<1x2x112xi32, #tpu.memory_space<vmem>> -> memref<2x112xi32, #tpu.memory_space<vmem>>
        %dma_wait3A_318 = arith.constant 0 : i32
        %dma_wait3A_319 = arith.constant 0 : i32
        %dma_wait3A_320 = tpu.memref_slice %arg3[%mul3A_2, %dma_wait3A_318, %dma_wait3A_319] : memref<2880x2x112xi32, #tpu.memory_space<hbm>> -> memref<1x2x112xi32, #tpu.memory_space<hbm>>
        %dma_wait3A_321 = tpu.memref_squeeze %dma_wait3A_320 : memref<1x2x112xi32, #tpu.memory_space<hbm>> -> memref<2x112xi32, #tpu.memory_space<hbm>>
        tpu.wait_dma2 semaphore(%arg24 : memref<!tpu.dma_semaphore, #tpu.memory_space<semaphore_mem>>) src(%dma_wait3A_321 : memref<2x112xi32, #tpu.memory_space<hbm>>) dst(%dma_wait3A_317 : memref<2x112xi32, #tpu.memory_space<vmem>>)
        %dma_wait3A_322 = arith.constant 0 : i32
        %dma_wait3A_323 = arith.constant 0 : i32
        %dma_wait3A_324 = tpu.memref_slice %arg7[%dma_wait3A_322, %dma_wait3A_323] : memref<3x112xf32, #tpu.memory_space<vmem>> -> memref<1x112xf32, #tpu.memory_space<vmem>>
        %dma_wait3A_325 = tpu.memref_squeeze %dma_wait3A_324 : memref<1x112xf32, #tpu.memory_space<vmem>> -> memref<112xf32, #tpu.memory_space<vmem>>
        %dma_wait3A_326 = arith.constant 0 : i32
        %dma_wait3A_327 = tpu.memref_slice %arg4[%mul3A_2, %dma_wait3A_326] : memref<2880x112xf32, #tpu.memory_space<hbm>> -> memref<1x112xf32, #tpu.memory_space<hbm>>
        %dma_wait3A_328 = tpu.memref_squeeze %dma_wait3A_327 : memref<1x112xf32, #tpu.memory_space<hbm>> -> memref<112xf32, #tpu.memory_space<hbm>>
        %dma_wait3A_329 = arith.constant 0 : i32
        %dma_wait3A_330 = tpu.memref_slice %arg7[%dma_wait3A_322, %dma_wait3A_329] : memref<3x112xf32, #tpu.memory_space<vmem>> -> memref<1x112xf32, #tpu.memory_space<vmem>>
        %dma_wait3A_331 = tpu.memref_squeeze %dma_wait3A_330 : memref<1x112xf32, #tpu.memory_space<vmem>> -> memref<112xf32, #tpu.memory_space<vmem>>
        %dma_wait3A_332 = arith.constant 0 : i32
        %dma_wait3A_333 = tpu.memref_slice %arg4[%mul3A_2, %dma_wait3A_332] : memref<2880x112xf32, #tpu.memory_space<hbm>> -> memref<1x112xf32, #tpu.memory_space<hbm>>
        %dma_wait3A_334 = tpu.memref_squeeze %dma_wait3A_333 : memref<1x112xf32, #tpu.memory_space<hbm>> -> memref<112xf32, #tpu.memory_space<hbm>>
        tpu.wait_dma2 semaphore(%arg24 : memref<!tpu.dma_semaphore, #tpu.memory_space<semaphore_mem>>) src(%dma_wait3A_334 : memref<112xf32, #tpu.memory_space<hbm>>) dst(%dma_wait3A_331 : memref<112xf32, #tpu.memory_space<vmem>>)
        %scan3A_335 = arith.constant 0 : i32
        %scan3A_336 = arith.constant 0 : i32
        %scan3A_337 = arith.constant 7 : i32
        %scan3A_338 = arith.addi %scan3A_336, %scan3A_337 : i32
        %scan3A_339 = arith.constant 1 : i32
        scf.for %scan3A_344 = %scan3A_336 to %scan3A_338 step %scan3A_339  : i32 {
          %mul3A_345 = arith.constant 16 : i32
          %mul3A_346 = arith.muli %scan3A_344, %mul3A_345 : i32
          %get3A = arith.constant 0 : i32
          %get3A_347 = arith.constant 0 : i32
          %get3A_348 = arith.index_cast %get3A : i32 to index
          %get3A_349 = arith.index_cast %get3A_347 : i32 to index
          %get3A_350 = arith.index_cast %mul3A_346 : i32 to index
          %get3A_351 = tpu.vector_load %arg6[%get3A_348, %get3A_349, %get3A_350] {strides = array<i32>} : memref<3x2x112xi32, #tpu.memory_space<vmem>>, vector<1x1x16xi32>,
          %get3A_352 = vector.shape_cast %get3A_351 : vector<1x1x16xi32> to vector<16xi32>
          %mul3A_353 = arith.constant 16 : i32
          %mul3A_354 = arith.muli %scan3A_344, %mul3A_353 : i32
          %swap3A_355 = arith.index_cast %mul3A_354 : i32 to index
          %swap3A_356 = tpu.vector_load %arg8[%swap3A_355] {strides = array<i32>} : memref<112xi32, #tpu.memory_space<vmem>>, vector<16xi32>,
          %swap3A_357 = vector.shape_cast %swap3A_356 : vector<16xi32> to vector<16xi32>
          %swap3A_358 = vector.shape_cast %get3A_352 : vector<16xi32> to vector<16xi32>
          tpu.vector_store %arg8[%swap3A_355], %swap3A_358 {strides = array<i32>} : memref<112xi32, #tpu.memory_space<vmem>>, vector<16xi32>,
          %mul3A_359 = arith.constant 16 : i32
          %mul3A_360 = arith.muli %scan3A_344, %mul3A_359 : i32
          %get3A_361 = arith.constant 0 : i32
          %get3A_362 = arith.constant 1 : i32
          %get3A_363 = arith.index_cast %get3A_361 : i32 to index
          %get3A_364 = arith.index_cast %get3A_362 : i32 to index
          %get3A_365 = arith.index_cast %mul3A_360 : i32 to index
          %get3A_366 = tpu.vector_load %arg6[%get3A_363, %get3A_364, %get3A_365] {strides = array<i32>} : memref<3x2x112xi32, #tpu.memory_space<vmem>>, vector<1x1x16xi32>,
          %get3A_367 = vector.shape_cast %get3A_366 : vector<1x1x16xi32> to vector<16xi32>
          %mul3A_368 = arith.constant 16 : i32
          %mul3A_369 = arith.muli %scan3A_344, %mul3A_368 : i32
          %swap3A_370 = arith.index_cast %mul3A_369 : i32 to index
          %swap3A_371 = tpu.vector_load %arg11[%swap3A_370] {strides = array<i32>} : memref<112xi32, #tpu.memory_space<vmem>>, vector<16xi32>,
          %swap3A_372 = vector.shape_cast %swap3A_371 : vector<16xi32> to vector<16xi32>
          %swap3A_373 = vector.shape_cast %get3A_367 : vector<16xi32> to vector<16xi32>
          tpu.vector_store %arg11[%swap3A_370], %swap3A_373 {strides = array<i32>} : memref<112xi32, #tpu.memory_space<vmem>>, vector<16xi32>,
        }
        %scan3A_340 = arith.constant 7 : i32
        %dma_start3A_341 = arith.constant 0 : i32
        %dma_start3A_342 = arith.constant 0 : i32
        %dma_start3A_343 = tpu.memref_slice %arg2[%dma_start3A_341, %dma_start3A_342] : memref<10240x128xf32, #tpu.memory_space<hbm>> -> memref<10240x128xf32, #tpu.memory_space<hbm>>
        tpu.enqueue_indirect_dma source(%dma_start3A_343 : memref<10240x128xf32, #tpu.memory_space<hbm>>) target(%arg14 : memref<112x128xf32, #tpu.memory_space<vmem>>) offsets(%arg8 : memref<112xi32, #tpu.memory_space<vmem>>) semaphore(%arg18 : memref<!tpu.dma_semaphore, #tpu.memory_space<semaphore_mem>>)
      } else {
      }
      %dma_wait3A_283 = arith.constant 0 : i32
      %dma_wait3A_284 = arith.constant 0 : i32
      %dma_wait3A_285 = tpu.memref_slice %arg2[%dma_wait3A_283, %dma_wait3A_284] : memref<10240x128xf32, #tpu.memory_space<hbm>> -> memref<112x128xf32, #tpu.memory_space<hbm>>
      %dma_wait3A_286 = arith.constant 0 : i32
      %dma_wait3A_287 = arith.constant 0 : i32
      %dma_wait3A_288 = tpu.memref_slice %arg2[%dma_wait3A_286, %dma_wait3A_287] : memref<10240x128xf32, #tpu.memory_space<hbm>> -> memref<112x128xf32, #tpu.memory_space<hbm>>
      tpu.wait_dma2 semaphore(%arg20 : memref<!tpu.dma_semaphore, #tpu.memory_space<semaphore_mem>>) src(%dma_wait3A_288 : memref<112x128xf32, #tpu.memory_space<hbm>>) dst(%arg16 : memref<112x128xf32, #tpu.memory_space<vmem>>)
      %dma_start3A_289 = arith.constant 0 : i32
      %dma_start3A_290 = arith.constant 0 : i32
      %dma_start3A_291 = tpu.memref_slice %arg17[%dma_start3A_289, %dma_start3A_290] : memref<10240x128xf32, #tpu.memory_space<vmem_shared>> -> memref<10240x128xf32, #tpu.memory_space<vmem_shared>>
      tpu.enqueue_indirect_dma source(%arg16 : memref<112x128xf32, #tpu.memory_space<vmem>>) target(%dma_start3A_291 : memref<10240x128xf32, #tpu.memory_space<vmem_shared>>) offsets(%arg13 : memref<112xi32, #tpu.memory_space<vmem>>) semaphore(%arg23 : memref<!tpu.dma_semaphore, #tpu.memory_space<semaphore_mem>>) {add = true}
    }
    %scan3A_210 = arith.constant 30 : i32
    %dma_wait3A_211 = arith.constant 0 : i32
    %dma_wait3A_212 = arith.constant 0 : i32
    %dma_wait3A_213 = tpu.memref_slice %arg2[%dma_wait3A_211, %dma_wait3A_212] : memref<10240x128xf32, #tpu.memory_space<hbm>> -> memref<112x128xf32, #tpu.memory_space<hbm>>
    %dma_wait3A_214 = arith.constant 0 : i32
    %dma_wait3A_215 = arith.constant 0 : i32
    %dma_wait3A_216 = tpu.memref_slice %arg2[%dma_wait3A_214, %dma_wait3A_215] : memref<10240x128xf32, #tpu.memory_space<hbm>> -> memref<112x128xf32, #tpu.memory_space<hbm>>
    tpu.wait_dma2 semaphore(%arg21 : memref<!tpu.dma_semaphore, #tpu.memory_space<semaphore_mem>>) src(%dma_wait3A_216 : memref<112x128xf32, #tpu.memory_space<hbm>>) dst(%arg14 : memref<112x128xf32, #tpu.memory_space<vmem>>)
    %dma_wait3A_217 = arith.constant 0 : i32
    %dma_wait3A_218 = arith.constant 0 : i32
    %dma_wait3A_219 = tpu.memref_slice %arg2[%dma_wait3A_217, %dma_wait3A_218] : memref<10240x128xf32, #tpu.memory_space<hbm>> -> memref<112x128xf32, #tpu.memory_space<hbm>>
    %dma_wait3A_220 = arith.constant 0 : i32
    %dma_wait3A_221 = arith.constant 0 : i32
    %dma_wait3A_222 = tpu.memref_slice %arg2[%dma_wait3A_220, %dma_wait3A_221] : memref<10240x128xf32, #tpu.memory_space<hbm>> -> memref<112x128xf32, #tpu.memory_space<hbm>>
    tpu.wait_dma2 semaphore(%arg22 : memref<!tpu.dma_semaphore, #tpu.memory_space<semaphore_mem>>) src(%dma_wait3A_222 : memref<112x128xf32, #tpu.memory_space<hbm>>) dst(%arg15 : memref<112x128xf32, #tpu.memory_space<vmem>>)
    %dma_wait3A_223 = arith.constant 0 : i32
    %dma_wait3A_224 = arith.constant 0 : i32
    %dma_wait3A_225 = tpu.memref_slice %arg2[%dma_wait3A_223, %dma_wait3A_224] : memref<10240x128xf32, #tpu.memory_space<hbm>> -> memref<112x128xf32, #tpu.memory_space<hbm>>
    %dma_wait3A_226 = arith.constant 0 : i32
    %dma_wait3A_227 = arith.constant 0 : i32
    %dma_wait3A_228 = tpu.memref_slice %arg2[%dma_wait3A_226, %dma_wait3A_227] : memref<10240x128xf32, #tpu.memory_space<hbm>> -> memref<112x128xf32, #tpu.memory_space<hbm>>
    tpu.wait_dma2 semaphore(%arg23 : memref<!tpu.dma_semaphore, #tpu.memory_space<semaphore_mem>>) src(%dma_wait3A_228 : memref<112x128xf32, #tpu.memory_space<hbm>>) dst(%arg16 : memref<112x128xf32, #tpu.memory_space<vmem>>)
    %barrier3A_229 = arith.constant 0 : index
    tpu.barrier barrier_id(%barrier3A_229)
    %mul3A_230 = arith.constant 640 : i32
    %mul3A_231 = arith.muli %arg1, %mul3A_230 : i32
    %mul3A_232 = arith.constant 640 : i32
    %mul3A_233 = arith.muli %arg1, %mul3A_232 : i32
    "tpu.region"() ({
      %run_scoped3A = tpu.sem_alloc : memref<!tpu.dma_semaphore, #tpu.memory_space<semaphore_mem>>
      %dma_start3A_234 = arith.constant 0 : i32
      %dma_start3A_235 = tpu.memref_slice %arg5[%arg0, %mul3A_233, %dma_start3A_234] : memref<2x10240x128xf32, #tpu.memory_space<hbm>> -> memref<1x640x128xf32, #tpu.memory_space<hbm>>
      %dma_start3A_236 = tpu.memref_squeeze %dma_start3A_235 : memref<1x640x128xf32, #tpu.memory_space<hbm>> -> memref<640x128xf32, #tpu.memory_space<hbm>>
      %dma_start3A_237 = arith.constant 0 : i32
      %dma_start3A_238 = tpu.memref_slice %arg17[%mul3A_231, %dma_start3A_237] : memref<10240x128xf32, #tpu.memory_space<vmem_shared>> -> memref<640x128xf32, #tpu.memory_space<vmem_shared>>
      tpu.enqueue_dma source(%dma_start3A_238 : memref<640x128xf32, #tpu.memory_space<vmem_shared>>) target(%dma_start3A_236 : memref<640x128xf32, #tpu.memory_space<hbm>>) target_semaphore(%run_scoped3A : memref<!tpu.dma_semaphore, #tpu.memory_space<semaphore_mem>>)
      %dma_wait3A_239 = arith.constant 0 : i32
      %dma_wait3A_240 = tpu.memref_slice %arg5[%arg0, %mul3A_233, %dma_wait3A_239] : memref<2x10240x128xf32, #tpu.memory_space<hbm>> -> memref<1x640x128xf32, #tpu.memory_space<hbm>>
      %dma_wait3A_241 = tpu.memref_squeeze %dma_wait3A_240 : memref<1x640x128xf32, #tpu.memory_space<hbm>> -> memref<640x128xf32, #tpu.memory_space<hbm>>
      %dma_wait3A_242 = arith.constant 0 : i32
      %dma_wait3A_243 = tpu.memref_slice %arg17[%mul3A_231, %dma_wait3A_242] : memref<10240x128xf32, #tpu.memory_space<vmem_shared>> -> memref<640x128xf32, #tpu.memory_space<vmem_shared>>
      tpu.wait_dma2 semaphore(%run_scoped3A : memref<!tpu.dma_semaphore, #tpu.memory_space<semaphore_mem>>) src(%dma_wait3A_243 : memref<640x128xf32, #tpu.memory_space<vmem_shared>>) dst(%dma_wait3A_241 : memref<640x128xf32, #tpu.memory_space<hbm>>)
      tpu.yield
    }) : () -> ()
    return
  }
}

#map = affine_map<(d0, d1) -> (0)>
#map1 = affine_map<(d0, d1) -> (0, 0)>
module attributes {stable_mosaic.version = 14 : i64} {
  func.func @_sc_deg(%arg0: i32, %arg1: i32, %arg2: memref<320000xi32, #tpu.memory_space<hbm>>, %arg3: memref<320000xf32, #tpu.memory_space<hbm>>, %arg4: memref<2x10240xf32, #tpu.memory_space<hbm>>, %arg5: memref<80xi32, #tpu.memory_space<vmem>>, %arg6: memref<80xf32, #tpu.memory_space<vmem>>, %arg7: memref<640xf32, #tpu.memory_space<vmem>>, %arg8: memref<10240xf32, #tpu.memory_space<vmem_shared>>) attributes {dimension_semantics = [#tpu.dimension_semantics<core_parallel>, #tpu.dimension_semantics<subcore_parallel>], iteration_bounds = array<i64: 2, 16>, scalar_prefetch = 0 : i64, scratch_operands = 4 : i64, tpu.core_type = #tpu.core_type<sc_vector_subcore>, window_params = [{transform_indices = #map}, {transform_indices = #map}, {transform_indices = #map1}]} {
    %mul3A = arith.constant 2 : i32
    %mul3A_0 = arith.muli %arg1, %mul3A : i32
    %add3A = arith.addi %mul3A_0, %arg0 : i32
    %broadcast_in_dim3A = arith.constant 0.000000e+00 : f32
    %broadcast_in_dim3A_1 = vector.broadcast %broadcast_in_dim3A : f32 to vector<16xf32>
    %swap3A = arith.constant 0 : index
    %swap3A_2 = tpu.vector_load %arg7[%swap3A] {strides = array<i32>} : memref<640xf32, #tpu.memory_space<vmem>>, vector<16xf32>,
    %swap3A_3 = vector.shape_cast %swap3A_2 : vector<16xf32> to vector<16xf32>
    %swap3A_4 = vector.shape_cast %broadcast_in_dim3A_1 : vector<16xf32> to vector<16xf32>
    tpu.vector_store %arg7[%swap3A], %swap3A_4 {strides = array<i32>} : memref<640xf32, #tpu.memory_space<vmem>>, vector<16xf32>,
    %broadcast_in_dim3A_5 = arith.constant 0.000000e+00 : f32
    %broadcast_in_dim3A_6 = vector.broadcast %broadcast_in_dim3A_5 : f32 to vector<16xf32>
    %swap3A_7 = arith.constant 16 : index
    %swap3A_8 = tpu.vector_load %arg7[%swap3A_7] {strides = array<i32>} : memref<640xf32, #tpu.memory_space<vmem>>, vector<16xf32>,
    %swap3A_9 = vector.shape_cast %swap3A_8 : vector<16xf32> to vector<16xf32>
    %swap3A_10 = vector.shape_cast %broadcast_in_dim3A_6 : vector<16xf32> to vector<16xf32>
    tpu.vector_store %arg7[%swap3A_7], %swap3A_10 {strides = array<i32>} : memref<640xf32, #tpu.memory_space<vmem>>, vector<16xf32>,
    %broadcast_in_dim3A_11 = arith.constant 0.000000e+00 : f32
    %broadcast_in_dim3A_12 = vector.broadcast %broadcast_in_dim3A_11 : f32 to vector<16xf32>
    %swap3A_13 = arith.constant 32 : index
    %swap3A_14 = tpu.vector_load %arg7[%swap3A_13] {strides = array<i32>} : memref<640xf32, #tpu.memory_space<vmem>>, vector<16xf32>,
    %swap3A_15 = vector.shape_cast %swap3A_14 : vector<16xf32> to vector<16xf32>
    %swap3A_16 = vector.shape_cast %broadcast_in_dim3A_12 : vector<16xf32> to vector<16xf32>
    tpu.vector_store %arg7[%swap3A_13], %swap3A_16 {strides = array<i32>} : memref<640xf32, #tpu.memory_space<vmem>>, vector<16xf32>,
    %broadcast_in_dim3A_17 = arith.constant 0.000000e+00 : f32
    %broadcast_in_dim3A_18 = vector.broadcast %broadcast_in_dim3A_17 : f32 to vector<16xf32>
    %swap3A_19 = arith.constant 48 : index
    %swap3A_20 = tpu.vector_load %arg7[%swap3A_19] {strides = array<i32>} : memref<640xf32, #tpu.memory_space<vmem>>, vector<16xf32>,
    %swap3A_21 = vector.shape_cast %swap3A_20 : vector<16xf32> to vector<16xf32>
    %swap3A_22 = vector.shape_cast %broadcast_in_dim3A_18 : vector<16xf32> to vector<16xf32>
    tpu.vector_store %arg7[%swap3A_19], %swap3A_22 {strides = array<i32>} : memref<640xf32, #tpu.memory_space<vmem>>, vector<16xf32>,
    %broadcast_in_dim3A_23 = arith.constant 0.000000e+00 : f32
    %broadcast_in_dim3A_24 = vector.broadcast %broadcast_in_dim3A_23 : f32 to vector<16xf32>
    %swap3A_25 = arith.constant 64 : index
    %swap3A_26 = tpu.vector_load %arg7[%swap3A_25] {strides = array<i32>} : memref<640xf32, #tpu.memory_space<vmem>>, vector<16xf32>,
    %swap3A_27 = vector.shape_cast %swap3A_26 : vector<16xf32> to vector<16xf32>
    %swap3A_28 = vector.shape_cast %broadcast_in_dim3A_24 : vector<16xf32> to vector<16xf32>
    tpu.vector_store %arg7[%swap3A_25], %swap3A_28 {strides = array<i32>} : memref<640xf32, #tpu.memory_space<vmem>>, vector<16xf32>,
    %broadcast_in_dim3A_29 = arith.constant 0.000000e+00 : f32
    %broadcast_in_dim3A_30 = vector.broadcast %broadcast_in_dim3A_29 : f32 to vector<16xf32>
    %swap3A_31 = arith.constant 80 : index
    %swap3A_32 = tpu.vector_load %arg7[%swap3A_31] {strides = array<i32>} : memref<640xf32, #tpu.memory_space<vmem>>, vector<16xf32>,
    %swap3A_33 = vector.shape_cast %swap3A_32 : vector<16xf32> to vector<16xf32>
    %swap3A_34 = vector.shape_cast %broadcast_in_dim3A_30 : vector<16xf32> to vector<16xf32>
    tpu.vector_store %arg7[%swap3A_31], %swap3A_34 {strides = array<i32>} : memref<640xf32, #tpu.memory_space<vmem>>, vector<16xf32>,
    %broadcast_in_dim3A_35 = arith.constant 0.000000e+00 : f32
    %broadcast_in_dim3A_36 = vector.broadcast %broadcast_in_dim3A_35 : f32 to vector<16xf32>
    %swap3A_37 = arith.constant 96 : index
    %swap3A_38 = tpu.vector_load %arg7[%swap3A_37] {strides = array<i32>} : memref<640xf32, #tpu.memory_space<vmem>>, vector<16xf32>,
    %swap3A_39 = vector.shape_cast %swap3A_38 : vector<16xf32> to vector<16xf32>
    %swap3A_40 = vector.shape_cast %broadcast_in_dim3A_36 : vector<16xf32> to vector<16xf32>
    tpu.vector_store %arg7[%swap3A_37], %swap3A_40 {strides = array<i32>} : memref<640xf32, #tpu.memory_space<vmem>>, vector<16xf32>,
    %broadcast_in_dim3A_41 = arith.constant 0.000000e+00 : f32
    %broadcast_in_dim3A_42 = vector.broadcast %broadcast_in_dim3A_41 : f32 to vector<16xf32>
    %swap3A_43 = arith.constant 112 : index
    %swap3A_44 = tpu.vector_load %arg7[%swap3A_43] {strides = array<i32>} : memref<640xf32, #tpu.memory_space<vmem>>, vector<16xf32>,
    %swap3A_45 = vector.shape_cast %swap3A_44 : vector<16xf32> to vector<16xf32>
    %swap3A_46 = vector.shape_cast %broadcast_in_dim3A_42 : vector<16xf32> to vector<16xf32>
    tpu.vector_store %arg7[%swap3A_43], %swap3A_46 {strides = array<i32>} : memref<640xf32, #tpu.memory_space<vmem>>, vector<16xf32>,
    %broadcast_in_dim3A_47 = arith.constant 0.000000e+00 : f32
    %broadcast_in_dim3A_48 = vector.broadcast %broadcast_in_dim3A_47 : f32 to vector<16xf32>
    %swap3A_49 = arith.constant 128 : index
    %swap3A_50 = tpu.vector_load %arg7[%swap3A_49] {strides = array<i32>} : memref<640xf32, #tpu.memory_space<vmem>>, vector<16xf32>,
    %swap3A_51 = vector.shape_cast %swap3A_50 : vector<16xf32> to vector<16xf32>
    %swap3A_52 = vector.shape_cast %broadcast_in_dim3A_48 : vector<16xf32> to vector<16xf32>
    tpu.vector_store %arg7[%swap3A_49], %swap3A_52 {strides = array<i32>} : memref<640xf32, #tpu.memory_space<vmem>>, vector<16xf32>,
    %broadcast_in_dim3A_53 = arith.constant 0.000000e+00 : f32
    %broadcast_in_dim3A_54 = vector.broadcast %broadcast_in_dim3A_53 : f32 to vector<16xf32>
    %swap3A_55 = arith.constant 144 : index
    %swap3A_56 = tpu.vector_load %arg7[%swap3A_55] {strides = array<i32>} : memref<640xf32, #tpu.memory_space<vmem>>, vector<16xf32>,
    %swap3A_57 = vector.shape_cast %swap3A_56 : vector<16xf32> to vector<16xf32>
    %swap3A_58 = vector.shape_cast %broadcast_in_dim3A_54 : vector<16xf32> to vector<16xf32>
    tpu.vector_store %arg7[%swap3A_55], %swap3A_58 {strides = array<i32>} : memref<640xf32, #tpu.memory_space<vmem>>, vector<16xf32>,
    %broadcast_in_dim3A_59 = arith.constant 0.000000e+00 : f32
    %broadcast_in_dim3A_60 = vector.broadcast %broadcast_in_dim3A_59 : f32 to vector<16xf32>
    %swap3A_61 = arith.constant 160 : index
    %swap3A_62 = tpu.vector_load %arg7[%swap3A_61] {strides = array<i32>} : memref<640xf32, #tpu.memory_space<vmem>>, vector<16xf32>,
    %swap3A_63 = vector.shape_cast %swap3A_62 : vector<16xf32> to vector<16xf32>
    %swap3A_64 = vector.shape_cast %broadcast_in_dim3A_60 : vector<16xf32> to vector<16xf32>
    tpu.vector_store %arg7[%swap3A_61], %swap3A_64 {strides = array<i32>} : memref<640xf32, #tpu.memory_space<vmem>>, vector<16xf32>,
    %broadcast_in_dim3A_65 = arith.constant 0.000000e+00 : f32
    %broadcast_in_dim3A_66 = vector.broadcast %broadcast_in_dim3A_65 : f32 to vector<16xf32>
    %swap3A_67 = arith.constant 176 : index
    %swap3A_68 = tpu.vector_load %arg7[%swap3A_67] {strides = array<i32>} : memref<640xf32, #tpu.memory_space<vmem>>, vector<16xf32>,
    %swap3A_69 = vector.shape_cast %swap3A_68 : vector<16xf32> to vector<16xf32>
    %swap3A_70 = vector.shape_cast %broadcast_in_dim3A_66 : vector<16xf32> to vector<16xf32>
    tpu.vector_store %arg7[%swap3A_67], %swap3A_70 {strides = array<i32>} : memref<640xf32, #tpu.memory_space<vmem>>, vector<16xf32>,
    %broadcast_in_dim3A_71 = arith.constant 0.000000e+00 : f32
    %broadcast_in_dim3A_72 = vector.broadcast %broadcast_in_dim3A_71 : f32 to vector<16xf32>
    %swap3A_73 = arith.constant 192 : index
    %swap3A_74 = tpu.vector_load %arg7[%swap3A_73] {strides = array<i32>} : memref<640xf32, #tpu.memory_space<vmem>>, vector<16xf32>,
    %swap3A_75 = vector.shape_cast %swap3A_74 : vector<16xf32> to vector<16xf32>
    %swap3A_76 = vector.shape_cast %broadcast_in_dim3A_72 : vector<16xf32> to vector<16xf32>
    tpu.vector_store %arg7[%swap3A_73], %swap3A_76 {strides = array<i32>} : memref<640xf32, #tpu.memory_space<vmem>>, vector<16xf32>,
    %broadcast_in_dim3A_77 = arith.constant 0.000000e+00 : f32
    %broadcast_in_dim3A_78 = vector.broadcast %broadcast_in_dim3A_77 : f32 to vector<16xf32>
    %swap3A_79 = arith.constant 208 : index
    %swap3A_80 = tpu.vector_load %arg7[%swap3A_79] {strides = array<i32>} : memref<640xf32, #tpu.memory_space<vmem>>, vector<16xf32>,
    %swap3A_81 = vector.shape_cast %swap3A_80 : vector<16xf32> to vector<16xf32>
    %swap3A_82 = vector.shape_cast %broadcast_in_dim3A_78 : vector<16xf32> to vector<16xf32>
    tpu.vector_store %arg7[%swap3A_79], %swap3A_82 {strides = array<i32>} : memref<640xf32, #tpu.memory_space<vmem>>, vector<16xf32>,
    %broadcast_in_dim3A_83 = arith.constant 0.000000e+00 : f32
    %broadcast_in_dim3A_84 = vector.broadcast %broadcast_in_dim3A_83 : f32 to vector<16xf32>
    %swap3A_85 = arith.constant 224 : index
    %swap3A_86 = tpu.vector_load %arg7[%swap3A_85] {strides = array<i32>} : memref<640xf32, #tpu.memory_space<vmem>>, vector<16xf32>,
    %swap3A_87 = vector.shape_cast %swap3A_86 : vector<16xf32> to vector<16xf32>
    %swap3A_88 = vector.shape_cast %broadcast_in_dim3A_84 : vector<16xf32> to vector<16xf32>
    tpu.vector_store %arg7[%swap3A_85], %swap3A_88 {strides = array<i32>} : memref<640xf32, #tpu.memory_space<vmem>>, vector<16xf32>,
    %broadcast_in_dim3A_89 = arith.constant 0.000000e+00 : f32
    %broadcast_in_dim3A_90 = vector.broadcast %broadcast_in_dim3A_89 : f32 to vector<16xf32>
    %swap3A_91 = arith.constant 240 : index
    %swap3A_92 = tpu.vector_load %arg7[%swap3A_91] {strides = array<i32>} : memref<640xf32, #tpu.memory_space<vmem>>, vector<16xf32>,
    %swap3A_93 = vector.shape_cast %swap3A_92 : vector<16xf32> to vector<16xf32>
    %swap3A_94 = vector.shape_cast %broadcast_in_dim3A_90 : vector<16xf32> to vector<16xf32>
    tpu.vector_store %arg7[%swap3A_91], %swap3A_94 {strides = array<i32>} : memref<640xf32, #tpu.memory_space<vmem>>, vector<16xf32>,
    %broadcast_in_dim3A_95 = arith.constant 0.000000e+00 : f32
    %broadcast_in_dim3A_96 = vector.broadcast %broadcast_in_dim3A_95 : f32 to vector<16xf32>
    %swap3A_97 = arith.constant 256 : index
    %swap3A_98 = tpu.vector_load %arg7[%swap3A_97] {strides = array<i32>} : memref<640xf32, #tpu.memory_space<vmem>>, vector<16xf32>,
    %swap3A_99 = vector.shape_cast %swap3A_98 : vector<16xf32> to vector<16xf32>
    %swap3A_100 = vector.shape_cast %broadcast_in_dim3A_96 : vector<16xf32> to vector<16xf32>
    tpu.vector_store %arg7[%swap3A_97], %swap3A_100 {strides = array<i32>} : memref<640xf32, #tpu.memory_space<vmem>>, vector<16xf32>,
    %broadcast_in_dim3A_101 = arith.constant 0.000000e+00 : f32
    %broadcast_in_dim3A_102 = vector.broadcast %broadcast_in_dim3A_101 : f32 to vector<16xf32>
    %swap3A_103 = arith.constant 272 : index
    %swap3A_104 = tpu.vector_load %arg7[%swap3A_103] {strides = array<i32>} : memref<640xf32, #tpu.memory_space<vmem>>, vector<16xf32>,
    %swap3A_105 = vector.shape_cast %swap3A_104 : vector<16xf32> to vector<16xf32>
    %swap3A_106 = vector.shape_cast %broadcast_in_dim3A_102 : vector<16xf32> to vector<16xf32>
    tpu.vector_store %arg7[%swap3A_103], %swap3A_106 {strides = array<i32>} : memref<640xf32, #tpu.memory_space<vmem>>, vector<16xf32>,
    %broadcast_in_dim3A_107 = arith.constant 0.000000e+00 : f32
    %broadcast_in_dim3A_108 = vector.broadcast %broadcast_in_dim3A_107 : f32 to vector<16xf32>
    %swap3A_109 = arith.constant 288 : index
    %swap3A_110 = tpu.vector_load %arg7[%swap3A_109] {strides = array<i32>} : memref<640xf32, #tpu.memory_space<vmem>>, vector<16xf32>,
    %swap3A_111 = vector.shape_cast %swap3A_110 : vector<16xf32> to vector<16xf32>
    %swap3A_112 = vector.shape_cast %broadcast_in_dim3A_108 : vector<16xf32> to vector<16xf32>
    tpu.vector_store %arg7[%swap3A_109], %swap3A_112 {strides = array<i32>} : memref<640xf32, #tpu.memory_space<vmem>>, vector<16xf32>,
    %broadcast_in_dim3A_113 = arith.constant 0.000000e+00 : f32
    %broadcast_in_dim3A_114 = vector.broadcast %broadcast_in_dim3A_113 : f32 to vector<16xf32>
    %swap3A_115 = arith.constant 304 : index
    %swap3A_116 = tpu.vector_load %arg7[%swap3A_115] {strides = array<i32>} : memref<640xf32, #tpu.memory_space<vmem>>, vector<16xf32>,
    %swap3A_117 = vector.shape_cast %swap3A_116 : vector<16xf32> to vector<16xf32>
    %swap3A_118 = vector.shape_cast %broadcast_in_dim3A_114 : vector<16xf32> to vector<16xf32>
    tpu.vector_store %arg7[%swap3A_115], %swap3A_118 {strides = array<i32>} : memref<640xf32, #tpu.memory_space<vmem>>, vector<16xf32>,
    %broadcast_in_dim3A_119 = arith.constant 0.000000e+00 : f32
    %broadcast_in_dim3A_120 = vector.broadcast %broadcast_in_dim3A_119 : f32 to vector<16xf32>
    %swap3A_121 = arith.constant 320 : index
    %swap3A_122 = tpu.vector_load %arg7[%swap3A_121] {strides = array<i32>} : memref<640xf32, #tpu.memory_space<vmem>>, vector<16xf32>,
    %swap3A_123 = vector.shape_cast %swap3A_122 : vector<16xf32> to vector<16xf32>
    %swap3A_124 = vector.shape_cast %broadcast_in_dim3A_120 : vector<16xf32> to vector<16xf32>
    tpu.vector_store %arg7[%swap3A_121], %swap3A_124 {strides = array<i32>} : memref<640xf32, #tpu.memory_space<vmem>>, vector<16xf32>,
    %broadcast_in_dim3A_125 = arith.constant 0.000000e+00 : f32
    %broadcast_in_dim3A_126 = vector.broadcast %broadcast_in_dim3A_125 : f32 to vector<16xf32>
    %swap3A_127 = arith.constant 336 : index
    %swap3A_128 = tpu.vector_load %arg7[%swap3A_127] {strides = array<i32>} : memref<640xf32, #tpu.memory_space<vmem>>, vector<16xf32>,
    %swap3A_129 = vector.shape_cast %swap3A_128 : vector<16xf32> to vector<16xf32>
    %swap3A_130 = vector.shape_cast %broadcast_in_dim3A_126 : vector<16xf32> to vector<16xf32>
    tpu.vector_store %arg7[%swap3A_127], %swap3A_130 {strides = array<i32>} : memref<640xf32, #tpu.memory_space<vmem>>, vector<16xf32>,
    %broadcast_in_dim3A_131 = arith.constant 0.000000e+00 : f32
    %broadcast_in_dim3A_132 = vector.broadcast %broadcast_in_dim3A_131 : f32 to vector<16xf32>
    %swap3A_133 = arith.constant 352 : index
    %swap3A_134 = tpu.vector_load %arg7[%swap3A_133] {strides = array<i32>} : memref<640xf32, #tpu.memory_space<vmem>>, vector<16xf32>,
    %swap3A_135 = vector.shape_cast %swap3A_134 : vector<16xf32> to vector<16xf32>
    %swap3A_136 = vector.shape_cast %broadcast_in_dim3A_132 : vector<16xf32> to vector<16xf32>
    tpu.vector_store %arg7[%swap3A_133], %swap3A_136 {strides = array<i32>} : memref<640xf32, #tpu.memory_space<vmem>>, vector<16xf32>,
    %broadcast_in_dim3A_137 = arith.constant 0.000000e+00 : f32
    %broadcast_in_dim3A_138 = vector.broadcast %broadcast_in_dim3A_137 : f32 to vector<16xf32>
    %swap3A_139 = arith.constant 368 : index
    %swap3A_140 = tpu.vector_load %arg7[%swap3A_139] {strides = array<i32>} : memref<640xf32, #tpu.memory_space<vmem>>, vector<16xf32>,
    %swap3A_141 = vector.shape_cast %swap3A_140 : vector<16xf32> to vector<16xf32>
    %swap3A_142 = vector.shape_cast %broadcast_in_dim3A_138 : vector<16xf32> to vector<16xf32>
    tpu.vector_store %arg7[%swap3A_139], %swap3A_142 {strides = array<i32>} : memref<640xf32, #tpu.memory_space<vmem>>, vector<16xf32>,
    %broadcast_in_dim3A_143 = arith.constant 0.000000e+00 : f32
    %broadcast_in_dim3A_144 = vector.broadcast %broadcast_in_dim3A_143 : f32 to vector<16xf32>
    %swap3A_145 = arith.constant 384 : index
    %swap3A_146 = tpu.vector_load %arg7[%swap3A_145] {strides = array<i32>} : memref<640xf32, #tpu.memory_space<vmem>>, vector<16xf32>,
    %swap3A_147 = vector.shape_cast %swap3A_146 : vector<16xf32> to vector<16xf32>
    %swap3A_148 = vector.shape_cast %broadcast_in_dim3A_144 : vector<16xf32> to vector<16xf32>
    tpu.vector_store %arg7[%swap3A_145], %swap3A_148 {strides = array<i32>} : memref<640xf32, #tpu.memory_space<vmem>>, vector<16xf32>,
    %broadcast_in_dim3A_149 = arith.constant 0.000000e+00 : f32
    %broadcast_in_dim3A_150 = vector.broadcast %broadcast_in_dim3A_149 : f32 to vector<16xf32>
    %swap3A_151 = arith.constant 400 : index
    %swap3A_152 = tpu.vector_load %arg7[%swap3A_151] {strides = array<i32>} : memref<640xf32, #tpu.memory_space<vmem>>, vector<16xf32>,
    %swap3A_153 = vector.shape_cast %swap3A_152 : vector<16xf32> to vector<16xf32>
    %swap3A_154 = vector.shape_cast %broadcast_in_dim3A_150 : vector<16xf32> to vector<16xf32>
    tpu.vector_store %arg7[%swap3A_151], %swap3A_154 {strides = array<i32>} : memref<640xf32, #tpu.memory_space<vmem>>, vector<16xf32>,
    %broadcast_in_dim3A_155 = arith.constant 0.000000e+00 : f32
    %broadcast_in_dim3A_156 = vector.broadcast %broadcast_in_dim3A_155 : f32 to vector<16xf32>
    %swap3A_157 = arith.constant 416 : index
    %swap3A_158 = tpu.vector_load %arg7[%swap3A_157] {strides = array<i32>} : memref<640xf32, #tpu.memory_space<vmem>>, vector<16xf32>,
    %swap3A_159 = vector.shape_cast %swap3A_158 : vector<16xf32> to vector<16xf32>
    %swap3A_160 = vector.shape_cast %broadcast_in_dim3A_156 : vector<16xf32> to vector<16xf32>
    tpu.vector_store %arg7[%swap3A_157], %swap3A_160 {strides = array<i32>} : memref<640xf32, #tpu.memory_space<vmem>>, vector<16xf32>,
    %broadcast_in_dim3A_161 = arith.constant 0.000000e+00 : f32
    %broadcast_in_dim3A_162 = vector.broadcast %broadcast_in_dim3A_161 : f32 to vector<16xf32>
    %swap3A_163 = arith.constant 432 : index
    %swap3A_164 = tpu.vector_load %arg7[%swap3A_163] {strides = array<i32>} : memref<640xf32, #tpu.memory_space<vmem>>, vector<16xf32>,
    %swap3A_165 = vector.shape_cast %swap3A_164 : vector<16xf32> to vector<16xf32>
    %swap3A_166 = vector.shape_cast %broadcast_in_dim3A_162 : vector<16xf32> to vector<16xf32>
    tpu.vector_store %arg7[%swap3A_163], %swap3A_166 {strides = array<i32>} : memref<640xf32, #tpu.memory_space<vmem>>, vector<16xf32>,
    %broadcast_in_dim3A_167 = arith.constant 0.000000e+00 : f32
    %broadcast_in_dim3A_168 = vector.broadcast %broadcast_in_dim3A_167 : f32 to vector<16xf32>
    %swap3A_169 = arith.constant 448 : index
    %swap3A_170 = tpu.vector_load %arg7[%swap3A_169] {strides = array<i32>} : memref<640xf32, #tpu.memory_space<vmem>>, vector<16xf32>,
    %swap3A_171 = vector.shape_cast %swap3A_170 : vector<16xf32> to vector<16xf32>
    %swap3A_172 = vector.shape_cast %broadcast_in_dim3A_168 : vector<16xf32> to vector<16xf32>
    tpu.vector_store %arg7[%swap3A_169], %swap3A_172 {strides = array<i32>} : memref<640xf32, #tpu.memory_space<vmem>>, vector<16xf32>,
    %broadcast_in_dim3A_173 = arith.constant 0.000000e+00 : f32
    %broadcast_in_dim3A_174 = vector.broadcast %broadcast_in_dim3A_173 : f32 to vector<16xf32>
    %swap3A_175 = arith.constant 464 : index
    %swap3A_176 = tpu.vector_load %arg7[%swap3A_175] {strides = array<i32>} : memref<640xf32, #tpu.memory_space<vmem>>, vector<16xf32>,
    %swap3A_177 = vector.shape_cast %swap3A_176 : vector<16xf32> to vector<16xf32>
    %swap3A_178 = vector.shape_cast %broadcast_in_dim3A_174 : vector<16xf32> to vector<16xf32>
    tpu.vector_store %arg7[%swap3A_175], %swap3A_178 {strides = array<i32>} : memref<640xf32, #tpu.memory_space<vmem>>, vector<16xf32>,
    %broadcast_in_dim3A_179 = arith.constant 0.000000e+00 : f32
    %broadcast_in_dim3A_180 = vector.broadcast %broadcast_in_dim3A_179 : f32 to vector<16xf32>
    %swap3A_181 = arith.constant 480 : index
    %swap3A_182 = tpu.vector_load %arg7[%swap3A_181] {strides = array<i32>} : memref<640xf32, #tpu.memory_space<vmem>>, vector<16xf32>,
    %swap3A_183 = vector.shape_cast %swap3A_182 : vector<16xf32> to vector<16xf32>
    %swap3A_184 = vector.shape_cast %broadcast_in_dim3A_180 : vector<16xf32> to vector<16xf32>
    tpu.vector_store %arg7[%swap3A_181], %swap3A_184 {strides = array<i32>} : memref<640xf32, #tpu.memory_space<vmem>>, vector<16xf32>,
    %broadcast_in_dim3A_185 = arith.constant 0.000000e+00 : f32
    %broadcast_in_dim3A_186 = vector.broadcast %broadcast_in_dim3A_185 : f32 to vector<16xf32>
    %swap3A_187 = arith.constant 496 : index
    %swap3A_188 = tpu.vector_load %arg7[%swap3A_187] {strides = array<i32>} : memref<640xf32, #tpu.memory_space<vmem>>, vector<16xf32>,
    %swap3A_189 = vector.shape_cast %swap3A_188 : vector<16xf32> to vector<16xf32>
    %swap3A_190 = vector.shape_cast %broadcast_in_dim3A_186 : vector<16xf32> to vector<16xf32>
    tpu.vector_store %arg7[%swap3A_187], %swap3A_190 {strides = array<i32>} : memref<640xf32, #tpu.memory_space<vmem>>, vector<16xf32>,
    %broadcast_in_dim3A_191 = arith.constant 0.000000e+00 : f32
    %broadcast_in_dim3A_192 = vector.broadcast %broadcast_in_dim3A_191 : f32 to vector<16xf32>
    %swap3A_193 = arith.constant 512 : index
    %swap3A_194 = tpu.vector_load %arg7[%swap3A_193] {strides = array<i32>} : memref<640xf32, #tpu.memory_space<vmem>>, vector<16xf32>,
    %swap3A_195 = vector.shape_cast %swap3A_194 : vector<16xf32> to vector<16xf32>
    %swap3A_196 = vector.shape_cast %broadcast_in_dim3A_192 : vector<16xf32> to vector<16xf32>
    tpu.vector_store %arg7[%swap3A_193], %swap3A_196 {strides = array<i32>} : memref<640xf32, #tpu.memory_space<vmem>>, vector<16xf32>,
    %broadcast_in_dim3A_197 = arith.constant 0.000000e+00 : f32
    %broadcast_in_dim3A_198 = vector.broadcast %broadcast_in_dim3A_197 : f32 to vector<16xf32>
    %swap3A_199 = arith.constant 528 : index
    %swap3A_200 = tpu.vector_load %arg7[%swap3A_199] {strides = array<i32>} : memref<640xf32, #tpu.memory_space<vmem>>, vector<16xf32>,
    %swap3A_201 = vector.shape_cast %swap3A_200 : vector<16xf32> to vector<16xf32>
    %swap3A_202 = vector.shape_cast %broadcast_in_dim3A_198 : vector<16xf32> to vector<16xf32>
    tpu.vector_store %arg7[%swap3A_199], %swap3A_202 {strides = array<i32>} : memref<640xf32, #tpu.memory_space<vmem>>, vector<16xf32>,
    %broadcast_in_dim3A_203 = arith.constant 0.000000e+00 : f32
    %broadcast_in_dim3A_204 = vector.broadcast %broadcast_in_dim3A_203 : f32 to vector<16xf32>
    %swap3A_205 = arith.constant 544 : index
    %swap3A_206 = tpu.vector_load %arg7[%swap3A_205] {strides = array<i32>} : memref<640xf32, #tpu.memory_space<vmem>>, vector<16xf32>,
    %swap3A_207 = vector.shape_cast %swap3A_206 : vector<16xf32> to vector<16xf32>
    %swap3A_208 = vector.shape_cast %broadcast_in_dim3A_204 : vector<16xf32> to vector<16xf32>
    tpu.vector_store %arg7[%swap3A_205], %swap3A_208 {strides = array<i32>} : memref<640xf32, #tpu.memory_space<vmem>>, vector<16xf32>,
    %broadcast_in_dim3A_209 = arith.constant 0.000000e+00 : f32
    %broadcast_in_dim3A_210 = vector.broadcast %broadcast_in_dim3A_209 : f32 to vector<16xf32>
    %swap3A_211 = arith.constant 560 : index
    %swap3A_212 = tpu.vector_load %arg7[%swap3A_211] {strides = array<i32>} : memref<640xf32, #tpu.memory_space<vmem>>, vector<16xf32>,
    %swap3A_213 = vector.shape_cast %swap3A_212 : vector<16xf32> to vector<16xf32>
    %swap3A_214 = vector.shape_cast %broadcast_in_dim3A_210 : vector<16xf32> to vector<16xf32>
    tpu.vector_store %arg7[%swap3A_211], %swap3A_214 {strides = array<i32>} : memref<640xf32, #tpu.memory_space<vmem>>, vector<16xf32>,
    %broadcast_in_dim3A_215 = arith.constant 0.000000e+00 : f32
    %broadcast_in_dim3A_216 = vector.broadcast %broadcast_in_dim3A_215 : f32 to vector<16xf32>
    %swap3A_217 = arith.constant 576 : index
    %swap3A_218 = tpu.vector_load %arg7[%swap3A_217] {strides = array<i32>} : memref<640xf32, #tpu.memory_space<vmem>>, vector<16xf32>,
    %swap3A_219 = vector.shape_cast %swap3A_218 : vector<16xf32> to vector<16xf32>
    %swap3A_220 = vector.shape_cast %broadcast_in_dim3A_216 : vector<16xf32> to vector<16xf32>
    tpu.vector_store %arg7[%swap3A_217], %swap3A_220 {strides = array<i32>} : memref<640xf32, #tpu.memory_space<vmem>>, vector<16xf32>,
    %broadcast_in_dim3A_221 = arith.constant 0.000000e+00 : f32
    %broadcast_in_dim3A_222 = vector.broadcast %broadcast_in_dim3A_221 : f32 to vector<16xf32>
    %swap3A_223 = arith.constant 592 : index
    %swap3A_224 = tpu.vector_load %arg7[%swap3A_223] {strides = array<i32>} : memref<640xf32, #tpu.memory_space<vmem>>, vector<16xf32>,
    %swap3A_225 = vector.shape_cast %swap3A_224 : vector<16xf32> to vector<16xf32>
    %swap3A_226 = vector.shape_cast %broadcast_in_dim3A_222 : vector<16xf32> to vector<16xf32>
    tpu.vector_store %arg7[%swap3A_223], %swap3A_226 {strides = array<i32>} : memref<640xf32, #tpu.memory_space<vmem>>, vector<16xf32>,
    %broadcast_in_dim3A_227 = arith.constant 0.000000e+00 : f32
    %broadcast_in_dim3A_228 = vector.broadcast %broadcast_in_dim3A_227 : f32 to vector<16xf32>
    %swap3A_229 = arith.constant 608 : index
    %swap3A_230 = tpu.vector_load %arg7[%swap3A_229] {strides = array<i32>} : memref<640xf32, #tpu.memory_space<vmem>>, vector<16xf32>,
    %swap3A_231 = vector.shape_cast %swap3A_230 : vector<16xf32> to vector<16xf32>
    %swap3A_232 = vector.shape_cast %broadcast_in_dim3A_228 : vector<16xf32> to vector<16xf32>
    tpu.vector_store %arg7[%swap3A_229], %swap3A_232 {strides = array<i32>} : memref<640xf32, #tpu.memory_space<vmem>>, vector<16xf32>,
    %broadcast_in_dim3A_233 = arith.constant 0.000000e+00 : f32
    %broadcast_in_dim3A_234 = vector.broadcast %broadcast_in_dim3A_233 : f32 to vector<16xf32>
    %swap3A_235 = arith.constant 624 : index
    %swap3A_236 = tpu.vector_load %arg7[%swap3A_235] {strides = array<i32>} : memref<640xf32, #tpu.memory_space<vmem>>, vector<16xf32>,
    %swap3A_237 = vector.shape_cast %swap3A_236 : vector<16xf32> to vector<16xf32>
    %swap3A_238 = vector.shape_cast %broadcast_in_dim3A_234 : vector<16xf32> to vector<16xf32>
    tpu.vector_store %arg7[%swap3A_235], %swap3A_238 {strides = array<i32>} : memref<640xf32, #tpu.memory_space<vmem>>, vector<16xf32>,
    %mul3A_239 = arith.constant 640 : i32
    %mul3A_240 = arith.muli %arg1, %mul3A_239 : i32
    "tpu.region"() ({
      %run_scoped3A = tpu.sem_alloc : memref<!tpu.dma_semaphore, #tpu.memory_space<semaphore_mem>>
      %dma_start3A = tpu.memref_slice %arg8[%mul3A_240] : memref<10240xf32, #tpu.memory_space<vmem_shared>> -> memref<640xf32, #tpu.memory_space<vmem_shared>>
      %dma_start3A_251 = tpu.memref_slice %arg8[%mul3A_240] : memref<10240xf32, #tpu.memory_space<vmem_shared>> -> memref<640xf32, #tpu.memory_space<vmem_shared>>
      tpu.enqueue_dma source(%arg7 : memref<640xf32, #tpu.memory_space<vmem>>) target(%dma_start3A_251 : memref<640xf32, #tpu.memory_space<vmem_shared>>) target_semaphore(%run_scoped3A : memref<!tpu.dma_semaphore, #tpu.memory_space<semaphore_mem>>)
      %dma_wait3A = tpu.memref_slice %arg8[%mul3A_240] : memref<10240xf32, #tpu.memory_space<vmem_shared>> -> memref<640xf32, #tpu.memory_space<vmem_shared>>
      %dma_wait3A_252 = tpu.memref_slice %arg8[%mul3A_240] : memref<10240xf32, #tpu.memory_space<vmem_shared>> -> memref<640xf32, #tpu.memory_space<vmem_shared>>
      tpu.wait_dma2 semaphore(%run_scoped3A : memref<!tpu.dma_semaphore, #tpu.memory_space<semaphore_mem>>) src(%arg7 : memref<640xf32, #tpu.memory_space<vmem>>) dst(%dma_wait3A_252 : memref<640xf32, #tpu.memory_space<vmem_shared>>)
      tpu.yield
    }) : () -> ()
    %barrier3A = arith.constant 0 : index
    tpu.barrier barrier_id(%barrier3A)
    %scan3A = arith.constant 0 : i32
    %scan3A_241 = arith.constant 0 : i32
    %scan3A_242 = arith.constant 125 : i32
    %scan3A_243 = arith.addi %scan3A_241, %scan3A_242 : i32
    %scan3A_244 = arith.constant 1 : i32
    scf.for %scan3A_251 = %scan3A_241 to %scan3A_243 step %scan3A_244  : i32 {
      %mul3A_252 = arith.constant 10000 : i32
      %mul3A_253 = arith.muli %add3A, %mul3A_252 : i32
      %mul3A_254 = arith.constant 80 : i32
      %mul3A_255 = arith.muli %scan3A_251, %mul3A_254 : i32
      %add3A_256 = arith.addi %mul3A_253, %mul3A_255 : i32
      %multiple_of3A = tpu.assume_multiple %add3A_256, 8 : i32
      "tpu.region"() ({
        %run_scoped3A = tpu.sem_alloc : memref<!tpu.dma_semaphore, #tpu.memory_space<semaphore_mem>>
        %dma_start3A = tpu.memref_slice %arg2[%multiple_of3A] : memref<320000xi32, #tpu.memory_space<hbm>> -> memref<80xi32, #tpu.memory_space<hbm>>
        %dma_start3A_263 = tpu.memref_slice %arg2[%multiple_of3A] : memref<320000xi32, #tpu.memory_space<hbm>> -> memref<80xi32, #tpu.memory_space<hbm>>
        tpu.enqueue_dma source(%dma_start3A_263 : memref<80xi32, #tpu.memory_space<hbm>>) target(%arg5 : memref<80xi32, #tpu.memory_space<vmem>>) target_semaphore(%run_scoped3A : memref<!tpu.dma_semaphore, #tpu.memory_space<semaphore_mem>>)
        %dma_wait3A = tpu.memref_slice %arg2[%multiple_of3A] : memref<320000xi32, #tpu.memory_space<hbm>> -> memref<80xi32, #tpu.memory_space<hbm>>
        %dma_wait3A_264 = tpu.memref_slice %arg2[%multiple_of3A] : memref<320000xi32, #tpu.memory_space<hbm>> -> memref<80xi32, #tpu.memory_space<hbm>>
        tpu.wait_dma2 semaphore(%run_scoped3A : memref<!tpu.dma_semaphore, #tpu.memory_space<semaphore_mem>>) src(%dma_wait3A_264 : memref<80xi32, #tpu.memory_space<hbm>>) dst(%arg5 : memref<80xi32, #tpu.memory_space<vmem>>)
        tpu.yield
      }) : () -> ()
      "tpu.region"() ({
        %run_scoped3A = tpu.sem_alloc : memref<!tpu.dma_semaphore, #tpu.memory_space<semaphore_mem>>
        %dma_start3A = tpu.memref_slice %arg3[%multiple_of3A] : memref<320000xf32, #tpu.memory_space<hbm>> -> memref<80xf32, #tpu.memory_space<hbm>>
        %dma_start3A_263 = tpu.memref_slice %arg3[%multiple_of3A] : memref<320000xf32, #tpu.memory_space<hbm>> -> memref<80xf32, #tpu.memory_space<hbm>>
        tpu.enqueue_dma source(%dma_start3A_263 : memref<80xf32, #tpu.memory_space<hbm>>) target(%arg6 : memref<80xf32, #tpu.memory_space<vmem>>) target_semaphore(%run_scoped3A : memref<!tpu.dma_semaphore, #tpu.memory_space<semaphore_mem>>)
        %dma_wait3A = tpu.memref_slice %arg3[%multiple_of3A] : memref<320000xf32, #tpu.memory_space<hbm>> -> memref<80xf32, #tpu.memory_space<hbm>>
        %dma_wait3A_264 = tpu.memref_slice %arg3[%multiple_of3A] : memref<320000xf32, #tpu.memory_space<hbm>> -> memref<80xf32, #tpu.memory_space<hbm>>
        tpu.wait_dma2 semaphore(%run_scoped3A : memref<!tpu.dma_semaphore, #tpu.memory_space<semaphore_mem>>) src(%dma_wait3A_264 : memref<80xf32, #tpu.memory_space<hbm>>) dst(%arg6 : memref<80xf32, #tpu.memory_space<vmem>>)
        tpu.yield
      }) : () -> ()
      %scan3A_257 = arith.constant 0 : i32
      %scan3A_258 = arith.constant 0 : i32
      %scan3A_259 = arith.constant 5 : i32
      %scan3A_260 = arith.addi %scan3A_258, %scan3A_259 : i32
      %scan3A_261 = arith.constant 1 : i32
      scf.for %scan3A_263 = %scan3A_258 to %scan3A_260 step %scan3A_261  : i32 {
        %mul3A_264 = arith.constant 16 : i32
        %mul3A_265 = arith.muli %scan3A_263, %mul3A_264 : i32
        %get3A = arith.index_cast %mul3A_265 : i32 to index
        %get3A_266 = tpu.vector_load %arg6[%get3A] {strides = array<i32>} : memref<80xf32, #tpu.memory_space<vmem>>, vector<16xf32>,
        %get3A_267 = vector.shape_cast %get3A_266 : vector<16xf32> to vector<16xf32>
        %abs3A = math.absf %get3A_267 : vector<16xf32>
        %mul3A_268 = arith.constant 16 : i32
        %mul3A_269 = arith.muli %scan3A_263, %mul3A_268 : i32
        %swap3A_270 = arith.index_cast %mul3A_269 : i32 to index
        %swap3A_271 = tpu.vector_load %arg6[%swap3A_270] {strides = array<i32>} : memref<80xf32, #tpu.memory_space<vmem>>, vector<16xf32>,
        %swap3A_272 = vector.shape_cast %swap3A_271 : vector<16xf32> to vector<16xf32>
        %swap3A_273 = vector.shape_cast %abs3A : vector<16xf32> to vector<16xf32>
        tpu.vector_store %arg6[%swap3A_270], %swap3A_273 {strides = array<i32>} : memref<80xf32, #tpu.memory_space<vmem>>, vector<16xf32>,
      }
      %scan3A_262 = arith.constant 5 : i32
      "tpu.region"() ({
        %run_scoped3A = tpu.sem_alloc : memref<!tpu.dma_semaphore, #tpu.memory_space<semaphore_mem>>
        %dma_start3A = arith.constant 0 : i32
        %dma_start3A_263 = tpu.memref_slice %arg8[%dma_start3A] : memref<10240xf32, #tpu.memory_space<vmem_shared>> -> memref<10240xf32, #tpu.memory_space<vmem_shared>>
        tpu.enqueue_indirect_dma source(%arg6 : memref<80xf32, #tpu.memory_space<vmem>>) target(%dma_start3A_263 : memref<10240xf32, #tpu.memory_space<vmem_shared>>) offsets(%arg5 : memref<80xi32, #tpu.memory_space<vmem>>) semaphore(%run_scoped3A : memref<!tpu.dma_semaphore, #tpu.memory_space<semaphore_mem>>) {add = true}
        %dma_wait3A = arith.constant 0 : i32
        %dma_wait3A_264 = tpu.memref_slice %arg8[%dma_wait3A] : memref<10240xf32, #tpu.memory_space<vmem_shared>> -> memref<10240xf32, #tpu.memory_space<vmem_shared>>
        tpu.wait_indirect_dma semaphore(%run_scoped3A : memref<!tpu.dma_semaphore, #tpu.memory_space<semaphore_mem>>) src(%arg6 : memref<80xf32, #tpu.memory_space<vmem>>) dst(%dma_wait3A_264 : memref<10240xf32, #tpu.memory_space<vmem_shared>>)
        tpu.yield
      }) : () -> ()
    }
    %scan3A_245 = arith.constant 125 : i32
    %barrier3A_246 = arith.constant 0 : index
    tpu.barrier barrier_id(%barrier3A_246)
    %mul3A_247 = arith.constant 640 : i32
    %mul3A_248 = arith.muli %arg1, %mul3A_247 : i32
    %mul3A_249 = arith.constant 640 : i32
    %mul3A_250 = arith.muli %arg1, %mul3A_249 : i32
    "tpu.region"() ({
      %run_scoped3A = tpu.sem_alloc : memref<!tpu.dma_semaphore, #tpu.memory_space<semaphore_mem>>
      %dma_start3A = tpu.memref_slice %arg4[%arg0, %mul3A_250] : memref<2x10240xf32, #tpu.memory_space<hbm>> -> memref<1x640xf32, #tpu.memory_space<hbm>>
      %dma_start3A_251 = tpu.memref_squeeze %dma_start3A : memref<1x640xf32, #tpu.memory_space<hbm>> -> memref<640xf32, #tpu.memory_space<hbm>>
      %dma_start3A_252 = tpu.memref_slice %arg8[%mul3A_248] : memref<10240xf32, #tpu.memory_space<vmem_shared>> -> memref<640xf32, #tpu.memory_space<vmem_shared>>
      tpu.enqueue_dma source(%dma_start3A_252 : memref<640xf32, #tpu.memory_space<vmem_shared>>) target(%dma_start3A_251 : memref<640xf32, #tpu.memory_space<hbm>>) target_semaphore(%run_scoped3A : memref<!tpu.dma_semaphore, #tpu.memory_space<semaphore_mem>>)
      %dma_wait3A = tpu.memref_slice %arg4[%arg0, %mul3A_250] : memref<2x10240xf32, #tpu.memory_space<hbm>> -> memref<1x640xf32, #tpu.memory_space<hbm>>
      %dma_wait3A_253 = tpu.memref_squeeze %dma_wait3A : memref<1x640xf32, #tpu.memory_space<hbm>> -> memref<640xf32, #tpu.memory_space<hbm>>
      %dma_wait3A_254 = tpu.memref_slice %arg8[%mul3A_248] : memref<10240xf32, #tpu.memory_space<vmem_shared>> -> memref<640xf32, #tpu.memory_space<vmem_shared>>
      tpu.wait_dma2 semaphore(%run_scoped3A : memref<!tpu.dma_semaphore, #tpu.memory_space<semaphore_mem>>) src(%dma_wait3A_254 : memref<640xf32, #tpu.memory_space<vmem_shared>>) dst(%dma_wait3A_253 : memref<640xf32, #tpu.memory_space<hbm>>)
      tpu.yield
    }) : () -> ()
    return
  }
}

#map = affine_map<(d0, d1) -> (0, 0)>
#map1 = affine_map<(d0, d1) -> (0, 0, 0)>
module attributes {stable_mosaic.version = 14 : i64} {
  func.func @_sc_edge(%arg0: i32, %arg1: i32, %arg2: memref<10240x128xf32, #tpu.memory_space<hbm>>, %arg3: memref<2880x2x112xi32, #tpu.memory_space<hbm>>, %arg4: memref<2880x112xf32, #tpu.memory_space<hbm>>, %arg5: memref<2x10240x128xf32, #tpu.memory_space<hbm>>, %arg6: memref<3x2x112xi32, #tpu.memory_space<vmem>>, %arg7: memref<3x112xf32, #tpu.memory_space<vmem>>, %arg8: memref<112xi32, #tpu.memory_space<vmem>>, %arg9: memref<112xi32, #tpu.memory_space<vmem>>, %arg10: memref<112xi32, #tpu.memory_space<vmem>>, %arg11: memref<112xi32, #tpu.memory_space<vmem>>, %arg12: memref<112xi32, #tpu.memory_space<vmem>>, %arg13: memref<112xi32, #tpu.memory_space<vmem>>, %arg14: memref<112x128xf32, #tpu.memory_space<vmem>>, %arg15: memref<112x128xf32, #tpu.memory_space<vmem>>, %arg16: memref<112x128xf32, #tpu.memory_space<vmem>>, %arg17: memref<10240x128xf32, #tpu.memory_space<vmem_shared>>, %arg18: memref<!tpu.dma_semaphore, #tpu.memory_space<semaphore_mem>>, %arg19: memref<!tpu.dma_semaphore, #tpu.memory_space<semaphore_mem>>, %arg20: memref<!tpu.dma_semaphore, #tpu.memory_space<semaphore_mem>>, %arg21: memref<!tpu.dma_semaphore, #tpu.memory_space<semaphore_mem>>, %arg22: memref<!tpu.dma_semaphore, #tpu.memory_space<semaphore_mem>>, %arg23: memref<!tpu.dma_semaphore, #tpu.memory_space<semaphore_mem>>, %arg24: memref<!tpu.dma_semaphore, #tpu.memory_space<semaphore_mem>>, %arg25: memref<!tpu.dma_semaphore, #tpu.memory_space<semaphore_mem>>, %arg26: memref<!tpu.dma_semaphore, #tpu.memory_space<semaphore_mem>>) attributes {dimension_semantics = [#tpu.dimension_semantics<core_parallel>, #tpu.dimension_semantics<subcore_parallel>], iteration_bounds = array<i64: 2, 16>, scalar_prefetch = 0 : i64, scratch_operands = 21 : i64, tpu.core_type = #tpu.core_type<sc_vector_subcore>, window_params = [{transform_indices = #map}, {transform_indices = #map1}, {transform_indices = #map}, {transform_indices = #map1}]} {
    %mul3A = arith.constant 2 : i32
    %mul3A_0 = arith.muli %arg1, %mul3A : i32
    %add3A = arith.addi %mul3A_0, %arg0 : i32
    %mul3A_1 = arith.constant 90 : i32
    %mul3A_2 = arith.muli %add3A, %mul3A_1 : i32
    %mul3A_3 = arith.constant 640 : i32
    %mul3A_4 = arith.muli %arg1, %mul3A_3 : i32
    %mul3A_5 = arith.constant 640 : i32
    %mul3A_6 = arith.muli %arg1, %mul3A_5 : i32
    "tpu.region"() ({
      %run_scoped3A = tpu.sem_alloc : memref<!tpu.dma_semaphore, #tpu.memory_space<semaphore_mem>>
      %dma_start3A_234 = arith.constant 0 : i32
      %dma_start3A_235 = tpu.memref_slice %arg17[%mul3A_6, %dma_start3A_234] : memref<10240x128xf32, #tpu.memory_space<vmem_shared>> -> memref<640x128xf32, #tpu.memory_space<vmem_shared>>
      %dma_start3A_236 = arith.constant 0 : i32
      %dma_start3A_237 = tpu.memref_slice %arg2[%mul3A_4, %dma_start3A_236] : memref<10240x128xf32, #tpu.memory_space<hbm>> -> memref<640x128xf32, #tpu.memory_space<hbm>>
      tpu.enqueue_dma source(%dma_start3A_237 : memref<640x128xf32, #tpu.memory_space<hbm>>) target(%dma_start3A_235 : memref<640x128xf32, #tpu.memory_space<vmem_shared>>) target_semaphore(%run_scoped3A : memref<!tpu.dma_semaphore, #tpu.memory_space<semaphore_mem>>)
      %dma_wait3A_238 = arith.constant 0 : i32
      %dma_wait3A_239 = tpu.memref_slice %arg17[%mul3A_6, %dma_wait3A_238] : memref<10240x128xf32, #tpu.memory_space<vmem_shared>> -> memref<640x128xf32, #tpu.memory_space<vmem_shared>>
      %dma_wait3A_240 = arith.constant 0 : i32
      %dma_wait3A_241 = tpu.memref_slice %arg2[%mul3A_4, %dma_wait3A_240] : memref<10240x128xf32, #tpu.memory_space<hbm>> -> memref<640x128xf32, #tpu.memory_space<hbm>>
      tpu.wait_dma2 semaphore(%run_scoped3A : memref<!tpu.dma_semaphore, #tpu.memory_space<semaphore_mem>>) src(%dma_wait3A_241 : memref<640x128xf32, #tpu.memory_space<hbm>>) dst(%dma_wait3A_239 : memref<640x128xf32, #tpu.memory_space<vmem_shared>>)
      tpu.yield
    }) : () -> ()
    %scan3A = arith.constant 0 : i32
    %scan3A_7 = arith.constant 0 : i32
    %scan3A_8 = arith.constant 112 : i32
    %scan3A_9 = arith.addi %scan3A_7, %scan3A_8 : i32
    %scan3A_10 = arith.constant 1 : i32
    scf.for %scan3A_234 = %scan3A_7 to %scan3A_9 step %scan3A_10  : i32 {
      %broadcast_in_dim3A_235 = arith.constant 0.000000e+00 : f32
      %broadcast_in_dim3A_236 = vector.broadcast %broadcast_in_dim3A_235 : f32 to vector<16xf32>
      %swap3A_237 = arith.index_cast %scan3A_234 : i32 to index
      %swap3A_238 = arith.constant 0 : index
      %swap3A_239 = tpu.vector_load %arg15[%swap3A_237, %swap3A_238] {strides = array<i32>} : memref<112x128xf32, #tpu.memory_space<vmem>>, vector<1x16xf32>,
      %swap3A_240 = vector.shape_cast %swap3A_239 : vector<1x16xf32> to vector<16xf32>
      %swap3A_241 = vector.shape_cast %broadcast_in_dim3A_236 : vector<16xf32> to vector<1x16xf32>
      tpu.vector_store %arg15[%swap3A_237, %swap3A_238], %swap3A_241 {strides = array<i32>} : memref<112x128xf32, #tpu.memory_space<vmem>>, vector<1x16xf32>,
      %broadcast_in_dim3A_242 = arith.constant 0.000000e+00 : f32
      %broadcast_in_dim3A_243 = vector.broadcast %broadcast_in_dim3A_242 : f32 to vector<16xf32>
      %swap3A_244 = arith.index_cast %scan3A_234 : i32 to index
      %swap3A_245 = arith.constant 0 : index
      %swap3A_246 = tpu.vector_load %arg16[%swap3A_244, %swap3A_245] {strides = array<i32>} : memref<112x128xf32, #tpu.memory_space<vmem>>, vector<1x16xf32>,
      %swap3A_247 = vector.shape_cast %swap3A_246 : vector<1x16xf32> to vector<16xf32>
      %swap3A_248 = vector.shape_cast %broadcast_in_dim3A_243 : vector<16xf32> to vector<1x16xf32>
      tpu.vector_store %arg16[%swap3A_244, %swap3A_245], %swap3A_248 {strides = array<i32>} : memref<112x128xf32, #tpu.memory_space<vmem>>, vector<1x16xf32>,
      %broadcast_in_dim3A_249 = arith.constant 0.000000e+00 : f32
      %broadcast_in_dim3A_250 = vector.broadcast %broadcast_in_dim3A_249 : f32 to vector<16xf32>
      %swap3A_251 = arith.index_cast %scan3A_234 : i32 to index
      %swap3A_252 = arith.constant 16 : index
      %swap3A_253 = tpu.vector_load %arg15[%swap3A_251, %swap3A_252] {strides = array<i32>} : memref<112x128xf32, #tpu.memory_space<vmem>>, vector<1x16xf32>,
      %swap3A_254 = vector.shape_cast %swap3A_253 : vector<1x16xf32> to vector<16xf32>
      %swap3A_255 = vector.shape_cast %broadcast_in_dim3A_250 : vector<16xf32> to vector<1x16xf32>
      tpu.vector_store %arg15[%swap3A_251, %swap3A_252], %swap3A_255 {strides = array<i32>} : memref<112x128xf32, #tpu.memory_space<vmem>>, vector<1x16xf32>,
      %broadcast_in_dim3A_256 = arith.constant 0.000000e+00 : f32
      %broadcast_in_dim3A_257 = vector.broadcast %broadcast_in_dim3A_256 : f32 to vector<16xf32>
      %swap3A_258 = arith.index_cast %scan3A_234 : i32 to index
      %swap3A_259 = arith.constant 16 : index
      %swap3A_260 = tpu.vector_load %arg16[%swap3A_258, %swap3A_259] {strides = array<i32>} : memref<112x128xf32, #tpu.memory_space<vmem>>, vector<1x16xf32>,
      %swap3A_261 = vector.shape_cast %swap3A_260 : vector<1x16xf32> to vector<16xf32>
      %swap3A_262 = vector.shape_cast %broadcast_in_dim3A_257 : vector<16xf32> to vector<1x16xf32>
      tpu.vector_store %arg16[%swap3A_258, %swap3A_259], %swap3A_262 {strides = array<i32>} : memref<112x128xf32, #tpu.memory_space<vmem>>, vector<1x16xf32>,
      %broadcast_in_dim3A_263 = arith.constant 0.000000e+00 : f32
      %broadcast_in_dim3A_264 = vector.broadcast %broadcast_in_dim3A_263 : f32 to vector<16xf32>
      %swap3A_265 = arith.index_cast %scan3A_234 : i32 to index
      %swap3A_266 = arith.constant 32 : index
      %swap3A_267 = tpu.vector_load %arg15[%swap3A_265, %swap3A_266] {strides = array<i32>} : memref<112x128xf32, #tpu.memory_space<vmem>>, vector<1x16xf32>,
      %swap3A_268 = vector.shape_cast %swap3A_267 : vector<1x16xf32> to vector<16xf32>
      %swap3A_269 = vector.shape_cast %broadcast_in_dim3A_264 : vector<16xf32> to vector<1x16xf32>
      tpu.vector_store %arg15[%swap3A_265, %swap3A_266], %swap3A_269 {strides = array<i32>} : memref<112x128xf32, #tpu.memory_space<vmem>>, vector<1x16xf32>,
      %broadcast_in_dim3A_270 = arith.constant 0.000000e+00 : f32
      %broadcast_in_dim3A_271 = vector.broadcast %broadcast_in_dim3A_270 : f32 to vector<16xf32>
      %swap3A_272 = arith.index_cast %scan3A_234 : i32 to index
      %swap3A_273 = arith.constant 32 : index
      %swap3A_274 = tpu.vector_load %arg16[%swap3A_272, %swap3A_273] {strides = array<i32>} : memref<112x128xf32, #tpu.memory_space<vmem>>, vector<1x16xf32>,
      %swap3A_275 = vector.shape_cast %swap3A_274 : vector<1x16xf32> to vector<16xf32>
      %swap3A_276 = vector.shape_cast %broadcast_in_dim3A_271 : vector<16xf32> to vector<1x16xf32>
      tpu.vector_store %arg16[%swap3A_272, %swap3A_273], %swap3A_276 {strides = array<i32>} : memref<112x128xf32, #tpu.memory_space<vmem>>, vector<1x16xf32>,
      %broadcast_in_dim3A_277 = arith.constant 0.000000e+00 : f32
      %broadcast_in_dim3A_278 = vector.broadcast %broadcast_in_dim3A_277 : f32 to vector<16xf32>
      %swap3A_279 = arith.index_cast %scan3A_234 : i32 to index
      %swap3A_280 = arith.constant 48 : index
      %swap3A_281 = tpu.vector_load %arg15[%swap3A_279, %swap3A_280] {strides = array<i32>} : memref<112x128xf32, #tpu.memory_space<vmem>>, vector<1x16xf32>,
      %swap3A_282 = vector.shape_cast %swap3A_281 : vector<1x16xf32> to vector<16xf32>
      %swap3A_283 = vector.shape_cast %broadcast_in_dim3A_278 : vector<16xf32> to vector<1x16xf32>
      tpu.vector_store %arg15[%swap3A_279, %swap3A_280], %swap3A_283 {strides = array<i32>} : memref<112x128xf32, #tpu.memory_space<vmem>>, vector<1x16xf32>,
      %broadcast_in_dim3A_284 = arith.constant 0.000000e+00 : f32
      %broadcast_in_dim3A_285 = vector.broadcast %broadcast_in_dim3A_284 : f32 to vector<16xf32>
      %swap3A_286 = arith.index_cast %scan3A_234 : i32 to index
      %swap3A_287 = arith.constant 48 : index
      %swap3A_288 = tpu.vector_load %arg16[%swap3A_286, %swap3A_287] {strides = array<i32>} : memref<112x128xf32, #tpu.memory_space<vmem>>, vector<1x16xf32>,
      %swap3A_289 = vector.shape_cast %swap3A_288 : vector<1x16xf32> to vector<16xf32>
      %swap3A_290 = vector.shape_cast %broadcast_in_dim3A_285 : vector<16xf32> to vector<1x16xf32>
      tpu.vector_store %arg16[%swap3A_286, %swap3A_287], %swap3A_290 {strides = array<i32>} : memref<112x128xf32, #tpu.memory_space<vmem>>, vector<1x16xf32>,
      %broadcast_in_dim3A_291 = arith.constant 0.000000e+00 : f32
      %broadcast_in_dim3A_292 = vector.broadcast %broadcast_in_dim3A_291 : f32 to vector<16xf32>
      %swap3A_293 = arith.index_cast %scan3A_234 : i32 to index
      %swap3A_294 = arith.constant 64 : index
      %swap3A_295 = tpu.vector_load %arg15[%swap3A_293, %swap3A_294] {strides = array<i32>} : memref<112x128xf32, #tpu.memory_space<vmem>>, vector<1x16xf32>,
      %swap3A_296 = vector.shape_cast %swap3A_295 : vector<1x16xf32> to vector<16xf32>
      %swap3A_297 = vector.shape_cast %broadcast_in_dim3A_292 : vector<16xf32> to vector<1x16xf32>
      tpu.vector_store %arg15[%swap3A_293, %swap3A_294], %swap3A_297 {strides = array<i32>} : memref<112x128xf32, #tpu.memory_space<vmem>>, vector<1x16xf32>,
      %broadcast_in_dim3A_298 = arith.constant 0.000000e+00 : f32
      %broadcast_in_dim3A_299 = vector.broadcast %broadcast_in_dim3A_298 : f32 to vector<16xf32>
      %swap3A_300 = arith.index_cast %scan3A_234 : i32 to index
      %swap3A_301 = arith.constant 64 : index
      %swap3A_302 = tpu.vector_load %arg16[%swap3A_300, %swap3A_301] {strides = array<i32>} : memref<112x128xf32, #tpu.memory_space<vmem>>, vector<1x16xf32>,
      %swap3A_303 = vector.shape_cast %swap3A_302 : vector<1x16xf32> to vector<16xf32>
      %swap3A_304 = vector.shape_cast %broadcast_in_dim3A_299 : vector<16xf32> to vector<1x16xf32>
      tpu.vector_store %arg16[%swap3A_300, %swap3A_301], %swap3A_304 {strides = array<i32>} : memref<112x128xf32, #tpu.memory_space<vmem>>, vector<1x16xf32>,
      %broadcast_in_dim3A_305 = arith.constant 0.000000e+00 : f32
      %broadcast_in_dim3A_306 = vector.broadcast %broadcast_in_dim3A_305 : f32 to vector<16xf32>
      %swap3A_307 = arith.index_cast %scan3A_234 : i32 to index
      %swap3A_308 = arith.constant 80 : index
      %swap3A_309 = tpu.vector_load %arg15[%swap3A_307, %swap3A_308] {strides = array<i32>} : memref<112x128xf32, #tpu.memory_space<vmem>>, vector<1x16xf32>,
      %swap3A_310 = vector.shape_cast %swap3A_309 : vector<1x16xf32> to vector<16xf32>
      %swap3A_311 = vector.shape_cast %broadcast_in_dim3A_306 : vector<16xf32> to vector<1x16xf32>
      tpu.vector_store %arg15[%swap3A_307, %swap3A_308], %swap3A_311 {strides = array<i32>} : memref<112x128xf32, #tpu.memory_space<vmem>>, vector<1x16xf32>,
      %broadcast_in_dim3A_312 = arith.constant 0.000000e+00 : f32
      %broadcast_in_dim3A_313 = vector.broadcast %broadcast_in_dim3A_312 : f32 to vector<16xf32>
      %swap3A_314 = arith.index_cast %scan3A_234 : i32 to index
      %swap3A_315 = arith.constant 80 : index
      %swap3A_316 = tpu.vector_load %arg16[%swap3A_314, %swap3A_315] {strides = array<i32>} : memref<112x128xf32, #tpu.memory_space<vmem>>, vector<1x16xf32>,
      %swap3A_317 = vector.shape_cast %swap3A_316 : vector<1x16xf32> to vector<16xf32>
      %swap3A_318 = vector.shape_cast %broadcast_in_dim3A_313 : vector<16xf32> to vector<1x16xf32>
      tpu.vector_store %arg16[%swap3A_314, %swap3A_315], %swap3A_318 {strides = array<i32>} : memref<112x128xf32, #tpu.memory_space<vmem>>, vector<1x16xf32>,
      %broadcast_in_dim3A_319 = arith.constant 0.000000e+00 : f32
      %broadcast_in_dim3A_320 = vector.broadcast %broadcast_in_dim3A_319 : f32 to vector<16xf32>
      %swap3A_321 = arith.index_cast %scan3A_234 : i32 to index
      %swap3A_322 = arith.constant 96 : index
      %swap3A_323 = tpu.vector_load %arg15[%swap3A_321, %swap3A_322] {strides = array<i32>} : memref<112x128xf32, #tpu.memory_space<vmem>>, vector<1x16xf32>,
      %swap3A_324 = vector.shape_cast %swap3A_323 : vector<1x16xf32> to vector<16xf32>
      %swap3A_325 = vector.shape_cast %broadcast_in_dim3A_320 : vector<16xf32> to vector<1x16xf32>
      tpu.vector_store %arg15[%swap3A_321, %swap3A_322], %swap3A_325 {strides = array<i32>} : memref<112x128xf32, #tpu.memory_space<vmem>>, vector<1x16xf32>,
      %broadcast_in_dim3A_326 = arith.constant 0.000000e+00 : f32
      %broadcast_in_dim3A_327 = vector.broadcast %broadcast_in_dim3A_326 : f32 to vector<16xf32>
      %swap3A_328 = arith.index_cast %scan3A_234 : i32 to index
      %swap3A_329 = arith.constant 96 : index
      %swap3A_330 = tpu.vector_load %arg16[%swap3A_328, %swap3A_329] {strides = array<i32>} : memref<112x128xf32, #tpu.memory_space<vmem>>, vector<1x16xf32>,
      %swap3A_331 = vector.shape_cast %swap3A_330 : vector<1x16xf32> to vector<16xf32>
      %swap3A_332 = vector.shape_cast %broadcast_in_dim3A_327 : vector<16xf32> to vector<1x16xf32>
      tpu.vector_store %arg16[%swap3A_328, %swap3A_329], %swap3A_332 {strides = array<i32>} : memref<112x128xf32, #tpu.memory_space<vmem>>, vector<1x16xf32>,
      %broadcast_in_dim3A_333 = arith.constant 0.000000e+00 : f32
      %broadcast_in_dim3A_334 = vector.broadcast %broadcast_in_dim3A_333 : f32 to vector<16xf32>
      %swap3A_335 = arith.index_cast %scan3A_234 : i32 to index
      %swap3A_336 = arith.constant 112 : index
      %swap3A_337 = tpu.vector_load %arg15[%swap3A_335, %swap3A_336] {strides = array<i32>} : memref<112x128xf32, #tpu.memory_space<vmem>>, vector<1x16xf32>,
      %swap3A_338 = vector.shape_cast %swap3A_337 : vector<1x16xf32> to vector<16xf32>
      %swap3A_339 = vector.shape_cast %broadcast_in_dim3A_334 : vector<16xf32> to vector<1x16xf32>
      tpu.vector_store %arg15[%swap3A_335, %swap3A_336], %swap3A_339 {strides = array<i32>} : memref<112x128xf32, #tpu.memory_space<vmem>>, vector<1x16xf32>,
      %broadcast_in_dim3A_340 = arith.constant 0.000000e+00 : f32
      %broadcast_in_dim3A_341 = vector.broadcast %broadcast_in_dim3A_340 : f32 to vector<16xf32>
      %swap3A_342 = arith.index_cast %scan3A_234 : i32 to index
      %swap3A_343 = arith.constant 112 : index
      %swap3A_344 = tpu.vector_load %arg16[%swap3A_342, %swap3A_343] {strides = array<i32>} : memref<112x128xf32, #tpu.memory_space<vmem>>, vector<1x16xf32>,
      %swap3A_345 = vector.shape_cast %swap3A_344 : vector<1x16xf32> to vector<16xf32>
      %swap3A_346 = vector.shape_cast %broadcast_in_dim3A_341 : vector<16xf32> to vector<1x16xf32>
      tpu.vector_store %arg16[%swap3A_342, %swap3A_343], %swap3A_346 {strides = array<i32>} : memref<112x128xf32, #tpu.memory_space<vmem>>, vector<1x16xf32>,
    }
    %scan3A_11 = arith.constant 112 : i32
    %broadcast_in_dim3A = arith.constant 0 : i32
    %broadcast_in_dim3A_12 = vector.broadcast %broadcast_in_dim3A : i32 to vector<16xi32>
    %swap3A = arith.constant 0 : index
    %swap3A_13 = tpu.vector_load %arg12[%swap3A] {strides = array<i32>} : memref<112xi32, #tpu.memory_space<vmem>>, vector<16xi32>,
    %swap3A_14 = vector.shape_cast %swap3A_13 : vector<16xi32> to vector<16xi32>
    %swap3A_15 = vector.shape_cast %broadcast_in_dim3A_12 : vector<16xi32> to vector<16xi32>
    tpu.vector_store %arg12[%swap3A], %swap3A_15 {strides = array<i32>} : memref<112xi32, #tpu.memory_space<vmem>>, vector<16xi32>,
    %broadcast_in_dim3A_16 = arith.constant 0 : i32
    %broadcast_in_dim3A_17 = vector.broadcast %broadcast_in_dim3A_16 : i32 to vector<16xi32>
    %swap3A_18 = arith.constant 0 : index
    %swap3A_19 = tpu.vector_load %arg13[%swap3A_18] {strides = array<i32>} : memref<112xi32, #tpu.memory_space<vmem>>, vector<16xi32>,
    %swap3A_20 = vector.shape_cast %swap3A_19 : vector<16xi32> to vector<16xi32>
    %swap3A_21 = vector.shape_cast %broadcast_in_dim3A_17 : vector<16xi32> to vector<16xi32>
    tpu.vector_store %arg13[%swap3A_18], %swap3A_21 {strides = array<i32>} : memref<112xi32, #tpu.memory_space<vmem>>, vector<16xi32>,
    %broadcast_in_dim3A_22 = arith.constant 0 : i32
    %broadcast_in_dim3A_23 = vector.broadcast %broadcast_in_dim3A_22 : i32 to vector<16xi32>
    %swap3A_24 = arith.constant 16 : index
    %swap3A_25 = tpu.vector_load %arg12[%swap3A_24] {strides = array<i32>} : memref<112xi32, #tpu.memory_space<vmem>>, vector<16xi32>,
    %swap3A_26 = vector.shape_cast %swap3A_25 : vector<16xi32> to vector<16xi32>
    %swap3A_27 = vector.shape_cast %broadcast_in_dim3A_23 : vector<16xi32> to vector<16xi32>
    tpu.vector_store %arg12[%swap3A_24], %swap3A_27 {strides = array<i32>} : memref<112xi32, #tpu.memory_space<vmem>>, vector<16xi32>,
    %broadcast_in_dim3A_28 = arith.constant 0 : i32
    %broadcast_in_dim3A_29 = vector.broadcast %broadcast_in_dim3A_28 : i32 to vector<16xi32>
    %swap3A_30 = arith.constant 16 : index
    %swap3A_31 = tpu.vector_load %arg13[%swap3A_30] {strides = array<i32>} : memref<112xi32, #tpu.memory_space<vmem>>, vector<16xi32>,
    %swap3A_32 = vector.shape_cast %swap3A_31 : vector<16xi32> to vector<16xi32>
    %swap3A_33 = vector.shape_cast %broadcast_in_dim3A_29 : vector<16xi32> to vector<16xi32>
    tpu.vector_store %arg13[%swap3A_30], %swap3A_33 {strides = array<i32>} : memref<112xi32, #tpu.memory_space<vmem>>, vector<16xi32>,
    %broadcast_in_dim3A_34 = arith.constant 0 : i32
    %broadcast_in_dim3A_35 = vector.broadcast %broadcast_in_dim3A_34 : i32 to vector<16xi32>
    %swap3A_36 = arith.constant 32 : index
    %swap3A_37 = tpu.vector_load %arg12[%swap3A_36] {strides = array<i32>} : memref<112xi32, #tpu.memory_space<vmem>>, vector<16xi32>,
    %swap3A_38 = vector.shape_cast %swap3A_37 : vector<16xi32> to vector<16xi32>
    %swap3A_39 = vector.shape_cast %broadcast_in_dim3A_35 : vector<16xi32> to vector<16xi32>
    tpu.vector_store %arg12[%swap3A_36], %swap3A_39 {strides = array<i32>} : memref<112xi32, #tpu.memory_space<vmem>>, vector<16xi32>,
    %broadcast_in_dim3A_40 = arith.constant 0 : i32
    %broadcast_in_dim3A_41 = vector.broadcast %broadcast_in_dim3A_40 : i32 to vector<16xi32>
    %swap3A_42 = arith.constant 32 : index
    %swap3A_43 = tpu.vector_load %arg13[%swap3A_42] {strides = array<i32>} : memref<112xi32, #tpu.memory_space<vmem>>, vector<16xi32>,
    %swap3A_44 = vector.shape_cast %swap3A_43 : vector<16xi32> to vector<16xi32>
    %swap3A_45 = vector.shape_cast %broadcast_in_dim3A_41 : vector<16xi32> to vector<16xi32>
    tpu.vector_store %arg13[%swap3A_42], %swap3A_45 {strides = array<i32>} : memref<112xi32, #tpu.memory_space<vmem>>, vector<16xi32>,
    %broadcast_in_dim3A_46 = arith.constant 0 : i32
    %broadcast_in_dim3A_47 = vector.broadcast %broadcast_in_dim3A_46 : i32 to vector<16xi32>
    %swap3A_48 = arith.constant 48 : index
    %swap3A_49 = tpu.vector_load %arg12[%swap3A_48] {strides = array<i32>} : memref<112xi32, #tpu.memory_space<vmem>>, vector<16xi32>,
    %swap3A_50 = vector.shape_cast %swap3A_49 : vector<16xi32> to vector<16xi32>
    %swap3A_51 = vector.shape_cast %broadcast_in_dim3A_47 : vector<16xi32> to vector<16xi32>
    tpu.vector_store %arg12[%swap3A_48], %swap3A_51 {strides = array<i32>} : memref<112xi32, #tpu.memory_space<vmem>>, vector<16xi32>,
    %broadcast_in_dim3A_52 = arith.constant 0 : i32
    %broadcast_in_dim3A_53 = vector.broadcast %broadcast_in_dim3A_52 : i32 to vector<16xi32>
    %swap3A_54 = arith.constant 48 : index
    %swap3A_55 = tpu.vector_load %arg13[%swap3A_54] {strides = array<i32>} : memref<112xi32, #tpu.memory_space<vmem>>, vector<16xi32>,
    %swap3A_56 = vector.shape_cast %swap3A_55 : vector<16xi32> to vector<16xi32>
    %swap3A_57 = vector.shape_cast %broadcast_in_dim3A_53 : vector<16xi32> to vector<16xi32>
    tpu.vector_store %arg13[%swap3A_54], %swap3A_57 {strides = array<i32>} : memref<112xi32, #tpu.memory_space<vmem>>, vector<16xi32>,
    %broadcast_in_dim3A_58 = arith.constant 0 : i32
    %broadcast_in_dim3A_59 = vector.broadcast %broadcast_in_dim3A_58 : i32 to vector<16xi32>
    %swap3A_60 = arith.constant 64 : index
    %swap3A_61 = tpu.vector_load %arg12[%swap3A_60] {strides = array<i32>} : memref<112xi32, #tpu.memory_space<vmem>>, vector<16xi32>,
    %swap3A_62 = vector.shape_cast %swap3A_61 : vector<16xi32> to vector<16xi32>
    %swap3A_63 = vector.shape_cast %broadcast_in_dim3A_59 : vector<16xi32> to vector<16xi32>
    tpu.vector_store %arg12[%swap3A_60], %swap3A_63 {strides = array<i32>} : memref<112xi32, #tpu.memory_space<vmem>>, vector<16xi32>,
    %broadcast_in_dim3A_64 = arith.constant 0 : i32
    %broadcast_in_dim3A_65 = vector.broadcast %broadcast_in_dim3A_64 : i32 to vector<16xi32>
    %swap3A_66 = arith.constant 64 : index
    %swap3A_67 = tpu.vector_load %arg13[%swap3A_66] {strides = array<i32>} : memref<112xi32, #tpu.memory_space<vmem>>, vector<16xi32>,
    %swap3A_68 = vector.shape_cast %swap3A_67 : vector<16xi32> to vector<16xi32>
    %swap3A_69 = vector.shape_cast %broadcast_in_dim3A_65 : vector<16xi32> to vector<16xi32>
    tpu.vector_store %arg13[%swap3A_66], %swap3A_69 {strides = array<i32>} : memref<112xi32, #tpu.memory_space<vmem>>, vector<16xi32>,
    %broadcast_in_dim3A_70 = arith.constant 0 : i32
    %broadcast_in_dim3A_71 = vector.broadcast %broadcast_in_dim3A_70 : i32 to vector<16xi32>
    %swap3A_72 = arith.constant 80 : index
    %swap3A_73 = tpu.vector_load %arg12[%swap3A_72] {strides = array<i32>} : memref<112xi32, #tpu.memory_space<vmem>>, vector<16xi32>,
    %swap3A_74 = vector.shape_cast %swap3A_73 : vector<16xi32> to vector<16xi32>
    %swap3A_75 = vector.shape_cast %broadcast_in_dim3A_71 : vector<16xi32> to vector<16xi32>
    tpu.vector_store %arg12[%swap3A_72], %swap3A_75 {strides = array<i32>} : memref<112xi32, #tpu.memory_space<vmem>>, vector<16xi32>,
    %broadcast_in_dim3A_76 = arith.constant 0 : i32
    %broadcast_in_dim3A_77 = vector.broadcast %broadcast_in_dim3A_76 : i32 to vector<16xi32>
    %swap3A_78 = arith.constant 80 : index
    %swap3A_79 = tpu.vector_load %arg13[%swap3A_78] {strides = array<i32>} : memref<112xi32, #tpu.memory_space<vmem>>, vector<16xi32>,
    %swap3A_80 = vector.shape_cast %swap3A_79 : vector<16xi32> to vector<16xi32>
    %swap3A_81 = vector.shape_cast %broadcast_in_dim3A_77 : vector<16xi32> to vector<16xi32>
    tpu.vector_store %arg13[%swap3A_78], %swap3A_81 {strides = array<i32>} : memref<112xi32, #tpu.memory_space<vmem>>, vector<16xi32>,
    %broadcast_in_dim3A_82 = arith.constant 0 : i32
    %broadcast_in_dim3A_83 = vector.broadcast %broadcast_in_dim3A_82 : i32 to vector<16xi32>
    %swap3A_84 = arith.constant 96 : index
    %swap3A_85 = tpu.vector_load %arg12[%swap3A_84] {strides = array<i32>} : memref<112xi32, #tpu.memory_space<vmem>>, vector<16xi32>,
    %swap3A_86 = vector.shape_cast %swap3A_85 : vector<16xi32> to vector<16xi32>
    %swap3A_87 = vector.shape_cast %broadcast_in_dim3A_83 : vector<16xi32> to vector<16xi32>
    tpu.vector_store %arg12[%swap3A_84], %swap3A_87 {strides = array<i32>} : memref<112xi32, #tpu.memory_space<vmem>>, vector<16xi32>,
    %broadcast_in_dim3A_88 = arith.constant 0 : i32
    %broadcast_in_dim3A_89 = vector.broadcast %broadcast_in_dim3A_88 : i32 to vector<16xi32>
    %swap3A_90 = arith.constant 96 : index
    %swap3A_91 = tpu.vector_load %arg13[%swap3A_90] {strides = array<i32>} : memref<112xi32, #tpu.memory_space<vmem>>, vector<16xi32>,
    %swap3A_92 = vector.shape_cast %swap3A_91 : vector<16xi32> to vector<16xi32>
    %swap3A_93 = vector.shape_cast %broadcast_in_dim3A_89 : vector<16xi32> to vector<16xi32>
    tpu.vector_store %arg13[%swap3A_90], %swap3A_93 {strides = array<i32>} : memref<112xi32, #tpu.memory_space<vmem>>, vector<16xi32>,
    %barrier3A = arith.constant 0 : index
    tpu.barrier barrier_id(%barrier3A)
    %dma_start3A = arith.constant 0 : i32
    %dma_start3A_94 = arith.constant 0 : i32
    %dma_start3A_95 = tpu.memref_slice %arg17[%dma_start3A, %dma_start3A_94] : memref<10240x128xf32, #tpu.memory_space<vmem_shared>> -> memref<10240x128xf32, #tpu.memory_space<vmem_shared>>
    tpu.enqueue_indirect_dma source(%arg15 : memref<112x128xf32, #tpu.memory_space<vmem>>) target(%dma_start3A_95 : memref<10240x128xf32, #tpu.memory_space<vmem_shared>>) offsets(%arg12 : memref<112xi32, #tpu.memory_space<vmem>>) semaphore(%arg22 : memref<!tpu.dma_semaphore, #tpu.memory_space<semaphore_mem>>) {add = true}
    %dma_start3A_96 = arith.constant 0 : i32
    %dma_start3A_97 = arith.constant 0 : i32
    %dma_start3A_98 = tpu.memref_slice %arg17[%dma_start3A_96, %dma_start3A_97] : memref<10240x128xf32, #tpu.memory_space<vmem_shared>> -> memref<10240x128xf32, #tpu.memory_space<vmem_shared>>
    tpu.enqueue_indirect_dma source(%arg16 : memref<112x128xf32, #tpu.memory_space<vmem>>) target(%dma_start3A_98 : memref<10240x128xf32, #tpu.memory_space<vmem_shared>>) offsets(%arg13 : memref<112xi32, #tpu.memory_space<vmem>>) semaphore(%arg23 : memref<!tpu.dma_semaphore, #tpu.memory_space<semaphore_mem>>) {add = true}
    %add3A_99 = arith.constant 0 : i32
    %add3A_100 = arith.addi %mul3A_2, %add3A_99 : i32
    %dma_start3A_101 = arith.constant 0 : i32
    %dma_start3A_102 = arith.constant 0 : i32
    %dma_start3A_103 = arith.constant 0 : i32
    %dma_start3A_104 = tpu.memref_slice %arg6[%dma_start3A_101, %dma_start3A_102, %dma_start3A_103] : memref<3x2x112xi32, #tpu.memory_space<vmem>> -> memref<1x2x112xi32, #tpu.memory_space<vmem>>
    %dma_start3A_105 = tpu.memref_squeeze %dma_start3A_104 : memref<1x2x112xi32, #tpu.memory_space<vmem>> -> memref<2x112xi32, #tpu.memory_space<vmem>>
    %dma_start3A_106 = arith.constant 0 : i32
    %dma_start3A_107 = arith.constant 0 : i32
    %dma_start3A_108 = tpu.memref_slice %arg3[%add3A_100, %dma_start3A_106, %dma_start3A_107] : memref<2880x2x112xi32, #tpu.memory_space<hbm>> -> memref<1x2x112xi32, #tpu.memory_space<hbm>>
    %dma_start3A_109 = tpu.memref_squeeze %dma_start3A_108 : memref<1x2x112xi32, #tpu.memory_space<hbm>> -> memref<2x112xi32, #tpu.memory_space<hbm>>
    %dma_start3A_110 = arith.constant 0 : i32
    %dma_start3A_111 = arith.constant 0 : i32
    %dma_start3A_112 = tpu.memref_slice %arg6[%dma_start3A_101, %dma_start3A_110, %dma_start3A_111] : memref<3x2x112xi32, #tpu.memory_space<vmem>> -> memref<1x2x112xi32, #tpu.memory_space<vmem>>
    %dma_start3A_113 = tpu.memref_squeeze %dma_start3A_112 : memref<1x2x112xi32, #tpu.memory_space<vmem>> -> memref<2x112xi32, #tpu.memory_space<vmem>>
    %dma_start3A_114 = arith.constant 0 : i32
    %dma_start3A_115 = arith.constant 0 : i32
    %dma_start3A_116 = tpu.memref_slice %arg3[%add3A_100, %dma_start3A_114, %dma_start3A_115] : memref<2880x2x112xi32, #tpu.memory_space<hbm>> -> memref<1x2x112xi32, #tpu.memory_space<hbm>>
    %dma_start3A_117 = tpu.memref_squeeze %dma_start3A_116 : memref<1x2x112xi32, #tpu.memory_space<hbm>> -> memref<2x112xi32, #tpu.memory_space<hbm>>
    tpu.enqueue_dma source(%dma_start3A_117 : memref<2x112xi32, #tpu.memory_space<hbm>>) target(%dma_start3A_113 : memref<2x112xi32, #tpu.memory_space<vmem>>) target_semaphore(%arg24 : memref<!tpu.dma_semaphore, #tpu.memory_space<semaphore_mem>>)
    %add3A_118 = arith.constant 0 : i32
    %add3A_119 = arith.addi %mul3A_2, %add3A_118 : i32
    %dma_start3A_120 = arith.constant 0 : i32
    %dma_start3A_121 = arith.constant 0 : i32
    %dma_start3A_122 = tpu.memref_slice %arg7[%dma_start3A_120, %dma_start3A_121] : memref<3x112xf32, #tpu.memory_space<vmem>> -> memref<1x112xf32, #tpu.memory_space<vmem>>
    %dma_start3A_123 = tpu.memref_squeeze %dma_start3A_122 : memref<1x112xf32, #tpu.memory_space<vmem>> -> memref<112xf32, #tpu.memory_space<vmem>>
    %dma_start3A_124 = arith.constant 0 : i32
    %dma_start3A_125 = tpu.memref_slice %arg4[%add3A_119, %dma_start3A_124] : memref<2880x112xf32, #tpu.memory_space<hbm>> -> memref<1x112xf32, #tpu.memory_space<hbm>>
    %dma_start3A_126 = tpu.memref_squeeze %dma_start3A_125 : memref<1x112xf32, #tpu.memory_space<hbm>> -> memref<112xf32, #tpu.memory_space<hbm>>
    %dma_start3A_127 = arith.constant 0 : i32
    %dma_start3A_128 = tpu.memref_slice %arg7[%dma_start3A_120, %dma_start3A_127] : memref<3x112xf32, #tpu.memory_space<vmem>> -> memref<1x112xf32, #tpu.memory_space<vmem>>
    %dma_start3A_129 = tpu.memref_squeeze %dma_start3A_128 : memref<1x112xf32, #tpu.memory_space<vmem>> -> memref<112xf32, #tpu.memory_space<vmem>>
    %dma_start3A_130 = arith.constant 0 : i32
    %dma_start3A_131 = tpu.memref_slice %arg4[%add3A_119, %dma_start3A_130] : memref<2880x112xf32, #tpu.memory_space<hbm>> -> memref<1x112xf32, #tpu.memory_space<hbm>>
    %dma_start3A_132 = tpu.memref_squeeze %dma_start3A_131 : memref<1x112xf32, #tpu.memory_space<hbm>> -> memref<112xf32, #tpu.memory_space<hbm>>
    tpu.enqueue_dma source(%dma_start3A_132 : memref<112xf32, #tpu.memory_space<hbm>>) target(%dma_start3A_129 : memref<112xf32, #tpu.memory_space<vmem>>) target_semaphore(%arg24 : memref<!tpu.dma_semaphore, #tpu.memory_space<semaphore_mem>>)
    %add3A_133 = arith.constant 1 : i32
    %add3A_134 = arith.addi %mul3A_2, %add3A_133 : i32
    %dma_start3A_135 = arith.constant 1 : i32
    %dma_start3A_136 = arith.constant 0 : i32
    %dma_start3A_137 = arith.constant 0 : i32
    %dma_start3A_138 = tpu.memref_slice %arg6[%dma_start3A_135, %dma_start3A_136, %dma_start3A_137] : memref<3x2x112xi32, #tpu.memory_space<vmem>> -> memref<1x2x112xi32, #tpu.memory_space<vmem>>
    %dma_start3A_139 = tpu.memref_squeeze %dma_start3A_138 : memref<1x2x112xi32, #tpu.memory_space<vmem>> -> memref<2x112xi32, #tpu.memory_space<vmem>>
    %dma_start3A_140 = arith.constant 0 : i32
    %dma_start3A_141 = arith.constant 0 : i32
    %dma_start3A_142 = tpu.memref_slice %arg3[%add3A_134, %dma_start3A_140, %dma_start3A_141] : memref<2880x2x112xi32, #tpu.memory_space<hbm>> -> memref<1x2x112xi32, #tpu.memory_space<hbm>>
    %dma_start3A_143 = tpu.memref_squeeze %dma_start3A_142 : memref<1x2x112xi32, #tpu.memory_space<hbm>> -> memref<2x112xi32, #tpu.memory_space<hbm>>
    %dma_start3A_144 = arith.constant 0 : i32
    %dma_start3A_145 = arith.constant 0 : i32
    %dma_start3A_146 = tpu.memref_slice %arg6[%dma_start3A_135, %dma_start3A_144, %dma_start3A_145] : memref<3x2x112xi32, #tpu.memory_space<vmem>> -> memref<1x2x112xi32, #tpu.memory_space<vmem>>
    %dma_start3A_147 = tpu.memref_squeeze %dma_start3A_146 : memref<1x2x112xi32, #tpu.memory_space<vmem>> -> memref<2x112xi32, #tpu.memory_space<vmem>>
    %dma_start3A_148 = arith.constant 0 : i32
    %dma_start3A_149 = arith.constant 0 : i32
    %dma_start3A_150 = tpu.memref_slice %arg3[%add3A_134, %dma_start3A_148, %dma_start3A_149] : memref<2880x2x112xi32, #tpu.memory_space<hbm>> -> memref<1x2x112xi32, #tpu.memory_space<hbm>>
    %dma_start3A_151 = tpu.memref_squeeze %dma_start3A_150 : memref<1x2x112xi32, #tpu.memory_space<hbm>> -> memref<2x112xi32, #tpu.memory_space<hbm>>
    tpu.enqueue_dma source(%dma_start3A_151 : memref<2x112xi32, #tpu.memory_space<hbm>>) target(%dma_start3A_147 : memref<2x112xi32, #tpu.memory_space<vmem>>) target_semaphore(%arg25 : memref<!tpu.dma_semaphore, #tpu.memory_space<semaphore_mem>>)
    %add3A_152 = arith.constant 1 : i32
    %add3A_153 = arith.addi %mul3A_2, %add3A_152 : i32
    %dma_start3A_154 = arith.constant 1 : i32
    %dma_start3A_155 = arith.constant 0 : i32
    %dma_start3A_156 = tpu.memref_slice %arg7[%dma_start3A_154, %dma_start3A_155] : memref<3x112xf32, #tpu.memory_space<vmem>> -> memref<1x112xf32, #tpu.memory_space<vmem>>
    %dma_start3A_157 = tpu.memref_squeeze %dma_start3A_156 : memref<1x112xf32, #tpu.memory_space<vmem>> -> memref<112xf32, #tpu.memory_space<vmem>>
    %dma_start3A_158 = arith.constant 0 : i32
    %dma_start3A_159 = tpu.memref_slice %arg4[%add3A_153, %dma_start3A_158] : memref<2880x112xf32, #tpu.memory_space<hbm>> -> memref<1x112xf32, #tpu.memory_space<hbm>>
    %dma_start3A_160 = tpu.memref_squeeze %dma_start3A_159 : memref<1x112xf32, #tpu.memory_space<hbm>> -> memref<112xf32, #tpu.memory_space<hbm>>
    %dma_start3A_161 = arith.constant 0 : i32
    %dma_start3A_162 = tpu.memref_slice %arg7[%dma_start3A_154, %dma_start3A_161] : memref<3x112xf32, #tpu.memory_space<vmem>> -> memref<1x112xf32, #tpu.memory_space<vmem>>
    %dma_start3A_163 = tpu.memref_squeeze %dma_start3A_162 : memref<1x112xf32, #tpu.memory_space<vmem>> -> memref<112xf32, #tpu.memory_space<vmem>>
    %dma_start3A_164 = arith.constant 0 : i32
    %dma_start3A_165 = tpu.memref_slice %arg4[%add3A_153, %dma_start3A_164] : memref<2880x112xf32, #tpu.memory_space<hbm>> -> memref<1x112xf32, #tpu.memory_space<hbm>>
    %dma_start3A_166 = tpu.memref_squeeze %dma_start3A_165 : memref<1x112xf32, #tpu.memory_space<hbm>> -> memref<112xf32, #tpu.memory_space<hbm>>
    tpu.enqueue_dma source(%dma_start3A_166 : memref<112xf32, #tpu.memory_space<hbm>>) target(%dma_start3A_163 : memref<112xf32, #tpu.memory_space<vmem>>) target_semaphore(%arg25 : memref<!tpu.dma_semaphore, #tpu.memory_space<semaphore_mem>>)
    %dma_wait3A = arith.constant 0 : i32
    %dma_wait3A_167 = arith.constant 0 : i32
    %dma_wait3A_168 = arith.constant 0 : i32
    %dma_wait3A_169 = tpu.memref_slice %arg6[%dma_wait3A, %dma_wait3A_167, %dma_wait3A_168] : memref<3x2x112xi32, #tpu.memory_space<vmem>> -> memref<1x2x112xi32, #tpu.memory_space<vmem>>
    %dma_wait3A_170 = tpu.memref_squeeze %dma_wait3A_169 : memref<1x2x112xi32, #tpu.memory_space<vmem>> -> memref<2x112xi32, #tpu.memory_space<vmem>>
    %dma_wait3A_171 = arith.constant 0 : i32
    %dma_wait3A_172 = arith.constant 0 : i32
    %dma_wait3A_173 = tpu.memref_slice %arg3[%mul3A_2, %dma_wait3A_171, %dma_wait3A_172] : memref<2880x2x112xi32, #tpu.memory_space<hbm>> -> memref<1x2x112xi32, #tpu.memory_space<hbm>>
    %dma_wait3A_174 = tpu.memref_squeeze %dma_wait3A_173 : memref<1x2x112xi32, #tpu.memory_space<hbm>> -> memref<2x112xi32, #tpu.memory_space<hbm>>
    %dma_wait3A_175 = arith.constant 0 : i32
    %dma_wait3A_176 = arith.constant 0 : i32
    %dma_wait3A_177 = tpu.memref_slice %arg6[%dma_wait3A, %dma_wait3A_175, %dma_wait3A_176] : memref<3x2x112xi32, #tpu.memory_space<vmem>> -> memref<1x2x112xi32, #tpu.memory_space<vmem>>
    %dma_wait3A_178 = tpu.memref_squeeze %dma_wait3A_177 : memref<1x2x112xi32, #tpu.memory_space<vmem>> -> memref<2x112xi32, #tpu.memory_space<vmem>>
    %dma_wait3A_179 = arith.constant 0 : i32
    %dma_wait3A_180 = arith.constant 0 : i32
    %dma_wait3A_181 = tpu.memref_slice %arg3[%mul3A_2, %dma_wait3A_179, %dma_wait3A_180] : memref<2880x2x112xi32, #tpu.memory_space<hbm>> -> memref<1x2x112xi32, #tpu.memory_space<hbm>>
    %dma_wait3A_182 = tpu.memref_squeeze %dma_wait3A_181 : memref<1x2x112xi32, #tpu.memory_space<hbm>> -> memref<2x112xi32, #tpu.memory_space<hbm>>
    tpu.wait_dma2 semaphore(%arg24 : memref<!tpu.dma_semaphore, #tpu.memory_space<semaphore_mem>>) src(%dma_wait3A_182 : memref<2x112xi32, #tpu.memory_space<hbm>>) dst(%dma_wait3A_178 : memref<2x112xi32, #tpu.memory_space<vmem>>)
    %dma_wait3A_183 = arith.constant 0 : i32
    %dma_wait3A_184 = arith.constant 0 : i32
    %dma_wait3A_185 = tpu.memref_slice %arg7[%dma_wait3A_183, %dma_wait3A_184] : memref<3x112xf32, #tpu.memory_space<vmem>> -> memref<1x112xf32, #tpu.memory_space<vmem>>
    %dma_wait3A_186 = tpu.memref_squeeze %dma_wait3A_185 : memref<1x112xf32, #tpu.memory_space<vmem>> -> memref<112xf32, #tpu.memory_space<vmem>>
    %dma_wait3A_187 = arith.constant 0 : i32
    %dma_wait3A_188 = tpu.memref_slice %arg4[%mul3A_2, %dma_wait3A_187] : memref<2880x112xf32, #tpu.memory_space<hbm>> -> memref<1x112xf32, #tpu.memory_space<hbm>>
    %dma_wait3A_189 = tpu.memref_squeeze %dma_wait3A_188 : memref<1x112xf32, #tpu.memory_space<hbm>> -> memref<112xf32, #tpu.memory_space<hbm>>
    %dma_wait3A_190 = arith.constant 0 : i32
    %dma_wait3A_191 = tpu.memref_slice %arg7[%dma_wait3A_183, %dma_wait3A_190] : memref<3x112xf32, #tpu.memory_space<vmem>> -> memref<1x112xf32, #tpu.memory_space<vmem>>
    %dma_wait3A_192 = tpu.memref_squeeze %dma_wait3A_191 : memref<1x112xf32, #tpu.memory_space<vmem>> -> memref<112xf32, #tpu.memory_space<vmem>>
    %dma_wait3A_193 = arith.constant 0 : i32
    %dma_wait3A_194 = tpu.memref_slice %arg4[%mul3A_2, %dma_wait3A_193] : memref<2880x112xf32, #tpu.memory_space<hbm>> -> memref<1x112xf32, #tpu.memory_space<hbm>>
    %dma_wait3A_195 = tpu.memref_squeeze %dma_wait3A_194 : memref<1x112xf32, #tpu.memory_space<hbm>> -> memref<112xf32, #tpu.memory_space<hbm>>
    tpu.wait_dma2 semaphore(%arg24 : memref<!tpu.dma_semaphore, #tpu.memory_space<semaphore_mem>>) src(%dma_wait3A_195 : memref<112xf32, #tpu.memory_space<hbm>>) dst(%dma_wait3A_192 : memref<112xf32, #tpu.memory_space<vmem>>)
    %scan3A_196 = arith.constant 0 : i32
    %scan3A_197 = arith.constant 0 : i32
    %scan3A_198 = arith.constant 7 : i32
    %scan3A_199 = arith.addi %scan3A_197, %scan3A_198 : i32
    %scan3A_200 = arith.constant 1 : i32
    scf.for %scan3A_234 = %scan3A_197 to %scan3A_199 step %scan3A_200  : i32 {
      %mul3A_235 = arith.constant 16 : i32
      %mul3A_236 = arith.muli %scan3A_234, %mul3A_235 : i32
      %get3A = arith.constant 0 : i32
      %get3A_237 = arith.constant 0 : i32
      %get3A_238 = arith.index_cast %get3A : i32 to index
      %get3A_239 = arith.index_cast %get3A_237 : i32 to index
      %get3A_240 = arith.index_cast %mul3A_236 : i32 to index
      %get3A_241 = tpu.vector_load %arg6[%get3A_238, %get3A_239, %get3A_240] {strides = array<i32>} : memref<3x2x112xi32, #tpu.memory_space<vmem>>, vector<1x1x16xi32>,
      %get3A_242 = vector.shape_cast %get3A_241 : vector<1x1x16xi32> to vector<16xi32>
      %mul3A_243 = arith.constant 16 : i32
      %mul3A_244 = arith.muli %scan3A_234, %mul3A_243 : i32
      %swap3A_245 = arith.index_cast %mul3A_244 : i32 to index
      %swap3A_246 = tpu.vector_load %arg8[%swap3A_245] {strides = array<i32>} : memref<112xi32, #tpu.memory_space<vmem>>, vector<16xi32>,
      %swap3A_247 = vector.shape_cast %swap3A_246 : vector<16xi32> to vector<16xi32>
      %swap3A_248 = vector.shape_cast %get3A_242 : vector<16xi32> to vector<16xi32>
      tpu.vector_store %arg8[%swap3A_245], %swap3A_248 {strides = array<i32>} : memref<112xi32, #tpu.memory_space<vmem>>, vector<16xi32>,
      %mul3A_249 = arith.constant 16 : i32
      %mul3A_250 = arith.muli %scan3A_234, %mul3A_249 : i32
      %get3A_251 = arith.constant 0 : i32
      %get3A_252 = arith.constant 1 : i32
      %get3A_253 = arith.index_cast %get3A_251 : i32 to index
      %get3A_254 = arith.index_cast %get3A_252 : i32 to index
      %get3A_255 = arith.index_cast %mul3A_250 : i32 to index
      %get3A_256 = tpu.vector_load %arg6[%get3A_253, %get3A_254, %get3A_255] {strides = array<i32>} : memref<3x2x112xi32, #tpu.memory_space<vmem>>, vector<1x1x16xi32>,
      %get3A_257 = vector.shape_cast %get3A_256 : vector<1x1x16xi32> to vector<16xi32>
      %mul3A_258 = arith.constant 16 : i32
      %mul3A_259 = arith.muli %scan3A_234, %mul3A_258 : i32
      %swap3A_260 = arith.index_cast %mul3A_259 : i32 to index
      %swap3A_261 = tpu.vector_load %arg11[%swap3A_260] {strides = array<i32>} : memref<112xi32, #tpu.memory_space<vmem>>, vector<16xi32>,
      %swap3A_262 = vector.shape_cast %swap3A_261 : vector<16xi32> to vector<16xi32>
      %swap3A_263 = vector.shape_cast %get3A_257 : vector<16xi32> to vector<16xi32>
      tpu.vector_store %arg11[%swap3A_260], %swap3A_263 {strides = array<i32>} : memref<112xi32, #tpu.memory_space<vmem>>, vector<16xi32>,
    }
    %scan3A_201 = arith.constant 7 : i32
    %dma_start3A_202 = arith.constant 0 : i32
    %dma_start3A_203 = arith.constant 0 : i32
    %dma_start3A_204 = tpu.memref_slice %arg2[%dma_start3A_202, %dma_start3A_203] : memref<10240x128xf32, #tpu.memory_space<hbm>> -> memref<10240x128xf32, #tpu.memory_space<hbm>>
    tpu.enqueue_indirect_dma source(%dma_start3A_204 : memref<10240x128xf32, #tpu.memory_space<hbm>>) target(%arg14 : memref<112x128xf32, #tpu.memory_space<vmem>>) offsets(%arg8 : memref<112xi32, #tpu.memory_space<vmem>>) semaphore(%arg18 : memref<!tpu.dma_semaphore, #tpu.memory_space<semaphore_mem>>)
    %scan3A_205 = arith.constant 0 : i32
    %scan3A_206 = arith.constant 0 : i32
    %scan3A_207 = arith.constant 30 : i32
    %scan3A_208 = arith.addi %scan3A_206, %scan3A_207 : i32
    %scan3A_209 = arith.constant 1 : i32
    scf.for %scan3A_234 = %scan3A_206 to %scan3A_208 step %scan3A_209  : i32 {
      %mul3A_235 = arith.constant 3 : i32
      %mul3A_236 = arith.muli %mul3A_235, %scan3A_234 : i32
      %add3A_237 = arith.constant 0 : i32
      %add3A_238 = arith.addi %mul3A_236, %add3A_237 : i32
      %add3A_239 = arith.constant 1 : i32
      %add3A_240 = arith.addi %add3A_238, %add3A_239 : i32
      %lt3A = arith.constant 90 : i32
      %lt3A_241 = arith.cmpi slt, %add3A_240, %lt3A : i32
      %convert_element_type3A = arith.extui %lt3A_241 : i1 to i32
      %cond3A = arith.constant 0 : i32
      %cond3A_242 = arith.cmpi ne, %convert_element_type3A, %cond3A : i32
      scf.if %cond3A_242 {
        %add3A_292 = arith.constant 1 : i32
        %add3A_293 = arith.addi %add3A_240, %add3A_292 : i32
        %lt3A_294 = arith.constant 90 : i32
        %lt3A_295 = arith.cmpi slt, %add3A_293, %lt3A_294 : i32
        %convert_element_type3A_296 = arith.extui %lt3A_295 : i1 to i32
        %cond3A_297 = arith.constant 0 : i32
        %cond3A_298 = arith.cmpi ne, %convert_element_type3A_296, %cond3A_297 : i32
        scf.if %cond3A_298 {
          %add3A_344 = arith.constant 1 : i32
          %add3A_345 = arith.addi %add3A_240, %add3A_344 : i32
          %add3A_346 = arith.addi %mul3A_2, %add3A_345 : i32
          %dma_start3A_347 = arith.constant 2 : i32
          %dma_start3A_348 = arith.constant 0 : i32
          %dma_start3A_349 = arith.constant 0 : i32
          %dma_start3A_350 = tpu.memref_slice %arg6[%dma_start3A_347, %dma_start3A_348, %dma_start3A_349] : memref<3x2x112xi32, #tpu.memory_space<vmem>> -> memref<1x2x112xi32, #tpu.memory_space<vmem>>
          %dma_start3A_351 = tpu.memref_squeeze %dma_start3A_350 : memref<1x2x112xi32, #tpu.memory_space<vmem>> -> memref<2x112xi32, #tpu.memory_space<vmem>>
          %dma_start3A_352 = arith.constant 0 : i32
          %dma_start3A_353 = arith.constant 0 : i32
          %dma_start3A_354 = tpu.memref_slice %arg3[%add3A_346, %dma_start3A_352, %dma_start3A_353] : memref<2880x2x112xi32, #tpu.memory_space<hbm>> -> memref<1x2x112xi32, #tpu.memory_space<hbm>>
          %dma_start3A_355 = tpu.memref_squeeze %dma_start3A_354 : memref<1x2x112xi32, #tpu.memory_space<hbm>> -> memref<2x112xi32, #tpu.memory_space<hbm>>
          %dma_start3A_356 = arith.constant 0 : i32
          %dma_start3A_357 = arith.constant 0 : i32
          %dma_start3A_358 = tpu.memref_slice %arg6[%dma_start3A_347, %dma_start3A_356, %dma_start3A_357] : memref<3x2x112xi32, #tpu.memory_space<vmem>> -> memref<1x2x112xi32, #tpu.memory_space<vmem>>
          %dma_start3A_359 = tpu.memref_squeeze %dma_start3A_358 : memref<1x2x112xi32, #tpu.memory_space<vmem>> -> memref<2x112xi32, #tpu.memory_space<vmem>>
          %dma_start3A_360 = arith.constant 0 : i32
          %dma_start3A_361 = arith.constant 0 : i32
          %dma_start3A_362 = tpu.memref_slice %arg3[%add3A_346, %dma_start3A_360, %dma_start3A_361] : memref<2880x2x112xi32, #tpu.memory_space<hbm>> -> memref<1x2x112xi32, #tpu.memory_space<hbm>>
          %dma_start3A_363 = tpu.memref_squeeze %dma_start3A_362 : memref<1x2x112xi32, #tpu.memory_space<hbm>> -> memref<2x112xi32, #tpu.memory_space<hbm>>
          tpu.enqueue_dma source(%dma_start3A_363 : memref<2x112xi32, #tpu.memory_space<hbm>>) target(%dma_start3A_359 : memref<2x112xi32, #tpu.memory_space<vmem>>) target_semaphore(%arg26 : memref<!tpu.dma_semaphore, #tpu.memory_space<semaphore_mem>>)
          %add3A_364 = arith.addi %mul3A_2, %add3A_345 : i32
          %dma_start3A_365 = arith.constant 2 : i32
          %dma_start3A_366 = arith.constant 0 : i32
          %dma_start3A_367 = tpu.memref_slice %arg7[%dma_start3A_365, %dma_start3A_366] : memref<3x112xf32, #tpu.memory_space<vmem>> -> memref<1x112xf32, #tpu.memory_space<vmem>>
          %dma_start3A_368 = tpu.memref_squeeze %dma_start3A_367 : memref<1x112xf32, #tpu.memory_space<vmem>> -> memref<112xf32, #tpu.memory_space<vmem>>
          %dma_start3A_369 = arith.constant 0 : i32
          %dma_start3A_370 = tpu.memref_slice %arg4[%add3A_364, %dma_start3A_369] : memref<2880x112xf32, #tpu.memory_space<hbm>> -> memref<1x112xf32, #tpu.memory_space<hbm>>
          %dma_start3A_371 = tpu.memref_squeeze %dma_start3A_370 : memref<1x112xf32, #tpu.memory_space<hbm>> -> memref<112xf32, #tpu.memory_space<hbm>>
          %dma_start3A_372 = arith.constant 0 : i32
          %dma_start3A_373 = tpu.memref_slice %arg7[%dma_start3A_365, %dma_start3A_372] : memref<3x112xf32, #tpu.memory_space<vmem>> -> memref<1x112xf32, #tpu.memory_space<vmem>>
          %dma_start3A_374 = tpu.memref_squeeze %dma_start3A_373 : memref<1x112xf32, #tpu.memory_space<vmem>> -> memref<112xf32, #tpu.memory_space<vmem>>
          %dma_start3A_375 = arith.constant 0 : i32
          %dma_start3A_376 = tpu.memref_slice %arg4[%add3A_364, %dma_start3A_375] : memref<2880x112xf32, #tpu.memory_space<hbm>> -> memref<1x112xf32, #tpu.memory_space<hbm>>
          %dma_start3A_377 = tpu.memref_squeeze %dma_start3A_376 : memref<1x112xf32, #tpu.memory_space<hbm>> -> memref<112xf32, #tpu.memory_space<hbm>>
          tpu.enqueue_dma source(%dma_start3A_377 : memref<112xf32, #tpu.memory_space<hbm>>) target(%dma_start3A_374 : memref<112xf32, #tpu.memory_space<vmem>>) target_semaphore(%arg26 : memref<!tpu.dma_semaphore, #tpu.memory_space<semaphore_mem>>)
        } else {
        }
        %dma_wait3A_299 = arith.constant 0 : i32
        %dma_wait3A_300 = arith.constant 0 : i32
        %dma_wait3A_301 = tpu.memref_slice %arg2[%dma_wait3A_299, %dma_wait3A_300] : memref<10240x128xf32, #tpu.memory_space<hbm>> -> memref<112x128xf32, #tpu.memory_space<hbm>>
        %dma_wait3A_302 = arith.constant 0 : i32
        %dma_wait3A_303 = arith.constant 0 : i32
        %dma_wait3A_304 = tpu.memref_slice %arg2[%dma_wait3A_302, %dma_wait3A_303] : memref<10240x128xf32, #tpu.memory_space<hbm>> -> memref<112x128xf32, #tpu.memory_space<hbm>>
        tpu.wait_dma2 semaphore(%arg22 : memref<!tpu.dma_semaphore, #tpu.memory_space<semaphore_mem>>) src(%dma_wait3A_304 : memref<112x128xf32, #tpu.memory_space<hbm>>) dst(%arg15 : memref<112x128xf32, #tpu.memory_space<vmem>>)
        %dma_wait3A_305 = arith.constant 1 : i32
        %dma_wait3A_306 = arith.constant 0 : i32
        %dma_wait3A_307 = arith.constant 0 : i32
        %dma_wait3A_308 = tpu.memref_slice %arg6[%dma_wait3A_305, %dma_wait3A_306, %dma_wait3A_307] : memref<3x2x112xi32, #tpu.memory_space<vmem>> -> memref<1x2x112xi32, #tpu.memory_space<vmem>>
        %dma_wait3A_309 = tpu.memref_squeeze %dma_wait3A_308 : memref<1x2x112xi32, #tpu.memory_space<vmem>> -> memref<2x112xi32, #tpu.memory_space<vmem>>
        %dma_wait3A_310 = arith.constant 0 : i32
        %dma_wait3A_311 = arith.constant 0 : i32
        %dma_wait3A_312 = tpu.memref_slice %arg3[%mul3A_2, %dma_wait3A_310, %dma_wait3A_311] : memref<2880x2x112xi32, #tpu.memory_space<hbm>> -> memref<1x2x112xi32, #tpu.memory_space<hbm>>
        %dma_wait3A_313 = tpu.memref_squeeze %dma_wait3A_312 : memref<1x2x112xi32, #tpu.memory_space<hbm>> -> memref<2x112xi32, #tpu.memory_space<hbm>>
        %dma_wait3A_314 = arith.constant 0 : i32
        %dma_wait3A_315 = arith.constant 0 : i32
        %dma_wait3A_316 = tpu.memref_slice %arg6[%dma_wait3A_305, %dma_wait3A_314, %dma_wait3A_315] : memref<3x2x112xi32, #tpu.memory_space<vmem>> -> memref<1x2x112xi32, #tpu.memory_space<vmem>>
        %dma_wait3A_317 = tpu.memref_squeeze %dma_wait3A_316 : memref<1x2x112xi32, #tpu.memory_space<vmem>> -> memref<2x112xi32, #tpu.memory_space<vmem>>
        %dma_wait3A_318 = arith.constant 0 : i32
        %dma_wait3A_319 = arith.constant 0 : i32
        %dma_wait3A_320 = tpu.memref_slice %arg3[%mul3A_2, %dma_wait3A_318, %dma_wait3A_319] : memref<2880x2x112xi32, #tpu.memory_space<hbm>> -> memref<1x2x112xi32, #tpu.memory_space<hbm>>
        %dma_wait3A_321 = tpu.memref_squeeze %dma_wait3A_320 : memref<1x2x112xi32, #tpu.memory_space<hbm>> -> memref<2x112xi32, #tpu.memory_space<hbm>>
        tpu.wait_dma2 semaphore(%arg25 : memref<!tpu.dma_semaphore, #tpu.memory_space<semaphore_mem>>) src(%dma_wait3A_321 : memref<2x112xi32, #tpu.memory_space<hbm>>) dst(%dma_wait3A_317 : memref<2x112xi32, #tpu.memory_space<vmem>>)
        %dma_wait3A_322 = arith.constant 1 : i32
        %dma_wait3A_323 = arith.constant 0 : i32
        %dma_wait3A_324 = tpu.memref_slice %arg7[%dma_wait3A_322, %dma_wait3A_323] : memref<3x112xf32, #tpu.memory_space<vmem>> -> memref<1x112xf32, #tpu.memory_space<vmem>>
        %dma_wait3A_325 = tpu.memref_squeeze %dma_wait3A_324 : memref<1x112xf32, #tpu.memory_space<vmem>> -> memref<112xf32, #tpu.memory_space<vmem>>
        %dma_wait3A_326 = arith.constant 0 : i32
        %dma_wait3A_327 = tpu.memref_slice %arg4[%mul3A_2, %dma_wait3A_326] : memref<2880x112xf32, #tpu.memory_space<hbm>> -> memref<1x112xf32, #tpu.memory_space<hbm>>
        %dma_wait3A_328 = tpu.memref_squeeze %dma_wait3A_327 : memref<1x112xf32, #tpu.memory_space<hbm>> -> memref<112xf32, #tpu.memory_space<hbm>>
        %dma_wait3A_329 = arith.constant 0 : i32
        %dma_wait3A_330 = tpu.memref_slice %arg7[%dma_wait3A_322, %dma_wait3A_329] : memref<3x112xf32, #tpu.memory_space<vmem>> -> memref<1x112xf32, #tpu.memory_space<vmem>>
        %dma_wait3A_331 = tpu.memref_squeeze %dma_wait3A_330 : memref<1x112xf32, #tpu.memory_space<vmem>> -> memref<112xf32, #tpu.memory_space<vmem>>
        %dma_wait3A_332 = arith.constant 0 : i32
        %dma_wait3A_333 = tpu.memref_slice %arg4[%mul3A_2, %dma_wait3A_332] : memref<2880x112xf32, #tpu.memory_space<hbm>> -> memref<1x112xf32, #tpu.memory_space<hbm>>
        %dma_wait3A_334 = tpu.memref_squeeze %dma_wait3A_333 : memref<1x112xf32, #tpu.memory_space<hbm>> -> memref<112xf32, #tpu.memory_space<hbm>>
        tpu.wait_dma2 semaphore(%arg25 : memref<!tpu.dma_semaphore, #tpu.memory_space<semaphore_mem>>) src(%dma_wait3A_334 : memref<112xf32, #tpu.memory_space<hbm>>) dst(%dma_wait3A_331 : memref<112xf32, #tpu.memory_space<vmem>>)
        %scan3A_335 = arith.constant 0 : i32
        %scan3A_336 = arith.constant 0 : i32
        %scan3A_337 = arith.constant 7 : i32
        %scan3A_338 = arith.addi %scan3A_336, %scan3A_337 : i32
        %scan3A_339 = arith.constant 1 : i32
        scf.for %scan3A_344 = %scan3A_336 to %scan3A_338 step %scan3A_339  : i32 {
          %mul3A_345 = arith.constant 16 : i32
          %mul3A_346 = arith.muli %scan3A_344, %mul3A_345 : i32
          %get3A = arith.constant 1 : i32
          %get3A_347 = arith.constant 0 : i32
          %get3A_348 = arith.index_cast %get3A : i32 to index
          %get3A_349 = arith.index_cast %get3A_347 : i32 to index
          %get3A_350 = arith.index_cast %mul3A_346 : i32 to index
          %get3A_351 = tpu.vector_load %arg6[%get3A_348, %get3A_349, %get3A_350] {strides = array<i32>} : memref<3x2x112xi32, #tpu.memory_space<vmem>>, vector<1x1x16xi32>,
          %get3A_352 = vector.shape_cast %get3A_351 : vector<1x1x16xi32> to vector<16xi32>
          %mul3A_353 = arith.constant 16 : i32
          %mul3A_354 = arith.muli %scan3A_344, %mul3A_353 : i32
          %swap3A_355 = arith.index_cast %mul3A_354 : i32 to index
          %swap3A_356 = tpu.vector_load %arg9[%swap3A_355] {strides = array<i32>} : memref<112xi32, #tpu.memory_space<vmem>>, vector<16xi32>,
          %swap3A_357 = vector.shape_cast %swap3A_356 : vector<16xi32> to vector<16xi32>
          %swap3A_358 = vector.shape_cast %get3A_352 : vector<16xi32> to vector<16xi32>
          tpu.vector_store %arg9[%swap3A_355], %swap3A_358 {strides = array<i32>} : memref<112xi32, #tpu.memory_space<vmem>>, vector<16xi32>,
          %mul3A_359 = arith.constant 16 : i32
          %mul3A_360 = arith.muli %scan3A_344, %mul3A_359 : i32
          %get3A_361 = arith.constant 1 : i32
          %get3A_362 = arith.constant 1 : i32
          %get3A_363 = arith.index_cast %get3A_361 : i32 to index
          %get3A_364 = arith.index_cast %get3A_362 : i32 to index
          %get3A_365 = arith.index_cast %mul3A_360 : i32 to index
          %get3A_366 = tpu.vector_load %arg6[%get3A_363, %get3A_364, %get3A_365] {strides = array<i32>} : memref<3x2x112xi32, #tpu.memory_space<vmem>>, vector<1x1x16xi32>,
          %get3A_367 = vector.shape_cast %get3A_366 : vector<1x1x16xi32> to vector<16xi32>
          %mul3A_368 = arith.constant 16 : i32
          %mul3A_369 = arith.muli %scan3A_344, %mul3A_368 : i32
          %swap3A_370 = arith.index_cast %mul3A_369 : i32 to index
          %swap3A_371 = tpu.vector_load %arg12[%swap3A_370] {strides = array<i32>} : memref<112xi32, #tpu.memory_space<vmem>>, vector<16xi32>,
          %swap3A_372 = vector.shape_cast %swap3A_371 : vector<16xi32> to vector<16xi32>
          %swap3A_373 = vector.shape_cast %get3A_367 : vector<16xi32> to vector<16xi32>
          tpu.vector_store %arg12[%swap3A_370], %swap3A_373 {strides = array<i32>} : memref<112xi32, #tpu.memory_space<vmem>>, vector<16xi32>,
        }
        %scan3A_340 = arith.constant 7 : i32
        %dma_start3A_341 = arith.constant 0 : i32
        %dma_start3A_342 = arith.constant 0 : i32
        %dma_start3A_343 = tpu.memref_slice %arg2[%dma_start3A_341, %dma_start3A_342] : memref<10240x128xf32, #tpu.memory_space<hbm>> -> memref<10240x128xf32, #tpu.memory_space<hbm>>
        tpu.enqueue_indirect_dma source(%dma_start3A_343 : memref<10240x128xf32, #tpu.memory_space<hbm>>) target(%arg15 : memref<112x128xf32, #tpu.memory_space<vmem>>) offsets(%arg9 : memref<112xi32, #tpu.memory_space<vmem>>) semaphore(%arg19 : memref<!tpu.dma_semaphore, #tpu.memory_space<semaphore_mem>>)
      } else {
      }
      %dma_wait3A_243 = arith.constant 0 : i32
      %dma_wait3A_244 = arith.constant 0 : i32
      %dma_wait3A_245 = tpu.memref_slice %arg2[%dma_wait3A_243, %dma_wait3A_244] : memref<10240x128xf32, #tpu.memory_space<hbm>> -> memref<112x128xf32, #tpu.memory_space<hbm>>
      %dma_wait3A_246 = arith.constant 0 : i32
      %dma_wait3A_247 = arith.constant 0 : i32
      %dma_wait3A_248 = tpu.memref_slice %arg2[%dma_wait3A_246, %dma_wait3A_247] : memref<10240x128xf32, #tpu.memory_space<hbm>> -> memref<112x128xf32, #tpu.memory_space<hbm>>
      tpu.wait_dma2 semaphore(%arg18 : memref<!tpu.dma_semaphore, #tpu.memory_space<semaphore_mem>>) src(%dma_wait3A_248 : memref<112x128xf32, #tpu.memory_space<hbm>>) dst(%arg14 : memref<112x128xf32, #tpu.memory_space<vmem>>)
      %dma_start3A_249 = arith.constant 0 : i32
      %dma_start3A_250 = arith.constant 0 : i32
      %dma_start3A_251 = tpu.memref_slice %arg17[%dma_start3A_249, %dma_start3A_250] : memref<10240x128xf32, #tpu.memory_space<vmem_shared>> -> memref<10240x128xf32, #tpu.memory_space<vmem_shared>>
      tpu.enqueue_indirect_dma source(%arg14 : memref<112x128xf32, #tpu.memory_space<vmem>>) target(%dma_start3A_251 : memref<10240x128xf32, #tpu.memory_space<vmem_shared>>) offsets(%arg11 : memref<112xi32, #tpu.memory_space<vmem>>) semaphore(%arg21 : memref<!tpu.dma_semaphore, #tpu.memory_space<semaphore_mem>>) {add = true}
      %mul3A_252 = arith.constant 3 : i32
      %mul3A_253 = arith.muli %mul3A_252, %scan3A_234 : i32
      %add3A_254 = arith.constant 1 : i32
      %add3A_255 = arith.addi %mul3A_253, %add3A_254 : i32
      %add3A_256 = arith.constant 1 : i32
      %add3A_257 = arith.addi %add3A_255, %add3A_256 : i32
      %lt3A_258 = arith.constant 90 : i32
      %lt3A_259 = arith.cmpi slt, %add3A_257, %lt3A_258 : i32
      %convert_element_type3A_260 = arith.extui %lt3A_259 : i1 to i32
      %cond3A_261 = arith.constant 0 : i32
      %cond3A_262 = arith.cmpi ne, %convert_element_type3A_260, %cond3A_261 : i32
      scf.if %cond3A_262 {
        %add3A_292 = arith.constant 1 : i32
        %add3A_293 = arith.addi %add3A_257, %add3A_292 : i32
        %lt3A_294 = arith.constant 90 : i32
        %lt3A_295 = arith.cmpi slt, %add3A_293, %lt3A_294 : i32
        %convert_element_type3A_296 = arith.extui %lt3A_295 : i1 to i32
        %cond3A_297 = arith.constant 0 : i32
        %cond3A_298 = arith.cmpi ne, %convert_element_type3A_296, %cond3A_297 : i32
        scf.if %cond3A_298 {
          %add3A_344 = arith.constant 1 : i32
          %add3A_345 = arith.addi %add3A_257, %add3A_344 : i32
          %add3A_346 = arith.addi %mul3A_2, %add3A_345 : i32
          %dma_start3A_347 = arith.constant 0 : i32
          %dma_start3A_348 = arith.constant 0 : i32
          %dma_start3A_349 = arith.constant 0 : i32
          %dma_start3A_350 = tpu.memref_slice %arg6[%dma_start3A_347, %dma_start3A_348, %dma_start3A_349] : memref<3x2x112xi32, #tpu.memory_space<vmem>> -> memref<1x2x112xi32, #tpu.memory_space<vmem>>
          %dma_start3A_351 = tpu.memref_squeeze %dma_start3A_350 : memref<1x2x112xi32, #tpu.memory_space<vmem>> -> memref<2x112xi32, #tpu.memory_space<vmem>>
          %dma_start3A_352 = arith.constant 0 : i32
          %dma_start3A_353 = arith.constant 0 : i32
          %dma_start3A_354 = tpu.memref_slice %arg3[%add3A_346, %dma_start3A_352, %dma_start3A_353] : memref<2880x2x112xi32, #tpu.memory_space<hbm>> -> memref<1x2x112xi32, #tpu.memory_space<hbm>>
          %dma_start3A_355 = tpu.memref_squeeze %dma_start3A_354 : memref<1x2x112xi32, #tpu.memory_space<hbm>> -> memref<2x112xi32, #tpu.memory_space<hbm>>
          %dma_start3A_356 = arith.constant 0 : i32
          %dma_start3A_357 = arith.constant 0 : i32
          %dma_start3A_358 = tpu.memref_slice %arg6[%dma_start3A_347, %dma_start3A_356, %dma_start3A_357] : memref<3x2x112xi32, #tpu.memory_space<vmem>> -> memref<1x2x112xi32, #tpu.memory_space<vmem>>
          %dma_start3A_359 = tpu.memref_squeeze %dma_start3A_358 : memref<1x2x112xi32, #tpu.memory_space<vmem>> -> memref<2x112xi32, #tpu.memory_space<vmem>>
          %dma_start3A_360 = arith.constant 0 : i32
          %dma_start3A_361 = arith.constant 0 : i32
          %dma_start3A_362 = tpu.memref_slice %arg3[%add3A_346, %dma_start3A_360, %dma_start3A_361] : memref<2880x2x112xi32, #tpu.memory_space<hbm>> -> memref<1x2x112xi32, #tpu.memory_space<hbm>>
          %dma_start3A_363 = tpu.memref_squeeze %dma_start3A_362 : memref<1x2x112xi32, #tpu.memory_space<hbm>> -> memref<2x112xi32, #tpu.memory_space<hbm>>
          tpu.enqueue_dma source(%dma_start3A_363 : memref<2x112xi32, #tpu.memory_space<hbm>>) target(%dma_start3A_359 : memref<2x112xi32, #tpu.memory_space<vmem>>) target_semaphore(%arg24 : memref<!tpu.dma_semaphore, #tpu.memory_space<semaphore_mem>>)
          %add3A_364 = arith.addi %mul3A_2, %add3A_345 : i32
          %dma_start3A_365 = arith.constant 0 : i32
          %dma_start3A_366 = arith.constant 0 : i32
          %dma_start3A_367 = tpu.memref_slice %arg7[%dma_start3A_365, %dma_start3A_366] : memref<3x112xf32, #tpu.memory_space<vmem>> -> memref<1x112xf32, #tpu.memory_space<vmem>>
          %dma_start3A_368 = tpu.memref_squeeze %dma_start3A_367 : memref<1x112xf32, #tpu.memory_space<vmem>> -> memref<112xf32, #tpu.memory_space<vmem>>
          %dma_start3A_369 = arith.constant 0 : i32
          %dma_start3A_370 = tpu.memref_slice %arg4[%add3A_364, %dma_start3A_369] : memref<2880x112xf32, #tpu.memory_space<hbm>> -> memref<1x112xf32, #tpu.memory_space<hbm>>
          %dma_start3A_371 = tpu.memref_squeeze %dma_start3A_370 : memref<1x112xf32, #tpu.memory_space<hbm>> -> memref<112xf32, #tpu.memory_space<hbm>>
          %dma_start3A_372 = arith.constant 0 : i32
          %dma_start3A_373 = tpu.memref_slice %arg7[%dma_start3A_365, %dma_start3A_372] : memref<3x112xf32, #tpu.memory_space<vmem>> -> memref<1x112xf32, #tpu.memory_space<vmem>>
          %dma_start3A_374 = tpu.memref_squeeze %dma_start3A_373 : memref<1x112xf32, #tpu.memory_space<vmem>> -> memref<112xf32, #tpu.memory_space<vmem>>
          %dma_start3A_375 = arith.constant 0 : i32
          %dma_start3A_376 = tpu.memref_slice %arg4[%add3A_364, %dma_start3A_375] : memref<2880x112xf32, #tpu.memory_space<hbm>> -> memref<1x112xf32, #tpu.memory_space<hbm>>
          %dma_start3A_377 = tpu.memref_squeeze %dma_start3A_376 : memref<1x112xf32, #tpu.memory_space<hbm>> -> memref<112xf32, #tpu.memory_space<hbm>>
          tpu.enqueue_dma source(%dma_start3A_377 : memref<112xf32, #tpu.memory_space<hbm>>) target(%dma_start3A_374 : memref<112xf32, #tpu.memory_space<vmem>>) target_semaphore(%arg24 : memref<!tpu.dma_semaphore, #tpu.memory_space<semaphore_mem>>)
        } else {
        }
        %dma_wait3A_299 = arith.constant 0 : i32
        %dma_wait3A_300 = arith.constant 0 : i32
        %dma_wait3A_301 = tpu.memref_slice %arg2[%dma_wait3A_299, %dma_wait3A_300] : memref<10240x128xf32, #tpu.memory_space<hbm>> -> memref<112x128xf32, #tpu.memory_space<hbm>>
        %dma_wait3A_302 = arith.constant 0 : i32
        %dma_wait3A_303 = arith.constant 0 : i32
        %dma_wait3A_304 = tpu.memref_slice %arg2[%dma_wait3A_302, %dma_wait3A_303] : memref<10240x128xf32, #tpu.memory_space<hbm>> -> memref<112x128xf32, #tpu.memory_space<hbm>>
        tpu.wait_dma2 semaphore(%arg23 : memref<!tpu.dma_semaphore, #tpu.memory_space<semaphore_mem>>) src(%dma_wait3A_304 : memref<112x128xf32, #tpu.memory_space<hbm>>) dst(%arg16 : memref<112x128xf32, #tpu.memory_space<vmem>>)
        %dma_wait3A_305 = arith.constant 2 : i32
        %dma_wait3A_306 = arith.constant 0 : i32
        %dma_wait3A_307 = arith.constant 0 : i32
        %dma_wait3A_308 = tpu.memref_slice %arg6[%dma_wait3A_305, %dma_wait3A_306, %dma_wait3A_307] : memref<3x2x112xi32, #tpu.memory_space<vmem>> -> memref<1x2x112xi32, #tpu.memory_space<vmem>>
        %dma_wait3A_309 = tpu.memref_squeeze %dma_wait3A_308 : memref<1x2x112xi32, #tpu.memory_space<vmem>> -> memref<2x112xi32, #tpu.memory_space<vmem>>
        %dma_wait3A_310 = arith.constant 0 : i32
        %dma_wait3A_311 = arith.constant 0 : i32
        %dma_wait3A_312 = tpu.memref_slice %arg3[%mul3A_2, %dma_wait3A_310, %dma_wait3A_311] : memref<2880x2x112xi32, #tpu.memory_space<hbm>> -> memref<1x2x112xi32, #tpu.memory_space<hbm>>
        %dma_wait3A_313 = tpu.memref_squeeze %dma_wait3A_312 : memref<1x2x112xi32, #tpu.memory_space<hbm>> -> memref<2x112xi32, #tpu.memory_space<hbm>>
        %dma_wait3A_314 = arith.constant 0 : i32
        %dma_wait3A_315 = arith.constant 0 : i32
        %dma_wait3A_316 = tpu.memref_slice %arg6[%dma_wait3A_305, %dma_wait3A_314, %dma_wait3A_315] : memref<3x2x112xi32, #tpu.memory_space<vmem>> -> memref<1x2x112xi32, #tpu.memory_space<vmem>>
        %dma_wait3A_317 = tpu.memref_squeeze %dma_wait3A_316 : memref<1x2x112xi32, #tpu.memory_space<vmem>> -> memref<2x112xi32, #tpu.memory_space<vmem>>
        %dma_wait3A_318 = arith.constant 0 : i32
        %dma_wait3A_319 = arith.constant 0 : i32
        %dma_wait3A_320 = tpu.memref_slice %arg3[%mul3A_2, %dma_wait3A_318, %dma_wait3A_319] : memref<2880x2x112xi32, #tpu.memory_space<hbm>> -> memref<1x2x112xi32, #tpu.memory_space<hbm>>
        %dma_wait3A_321 = tpu.memref_squeeze %dma_wait3A_320 : memref<1x2x112xi32, #tpu.memory_space<hbm>> -> memref<2x112xi32, #tpu.memory_space<hbm>>
        tpu.wait_dma2 semaphore(%arg26 : memref<!tpu.dma_semaphore, #tpu.memory_space<semaphore_mem>>) src(%dma_wait3A_321 : memref<2x112xi32, #tpu.memory_space<hbm>>) dst(%dma_wait3A_317 : memref<2x112xi32, #tpu.memory_space<vmem>>)
        %dma_wait3A_322 = arith.constant 2 : i32
        %dma_wait3A_323 = arith.constant 0 : i32
        %dma_wait3A_324 = tpu.memref_slice %arg7[%dma_wait3A_322, %dma_wait3A_323] : memref<3x112xf32, #tpu.memory_space<vmem>> -> memref<1x112xf32, #tpu.memory_space<vmem>>
        %dma_wait3A_325 = tpu.memref_squeeze %dma_wait3A_324 : memref<1x112xf32, #tpu.memory_space<vmem>> -> memref<112xf32, #tpu.memory_space<vmem>>
        %dma_wait3A_326 = arith.constant 0 : i32
        %dma_wait3A_327 = tpu.memref_slice %arg4[%mul3A_2, %dma_wait3A_326] : memref<2880x112xf32, #tpu.memory_space<hbm>> -> memref<1x112xf32, #tpu.memory_space<hbm>>
        %dma_wait3A_328 = tpu.memref_squeeze %dma_wait3A_327 : memref<1x112xf32, #tpu.memory_space<hbm>> -> memref<112xf32, #tpu.memory_space<hbm>>
        %dma_wait3A_329 = arith.constant 0 : i32
        %dma_wait3A_330 = tpu.memref_slice %arg7[%dma_wait3A_322, %dma_wait3A_329] : memref<3x112xf32, #tpu.memory_space<vmem>> -> memref<1x112xf32, #tpu.memory_space<vmem>>
        %dma_wait3A_331 = tpu.memref_squeeze %dma_wait3A_330 : memref<1x112xf32, #tpu.memory_space<vmem>> -> memref<112xf32, #tpu.memory_space<vmem>>
        %dma_wait3A_332 = arith.constant 0 : i32
        %dma_wait3A_333 = tpu.memref_slice %arg4[%mul3A_2, %dma_wait3A_332] : memref<2880x112xf32, #tpu.memory_space<hbm>> -> memref<1x112xf32, #tpu.memory_space<hbm>>
        %dma_wait3A_334 = tpu.memref_squeeze %dma_wait3A_333 : memref<1x112xf32, #tpu.memory_space<hbm>> -> memref<112xf32, #tpu.memory_space<hbm>>
        tpu.wait_dma2 semaphore(%arg26 : memref<!tpu.dma_semaphore, #tpu.memory_space<semaphore_mem>>) src(%dma_wait3A_334 : memref<112xf32, #tpu.memory_space<hbm>>) dst(%dma_wait3A_331 : memref<112xf32, #tpu.memory_space<vmem>>)
        %scan3A_335 = arith.constant 0 : i32
        %scan3A_336 = arith.constant 0 : i32
        %scan3A_337 = arith.constant 7 : i32
        %scan3A_338 = arith.addi %scan3A_336, %scan3A_337 : i32
        %scan3A_339 = arith.constant 1 : i32
        scf.for %scan3A_344 = %scan3A_336 to %scan3A_338 step %scan3A_339  : i32 {
          %mul3A_345 = arith.constant 16 : i32
          %mul3A_346 = arith.muli %scan3A_344, %mul3A_345 : i32
          %get3A = arith.constant 2 : i32
          %get3A_347 = arith.constant 0 : i32
          %get3A_348 = arith.index_cast %get3A : i32 to index
          %get3A_349 = arith.index_cast %get3A_347 : i32 to index
          %get3A_350 = arith.index_cast %mul3A_346 : i32 to index
          %get3A_351 = tpu.vector_load %arg6[%get3A_348, %get3A_349, %get3A_350] {strides = array<i32>} : memref<3x2x112xi32, #tpu.memory_space<vmem>>, vector<1x1x16xi32>,
          %get3A_352 = vector.shape_cast %get3A_351 : vector<1x1x16xi32> to vector<16xi32>
          %mul3A_353 = arith.constant 16 : i32
          %mul3A_354 = arith.muli %scan3A_344, %mul3A_353 : i32
          %swap3A_355 = arith.index_cast %mul3A_354 : i32 to index
          %swap3A_356 = tpu.vector_load %arg10[%swap3A_355] {strides = array<i32>} : memref<112xi32, #tpu.memory_space<vmem>>, vector<16xi32>,
          %swap3A_357 = vector.shape_cast %swap3A_356 : vector<16xi32> to vector<16xi32>
          %swap3A_358 = vector.shape_cast %get3A_352 : vector<16xi32> to vector<16xi32>
          tpu.vector_store %arg10[%swap3A_355], %swap3A_358 {strides = array<i32>} : memref<112xi32, #tpu.memory_space<vmem>>, vector<16xi32>,
          %mul3A_359 = arith.constant 16 : i32
          %mul3A_360 = arith.muli %scan3A_344, %mul3A_359 : i32
          %get3A_361 = arith.constant 2 : i32
          %get3A_362 = arith.constant 1 : i32
          %get3A_363 = arith.index_cast %get3A_361 : i32 to index
          %get3A_364 = arith.index_cast %get3A_362 : i32 to index
          %get3A_365 = arith.index_cast %mul3A_360 : i32 to index
          %get3A_366 = tpu.vector_load %arg6[%get3A_363, %get3A_364, %get3A_365] {strides = array<i32>} : memref<3x2x112xi32, #tpu.memory_space<vmem>>, vector<1x1x16xi32>,
          %get3A_367 = vector.shape_cast %get3A_366 : vector<1x1x16xi32> to vector<16xi32>
          %mul3A_368 = arith.constant 16 : i32
          %mul3A_369 = arith.muli %scan3A_344, %mul3A_368 : i32
          %swap3A_370 = arith.index_cast %mul3A_369 : i32 to index
          %swap3A_371 = tpu.vector_load %arg13[%swap3A_370] {strides = array<i32>} : memref<112xi32, #tpu.memory_space<vmem>>, vector<16xi32>,
          %swap3A_372 = vector.shape_cast %swap3A_371 : vector<16xi32> to vector<16xi32>
          %swap3A_373 = vector.shape_cast %get3A_367 : vector<16xi32> to vector<16xi32>
          tpu.vector_store %arg13[%swap3A_370], %swap3A_373 {strides = array<i32>} : memref<112xi32, #tpu.memory_space<vmem>>, vector<16xi32>,
        }
        %scan3A_340 = arith.constant 7 : i32
        %dma_start3A_341 = arith.constant 0 : i32
        %dma_start3A_342 = arith.constant 0 : i32
        %dma_start3A_343 = tpu.memref_slice %arg2[%dma_start3A_341, %dma_start3A_342] : memref<10240x128xf32, #tpu.memory_space<hbm>> -> memref<10240x128xf32, #tpu.memory_space<hbm>>
        tpu.enqueue_indirect_dma source(%dma_start3A_343 : memref<10240x128xf32, #tpu.memory_space<hbm>>) target(%arg16 : memref<112x128xf32, #tpu.memory_space<vmem>>) offsets(%arg10 : memref<112xi32, #tpu.memory_space<vmem>>) semaphore(%arg20 : memref<!tpu.dma_semaphore, #tpu.memory_space<semaphore_mem>>)
      } else {
      }
      %dma_wait3A_263 = arith.constant 0 : i32
      %dma_wait3A_264 = arith.constant 0 : i32
      %dma_wait3A_265 = tpu.memref_slice %arg2[%dma_wait3A_263, %dma_wait3A_264] : memref<10240x128xf32, #tpu.memory_space<hbm>> -> memref<112x128xf32, #tpu.memory_space<hbm>>
      %dma_wait3A_266 = arith.constant 0 : i32
      %dma_wait3A_267 = arith.constant 0 : i32
      %dma_wait3A_268 = tpu.memref_slice %arg2[%dma_wait3A_266, %dma_wait3A_267] : memref<10240x128xf32, #tpu.memory_space<hbm>> -> memref<112x128xf32, #tpu.memory_space<hbm>>
      tpu.wait_dma2 semaphore(%arg19 : memref<!tpu.dma_semaphore, #tpu.memory_space<semaphore_mem>>) src(%dma_wait3A_268 : memref<112x128xf32, #tpu.memory_space<hbm>>) dst(%arg15 : memref<112x128xf32, #tpu.memory_space<vmem>>)
      %dma_start3A_269 = arith.constant 0 : i32
      %dma_start3A_270 = arith.constant 0 : i32
      %dma_start3A_271 = tpu.memref_slice %arg17[%dma_start3A_269, %dma_start3A_270] : memref<10240x128xf32, #tpu.memory_space<vmem_shared>> -> memref<10240x128xf32, #tpu.memory_space<vmem_shared>>
      tpu.enqueue_indirect_dma source(%arg15 : memref<112x128xf32, #tpu.memory_space<vmem>>) target(%dma_start3A_271 : memref<10240x128xf32, #tpu.memory_space<vmem_shared>>) offsets(%arg12 : memref<112xi32, #tpu.memory_space<vmem>>) semaphore(%arg22 : memref<!tpu.dma_semaphore, #tpu.memory_space<semaphore_mem>>) {add = true}
      %mul3A_272 = arith.constant 3 : i32
      %mul3A_273 = arith.muli %mul3A_272, %scan3A_234 : i32
      %add3A_274 = arith.constant 2 : i32
      %add3A_275 = arith.addi %mul3A_273, %add3A_274 : i32
      %add3A_276 = arith.constant 1 : i32
      %add3A_277 = arith.addi %add3A_275, %add3A_276 : i32
      %lt3A_278 = arith.constant 90 : i32
      %lt3A_279 = arith.cmpi slt, %add3A_277, %lt3A_278 : i32
      %convert_element_type3A_280 = arith.extui %lt3A_279 : i1 to i32
      %cond3A_281 = arith.constant 0 : i32
      %cond3A_282 = arith.cmpi ne, %convert_element_type3A_280, %cond3A_281 : i32
      scf.if %cond3A_282 {
        %add3A_292 = arith.constant 1 : i32
        %add3A_293 = arith.addi %add3A_277, %add3A_292 : i32
        %lt3A_294 = arith.constant 90 : i32
        %lt3A_295 = arith.cmpi slt, %add3A_293, %lt3A_294 : i32
        %convert_element_type3A_296 = arith.extui %lt3A_295 : i1 to i32
        %cond3A_297 = arith.constant 0 : i32
        %cond3A_298 = arith.cmpi ne, %convert_element_type3A_296, %cond3A_297 : i32
        scf.if %cond3A_298 {
          %add3A_344 = arith.constant 1 : i32
          %add3A_345 = arith.addi %add3A_277, %add3A_344 : i32
          %add3A_346 = arith.addi %mul3A_2, %add3A_345 : i32
          %dma_start3A_347 = arith.constant 1 : i32
          %dma_start3A_348 = arith.constant 0 : i32
          %dma_start3A_349 = arith.constant 0 : i32
          %dma_start3A_350 = tpu.memref_slice %arg6[%dma_start3A_347, %dma_start3A_348, %dma_start3A_349] : memref<3x2x112xi32, #tpu.memory_space<vmem>> -> memref<1x2x112xi32, #tpu.memory_space<vmem>>
          %dma_start3A_351 = tpu.memref_squeeze %dma_start3A_350 : memref<1x2x112xi32, #tpu.memory_space<vmem>> -> memref<2x112xi32, #tpu.memory_space<vmem>>
          %dma_start3A_352 = arith.constant 0 : i32
          %dma_start3A_353 = arith.constant 0 : i32
          %dma_start3A_354 = tpu.memref_slice %arg3[%add3A_346, %dma_start3A_352, %dma_start3A_353] : memref<2880x2x112xi32, #tpu.memory_space<hbm>> -> memref<1x2x112xi32, #tpu.memory_space<hbm>>
          %dma_start3A_355 = tpu.memref_squeeze %dma_start3A_354 : memref<1x2x112xi32, #tpu.memory_space<hbm>> -> memref<2x112xi32, #tpu.memory_space<hbm>>
          %dma_start3A_356 = arith.constant 0 : i32
          %dma_start3A_357 = arith.constant 0 : i32
          %dma_start3A_358 = tpu.memref_slice %arg6[%dma_start3A_347, %dma_start3A_356, %dma_start3A_357] : memref<3x2x112xi32, #tpu.memory_space<vmem>> -> memref<1x2x112xi32, #tpu.memory_space<vmem>>
          %dma_start3A_359 = tpu.memref_squeeze %dma_start3A_358 : memref<1x2x112xi32, #tpu.memory_space<vmem>> -> memref<2x112xi32, #tpu.memory_space<vmem>>
          %dma_start3A_360 = arith.constant 0 : i32
          %dma_start3A_361 = arith.constant 0 : i32
          %dma_start3A_362 = tpu.memref_slice %arg3[%add3A_346, %dma_start3A_360, %dma_start3A_361] : memref<2880x2x112xi32, #tpu.memory_space<hbm>> -> memref<1x2x112xi32, #tpu.memory_space<hbm>>
          %dma_start3A_363 = tpu.memref_squeeze %dma_start3A_362 : memref<1x2x112xi32, #tpu.memory_space<hbm>> -> memref<2x112xi32, #tpu.memory_space<hbm>>
          tpu.enqueue_dma source(%dma_start3A_363 : memref<2x112xi32, #tpu.memory_space<hbm>>) target(%dma_start3A_359 : memref<2x112xi32, #tpu.memory_space<vmem>>) target_semaphore(%arg25 : memref<!tpu.dma_semaphore, #tpu.memory_space<semaphore_mem>>)
          %add3A_364 = arith.addi %mul3A_2, %add3A_345 : i32
          %dma_start3A_365 = arith.constant 1 : i32
          %dma_start3A_366 = arith.constant 0 : i32
          %dma_start3A_367 = tpu.memref_slice %arg7[%dma_start3A_365, %dma_start3A_366] : memref<3x112xf32, #tpu.memory_space<vmem>> -> memref<1x112xf32, #tpu.memory_space<vmem>>
          %dma_start3A_368 = tpu.memref_squeeze %dma_start3A_367 : memref<1x112xf32, #tpu.memory_space<vmem>> -> memref<112xf32, #tpu.memory_space<vmem>>
          %dma_start3A_369 = arith.constant 0 : i32
          %dma_start3A_370 = tpu.memref_slice %arg4[%add3A_364, %dma_start3A_369] : memref<2880x112xf32, #tpu.memory_space<hbm>> -> memref<1x112xf32, #tpu.memory_space<hbm>>
          %dma_start3A_371 = tpu.memref_squeeze %dma_start3A_370 : memref<1x112xf32, #tpu.memory_space<hbm>> -> memref<112xf32, #tpu.memory_space<hbm>>
          %dma_start3A_372 = arith.constant 0 : i32
          %dma_start3A_373 = tpu.memref_slice %arg7[%dma_start3A_365, %dma_start3A_372] : memref<3x112xf32, #tpu.memory_space<vmem>> -> memref<1x112xf32, #tpu.memory_space<vmem>>
          %dma_start3A_374 = tpu.memref_squeeze %dma_start3A_373 : memref<1x112xf32, #tpu.memory_space<vmem>> -> memref<112xf32, #tpu.memory_space<vmem>>
          %dma_start3A_375 = arith.constant 0 : i32
          %dma_start3A_376 = tpu.memref_slice %arg4[%add3A_364, %dma_start3A_375] : memref<2880x112xf32, #tpu.memory_space<hbm>> -> memref<1x112xf32, #tpu.memory_space<hbm>>
          %dma_start3A_377 = tpu.memref_squeeze %dma_start3A_376 : memref<1x112xf32, #tpu.memory_space<hbm>> -> memref<112xf32, #tpu.memory_space<hbm>>
          tpu.enqueue_dma source(%dma_start3A_377 : memref<112xf32, #tpu.memory_space<hbm>>) target(%dma_start3A_374 : memref<112xf32, #tpu.memory_space<vmem>>) target_semaphore(%arg25 : memref<!tpu.dma_semaphore, #tpu.memory_space<semaphore_mem>>)
        } else {
        }
        %dma_wait3A_299 = arith.constant 0 : i32
        %dma_wait3A_300 = arith.constant 0 : i32
        %dma_wait3A_301 = tpu.memref_slice %arg2[%dma_wait3A_299, %dma_wait3A_300] : memref<10240x128xf32, #tpu.memory_space<hbm>> -> memref<112x128xf32, #tpu.memory_space<hbm>>
        %dma_wait3A_302 = arith.constant 0 : i32
        %dma_wait3A_303 = arith.constant 0 : i32
        %dma_wait3A_304 = tpu.memref_slice %arg2[%dma_wait3A_302, %dma_wait3A_303] : memref<10240x128xf32, #tpu.memory_space<hbm>> -> memref<112x128xf32, #tpu.memory_space<hbm>>
        tpu.wait_dma2 semaphore(%arg21 : memref<!tpu.dma_semaphore, #tpu.memory_space<semaphore_mem>>) src(%dma_wait3A_304 : memref<112x128xf32, #tpu.memory_space<hbm>>) dst(%arg14 : memref<112x128xf32, #tpu.memory_space<vmem>>)
        %dma_wait3A_305 = arith.constant 0 : i32
        %dma_wait3A_306 = arith.constant 0 : i32
        %dma_wait3A_307 = arith.constant 0 : i32
        %dma_wait3A_308 = tpu.memref_slice %arg6[%dma_wait3A_305, %dma_wait3A_306, %dma_wait3A_307] : memref<3x2x112xi32, #tpu.memory_space<vmem>> -> memref<1x2x112xi32, #tpu.memory_space<vmem>>
        %dma_wait3A_309 = tpu.memref_squeeze %dma_wait3A_308 : memref<1x2x112xi32, #tpu.memory_space<vmem>> -> memref<2x112xi32, #tpu.memory_space<vmem>>
        %dma_wait3A_310 = arith.constant 0 : i32
        %dma_wait3A_311 = arith.constant 0 : i32
        %dma_wait3A_312 = tpu.memref_slice %arg3[%mul3A_2, %dma_wait3A_310, %dma_wait3A_311] : memref<2880x2x112xi32, #tpu.memory_space<hbm>> -> memref<1x2x112xi32, #tpu.memory_space<hbm>>
        %dma_wait3A_313 = tpu.memref_squeeze %dma_wait3A_312 : memref<1x2x112xi32, #tpu.memory_space<hbm>> -> memref<2x112xi32, #tpu.memory_space<hbm>>
        %dma_wait3A_314 = arith.constant 0 : i32
        %dma_wait3A_315 = arith.constant 0 : i32
        %dma_wait3A_316 = tpu.memref_slice %arg6[%dma_wait3A_305, %dma_wait3A_314, %dma_wait3A_315] : memref<3x2x112xi32, #tpu.memory_space<vmem>> -> memref<1x2x112xi32, #tpu.memory_space<vmem>>
        %dma_wait3A_317 = tpu.memref_squeeze %dma_wait3A_316 : memref<1x2x112xi32, #tpu.memory_space<vmem>> -> memref<2x112xi32, #tpu.memory_space<vmem>>
        %dma_wait3A_318 = arith.constant 0 : i32
        %dma_wait3A_319 = arith.constant 0 : i32
        %dma_wait3A_320 = tpu.memref_slice %arg3[%mul3A_2, %dma_wait3A_318, %dma_wait3A_319] : memref<2880x2x112xi32, #tpu.memory_space<hbm>> -> memref<1x2x112xi32, #tpu.memory_space<hbm>>
        %dma_wait3A_321 = tpu.memref_squeeze %dma_wait3A_320 : memref<1x2x112xi32, #tpu.memory_space<hbm>> -> memref<2x112xi32, #tpu.memory_space<hbm>>
        tpu.wait_dma2 semaphore(%arg24 : memref<!tpu.dma_semaphore, #tpu.memory_space<semaphore_mem>>) src(%dma_wait3A_321 : memref<2x112xi32, #tpu.memory_space<hbm>>) dst(%dma_wait3A_317 : memref<2x112xi32, #tpu.memory_space<vmem>>)
        %dma_wait3A_322 = arith.constant 0 : i32
        %dma_wait3A_323 = arith.constant 0 : i32
        %dma_wait3A_324 = tpu.memref_slice %arg7[%dma_wait3A_322, %dma_wait3A_323] : memref<3x112xf32, #tpu.memory_space<vmem>> -> memref<1x112xf32, #tpu.memory_space<vmem>>
        %dma_wait3A_325 = tpu.memref_squeeze %dma_wait3A_324 : memref<1x112xf32, #tpu.memory_space<vmem>> -> memref<112xf32, #tpu.memory_space<vmem>>
        %dma_wait3A_326 = arith.constant 0 : i32
        %dma_wait3A_327 = tpu.memref_slice %arg4[%mul3A_2, %dma_wait3A_326] : memref<2880x112xf32, #tpu.memory_space<hbm>> -> memref<1x112xf32, #tpu.memory_space<hbm>>
        %dma_wait3A_328 = tpu.memref_squeeze %dma_wait3A_327 : memref<1x112xf32, #tpu.memory_space<hbm>> -> memref<112xf32, #tpu.memory_space<hbm>>
        %dma_wait3A_329 = arith.constant 0 : i32
        %dma_wait3A_330 = tpu.memref_slice %arg7[%dma_wait3A_322, %dma_wait3A_329] : memref<3x112xf32, #tpu.memory_space<vmem>> -> memref<1x112xf32, #tpu.memory_space<vmem>>
        %dma_wait3A_331 = tpu.memref_squeeze %dma_wait3A_330 : memref<1x112xf32, #tpu.memory_space<vmem>> -> memref<112xf32, #tpu.memory_space<vmem>>
        %dma_wait3A_332 = arith.constant 0 : i32
        %dma_wait3A_333 = tpu.memref_slice %arg4[%mul3A_2, %dma_wait3A_332] : memref<2880x112xf32, #tpu.memory_space<hbm>> -> memref<1x112xf32, #tpu.memory_space<hbm>>
        %dma_wait3A_334 = tpu.memref_squeeze %dma_wait3A_333 : memref<1x112xf32, #tpu.memory_space<hbm>> -> memref<112xf32, #tpu.memory_space<hbm>>
        tpu.wait_dma2 semaphore(%arg24 : memref<!tpu.dma_semaphore, #tpu.memory_space<semaphore_mem>>) src(%dma_wait3A_334 : memref<112xf32, #tpu.memory_space<hbm>>) dst(%dma_wait3A_331 : memref<112xf32, #tpu.memory_space<vmem>>)
        %scan3A_335 = arith.constant 0 : i32
        %scan3A_336 = arith.constant 0 : i32
        %scan3A_337 = arith.constant 7 : i32
        %scan3A_338 = arith.addi %scan3A_336, %scan3A_337 : i32
        %scan3A_339 = arith.constant 1 : i32
        scf.for %scan3A_344 = %scan3A_336 to %scan3A_338 step %scan3A_339  : i32 {
          %mul3A_345 = arith.constant 16 : i32
          %mul3A_346 = arith.muli %scan3A_344, %mul3A_345 : i32
          %get3A = arith.constant 0 : i32
          %get3A_347 = arith.constant 0 : i32
          %get3A_348 = arith.index_cast %get3A : i32 to index
          %get3A_349 = arith.index_cast %get3A_347 : i32 to index
          %get3A_350 = arith.index_cast %mul3A_346 : i32 to index
          %get3A_351 = tpu.vector_load %arg6[%get3A_348, %get3A_349, %get3A_350] {strides = array<i32>} : memref<3x2x112xi32, #tpu.memory_space<vmem>>, vector<1x1x16xi32>,
          %get3A_352 = vector.shape_cast %get3A_351 : vector<1x1x16xi32> to vector<16xi32>
          %mul3A_353 = arith.constant 16 : i32
          %mul3A_354 = arith.muli %scan3A_344, %mul3A_353 : i32
          %swap3A_355 = arith.index_cast %mul3A_354 : i32 to index
          %swap3A_356 = tpu.vector_load %arg8[%swap3A_355] {strides = array<i32>} : memref<112xi32, #tpu.memory_space<vmem>>, vector<16xi32>,
          %swap3A_357 = vector.shape_cast %swap3A_356 : vector<16xi32> to vector<16xi32>
          %swap3A_358 = vector.shape_cast %get3A_352 : vector<16xi32> to vector<16xi32>
          tpu.vector_store %arg8[%swap3A_355], %swap3A_358 {strides = array<i32>} : memref<112xi32, #tpu.memory_space<vmem>>, vector<16xi32>,
          %mul3A_359 = arith.constant 16 : i32
          %mul3A_360 = arith.muli %scan3A_344, %mul3A_359 : i32
          %get3A_361 = arith.constant 0 : i32
          %get3A_362 = arith.constant 1 : i32
          %get3A_363 = arith.index_cast %get3A_361 : i32 to index
          %get3A_364 = arith.index_cast %get3A_362 : i32 to index
          %get3A_365 = arith.index_cast %mul3A_360 : i32 to index
          %get3A_366 = tpu.vector_load %arg6[%get3A_363, %get3A_364, %get3A_365] {strides = array<i32>} : memref<3x2x112xi32, #tpu.memory_space<vmem>>, vector<1x1x16xi32>,
          %get3A_367 = vector.shape_cast %get3A_366 : vector<1x1x16xi32> to vector<16xi32>
          %mul3A_368 = arith.constant 16 : i32
          %mul3A_369 = arith.muli %scan3A_344, %mul3A_368 : i32
          %swap3A_370 = arith.index_cast %mul3A_369 : i32 to index
          %swap3A_371 = tpu.vector_load %arg11[%swap3A_370] {strides = array<i32>} : memref<112xi32, #tpu.memory_space<vmem>>, vector<16xi32>,
          %swap3A_372 = vector.shape_cast %swap3A_371 : vector<16xi32> to vector<16xi32>
          %swap3A_373 = vector.shape_cast %get3A_367 : vector<16xi32> to vector<16xi32>
          tpu.vector_store %arg11[%swap3A_370], %swap3A_373 {strides = array<i32>} : memref<112xi32, #tpu.memory_space<vmem>>, vector<16xi32>,
        }
        %scan3A_340 = arith.constant 7 : i32
        %dma_start3A_341 = arith.constant 0 : i32
        %dma_start3A_342 = arith.constant 0 : i32
        %dma_start3A_343 = tpu.memref_slice %arg2[%dma_start3A_341, %dma_start3A_342] : memref<10240x128xf32, #tpu.memory_space<hbm>> -> memref<10240x128xf32, #tpu.memory_space<hbm>>
        tpu.enqueue_indirect_dma source(%dma_start3A_343 : memref<10240x128xf32, #tpu.memory_space<hbm>>) target(%arg14 : memref<112x128xf32, #tpu.memory_space<vmem>>) offsets(%arg8 : memref<112xi32, #tpu.memory_space<vmem>>) semaphore(%arg18 : memref<!tpu.dma_semaphore, #tpu.memory_space<semaphore_mem>>)
      } else {
      }
      %dma_wait3A_283 = arith.constant 0 : i32
      %dma_wait3A_284 = arith.constant 0 : i32
      %dma_wait3A_285 = tpu.memref_slice %arg2[%dma_wait3A_283, %dma_wait3A_284] : memref<10240x128xf32, #tpu.memory_space<hbm>> -> memref<112x128xf32, #tpu.memory_space<hbm>>
      %dma_wait3A_286 = arith.constant 0 : i32
      %dma_wait3A_287 = arith.constant 0 : i32
      %dma_wait3A_288 = tpu.memref_slice %arg2[%dma_wait3A_286, %dma_wait3A_287] : memref<10240x128xf32, #tpu.memory_space<hbm>> -> memref<112x128xf32, #tpu.memory_space<hbm>>
      tpu.wait_dma2 semaphore(%arg20 : memref<!tpu.dma_semaphore, #tpu.memory_space<semaphore_mem>>) src(%dma_wait3A_288 : memref<112x128xf32, #tpu.memory_space<hbm>>) dst(%arg16 : memref<112x128xf32, #tpu.memory_space<vmem>>)
      %dma_start3A_289 = arith.constant 0 : i32
      %dma_start3A_290 = arith.constant 0 : i32
      %dma_start3A_291 = tpu.memref_slice %arg17[%dma_start3A_289, %dma_start3A_290] : memref<10240x128xf32, #tpu.memory_space<vmem_shared>> -> memref<10240x128xf32, #tpu.memory_space<vmem_shared>>
      tpu.enqueue_indirect_dma source(%arg16 : memref<112x128xf32, #tpu.memory_space<vmem>>) target(%dma_start3A_291 : memref<10240x128xf32, #tpu.memory_space<vmem_shared>>) offsets(%arg13 : memref<112xi32, #tpu.memory_space<vmem>>) semaphore(%arg23 : memref<!tpu.dma_semaphore, #tpu.memory_space<semaphore_mem>>) {add = true}
    }
    %scan3A_210 = arith.constant 30 : i32
    %dma_wait3A_211 = arith.constant 0 : i32
    %dma_wait3A_212 = arith.constant 0 : i32
    %dma_wait3A_213 = tpu.memref_slice %arg2[%dma_wait3A_211, %dma_wait3A_212] : memref<10240x128xf32, #tpu.memory_space<hbm>> -> memref<112x128xf32, #tpu.memory_space<hbm>>
    %dma_wait3A_214 = arith.constant 0 : i32
    %dma_wait3A_215 = arith.constant 0 : i32
    %dma_wait3A_216 = tpu.memref_slice %arg2[%dma_wait3A_214, %dma_wait3A_215] : memref<10240x128xf32, #tpu.memory_space<hbm>> -> memref<112x128xf32, #tpu.memory_space<hbm>>
    tpu.wait_dma2 semaphore(%arg21 : memref<!tpu.dma_semaphore, #tpu.memory_space<semaphore_mem>>) src(%dma_wait3A_216 : memref<112x128xf32, #tpu.memory_space<hbm>>) dst(%arg14 : memref<112x128xf32, #tpu.memory_space<vmem>>)
    %dma_wait3A_217 = arith.constant 0 : i32
    %dma_wait3A_218 = arith.constant 0 : i32
    %dma_wait3A_219 = tpu.memref_slice %arg2[%dma_wait3A_217, %dma_wait3A_218] : memref<10240x128xf32, #tpu.memory_space<hbm>> -> memref<112x128xf32, #tpu.memory_space<hbm>>
    %dma_wait3A_220 = arith.constant 0 : i32
    %dma_wait3A_221 = arith.constant 0 : i32
    %dma_wait3A_222 = tpu.memref_slice %arg2[%dma_wait3A_220, %dma_wait3A_221] : memref<10240x128xf32, #tpu.memory_space<hbm>> -> memref<112x128xf32, #tpu.memory_space<hbm>>
    tpu.wait_dma2 semaphore(%arg22 : memref<!tpu.dma_semaphore, #tpu.memory_space<semaphore_mem>>) src(%dma_wait3A_222 : memref<112x128xf32, #tpu.memory_space<hbm>>) dst(%arg15 : memref<112x128xf32, #tpu.memory_space<vmem>>)
    %dma_wait3A_223 = arith.constant 0 : i32
    %dma_wait3A_224 = arith.constant 0 : i32
    %dma_wait3A_225 = tpu.memref_slice %arg2[%dma_wait3A_223, %dma_wait3A_224] : memref<10240x128xf32, #tpu.memory_space<hbm>> -> memref<112x128xf32, #tpu.memory_space<hbm>>
    %dma_wait3A_226 = arith.constant 0 : i32
    %dma_wait3A_227 = arith.constant 0 : i32
    %dma_wait3A_228 = tpu.memref_slice %arg2[%dma_wait3A_226, %dma_wait3A_227] : memref<10240x128xf32, #tpu.memory_space<hbm>> -> memref<112x128xf32, #tpu.memory_space<hbm>>
    tpu.wait_dma2 semaphore(%arg23 : memref<!tpu.dma_semaphore, #tpu.memory_space<semaphore_mem>>) src(%dma_wait3A_228 : memref<112x128xf32, #tpu.memory_space<hbm>>) dst(%arg16 : memref<112x128xf32, #tpu.memory_space<vmem>>)
    %barrier3A_229 = arith.constant 0 : index
    tpu.barrier barrier_id(%barrier3A_229)
    %mul3A_230 = arith.constant 640 : i32
    %mul3A_231 = arith.muli %arg1, %mul3A_230 : i32
    %mul3A_232 = arith.constant 640 : i32
    %mul3A_233 = arith.muli %arg1, %mul3A_232 : i32
    "tpu.region"() ({
      %run_scoped3A = tpu.sem_alloc : memref<!tpu.dma_semaphore, #tpu.memory_space<semaphore_mem>>
      %dma_start3A_234 = arith.constant 0 : i32
      %dma_start3A_235 = tpu.memref_slice %arg5[%arg0, %mul3A_233, %dma_start3A_234] : memref<2x10240x128xf32, #tpu.memory_space<hbm>> -> memref<1x640x128xf32, #tpu.memory_space<hbm>>
      %dma_start3A_236 = tpu.memref_squeeze %dma_start3A_235 : memref<1x640x128xf32, #tpu.memory_space<hbm>> -> memref<640x128xf32, #tpu.memory_space<hbm>>
      %dma_start3A_237 = arith.constant 0 : i32
      %dma_start3A_238 = tpu.memref_slice %arg17[%mul3A_231, %dma_start3A_237] : memref<10240x128xf32, #tpu.memory_space<vmem_shared>> -> memref<640x128xf32, #tpu.memory_space<vmem_shared>>
      tpu.enqueue_dma source(%dma_start3A_238 : memref<640x128xf32, #tpu.memory_space<vmem_shared>>) target(%dma_start3A_236 : memref<640x128xf32, #tpu.memory_space<hbm>>) target_semaphore(%run_scoped3A : memref<!tpu.dma_semaphore, #tpu.memory_space<semaphore_mem>>)
      %dma_wait3A_239 = arith.constant 0 : i32
      %dma_wait3A_240 = tpu.memref_slice %arg5[%arg0, %mul3A_233, %dma_wait3A_239] : memref<2x10240x128xf32, #tpu.memory_space<hbm>> -> memref<1x640x128xf32, #tpu.memory_space<hbm>>
      %dma_wait3A_241 = tpu.memref_squeeze %dma_wait3A_240 : memref<1x640x128xf32, #tpu.memory_space<hbm>> -> memref<640x128xf32, #tpu.memory_space<hbm>>
      %dma_wait3A_242 = arith.constant 0 : i32
      %dma_wait3A_243 = tpu.memref_slice %arg17[%mul3A_231, %dma_wait3A_242] : memref<10240x128xf32, #tpu.memory_space<vmem_shared>> -> memref<640x128xf32, #tpu.memory_space<vmem_shared>>
      tpu.wait_dma2 semaphore(%run_scoped3A : memref<!tpu.dma_semaphore, #tpu.memory_space<semaphore_mem>>) src(%dma_wait3A_243 : memref<640x128xf32, #tpu.memory_space<vmem_shared>>) dst(%dma_wait3A_241 : memref<640x128xf32, #tpu.memory_space<hbm>>)
      tpu.yield
    }) : () -> ()
    return
  }
}

#map = affine_map<(d0, d1) -> (0, 0)>
#map1 = affine_map<(d0, d1) -> (0, 0, 0)>
module attributes {stable_mosaic.version = 14 : i64} {
  func.func @_sc_edge(%arg0: i32, %arg1: i32, %arg2: memref<10240x128xf32, #tpu.memory_space<hbm>>, %arg3: memref<2880x2x112xi32, #tpu.memory_space<hbm>>, %arg4: memref<2880x112xf32, #tpu.memory_space<hbm>>, %arg5: memref<2x10240x128xf32, #tpu.memory_space<hbm>>, %arg6: memref<3x2x112xi32, #tpu.memory_space<vmem>>, %arg7: memref<3x112xf32, #tpu.memory_space<vmem>>, %arg8: memref<112xi32, #tpu.memory_space<vmem>>, %arg9: memref<112xi32, #tpu.memory_space<vmem>>, %arg10: memref<112xi32, #tpu.memory_space<vmem>>, %arg11: memref<112xi32, #tpu.memory_space<vmem>>, %arg12: memref<112xi32, #tpu.memory_space<vmem>>, %arg13: memref<112xi32, #tpu.memory_space<vmem>>, %arg14: memref<112x128xf32, #tpu.memory_space<vmem>>, %arg15: memref<112x128xf32, #tpu.memory_space<vmem>>, %arg16: memref<112x128xf32, #tpu.memory_space<vmem>>, %arg17: memref<10240x128xf32, #tpu.memory_space<vmem_shared>>, %arg18: memref<!tpu.dma_semaphore, #tpu.memory_space<semaphore_mem>>, %arg19: memref<!tpu.dma_semaphore, #tpu.memory_space<semaphore_mem>>, %arg20: memref<!tpu.dma_semaphore, #tpu.memory_space<semaphore_mem>>, %arg21: memref<!tpu.dma_semaphore, #tpu.memory_space<semaphore_mem>>, %arg22: memref<!tpu.dma_semaphore, #tpu.memory_space<semaphore_mem>>, %arg23: memref<!tpu.dma_semaphore, #tpu.memory_space<semaphore_mem>>, %arg24: memref<!tpu.dma_semaphore, #tpu.memory_space<semaphore_mem>>, %arg25: memref<!tpu.dma_semaphore, #tpu.memory_space<semaphore_mem>>, %arg26: memref<!tpu.dma_semaphore, #tpu.memory_space<semaphore_mem>>) attributes {dimension_semantics = [#tpu.dimension_semantics<core_parallel>, #tpu.dimension_semantics<subcore_parallel>], iteration_bounds = array<i64: 2, 16>, scalar_prefetch = 0 : i64, scratch_operands = 21 : i64, tpu.core_type = #tpu.core_type<sc_vector_subcore>, window_params = [{transform_indices = #map}, {transform_indices = #map1}, {transform_indices = #map}, {transform_indices = #map1}]} {
    %mul3A = arith.constant 2 : i32
    %mul3A_0 = arith.muli %arg1, %mul3A : i32
    %add3A = arith.addi %mul3A_0, %arg0 : i32
    %mul3A_1 = arith.constant 90 : i32
    %mul3A_2 = arith.muli %add3A, %mul3A_1 : i32
    %mul3A_3 = arith.constant 640 : i32
    %mul3A_4 = arith.muli %arg1, %mul3A_3 : i32
    %mul3A_5 = arith.constant 640 : i32
    %mul3A_6 = arith.muli %arg1, %mul3A_5 : i32
    "tpu.region"() ({
      %run_scoped3A = tpu.sem_alloc : memref<!tpu.dma_semaphore, #tpu.memory_space<semaphore_mem>>
      %dma_start3A_234 = arith.constant 0 : i32
      %dma_start3A_235 = tpu.memref_slice %arg17[%mul3A_6, %dma_start3A_234] : memref<10240x128xf32, #tpu.memory_space<vmem_shared>> -> memref<640x128xf32, #tpu.memory_space<vmem_shared>>
      %dma_start3A_236 = arith.constant 0 : i32
      %dma_start3A_237 = tpu.memref_slice %arg2[%mul3A_4, %dma_start3A_236] : memref<10240x128xf32, #tpu.memory_space<hbm>> -> memref<640x128xf32, #tpu.memory_space<hbm>>
      tpu.enqueue_dma source(%dma_start3A_237 : memref<640x128xf32, #tpu.memory_space<hbm>>) target(%dma_start3A_235 : memref<640x128xf32, #tpu.memory_space<vmem_shared>>) target_semaphore(%run_scoped3A : memref<!tpu.dma_semaphore, #tpu.memory_space<semaphore_mem>>)
      %dma_wait3A_238 = arith.constant 0 : i32
      %dma_wait3A_239 = tpu.memref_slice %arg17[%mul3A_6, %dma_wait3A_238] : memref<10240x128xf32, #tpu.memory_space<vmem_shared>> -> memref<640x128xf32, #tpu.memory_space<vmem_shared>>
      %dma_wait3A_240 = arith.constant 0 : i32
      %dma_wait3A_241 = tpu.memref_slice %arg2[%mul3A_4, %dma_wait3A_240] : memref<10240x128xf32, #tpu.memory_space<hbm>> -> memref<640x128xf32, #tpu.memory_space<hbm>>
      tpu.wait_dma2 semaphore(%run_scoped3A : memref<!tpu.dma_semaphore, #tpu.memory_space<semaphore_mem>>) src(%dma_wait3A_241 : memref<640x128xf32, #tpu.memory_space<hbm>>) dst(%dma_wait3A_239 : memref<640x128xf32, #tpu.memory_space<vmem_shared>>)
      tpu.yield
    }) : () -> ()
    %scan3A = arith.constant 0 : i32
    %scan3A_7 = arith.constant 0 : i32
    %scan3A_8 = arith.constant 112 : i32
    %scan3A_9 = arith.addi %scan3A_7, %scan3A_8 : i32
    %scan3A_10 = arith.constant 1 : i32
    scf.for %scan3A_234 = %scan3A_7 to %scan3A_9 step %scan3A_10  : i32 {
      %broadcast_in_dim3A_235 = arith.constant 0.000000e+00 : f32
      %broadcast_in_dim3A_236 = vector.broadcast %broadcast_in_dim3A_235 : f32 to vector<16xf32>
      %swap3A_237 = arith.index_cast %scan3A_234 : i32 to index
      %swap3A_238 = arith.constant 0 : index
      %swap3A_239 = tpu.vector_load %arg15[%swap3A_237, %swap3A_238] {strides = array<i32>} : memref<112x128xf32, #tpu.memory_space<vmem>>, vector<1x16xf32>,
      %swap3A_240 = vector.shape_cast %swap3A_239 : vector<1x16xf32> to vector<16xf32>
      %swap3A_241 = vector.shape_cast %broadcast_in_dim3A_236 : vector<16xf32> to vector<1x16xf32>
      tpu.vector_store %arg15[%swap3A_237, %swap3A_238], %swap3A_241 {strides = array<i32>} : memref<112x128xf32, #tpu.memory_space<vmem>>, vector<1x16xf32>,
      %broadcast_in_dim3A_242 = arith.constant 0.000000e+00 : f32
      %broadcast_in_dim3A_243 = vector.broadcast %broadcast_in_dim3A_242 : f32 to vector<16xf32>
      %swap3A_244 = arith.index_cast %scan3A_234 : i32 to index
      %swap3A_245 = arith.constant 0 : index
      %swap3A_246 = tpu.vector_load %arg16[%swap3A_244, %swap3A_245] {strides = array<i32>} : memref<112x128xf32, #tpu.memory_space<vmem>>, vector<1x16xf32>,
      %swap3A_247 = vector.shape_cast %swap3A_246 : vector<1x16xf32> to vector<16xf32>
      %swap3A_248 = vector.shape_cast %broadcast_in_dim3A_243 : vector<16xf32> to vector<1x16xf32>
      tpu.vector_store %arg16[%swap3A_244, %swap3A_245], %swap3A_248 {strides = array<i32>} : memref<112x128xf32, #tpu.memory_space<vmem>>, vector<1x16xf32>,
      %broadcast_in_dim3A_249 = arith.constant 0.000000e+00 : f32
      %broadcast_in_dim3A_250 = vector.broadcast %broadcast_in_dim3A_249 : f32 to vector<16xf32>
      %swap3A_251 = arith.index_cast %scan3A_234 : i32 to index
      %swap3A_252 = arith.constant 16 : index
      %swap3A_253 = tpu.vector_load %arg15[%swap3A_251, %swap3A_252] {strides = array<i32>} : memref<112x128xf32, #tpu.memory_space<vmem>>, vector<1x16xf32>,
      %swap3A_254 = vector.shape_cast %swap3A_253 : vector<1x16xf32> to vector<16xf32>
      %swap3A_255 = vector.shape_cast %broadcast_in_dim3A_250 : vector<16xf32> to vector<1x16xf32>
      tpu.vector_store %arg15[%swap3A_251, %swap3A_252], %swap3A_255 {strides = array<i32>} : memref<112x128xf32, #tpu.memory_space<vmem>>, vector<1x16xf32>,
      %broadcast_in_dim3A_256 = arith.constant 0.000000e+00 : f32
      %broadcast_in_dim3A_257 = vector.broadcast %broadcast_in_dim3A_256 : f32 to vector<16xf32>
      %swap3A_258 = arith.index_cast %scan3A_234 : i32 to index
      %swap3A_259 = arith.constant 16 : index
      %swap3A_260 = tpu.vector_load %arg16[%swap3A_258, %swap3A_259] {strides = array<i32>} : memref<112x128xf32, #tpu.memory_space<vmem>>, vector<1x16xf32>,
      %swap3A_261 = vector.shape_cast %swap3A_260 : vector<1x16xf32> to vector<16xf32>
      %swap3A_262 = vector.shape_cast %broadcast_in_dim3A_257 : vector<16xf32> to vector<1x16xf32>
      tpu.vector_store %arg16[%swap3A_258, %swap3A_259], %swap3A_262 {strides = array<i32>} : memref<112x128xf32, #tpu.memory_space<vmem>>, vector<1x16xf32>,
      %broadcast_in_dim3A_263 = arith.constant 0.000000e+00 : f32
      %broadcast_in_dim3A_264 = vector.broadcast %broadcast_in_dim3A_263 : f32 to vector<16xf32>
      %swap3A_265 = arith.index_cast %scan3A_234 : i32 to index
      %swap3A_266 = arith.constant 32 : index
      %swap3A_267 = tpu.vector_load %arg15[%swap3A_265, %swap3A_266] {strides = array<i32>} : memref<112x128xf32, #tpu.memory_space<vmem>>, vector<1x16xf32>,
      %swap3A_268 = vector.shape_cast %swap3A_267 : vector<1x16xf32> to vector<16xf32>
      %swap3A_269 = vector.shape_cast %broadcast_in_dim3A_264 : vector<16xf32> to vector<1x16xf32>
      tpu.vector_store %arg15[%swap3A_265, %swap3A_266], %swap3A_269 {strides = array<i32>} : memref<112x128xf32, #tpu.memory_space<vmem>>, vector<1x16xf32>,
      %broadcast_in_dim3A_270 = arith.constant 0.000000e+00 : f32
      %broadcast_in_dim3A_271 = vector.broadcast %broadcast_in_dim3A_270 : f32 to vector<16xf32>
      %swap3A_272 = arith.index_cast %scan3A_234 : i32 to index
      %swap3A_273 = arith.constant 32 : index
      %swap3A_274 = tpu.vector_load %arg16[%swap3A_272, %swap3A_273] {strides = array<i32>} : memref<112x128xf32, #tpu.memory_space<vmem>>, vector<1x16xf32>,
      %swap3A_275 = vector.shape_cast %swap3A_274 : vector<1x16xf32> to vector<16xf32>
      %swap3A_276 = vector.shape_cast %broadcast_in_dim3A_271 : vector<16xf32> to vector<1x16xf32>
      tpu.vector_store %arg16[%swap3A_272, %swap3A_273], %swap3A_276 {strides = array<i32>} : memref<112x128xf32, #tpu.memory_space<vmem>>, vector<1x16xf32>,
      %broadcast_in_dim3A_277 = arith.constant 0.000000e+00 : f32
      %broadcast_in_dim3A_278 = vector.broadcast %broadcast_in_dim3A_277 : f32 to vector<16xf32>
      %swap3A_279 = arith.index_cast %scan3A_234 : i32 to index
      %swap3A_280 = arith.constant 48 : index
      %swap3A_281 = tpu.vector_load %arg15[%swap3A_279, %swap3A_280] {strides = array<i32>} : memref<112x128xf32, #tpu.memory_space<vmem>>, vector<1x16xf32>,
      %swap3A_282 = vector.shape_cast %swap3A_281 : vector<1x16xf32> to vector<16xf32>
      %swap3A_283 = vector.shape_cast %broadcast_in_dim3A_278 : vector<16xf32> to vector<1x16xf32>
      tpu.vector_store %arg15[%swap3A_279, %swap3A_280], %swap3A_283 {strides = array<i32>} : memref<112x128xf32, #tpu.memory_space<vmem>>, vector<1x16xf32>,
      %broadcast_in_dim3A_284 = arith.constant 0.000000e+00 : f32
      %broadcast_in_dim3A_285 = vector.broadcast %broadcast_in_dim3A_284 : f32 to vector<16xf32>
      %swap3A_286 = arith.index_cast %scan3A_234 : i32 to index
      %swap3A_287 = arith.constant 48 : index
      %swap3A_288 = tpu.vector_load %arg16[%swap3A_286, %swap3A_287] {strides = array<i32>} : memref<112x128xf32, #tpu.memory_space<vmem>>, vector<1x16xf32>,
      %swap3A_289 = vector.shape_cast %swap3A_288 : vector<1x16xf32> to vector<16xf32>
      %swap3A_290 = vector.shape_cast %broadcast_in_dim3A_285 : vector<16xf32> to vector<1x16xf32>
      tpu.vector_store %arg16[%swap3A_286, %swap3A_287], %swap3A_290 {strides = array<i32>} : memref<112x128xf32, #tpu.memory_space<vmem>>, vector<1x16xf32>,
      %broadcast_in_dim3A_291 = arith.constant 0.000000e+00 : f32
      %broadcast_in_dim3A_292 = vector.broadcast %broadcast_in_dim3A_291 : f32 to vector<16xf32>
      %swap3A_293 = arith.index_cast %scan3A_234 : i32 to index
      %swap3A_294 = arith.constant 64 : index
      %swap3A_295 = tpu.vector_load %arg15[%swap3A_293, %swap3A_294] {strides = array<i32>} : memref<112x128xf32, #tpu.memory_space<vmem>>, vector<1x16xf32>,
      %swap3A_296 = vector.shape_cast %swap3A_295 : vector<1x16xf32> to vector<16xf32>
      %swap3A_297 = vector.shape_cast %broadcast_in_dim3A_292 : vector<16xf32> to vector<1x16xf32>
      tpu.vector_store %arg15[%swap3A_293, %swap3A_294], %swap3A_297 {strides = array<i32>} : memref<112x128xf32, #tpu.memory_space<vmem>>, vector<1x16xf32>,
      %broadcast_in_dim3A_298 = arith.constant 0.000000e+00 : f32
      %broadcast_in_dim3A_299 = vector.broadcast %broadcast_in_dim3A_298 : f32 to vector<16xf32>
      %swap3A_300 = arith.index_cast %scan3A_234 : i32 to index
      %swap3A_301 = arith.constant 64 : index
      %swap3A_302 = tpu.vector_load %arg16[%swap3A_300, %swap3A_301] {strides = array<i32>} : memref<112x128xf32, #tpu.memory_space<vmem>>, vector<1x16xf32>,
      %swap3A_303 = vector.shape_cast %swap3A_302 : vector<1x16xf32> to vector<16xf32>
      %swap3A_304 = vector.shape_cast %broadcast_in_dim3A_299 : vector<16xf32> to vector<1x16xf32>
      tpu.vector_store %arg16[%swap3A_300, %swap3A_301], %swap3A_304 {strides = array<i32>} : memref<112x128xf32, #tpu.memory_space<vmem>>, vector<1x16xf32>,
      %broadcast_in_dim3A_305 = arith.constant 0.000000e+00 : f32
      %broadcast_in_dim3A_306 = vector.broadcast %broadcast_in_dim3A_305 : f32 to vector<16xf32>
      %swap3A_307 = arith.index_cast %scan3A_234 : i32 to index
      %swap3A_308 = arith.constant 80 : index
      %swap3A_309 = tpu.vector_load %arg15[%swap3A_307, %swap3A_308] {strides = array<i32>} : memref<112x128xf32, #tpu.memory_space<vmem>>, vector<1x16xf32>,
      %swap3A_310 = vector.shape_cast %swap3A_309 : vector<1x16xf32> to vector<16xf32>
      %swap3A_311 = vector.shape_cast %broadcast_in_dim3A_306 : vector<16xf32> to vector<1x16xf32>
      tpu.vector_store %arg15[%swap3A_307, %swap3A_308], %swap3A_311 {strides = array<i32>} : memref<112x128xf32, #tpu.memory_space<vmem>>, vector<1x16xf32>,
      %broadcast_in_dim3A_312 = arith.constant 0.000000e+00 : f32
      %broadcast_in_dim3A_313 = vector.broadcast %broadcast_in_dim3A_312 : f32 to vector<16xf32>
      %swap3A_314 = arith.index_cast %scan3A_234 : i32 to index
      %swap3A_315 = arith.constant 80 : index
      %swap3A_316 = tpu.vector_load %arg16[%swap3A_314, %swap3A_315] {strides = array<i32>} : memref<112x128xf32, #tpu.memory_space<vmem>>, vector<1x16xf32>,
      %swap3A_317 = vector.shape_cast %swap3A_316 : vector<1x16xf32> to vector<16xf32>
      %swap3A_318 = vector.shape_cast %broadcast_in_dim3A_313 : vector<16xf32> to vector<1x16xf32>
      tpu.vector_store %arg16[%swap3A_314, %swap3A_315], %swap3A_318 {strides = array<i32>} : memref<112x128xf32, #tpu.memory_space<vmem>>, vector<1x16xf32>,
      %broadcast_in_dim3A_319 = arith.constant 0.000000e+00 : f32
      %broadcast_in_dim3A_320 = vector.broadcast %broadcast_in_dim3A_319 : f32 to vector<16xf32>
      %swap3A_321 = arith.index_cast %scan3A_234 : i32 to index
      %swap3A_322 = arith.constant 96 : index
      %swap3A_323 = tpu.vector_load %arg15[%swap3A_321, %swap3A_322] {strides = array<i32>} : memref<112x128xf32, #tpu.memory_space<vmem>>, vector<1x16xf32>,
      %swap3A_324 = vector.shape_cast %swap3A_323 : vector<1x16xf32> to vector<16xf32>
      %swap3A_325 = vector.shape_cast %broadcast_in_dim3A_320 : vector<16xf32> to vector<1x16xf32>
      tpu.vector_store %arg15[%swap3A_321, %swap3A_322], %swap3A_325 {strides = array<i32>} : memref<112x128xf32, #tpu.memory_space<vmem>>, vector<1x16xf32>,
      %broadcast_in_dim3A_326 = arith.constant 0.000000e+00 : f32
      %broadcast_in_dim3A_327 = vector.broadcast %broadcast_in_dim3A_326 : f32 to vector<16xf32>
      %swap3A_328 = arith.index_cast %scan3A_234 : i32 to index
      %swap3A_329 = arith.constant 96 : index
      %swap3A_330 = tpu.vector_load %arg16[%swap3A_328, %swap3A_329] {strides = array<i32>} : memref<112x128xf32, #tpu.memory_space<vmem>>, vector<1x16xf32>,
      %swap3A_331 = vector.shape_cast %swap3A_330 : vector<1x16xf32> to vector<16xf32>
      %swap3A_332 = vector.shape_cast %broadcast_in_dim3A_327 : vector<16xf32> to vector<1x16xf32>
      tpu.vector_store %arg16[%swap3A_328, %swap3A_329], %swap3A_332 {strides = array<i32>} : memref<112x128xf32, #tpu.memory_space<vmem>>, vector<1x16xf32>,
      %broadcast_in_dim3A_333 = arith.constant 0.000000e+00 : f32
      %broadcast_in_dim3A_334 = vector.broadcast %broadcast_in_dim3A_333 : f32 to vector<16xf32>
      %swap3A_335 = arith.index_cast %scan3A_234 : i32 to index
      %swap3A_336 = arith.constant 112 : index
      %swap3A_337 = tpu.vector_load %arg15[%swap3A_335, %swap3A_336] {strides = array<i32>} : memref<112x128xf32, #tpu.memory_space<vmem>>, vector<1x16xf32>,
      %swap3A_338 = vector.shape_cast %swap3A_337 : vector<1x16xf32> to vector<16xf32>
      %swap3A_339 = vector.shape_cast %broadcast_in_dim3A_334 : vector<16xf32> to vector<1x16xf32>
      tpu.vector_store %arg15[%swap3A_335, %swap3A_336], %swap3A_339 {strides = array<i32>} : memref<112x128xf32, #tpu.memory_space<vmem>>, vector<1x16xf32>,
      %broadcast_in_dim3A_340 = arith.constant 0.000000e+00 : f32
      %broadcast_in_dim3A_341 = vector.broadcast %broadcast_in_dim3A_340 : f32 to vector<16xf32>
      %swap3A_342 = arith.index_cast %scan3A_234 : i32 to index
      %swap3A_343 = arith.constant 112 : index
      %swap3A_344 = tpu.vector_load %arg16[%swap3A_342, %swap3A_343] {strides = array<i32>} : memref<112x128xf32, #tpu.memory_space<vmem>>, vector<1x16xf32>,
      %swap3A_345 = vector.shape_cast %swap3A_344 : vector<1x16xf32> to vector<16xf32>
      %swap3A_346 = vector.shape_cast %broadcast_in_dim3A_341 : vector<16xf32> to vector<1x16xf32>
      tpu.vector_store %arg16[%swap3A_342, %swap3A_343], %swap3A_346 {strides = array<i32>} : memref<112x128xf32, #tpu.memory_space<vmem>>, vector<1x16xf32>,
    }
    %scan3A_11 = arith.constant 112 : i32
    %broadcast_in_dim3A = arith.constant 0 : i32
    %broadcast_in_dim3A_12 = vector.broadcast %broadcast_in_dim3A : i32 to vector<16xi32>
    %swap3A = arith.constant 0 : index
    %swap3A_13 = tpu.vector_load %arg12[%swap3A] {strides = array<i32>} : memref<112xi32, #tpu.memory_space<vmem>>, vector<16xi32>,
    %swap3A_14 = vector.shape_cast %swap3A_13 : vector<16xi32> to vector<16xi32>
    %swap3A_15 = vector.shape_cast %broadcast_in_dim3A_12 : vector<16xi32> to vector<16xi32>
    tpu.vector_store %arg12[%swap3A], %swap3A_15 {strides = array<i32>} : memref<112xi32, #tpu.memory_space<vmem>>, vector<16xi32>,
    %broadcast_in_dim3A_16 = arith.constant 0 : i32
    %broadcast_in_dim3A_17 = vector.broadcast %broadcast_in_dim3A_16 : i32 to vector<16xi32>
    %swap3A_18 = arith.constant 0 : index
    %swap3A_19 = tpu.vector_load %arg13[%swap3A_18] {strides = array<i32>} : memref<112xi32, #tpu.memory_space<vmem>>, vector<16xi32>,
    %swap3A_20 = vector.shape_cast %swap3A_19 : vector<16xi32> to vector<16xi32>
    %swap3A_21 = vector.shape_cast %broadcast_in_dim3A_17 : vector<16xi32> to vector<16xi32>
    tpu.vector_store %arg13[%swap3A_18], %swap3A_21 {strides = array<i32>} : memref<112xi32, #tpu.memory_space<vmem>>, vector<16xi32>,
    %broadcast_in_dim3A_22 = arith.constant 0 : i32
    %broadcast_in_dim3A_23 = vector.broadcast %broadcast_in_dim3A_22 : i32 to vector<16xi32>
    %swap3A_24 = arith.constant 16 : index
    %swap3A_25 = tpu.vector_load %arg12[%swap3A_24] {strides = array<i32>} : memref<112xi32, #tpu.memory_space<vmem>>, vector<16xi32>,
    %swap3A_26 = vector.shape_cast %swap3A_25 : vector<16xi32> to vector<16xi32>
    %swap3A_27 = vector.shape_cast %broadcast_in_dim3A_23 : vector<16xi32> to vector<16xi32>
    tpu.vector_store %arg12[%swap3A_24], %swap3A_27 {strides = array<i32>} : memref<112xi32, #tpu.memory_space<vmem>>, vector<16xi32>,
    %broadcast_in_dim3A_28 = arith.constant 0 : i32
    %broadcast_in_dim3A_29 = vector.broadcast %broadcast_in_dim3A_28 : i32 to vector<16xi32>
    %swap3A_30 = arith.constant 16 : index
    %swap3A_31 = tpu.vector_load %arg13[%swap3A_30] {strides = array<i32>} : memref<112xi32, #tpu.memory_space<vmem>>, vector<16xi32>,
    %swap3A_32 = vector.shape_cast %swap3A_31 : vector<16xi32> to vector<16xi32>
    %swap3A_33 = vector.shape_cast %broadcast_in_dim3A_29 : vector<16xi32> to vector<16xi32>
    tpu.vector_store %arg13[%swap3A_30], %swap3A_33 {strides = array<i32>} : memref<112xi32, #tpu.memory_space<vmem>>, vector<16xi32>,
    %broadcast_in_dim3A_34 = arith.constant 0 : i32
    %broadcast_in_dim3A_35 = vector.broadcast %broadcast_in_dim3A_34 : i32 to vector<16xi32>
    %swap3A_36 = arith.constant 32 : index
    %swap3A_37 = tpu.vector_load %arg12[%swap3A_36] {strides = array<i32>} : memref<112xi32, #tpu.memory_space<vmem>>, vector<16xi32>,
    %swap3A_38 = vector.shape_cast %swap3A_37 : vector<16xi32> to vector<16xi32>
    %swap3A_39 = vector.shape_cast %broadcast_in_dim3A_35 : vector<16xi32> to vector<16xi32>
    tpu.vector_store %arg12[%swap3A_36], %swap3A_39 {strides = array<i32>} : memref<112xi32, #tpu.memory_space<vmem>>, vector<16xi32>,
    %broadcast_in_dim3A_40 = arith.constant 0 : i32
    %broadcast_in_dim3A_41 = vector.broadcast %broadcast_in_dim3A_40 : i32 to vector<16xi32>
    %swap3A_42 = arith.constant 32 : index
    %swap3A_43 = tpu.vector_load %arg13[%swap3A_42] {strides = array<i32>} : memref<112xi32, #tpu.memory_space<vmem>>, vector<16xi32>,
    %swap3A_44 = vector.shape_cast %swap3A_43 : vector<16xi32> to vector<16xi32>
    %swap3A_45 = vector.shape_cast %broadcast_in_dim3A_41 : vector<16xi32> to vector<16xi32>
    tpu.vector_store %arg13[%swap3A_42], %swap3A_45 {strides = array<i32>} : memref<112xi32, #tpu.memory_space<vmem>>, vector<16xi32>,
    %broadcast_in_dim3A_46 = arith.constant 0 : i32
    %broadcast_in_dim3A_47 = vector.broadcast %broadcast_in_dim3A_46 : i32 to vector<16xi32>
    %swap3A_48 = arith.constant 48 : index
    %swap3A_49 = tpu.vector_load %arg12[%swap3A_48] {strides = array<i32>} : memref<112xi32, #tpu.memory_space<vmem>>, vector<16xi32>,
    %swap3A_50 = vector.shape_cast %swap3A_49 : vector<16xi32> to vector<16xi32>
    %swap3A_51 = vector.shape_cast %broadcast_in_dim3A_47 : vector<16xi32> to vector<16xi32>
    tpu.vector_store %arg12[%swap3A_48], %swap3A_51 {strides = array<i32>} : memref<112xi32, #tpu.memory_space<vmem>>, vector<16xi32>,
    %broadcast_in_dim3A_52 = arith.constant 0 : i32
    %broadcast_in_dim3A_53 = vector.broadcast %broadcast_in_dim3A_52 : i32 to vector<16xi32>
    %swap3A_54 = arith.constant 48 : index
    %swap3A_55 = tpu.vector_load %arg13[%swap3A_54] {strides = array<i32>} : memref<112xi32, #tpu.memory_space<vmem>>, vector<16xi32>,
    %swap3A_56 = vector.shape_cast %swap3A_55 : vector<16xi32> to vector<16xi32>
    %swap3A_57 = vector.shape_cast %broadcast_in_dim3A_53 : vector<16xi32> to vector<16xi32>
    tpu.vector_store %arg13[%swap3A_54], %swap3A_57 {strides = array<i32>} : memref<112xi32, #tpu.memory_space<vmem>>, vector<16xi32>,
    %broadcast_in_dim3A_58 = arith.constant 0 : i32
    %broadcast_in_dim3A_59 = vector.broadcast %broadcast_in_dim3A_58 : i32 to vector<16xi32>
    %swap3A_60 = arith.constant 64 : index
    %swap3A_61 = tpu.vector_load %arg12[%swap3A_60] {strides = array<i32>} : memref<112xi32, #tpu.memory_space<vmem>>, vector<16xi32>,
    %swap3A_62 = vector.shape_cast %swap3A_61 : vector<16xi32> to vector<16xi32>
    %swap3A_63 = vector.shape_cast %broadcast_in_dim3A_59 : vector<16xi32> to vector<16xi32>
    tpu.vector_store %arg12[%swap3A_60], %swap3A_63 {strides = array<i32>} : memref<112xi32, #tpu.memory_space<vmem>>, vector<16xi32>,
    %broadcast_in_dim3A_64 = arith.constant 0 : i32
    %broadcast_in_dim3A_65 = vector.broadcast %broadcast_in_dim3A_64 : i32 to vector<16xi32>
    %swap3A_66 = arith.constant 64 : index
    %swap3A_67 = tpu.vector_load %arg13[%swap3A_66] {strides = array<i32>} : memref<112xi32, #tpu.memory_space<vmem>>, vector<16xi32>,
    %swap3A_68 = vector.shape_cast %swap3A_67 : vector<16xi32> to vector<16xi32>
    %swap3A_69 = vector.shape_cast %broadcast_in_dim3A_65 : vector<16xi32> to vector<16xi32>
    tpu.vector_store %arg13[%swap3A_66], %swap3A_69 {strides = array<i32>} : memref<112xi32, #tpu.memory_space<vmem>>, vector<16xi32>,
    %broadcast_in_dim3A_70 = arith.constant 0 : i32
    %broadcast_in_dim3A_71 = vector.broadcast %broadcast_in_dim3A_70 : i32 to vector<16xi32>
    %swap3A_72 = arith.constant 80 : index
    %swap3A_73 = tpu.vector_load %arg12[%swap3A_72] {strides = array<i32>} : memref<112xi32, #tpu.memory_space<vmem>>, vector<16xi32>,
    %swap3A_74 = vector.shape_cast %swap3A_73 : vector<16xi32> to vector<16xi32>
    %swap3A_75 = vector.shape_cast %broadcast_in_dim3A_71 : vector<16xi32> to vector<16xi32>
    tpu.vector_store %arg12[%swap3A_72], %swap3A_75 {strides = array<i32>} : memref<112xi32, #tpu.memory_space<vmem>>, vector<16xi32>,
    %broadcast_in_dim3A_76 = arith.constant 0 : i32
    %broadcast_in_dim3A_77 = vector.broadcast %broadcast_in_dim3A_76 : i32 to vector<16xi32>
    %swap3A_78 = arith.constant 80 : index
    %swap3A_79 = tpu.vector_load %arg13[%swap3A_78] {strides = array<i32>} : memref<112xi32, #tpu.memory_space<vmem>>, vector<16xi32>,
    %swap3A_80 = vector.shape_cast %swap3A_79 : vector<16xi32> to vector<16xi32>
    %swap3A_81 = vector.shape_cast %broadcast_in_dim3A_77 : vector<16xi32> to vector<16xi32>
    tpu.vector_store %arg13[%swap3A_78], %swap3A_81 {strides = array<i32>} : memref<112xi32, #tpu.memory_space<vmem>>, vector<16xi32>,
    %broadcast_in_dim3A_82 = arith.constant 0 : i32
    %broadcast_in_dim3A_83 = vector.broadcast %broadcast_in_dim3A_82 : i32 to vector<16xi32>
    %swap3A_84 = arith.constant 96 : index
    %swap3A_85 = tpu.vector_load %arg12[%swap3A_84] {strides = array<i32>} : memref<112xi32, #tpu.memory_space<vmem>>, vector<16xi32>,
    %swap3A_86 = vector.shape_cast %swap3A_85 : vector<16xi32> to vector<16xi32>
    %swap3A_87 = vector.shape_cast %broadcast_in_dim3A_83 : vector<16xi32> to vector<16xi32>
    tpu.vector_store %arg12[%swap3A_84], %swap3A_87 {strides = array<i32>} : memref<112xi32, #tpu.memory_space<vmem>>, vector<16xi32>,
    %broadcast_in_dim3A_88 = arith.constant 0 : i32
    %broadcast_in_dim3A_89 = vector.broadcast %broadcast_in_dim3A_88 : i32 to vector<16xi32>
    %swap3A_90 = arith.constant 96 : index
    %swap3A_91 = tpu.vector_load %arg13[%swap3A_90] {strides = array<i32>} : memref<112xi32, #tpu.memory_space<vmem>>, vector<16xi32>,
    %swap3A_92 = vector.shape_cast %swap3A_91 : vector<16xi32> to vector<16xi32>
    %swap3A_93 = vector.shape_cast %broadcast_in_dim3A_89 : vector<16xi32> to vector<16xi32>
    tpu.vector_store %arg13[%swap3A_90], %swap3A_93 {strides = array<i32>} : memref<112xi32, #tpu.memory_space<vmem>>, vector<16xi32>,
    %barrier3A = arith.constant 0 : index
    tpu.barrier barrier_id(%barrier3A)
    %dma_start3A = arith.constant 0 : i32
    %dma_start3A_94 = arith.constant 0 : i32
    %dma_start3A_95 = tpu.memref_slice %arg17[%dma_start3A, %dma_start3A_94] : memref<10240x128xf32, #tpu.memory_space<vmem_shared>> -> memref<10240x128xf32, #tpu.memory_space<vmem_shared>>
    tpu.enqueue_indirect_dma source(%arg15 : memref<112x128xf32, #tpu.memory_space<vmem>>) target(%dma_start3A_95 : memref<10240x128xf32, #tpu.memory_space<vmem_shared>>) offsets(%arg12 : memref<112xi32, #tpu.memory_space<vmem>>) semaphore(%arg22 : memref<!tpu.dma_semaphore, #tpu.memory_space<semaphore_mem>>) {add = true}
    %dma_start3A_96 = arith.constant 0 : i32
    %dma_start3A_97 = arith.constant 0 : i32
    %dma_start3A_98 = tpu.memref_slice %arg17[%dma_start3A_96, %dma_start3A_97] : memref<10240x128xf32, #tpu.memory_space<vmem_shared>> -> memref<10240x128xf32, #tpu.memory_space<vmem_shared>>
    tpu.enqueue_indirect_dma source(%arg16 : memref<112x128xf32, #tpu.memory_space<vmem>>) target(%dma_start3A_98 : memref<10240x128xf32, #tpu.memory_space<vmem_shared>>) offsets(%arg13 : memref<112xi32, #tpu.memory_space<vmem>>) semaphore(%arg23 : memref<!tpu.dma_semaphore, #tpu.memory_space<semaphore_mem>>) {add = true}
    %add3A_99 = arith.constant 0 : i32
    %add3A_100 = arith.addi %mul3A_2, %add3A_99 : i32
    %dma_start3A_101 = arith.constant 0 : i32
    %dma_start3A_102 = arith.constant 0 : i32
    %dma_start3A_103 = arith.constant 0 : i32
    %dma_start3A_104 = tpu.memref_slice %arg6[%dma_start3A_101, %dma_start3A_102, %dma_start3A_103] : memref<3x2x112xi32, #tpu.memory_space<vmem>> -> memref<1x2x112xi32, #tpu.memory_space<vmem>>
    %dma_start3A_105 = tpu.memref_squeeze %dma_start3A_104 : memref<1x2x112xi32, #tpu.memory_space<vmem>> -> memref<2x112xi32, #tpu.memory_space<vmem>>
    %dma_start3A_106 = arith.constant 0 : i32
    %dma_start3A_107 = arith.constant 0 : i32
    %dma_start3A_108 = tpu.memref_slice %arg3[%add3A_100, %dma_start3A_106, %dma_start3A_107] : memref<2880x2x112xi32, #tpu.memory_space<hbm>> -> memref<1x2x112xi32, #tpu.memory_space<hbm>>
    %dma_start3A_109 = tpu.memref_squeeze %dma_start3A_108 : memref<1x2x112xi32, #tpu.memory_space<hbm>> -> memref<2x112xi32, #tpu.memory_space<hbm>>
    %dma_start3A_110 = arith.constant 0 : i32
    %dma_start3A_111 = arith.constant 0 : i32
    %dma_start3A_112 = tpu.memref_slice %arg6[%dma_start3A_101, %dma_start3A_110, %dma_start3A_111] : memref<3x2x112xi32, #tpu.memory_space<vmem>> -> memref<1x2x112xi32, #tpu.memory_space<vmem>>
    %dma_start3A_113 = tpu.memref_squeeze %dma_start3A_112 : memref<1x2x112xi32, #tpu.memory_space<vmem>> -> memref<2x112xi32, #tpu.memory_space<vmem>>
    %dma_start3A_114 = arith.constant 0 : i32
    %dma_start3A_115 = arith.constant 0 : i32
    %dma_start3A_116 = tpu.memref_slice %arg3[%add3A_100, %dma_start3A_114, %dma_start3A_115] : memref<2880x2x112xi32, #tpu.memory_space<hbm>> -> memref<1x2x112xi32, #tpu.memory_space<hbm>>
    %dma_start3A_117 = tpu.memref_squeeze %dma_start3A_116 : memref<1x2x112xi32, #tpu.memory_space<hbm>> -> memref<2x112xi32, #tpu.memory_space<hbm>>
    tpu.enqueue_dma source(%dma_start3A_117 : memref<2x112xi32, #tpu.memory_space<hbm>>) target(%dma_start3A_113 : memref<2x112xi32, #tpu.memory_space<vmem>>) target_semaphore(%arg24 : memref<!tpu.dma_semaphore, #tpu.memory_space<semaphore_mem>>)
    %add3A_118 = arith.constant 0 : i32
    %add3A_119 = arith.addi %mul3A_2, %add3A_118 : i32
    %dma_start3A_120 = arith.constant 0 : i32
    %dma_start3A_121 = arith.constant 0 : i32
    %dma_start3A_122 = tpu.memref_slice %arg7[%dma_start3A_120, %dma_start3A_121] : memref<3x112xf32, #tpu.memory_space<vmem>> -> memref<1x112xf32, #tpu.memory_space<vmem>>
    %dma_start3A_123 = tpu.memref_squeeze %dma_start3A_122 : memref<1x112xf32, #tpu.memory_space<vmem>> -> memref<112xf32, #tpu.memory_space<vmem>>
    %dma_start3A_124 = arith.constant 0 : i32
    %dma_start3A_125 = tpu.memref_slice %arg4[%add3A_119, %dma_start3A_124] : memref<2880x112xf32, #tpu.memory_space<hbm>> -> memref<1x112xf32, #tpu.memory_space<hbm>>
    %dma_start3A_126 = tpu.memref_squeeze %dma_start3A_125 : memref<1x112xf32, #tpu.memory_space<hbm>> -> memref<112xf32, #tpu.memory_space<hbm>>
    %dma_start3A_127 = arith.constant 0 : i32
    %dma_start3A_128 = tpu.memref_slice %arg7[%dma_start3A_120, %dma_start3A_127] : memref<3x112xf32, #tpu.memory_space<vmem>> -> memref<1x112xf32, #tpu.memory_space<vmem>>
    %dma_start3A_129 = tpu.memref_squeeze %dma_start3A_128 : memref<1x112xf32, #tpu.memory_space<vmem>> -> memref<112xf32, #tpu.memory_space<vmem>>
    %dma_start3A_130 = arith.constant 0 : i32
    %dma_start3A_131 = tpu.memref_slice %arg4[%add3A_119, %dma_start3A_130] : memref<2880x112xf32, #tpu.memory_space<hbm>> -> memref<1x112xf32, #tpu.memory_space<hbm>>
    %dma_start3A_132 = tpu.memref_squeeze %dma_start3A_131 : memref<1x112xf32, #tpu.memory_space<hbm>> -> memref<112xf32, #tpu.memory_space<hbm>>
    tpu.enqueue_dma source(%dma_start3A_132 : memref<112xf32, #tpu.memory_space<hbm>>) target(%dma_start3A_129 : memref<112xf32, #tpu.memory_space<vmem>>) target_semaphore(%arg24 : memref<!tpu.dma_semaphore, #tpu.memory_space<semaphore_mem>>)
    %add3A_133 = arith.constant 1 : i32
    %add3A_134 = arith.addi %mul3A_2, %add3A_133 : i32
    %dma_start3A_135 = arith.constant 1 : i32
    %dma_start3A_136 = arith.constant 0 : i32
    %dma_start3A_137 = arith.constant 0 : i32
    %dma_start3A_138 = tpu.memref_slice %arg6[%dma_start3A_135, %dma_start3A_136, %dma_start3A_137] : memref<3x2x112xi32, #tpu.memory_space<vmem>> -> memref<1x2x112xi32, #tpu.memory_space<vmem>>
    %dma_start3A_139 = tpu.memref_squeeze %dma_start3A_138 : memref<1x2x112xi32, #tpu.memory_space<vmem>> -> memref<2x112xi32, #tpu.memory_space<vmem>>
    %dma_start3A_140 = arith.constant 0 : i32
    %dma_start3A_141 = arith.constant 0 : i32
    %dma_start3A_142 = tpu.memref_slice %arg3[%add3A_134, %dma_start3A_140, %dma_start3A_141] : memref<2880x2x112xi32, #tpu.memory_space<hbm>> -> memref<1x2x112xi32, #tpu.memory_space<hbm>>
    %dma_start3A_143 = tpu.memref_squeeze %dma_start3A_142 : memref<1x2x112xi32, #tpu.memory_space<hbm>> -> memref<2x112xi32, #tpu.memory_space<hbm>>
    %dma_start3A_144 = arith.constant 0 : i32
    %dma_start3A_145 = arith.constant 0 : i32
    %dma_start3A_146 = tpu.memref_slice %arg6[%dma_start3A_135, %dma_start3A_144, %dma_start3A_145] : memref<3x2x112xi32, #tpu.memory_space<vmem>> -> memref<1x2x112xi32, #tpu.memory_space<vmem>>
    %dma_start3A_147 = tpu.memref_squeeze %dma_start3A_146 : memref<1x2x112xi32, #tpu.memory_space<vmem>> -> memref<2x112xi32, #tpu.memory_space<vmem>>
    %dma_start3A_148 = arith.constant 0 : i32
    %dma_start3A_149 = arith.constant 0 : i32
    %dma_start3A_150 = tpu.memref_slice %arg3[%add3A_134, %dma_start3A_148, %dma_start3A_149] : memref<2880x2x112xi32, #tpu.memory_space<hbm>> -> memref<1x2x112xi32, #tpu.memory_space<hbm>>
    %dma_start3A_151 = tpu.memref_squeeze %dma_start3A_150 : memref<1x2x112xi32, #tpu.memory_space<hbm>> -> memref<2x112xi32, #tpu.memory_space<hbm>>
    tpu.enqueue_dma source(%dma_start3A_151 : memref<2x112xi32, #tpu.memory_space<hbm>>) target(%dma_start3A_147 : memref<2x112xi32, #tpu.memory_space<vmem>>) target_semaphore(%arg25 : memref<!tpu.dma_semaphore, #tpu.memory_space<semaphore_mem>>)
    %add3A_152 = arith.constant 1 : i32
    %add3A_153 = arith.addi %mul3A_2, %add3A_152 : i32
    %dma_start3A_154 = arith.constant 1 : i32
    %dma_start3A_155 = arith.constant 0 : i32
    %dma_start3A_156 = tpu.memref_slice %arg7[%dma_start3A_154, %dma_start3A_155] : memref<3x112xf32, #tpu.memory_space<vmem>> -> memref<1x112xf32, #tpu.memory_space<vmem>>
    %dma_start3A_157 = tpu.memref_squeeze %dma_start3A_156 : memref<1x112xf32, #tpu.memory_space<vmem>> -> memref<112xf32, #tpu.memory_space<vmem>>
    %dma_start3A_158 = arith.constant 0 : i32
    %dma_start3A_159 = tpu.memref_slice %arg4[%add3A_153, %dma_start3A_158] : memref<2880x112xf32, #tpu.memory_space<hbm>> -> memref<1x112xf32, #tpu.memory_space<hbm>>
    %dma_start3A_160 = tpu.memref_squeeze %dma_start3A_159 : memref<1x112xf32, #tpu.memory_space<hbm>> -> memref<112xf32, #tpu.memory_space<hbm>>
    %dma_start3A_161 = arith.constant 0 : i32
    %dma_start3A_162 = tpu.memref_slice %arg7[%dma_start3A_154, %dma_start3A_161] : memref<3x112xf32, #tpu.memory_space<vmem>> -> memref<1x112xf32, #tpu.memory_space<vmem>>
    %dma_start3A_163 = tpu.memref_squeeze %dma_start3A_162 : memref<1x112xf32, #tpu.memory_space<vmem>> -> memref<112xf32, #tpu.memory_space<vmem>>
    %dma_start3A_164 = arith.constant 0 : i32
    %dma_start3A_165 = tpu.memref_slice %arg4[%add3A_153, %dma_start3A_164] : memref<2880x112xf32, #tpu.memory_space<hbm>> -> memref<1x112xf32, #tpu.memory_space<hbm>>
    %dma_start3A_166 = tpu.memref_squeeze %dma_start3A_165 : memref<1x112xf32, #tpu.memory_space<hbm>> -> memref<112xf32, #tpu.memory_space<hbm>>
    tpu.enqueue_dma source(%dma_start3A_166 : memref<112xf32, #tpu.memory_space<hbm>>) target(%dma_start3A_163 : memref<112xf32, #tpu.memory_space<vmem>>) target_semaphore(%arg25 : memref<!tpu.dma_semaphore, #tpu.memory_space<semaphore_mem>>)
    %dma_wait3A = arith.constant 0 : i32
    %dma_wait3A_167 = arith.constant 0 : i32
    %dma_wait3A_168 = arith.constant 0 : i32
    %dma_wait3A_169 = tpu.memref_slice %arg6[%dma_wait3A, %dma_wait3A_167, %dma_wait3A_168] : memref<3x2x112xi32, #tpu.memory_space<vmem>> -> memref<1x2x112xi32, #tpu.memory_space<vmem>>
    %dma_wait3A_170 = tpu.memref_squeeze %dma_wait3A_169 : memref<1x2x112xi32, #tpu.memory_space<vmem>> -> memref<2x112xi32, #tpu.memory_space<vmem>>
    %dma_wait3A_171 = arith.constant 0 : i32
    %dma_wait3A_172 = arith.constant 0 : i32
    %dma_wait3A_173 = tpu.memref_slice %arg3[%mul3A_2, %dma_wait3A_171, %dma_wait3A_172] : memref<2880x2x112xi32, #tpu.memory_space<hbm>> -> memref<1x2x112xi32, #tpu.memory_space<hbm>>
    %dma_wait3A_174 = tpu.memref_squeeze %dma_wait3A_173 : memref<1x2x112xi32, #tpu.memory_space<hbm>> -> memref<2x112xi32, #tpu.memory_space<hbm>>
    %dma_wait3A_175 = arith.constant 0 : i32
    %dma_wait3A_176 = arith.constant 0 : i32
    %dma_wait3A_177 = tpu.memref_slice %arg6[%dma_wait3A, %dma_wait3A_175, %dma_wait3A_176] : memref<3x2x112xi32, #tpu.memory_space<vmem>> -> memref<1x2x112xi32, #tpu.memory_space<vmem>>
    %dma_wait3A_178 = tpu.memref_squeeze %dma_wait3A_177 : memref<1x2x112xi32, #tpu.memory_space<vmem>> -> memref<2x112xi32, #tpu.memory_space<vmem>>
    %dma_wait3A_179 = arith.constant 0 : i32
    %dma_wait3A_180 = arith.constant 0 : i32
    %dma_wait3A_181 = tpu.memref_slice %arg3[%mul3A_2, %dma_wait3A_179, %dma_wait3A_180] : memref<2880x2x112xi32, #tpu.memory_space<hbm>> -> memref<1x2x112xi32, #tpu.memory_space<hbm>>
    %dma_wait3A_182 = tpu.memref_squeeze %dma_wait3A_181 : memref<1x2x112xi32, #tpu.memory_space<hbm>> -> memref<2x112xi32, #tpu.memory_space<hbm>>
    tpu.wait_dma2 semaphore(%arg24 : memref<!tpu.dma_semaphore, #tpu.memory_space<semaphore_mem>>) src(%dma_wait3A_182 : memref<2x112xi32, #tpu.memory_space<hbm>>) dst(%dma_wait3A_178 : memref<2x112xi32, #tpu.memory_space<vmem>>)
    %dma_wait3A_183 = arith.constant 0 : i32
    %dma_wait3A_184 = arith.constant 0 : i32
    %dma_wait3A_185 = tpu.memref_slice %arg7[%dma_wait3A_183, %dma_wait3A_184] : memref<3x112xf32, #tpu.memory_space<vmem>> -> memref<1x112xf32, #tpu.memory_space<vmem>>
    %dma_wait3A_186 = tpu.memref_squeeze %dma_wait3A_185 : memref<1x112xf32, #tpu.memory_space<vmem>> -> memref<112xf32, #tpu.memory_space<vmem>>
    %dma_wait3A_187 = arith.constant 0 : i32
    %dma_wait3A_188 = tpu.memref_slice %arg4[%mul3A_2, %dma_wait3A_187] : memref<2880x112xf32, #tpu.memory_space<hbm>> -> memref<1x112xf32, #tpu.memory_space<hbm>>
    %dma_wait3A_189 = tpu.memref_squeeze %dma_wait3A_188 : memref<1x112xf32, #tpu.memory_space<hbm>> -> memref<112xf32, #tpu.memory_space<hbm>>
    %dma_wait3A_190 = arith.constant 0 : i32
    %dma_wait3A_191 = tpu.memref_slice %arg7[%dma_wait3A_183, %dma_wait3A_190] : memref<3x112xf32, #tpu.memory_space<vmem>> -> memref<1x112xf32, #tpu.memory_space<vmem>>
    %dma_wait3A_192 = tpu.memref_squeeze %dma_wait3A_191 : memref<1x112xf32, #tpu.memory_space<vmem>> -> memref<112xf32, #tpu.memory_space<vmem>>
    %dma_wait3A_193 = arith.constant 0 : i32
    %dma_wait3A_194 = tpu.memref_slice %arg4[%mul3A_2, %dma_wait3A_193] : memref<2880x112xf32, #tpu.memory_space<hbm>> -> memref<1x112xf32, #tpu.memory_space<hbm>>
    %dma_wait3A_195 = tpu.memref_squeeze %dma_wait3A_194 : memref<1x112xf32, #tpu.memory_space<hbm>> -> memref<112xf32, #tpu.memory_space<hbm>>
    tpu.wait_dma2 semaphore(%arg24 : memref<!tpu.dma_semaphore, #tpu.memory_space<semaphore_mem>>) src(%dma_wait3A_195 : memref<112xf32, #tpu.memory_space<hbm>>) dst(%dma_wait3A_192 : memref<112xf32, #tpu.memory_space<vmem>>)
    %scan3A_196 = arith.constant 0 : i32
    %scan3A_197 = arith.constant 0 : i32
    %scan3A_198 = arith.constant 7 : i32
    %scan3A_199 = arith.addi %scan3A_197, %scan3A_198 : i32
    %scan3A_200 = arith.constant 1 : i32
    scf.for %scan3A_234 = %scan3A_197 to %scan3A_199 step %scan3A_200  : i32 {
      %mul3A_235 = arith.constant 16 : i32
      %mul3A_236 = arith.muli %scan3A_234, %mul3A_235 : i32
      %get3A = arith.constant 0 : i32
      %get3A_237 = arith.constant 0 : i32
      %get3A_238 = arith.index_cast %get3A : i32 to index
      %get3A_239 = arith.index_cast %get3A_237 : i32 to index
      %get3A_240 = arith.index_cast %mul3A_236 : i32 to index
      %get3A_241 = tpu.vector_load %arg6[%get3A_238, %get3A_239, %get3A_240] {strides = array<i32>} : memref<3x2x112xi32, #tpu.memory_space<vmem>>, vector<1x1x16xi32>,
      %get3A_242 = vector.shape_cast %get3A_241 : vector<1x1x16xi32> to vector<16xi32>
      %mul3A_243 = arith.constant 16 : i32
      %mul3A_244 = arith.muli %scan3A_234, %mul3A_243 : i32
      %swap3A_245 = arith.index_cast %mul3A_244 : i32 to index
      %swap3A_246 = tpu.vector_load %arg8[%swap3A_245] {strides = array<i32>} : memref<112xi32, #tpu.memory_space<vmem>>, vector<16xi32>,
      %swap3A_247 = vector.shape_cast %swap3A_246 : vector<16xi32> to vector<16xi32>
      %swap3A_248 = vector.shape_cast %get3A_242 : vector<16xi32> to vector<16xi32>
      tpu.vector_store %arg8[%swap3A_245], %swap3A_248 {strides = array<i32>} : memref<112xi32, #tpu.memory_space<vmem>>, vector<16xi32>,
      %mul3A_249 = arith.constant 16 : i32
      %mul3A_250 = arith.muli %scan3A_234, %mul3A_249 : i32
      %get3A_251 = arith.constant 0 : i32
      %get3A_252 = arith.constant 1 : i32
      %get3A_253 = arith.index_cast %get3A_251 : i32 to index
      %get3A_254 = arith.index_cast %get3A_252 : i32 to index
      %get3A_255 = arith.index_cast %mul3A_250 : i32 to index
      %get3A_256 = tpu.vector_load %arg6[%get3A_253, %get3A_254, %get3A_255] {strides = array<i32>} : memref<3x2x112xi32, #tpu.memory_space<vmem>>, vector<1x1x16xi32>,
      %get3A_257 = vector.shape_cast %get3A_256 : vector<1x1x16xi32> to vector<16xi32>
      %mul3A_258 = arith.constant 16 : i32
      %mul3A_259 = arith.muli %scan3A_234, %mul3A_258 : i32
      %swap3A_260 = arith.index_cast %mul3A_259 : i32 to index
      %swap3A_261 = tpu.vector_load %arg11[%swap3A_260] {strides = array<i32>} : memref<112xi32, #tpu.memory_space<vmem>>, vector<16xi32>,
      %swap3A_262 = vector.shape_cast %swap3A_261 : vector<16xi32> to vector<16xi32>
      %swap3A_263 = vector.shape_cast %get3A_257 : vector<16xi32> to vector<16xi32>
      tpu.vector_store %arg11[%swap3A_260], %swap3A_263 {strides = array<i32>} : memref<112xi32, #tpu.memory_space<vmem>>, vector<16xi32>,
    }
    %scan3A_201 = arith.constant 7 : i32
    %dma_start3A_202 = arith.constant 0 : i32
    %dma_start3A_203 = arith.constant 0 : i32
    %dma_start3A_204 = tpu.memref_slice %arg2[%dma_start3A_202, %dma_start3A_203] : memref<10240x128xf32, #tpu.memory_space<hbm>> -> memref<10240x128xf32, #tpu.memory_space<hbm>>
    tpu.enqueue_indirect_dma source(%dma_start3A_204 : memref<10240x128xf32, #tpu.memory_space<hbm>>) target(%arg14 : memref<112x128xf32, #tpu.memory_space<vmem>>) offsets(%arg8 : memref<112xi32, #tpu.memory_space<vmem>>) semaphore(%arg18 : memref<!tpu.dma_semaphore, #tpu.memory_space<semaphore_mem>>)
    %scan3A_205 = arith.constant 0 : i32
    %scan3A_206 = arith.constant 0 : i32
    %scan3A_207 = arith.constant 30 : i32
    %scan3A_208 = arith.addi %scan3A_206, %scan3A_207 : i32
    %scan3A_209 = arith.constant 1 : i32
    scf.for %scan3A_234 = %scan3A_206 to %scan3A_208 step %scan3A_209  : i32 {
      %mul3A_235 = arith.constant 3 : i32
      %mul3A_236 = arith.muli %mul3A_235, %scan3A_234 : i32
      %add3A_237 = arith.constant 0 : i32
      %add3A_238 = arith.addi %mul3A_236, %add3A_237 : i32
      %add3A_239 = arith.constant 1 : i32
      %add3A_240 = arith.addi %add3A_238, %add3A_239 : i32
      %lt3A = arith.constant 90 : i32
      %lt3A_241 = arith.cmpi slt, %add3A_240, %lt3A : i32
      %convert_element_type3A = arith.extui %lt3A_241 : i1 to i32
      %cond3A = arith.constant 0 : i32
      %cond3A_242 = arith.cmpi ne, %convert_element_type3A, %cond3A : i32
      scf.if %cond3A_242 {
        %add3A_292 = arith.constant 1 : i32
        %add3A_293 = arith.addi %add3A_240, %add3A_292 : i32
        %lt3A_294 = arith.constant 90 : i32
        %lt3A_295 = arith.cmpi slt, %add3A_293, %lt3A_294 : i32
        %convert_element_type3A_296 = arith.extui %lt3A_295 : i1 to i32
        %cond3A_297 = arith.constant 0 : i32
        %cond3A_298 = arith.cmpi ne, %convert_element_type3A_296, %cond3A_297 : i32
        scf.if %cond3A_298 {
          %add3A_344 = arith.constant 1 : i32
          %add3A_345 = arith.addi %add3A_240, %add3A_344 : i32
          %add3A_346 = arith.addi %mul3A_2, %add3A_345 : i32
          %dma_start3A_347 = arith.constant 2 : i32
          %dma_start3A_348 = arith.constant 0 : i32
          %dma_start3A_349 = arith.constant 0 : i32
          %dma_start3A_350 = tpu.memref_slice %arg6[%dma_start3A_347, %dma_start3A_348, %dma_start3A_349] : memref<3x2x112xi32, #tpu.memory_space<vmem>> -> memref<1x2x112xi32, #tpu.memory_space<vmem>>
          %dma_start3A_351 = tpu.memref_squeeze %dma_start3A_350 : memref<1x2x112xi32, #tpu.memory_space<vmem>> -> memref<2x112xi32, #tpu.memory_space<vmem>>
          %dma_start3A_352 = arith.constant 0 : i32
          %dma_start3A_353 = arith.constant 0 : i32
          %dma_start3A_354 = tpu.memref_slice %arg3[%add3A_346, %dma_start3A_352, %dma_start3A_353] : memref<2880x2x112xi32, #tpu.memory_space<hbm>> -> memref<1x2x112xi32, #tpu.memory_space<hbm>>
          %dma_start3A_355 = tpu.memref_squeeze %dma_start3A_354 : memref<1x2x112xi32, #tpu.memory_space<hbm>> -> memref<2x112xi32, #tpu.memory_space<hbm>>
          %dma_start3A_356 = arith.constant 0 : i32
          %dma_start3A_357 = arith.constant 0 : i32
          %dma_start3A_358 = tpu.memref_slice %arg6[%dma_start3A_347, %dma_start3A_356, %dma_start3A_357] : memref<3x2x112xi32, #tpu.memory_space<vmem>> -> memref<1x2x112xi32, #tpu.memory_space<vmem>>
          %dma_start3A_359 = tpu.memref_squeeze %dma_start3A_358 : memref<1x2x112xi32, #tpu.memory_space<vmem>> -> memref<2x112xi32, #tpu.memory_space<vmem>>
          %dma_start3A_360 = arith.constant 0 : i32
          %dma_start3A_361 = arith.constant 0 : i32
          %dma_start3A_362 = tpu.memref_slice %arg3[%add3A_346, %dma_start3A_360, %dma_start3A_361] : memref<2880x2x112xi32, #tpu.memory_space<hbm>> -> memref<1x2x112xi32, #tpu.memory_space<hbm>>
          %dma_start3A_363 = tpu.memref_squeeze %dma_start3A_362 : memref<1x2x112xi32, #tpu.memory_space<hbm>> -> memref<2x112xi32, #tpu.memory_space<hbm>>
          tpu.enqueue_dma source(%dma_start3A_363 : memref<2x112xi32, #tpu.memory_space<hbm>>) target(%dma_start3A_359 : memref<2x112xi32, #tpu.memory_space<vmem>>) target_semaphore(%arg26 : memref<!tpu.dma_semaphore, #tpu.memory_space<semaphore_mem>>)
          %add3A_364 = arith.addi %mul3A_2, %add3A_345 : i32
          %dma_start3A_365 = arith.constant 2 : i32
          %dma_start3A_366 = arith.constant 0 : i32
          %dma_start3A_367 = tpu.memref_slice %arg7[%dma_start3A_365, %dma_start3A_366] : memref<3x112xf32, #tpu.memory_space<vmem>> -> memref<1x112xf32, #tpu.memory_space<vmem>>
          %dma_start3A_368 = tpu.memref_squeeze %dma_start3A_367 : memref<1x112xf32, #tpu.memory_space<vmem>> -> memref<112xf32, #tpu.memory_space<vmem>>
          %dma_start3A_369 = arith.constant 0 : i32
          %dma_start3A_370 = tpu.memref_slice %arg4[%add3A_364, %dma_start3A_369] : memref<2880x112xf32, #tpu.memory_space<hbm>> -> memref<1x112xf32, #tpu.memory_space<hbm>>
          %dma_start3A_371 = tpu.memref_squeeze %dma_start3A_370 : memref<1x112xf32, #tpu.memory_space<hbm>> -> memref<112xf32, #tpu.memory_space<hbm>>
          %dma_start3A_372 = arith.constant 0 : i32
          %dma_start3A_373 = tpu.memref_slice %arg7[%dma_start3A_365, %dma_start3A_372] : memref<3x112xf32, #tpu.memory_space<vmem>> -> memref<1x112xf32, #tpu.memory_space<vmem>>
          %dma_start3A_374 = tpu.memref_squeeze %dma_start3A_373 : memref<1x112xf32, #tpu.memory_space<vmem>> -> memref<112xf32, #tpu.memory_space<vmem>>
          %dma_start3A_375 = arith.constant 0 : i32
          %dma_start3A_376 = tpu.memref_slice %arg4[%add3A_364, %dma_start3A_375] : memref<2880x112xf32, #tpu.memory_space<hbm>> -> memref<1x112xf32, #tpu.memory_space<hbm>>
          %dma_start3A_377 = tpu.memref_squeeze %dma_start3A_376 : memref<1x112xf32, #tpu.memory_space<hbm>> -> memref<112xf32, #tpu.memory_space<hbm>>
          tpu.enqueue_dma source(%dma_start3A_377 : memref<112xf32, #tpu.memory_space<hbm>>) target(%dma_start3A_374 : memref<112xf32, #tpu.memory_space<vmem>>) target_semaphore(%arg26 : memref<!tpu.dma_semaphore, #tpu.memory_space<semaphore_mem>>)
        } else {
        }
        %dma_wait3A_299 = arith.constant 0 : i32
        %dma_wait3A_300 = arith.constant 0 : i32
        %dma_wait3A_301 = tpu.memref_slice %arg2[%dma_wait3A_299, %dma_wait3A_300] : memref<10240x128xf32, #tpu.memory_space<hbm>> -> memref<112x128xf32, #tpu.memory_space<hbm>>
        %dma_wait3A_302 = arith.constant 0 : i32
        %dma_wait3A_303 = arith.constant 0 : i32
        %dma_wait3A_304 = tpu.memref_slice %arg2[%dma_wait3A_302, %dma_wait3A_303] : memref<10240x128xf32, #tpu.memory_space<hbm>> -> memref<112x128xf32, #tpu.memory_space<hbm>>
        tpu.wait_dma2 semaphore(%arg22 : memref<!tpu.dma_semaphore, #tpu.memory_space<semaphore_mem>>) src(%dma_wait3A_304 : memref<112x128xf32, #tpu.memory_space<hbm>>) dst(%arg15 : memref<112x128xf32, #tpu.memory_space<vmem>>)
        %dma_wait3A_305 = arith.constant 1 : i32
        %dma_wait3A_306 = arith.constant 0 : i32
        %dma_wait3A_307 = arith.constant 0 : i32
        %dma_wait3A_308 = tpu.memref_slice %arg6[%dma_wait3A_305, %dma_wait3A_306, %dma_wait3A_307] : memref<3x2x112xi32, #tpu.memory_space<vmem>> -> memref<1x2x112xi32, #tpu.memory_space<vmem>>
        %dma_wait3A_309 = tpu.memref_squeeze %dma_wait3A_308 : memref<1x2x112xi32, #tpu.memory_space<vmem>> -> memref<2x112xi32, #tpu.memory_space<vmem>>
        %dma_wait3A_310 = arith.constant 0 : i32
        %dma_wait3A_311 = arith.constant 0 : i32
        %dma_wait3A_312 = tpu.memref_slice %arg3[%mul3A_2, %dma_wait3A_310, %dma_wait3A_311] : memref<2880x2x112xi32, #tpu.memory_space<hbm>> -> memref<1x2x112xi32, #tpu.memory_space<hbm>>
        %dma_wait3A_313 = tpu.memref_squeeze %dma_wait3A_312 : memref<1x2x112xi32, #tpu.memory_space<hbm>> -> memref<2x112xi32, #tpu.memory_space<hbm>>
        %dma_wait3A_314 = arith.constant 0 : i32
        %dma_wait3A_315 = arith.constant 0 : i32
        %dma_wait3A_316 = tpu.memref_slice %arg6[%dma_wait3A_305, %dma_wait3A_314, %dma_wait3A_315] : memref<3x2x112xi32, #tpu.memory_space<vmem>> -> memref<1x2x112xi32, #tpu.memory_space<vmem>>
        %dma_wait3A_317 = tpu.memref_squeeze %dma_wait3A_316 : memref<1x2x112xi32, #tpu.memory_space<vmem>> -> memref<2x112xi32, #tpu.memory_space<vmem>>
        %dma_wait3A_318 = arith.constant 0 : i32
        %dma_wait3A_319 = arith.constant 0 : i32
        %dma_wait3A_320 = tpu.memref_slice %arg3[%mul3A_2, %dma_wait3A_318, %dma_wait3A_319] : memref<2880x2x112xi32, #tpu.memory_space<hbm>> -> memref<1x2x112xi32, #tpu.memory_space<hbm>>
        %dma_wait3A_321 = tpu.memref_squeeze %dma_wait3A_320 : memref<1x2x112xi32, #tpu.memory_space<hbm>> -> memref<2x112xi32, #tpu.memory_space<hbm>>
        tpu.wait_dma2 semaphore(%arg25 : memref<!tpu.dma_semaphore, #tpu.memory_space<semaphore_mem>>) src(%dma_wait3A_321 : memref<2x112xi32, #tpu.memory_space<hbm>>) dst(%dma_wait3A_317 : memref<2x112xi32, #tpu.memory_space<vmem>>)
        %dma_wait3A_322 = arith.constant 1 : i32
        %dma_wait3A_323 = arith.constant 0 : i32
        %dma_wait3A_324 = tpu.memref_slice %arg7[%dma_wait3A_322, %dma_wait3A_323] : memref<3x112xf32, #tpu.memory_space<vmem>> -> memref<1x112xf32, #tpu.memory_space<vmem>>
        %dma_wait3A_325 = tpu.memref_squeeze %dma_wait3A_324 : memref<1x112xf32, #tpu.memory_space<vmem>> -> memref<112xf32, #tpu.memory_space<vmem>>
        %dma_wait3A_326 = arith.constant 0 : i32
        %dma_wait3A_327 = tpu.memref_slice %arg4[%mul3A_2, %dma_wait3A_326] : memref<2880x112xf32, #tpu.memory_space<hbm>> -> memref<1x112xf32, #tpu.memory_space<hbm>>
        %dma_wait3A_328 = tpu.memref_squeeze %dma_wait3A_327 : memref<1x112xf32, #tpu.memory_space<hbm>> -> memref<112xf32, #tpu.memory_space<hbm>>
        %dma_wait3A_329 = arith.constant 0 : i32
        %dma_wait3A_330 = tpu.memref_slice %arg7[%dma_wait3A_322, %dma_wait3A_329] : memref<3x112xf32, #tpu.memory_space<vmem>> -> memref<1x112xf32, #tpu.memory_space<vmem>>
        %dma_wait3A_331 = tpu.memref_squeeze %dma_wait3A_330 : memref<1x112xf32, #tpu.memory_space<vmem>> -> memref<112xf32, #tpu.memory_space<vmem>>
        %dma_wait3A_332 = arith.constant 0 : i32
        %dma_wait3A_333 = tpu.memref_slice %arg4[%mul3A_2, %dma_wait3A_332] : memref<2880x112xf32, #tpu.memory_space<hbm>> -> memref<1x112xf32, #tpu.memory_space<hbm>>
        %dma_wait3A_334 = tpu.memref_squeeze %dma_wait3A_333 : memref<1x112xf32, #tpu.memory_space<hbm>> -> memref<112xf32, #tpu.memory_space<hbm>>
        tpu.wait_dma2 semaphore(%arg25 : memref<!tpu.dma_semaphore, #tpu.memory_space<semaphore_mem>>) src(%dma_wait3A_334 : memref<112xf32, #tpu.memory_space<hbm>>) dst(%dma_wait3A_331 : memref<112xf32, #tpu.memory_space<vmem>>)
        %scan3A_335 = arith.constant 0 : i32
        %scan3A_336 = arith.constant 0 : i32
        %scan3A_337 = arith.constant 7 : i32
        %scan3A_338 = arith.addi %scan3A_336, %scan3A_337 : i32
        %scan3A_339 = arith.constant 1 : i32
        scf.for %scan3A_344 = %scan3A_336 to %scan3A_338 step %scan3A_339  : i32 {
          %mul3A_345 = arith.constant 16 : i32
          %mul3A_346 = arith.muli %scan3A_344, %mul3A_345 : i32
          %get3A = arith.constant 1 : i32
          %get3A_347 = arith.constant 0 : i32
          %get3A_348 = arith.index_cast %get3A : i32 to index
          %get3A_349 = arith.index_cast %get3A_347 : i32 to index
          %get3A_350 = arith.index_cast %mul3A_346 : i32 to index
          %get3A_351 = tpu.vector_load %arg6[%get3A_348, %get3A_349, %get3A_350] {strides = array<i32>} : memref<3x2x112xi32, #tpu.memory_space<vmem>>, vector<1x1x16xi32>,
          %get3A_352 = vector.shape_cast %get3A_351 : vector<1x1x16xi32> to vector<16xi32>
          %mul3A_353 = arith.constant 16 : i32
          %mul3A_354 = arith.muli %scan3A_344, %mul3A_353 : i32
          %swap3A_355 = arith.index_cast %mul3A_354 : i32 to index
          %swap3A_356 = tpu.vector_load %arg9[%swap3A_355] {strides = array<i32>} : memref<112xi32, #tpu.memory_space<vmem>>, vector<16xi32>,
          %swap3A_357 = vector.shape_cast %swap3A_356 : vector<16xi32> to vector<16xi32>
          %swap3A_358 = vector.shape_cast %get3A_352 : vector<16xi32> to vector<16xi32>
          tpu.vector_store %arg9[%swap3A_355], %swap3A_358 {strides = array<i32>} : memref<112xi32, #tpu.memory_space<vmem>>, vector<16xi32>,
          %mul3A_359 = arith.constant 16 : i32
          %mul3A_360 = arith.muli %scan3A_344, %mul3A_359 : i32
          %get3A_361 = arith.constant 1 : i32
          %get3A_362 = arith.constant 1 : i32
          %get3A_363 = arith.index_cast %get3A_361 : i32 to index
          %get3A_364 = arith.index_cast %get3A_362 : i32 to index
          %get3A_365 = arith.index_cast %mul3A_360 : i32 to index
          %get3A_366 = tpu.vector_load %arg6[%get3A_363, %get3A_364, %get3A_365] {strides = array<i32>} : memref<3x2x112xi32, #tpu.memory_space<vmem>>, vector<1x1x16xi32>,
          %get3A_367 = vector.shape_cast %get3A_366 : vector<1x1x16xi32> to vector<16xi32>
          %mul3A_368 = arith.constant 16 : i32
          %mul3A_369 = arith.muli %scan3A_344, %mul3A_368 : i32
          %swap3A_370 = arith.index_cast %mul3A_369 : i32 to index
          %swap3A_371 = tpu.vector_load %arg12[%swap3A_370] {strides = array<i32>} : memref<112xi32, #tpu.memory_space<vmem>>, vector<16xi32>,
          %swap3A_372 = vector.shape_cast %swap3A_371 : vector<16xi32> to vector<16xi32>
          %swap3A_373 = vector.shape_cast %get3A_367 : vector<16xi32> to vector<16xi32>
          tpu.vector_store %arg12[%swap3A_370], %swap3A_373 {strides = array<i32>} : memref<112xi32, #tpu.memory_space<vmem>>, vector<16xi32>,
        }
        %scan3A_340 = arith.constant 7 : i32
        %dma_start3A_341 = arith.constant 0 : i32
        %dma_start3A_342 = arith.constant 0 : i32
        %dma_start3A_343 = tpu.memref_slice %arg2[%dma_start3A_341, %dma_start3A_342] : memref<10240x128xf32, #tpu.memory_space<hbm>> -> memref<10240x128xf32, #tpu.memory_space<hbm>>
        tpu.enqueue_indirect_dma source(%dma_start3A_343 : memref<10240x128xf32, #tpu.memory_space<hbm>>) target(%arg15 : memref<112x128xf32, #tpu.memory_space<vmem>>) offsets(%arg9 : memref<112xi32, #tpu.memory_space<vmem>>) semaphore(%arg19 : memref<!tpu.dma_semaphore, #tpu.memory_space<semaphore_mem>>)
      } else {
      }
      %dma_wait3A_243 = arith.constant 0 : i32
      %dma_wait3A_244 = arith.constant 0 : i32
      %dma_wait3A_245 = tpu.memref_slice %arg2[%dma_wait3A_243, %dma_wait3A_244] : memref<10240x128xf32, #tpu.memory_space<hbm>> -> memref<112x128xf32, #tpu.memory_space<hbm>>
      %dma_wait3A_246 = arith.constant 0 : i32
      %dma_wait3A_247 = arith.constant 0 : i32
      %dma_wait3A_248 = tpu.memref_slice %arg2[%dma_wait3A_246, %dma_wait3A_247] : memref<10240x128xf32, #tpu.memory_space<hbm>> -> memref<112x128xf32, #tpu.memory_space<hbm>>
      tpu.wait_dma2 semaphore(%arg18 : memref<!tpu.dma_semaphore, #tpu.memory_space<semaphore_mem>>) src(%dma_wait3A_248 : memref<112x128xf32, #tpu.memory_space<hbm>>) dst(%arg14 : memref<112x128xf32, #tpu.memory_space<vmem>>)
      %dma_start3A_249 = arith.constant 0 : i32
      %dma_start3A_250 = arith.constant 0 : i32
      %dma_start3A_251 = tpu.memref_slice %arg17[%dma_start3A_249, %dma_start3A_250] : memref<10240x128xf32, #tpu.memory_space<vmem_shared>> -> memref<10240x128xf32, #tpu.memory_space<vmem_shared>>
      tpu.enqueue_indirect_dma source(%arg14 : memref<112x128xf32, #tpu.memory_space<vmem>>) target(%dma_start3A_251 : memref<10240x128xf32, #tpu.memory_space<vmem_shared>>) offsets(%arg11 : memref<112xi32, #tpu.memory_space<vmem>>) semaphore(%arg21 : memref<!tpu.dma_semaphore, #tpu.memory_space<semaphore_mem>>) {add = true}
      %mul3A_252 = arith.constant 3 : i32
      %mul3A_253 = arith.muli %mul3A_252, %scan3A_234 : i32
      %add3A_254 = arith.constant 1 : i32
      %add3A_255 = arith.addi %mul3A_253, %add3A_254 : i32
      %add3A_256 = arith.constant 1 : i32
      %add3A_257 = arith.addi %add3A_255, %add3A_256 : i32
      %lt3A_258 = arith.constant 90 : i32
      %lt3A_259 = arith.cmpi slt, %add3A_257, %lt3A_258 : i32
      %convert_element_type3A_260 = arith.extui %lt3A_259 : i1 to i32
      %cond3A_261 = arith.constant 0 : i32
      %cond3A_262 = arith.cmpi ne, %convert_element_type3A_260, %cond3A_261 : i32
      scf.if %cond3A_262 {
        %add3A_292 = arith.constant 1 : i32
        %add3A_293 = arith.addi %add3A_257, %add3A_292 : i32
        %lt3A_294 = arith.constant 90 : i32
        %lt3A_295 = arith.cmpi slt, %add3A_293, %lt3A_294 : i32
        %convert_element_type3A_296 = arith.extui %lt3A_295 : i1 to i32
        %cond3A_297 = arith.constant 0 : i32
        %cond3A_298 = arith.cmpi ne, %convert_element_type3A_296, %cond3A_297 : i32
        scf.if %cond3A_298 {
          %add3A_344 = arith.constant 1 : i32
          %add3A_345 = arith.addi %add3A_257, %add3A_344 : i32
          %add3A_346 = arith.addi %mul3A_2, %add3A_345 : i32
          %dma_start3A_347 = arith.constant 0 : i32
          %dma_start3A_348 = arith.constant 0 : i32
          %dma_start3A_349 = arith.constant 0 : i32
          %dma_start3A_350 = tpu.memref_slice %arg6[%dma_start3A_347, %dma_start3A_348, %dma_start3A_349] : memref<3x2x112xi32, #tpu.memory_space<vmem>> -> memref<1x2x112xi32, #tpu.memory_space<vmem>>
          %dma_start3A_351 = tpu.memref_squeeze %dma_start3A_350 : memref<1x2x112xi32, #tpu.memory_space<vmem>> -> memref<2x112xi32, #tpu.memory_space<vmem>>
          %dma_start3A_352 = arith.constant 0 : i32
          %dma_start3A_353 = arith.constant 0 : i32
          %dma_start3A_354 = tpu.memref_slice %arg3[%add3A_346, %dma_start3A_352, %dma_start3A_353] : memref<2880x2x112xi32, #tpu.memory_space<hbm>> -> memref<1x2x112xi32, #tpu.memory_space<hbm>>
          %dma_start3A_355 = tpu.memref_squeeze %dma_start3A_354 : memref<1x2x112xi32, #tpu.memory_space<hbm>> -> memref<2x112xi32, #tpu.memory_space<hbm>>
          %dma_start3A_356 = arith.constant 0 : i32
          %dma_start3A_357 = arith.constant 0 : i32
          %dma_start3A_358 = tpu.memref_slice %arg6[%dma_start3A_347, %dma_start3A_356, %dma_start3A_357] : memref<3x2x112xi32, #tpu.memory_space<vmem>> -> memref<1x2x112xi32, #tpu.memory_space<vmem>>
          %dma_start3A_359 = tpu.memref_squeeze %dma_start3A_358 : memref<1x2x112xi32, #tpu.memory_space<vmem>> -> memref<2x112xi32, #tpu.memory_space<vmem>>
          %dma_start3A_360 = arith.constant 0 : i32
          %dma_start3A_361 = arith.constant 0 : i32
          %dma_start3A_362 = tpu.memref_slice %arg3[%add3A_346, %dma_start3A_360, %dma_start3A_361] : memref<2880x2x112xi32, #tpu.memory_space<hbm>> -> memref<1x2x112xi32, #tpu.memory_space<hbm>>
          %dma_start3A_363 = tpu.memref_squeeze %dma_start3A_362 : memref<1x2x112xi32, #tpu.memory_space<hbm>> -> memref<2x112xi32, #tpu.memory_space<hbm>>
          tpu.enqueue_dma source(%dma_start3A_363 : memref<2x112xi32, #tpu.memory_space<hbm>>) target(%dma_start3A_359 : memref<2x112xi32, #tpu.memory_space<vmem>>) target_semaphore(%arg24 : memref<!tpu.dma_semaphore, #tpu.memory_space<semaphore_mem>>)
          %add3A_364 = arith.addi %mul3A_2, %add3A_345 : i32
          %dma_start3A_365 = arith.constant 0 : i32
          %dma_start3A_366 = arith.constant 0 : i32
          %dma_start3A_367 = tpu.memref_slice %arg7[%dma_start3A_365, %dma_start3A_366] : memref<3x112xf32, #tpu.memory_space<vmem>> -> memref<1x112xf32, #tpu.memory_space<vmem>>
          %dma_start3A_368 = tpu.memref_squeeze %dma_start3A_367 : memref<1x112xf32, #tpu.memory_space<vmem>> -> memref<112xf32, #tpu.memory_space<vmem>>
          %dma_start3A_369 = arith.constant 0 : i32
          %dma_start3A_370 = tpu.memref_slice %arg4[%add3A_364, %dma_start3A_369] : memref<2880x112xf32, #tpu.memory_space<hbm>> -> memref<1x112xf32, #tpu.memory_space<hbm>>
          %dma_start3A_371 = tpu.memref_squeeze %dma_start3A_370 : memref<1x112xf32, #tpu.memory_space<hbm>> -> memref<112xf32, #tpu.memory_space<hbm>>
          %dma_start3A_372 = arith.constant 0 : i32
          %dma_start3A_373 = tpu.memref_slice %arg7[%dma_start3A_365, %dma_start3A_372] : memref<3x112xf32, #tpu.memory_space<vmem>> -> memref<1x112xf32, #tpu.memory_space<vmem>>
          %dma_start3A_374 = tpu.memref_squeeze %dma_start3A_373 : memref<1x112xf32, #tpu.memory_space<vmem>> -> memref<112xf32, #tpu.memory_space<vmem>>
          %dma_start3A_375 = arith.constant 0 : i32
          %dma_start3A_376 = tpu.memref_slice %arg4[%add3A_364, %dma_start3A_375] : memref<2880x112xf32, #tpu.memory_space<hbm>> -> memref<1x112xf32, #tpu.memory_space<hbm>>
          %dma_start3A_377 = tpu.memref_squeeze %dma_start3A_376 : memref<1x112xf32, #tpu.memory_space<hbm>> -> memref<112xf32, #tpu.memory_space<hbm>>
          tpu.enqueue_dma source(%dma_start3A_377 : memref<112xf32, #tpu.memory_space<hbm>>) target(%dma_start3A_374 : memref<112xf32, #tpu.memory_space<vmem>>) target_semaphore(%arg24 : memref<!tpu.dma_semaphore, #tpu.memory_space<semaphore_mem>>)
        } else {
        }
        %dma_wait3A_299 = arith.constant 0 : i32
        %dma_wait3A_300 = arith.constant 0 : i32
        %dma_wait3A_301 = tpu.memref_slice %arg2[%dma_wait3A_299, %dma_wait3A_300] : memref<10240x128xf32, #tpu.memory_space<hbm>> -> memref<112x128xf32, #tpu.memory_space<hbm>>
        %dma_wait3A_302 = arith.constant 0 : i32
        %dma_wait3A_303 = arith.constant 0 : i32
        %dma_wait3A_304 = tpu.memref_slice %arg2[%dma_wait3A_302, %dma_wait3A_303] : memref<10240x128xf32, #tpu.memory_space<hbm>> -> memref<112x128xf32, #tpu.memory_space<hbm>>
        tpu.wait_dma2 semaphore(%arg23 : memref<!tpu.dma_semaphore, #tpu.memory_space<semaphore_mem>>) src(%dma_wait3A_304 : memref<112x128xf32, #tpu.memory_space<hbm>>) dst(%arg16 : memref<112x128xf32, #tpu.memory_space<vmem>>)
        %dma_wait3A_305 = arith.constant 2 : i32
        %dma_wait3A_306 = arith.constant 0 : i32
        %dma_wait3A_307 = arith.constant 0 : i32
        %dma_wait3A_308 = tpu.memref_slice %arg6[%dma_wait3A_305, %dma_wait3A_306, %dma_wait3A_307] : memref<3x2x112xi32, #tpu.memory_space<vmem>> -> memref<1x2x112xi32, #tpu.memory_space<vmem>>
        %dma_wait3A_309 = tpu.memref_squeeze %dma_wait3A_308 : memref<1x2x112xi32, #tpu.memory_space<vmem>> -> memref<2x112xi32, #tpu.memory_space<vmem>>
        %dma_wait3A_310 = arith.constant 0 : i32
        %dma_wait3A_311 = arith.constant 0 : i32
        %dma_wait3A_312 = tpu.memref_slice %arg3[%mul3A_2, %dma_wait3A_310, %dma_wait3A_311] : memref<2880x2x112xi32, #tpu.memory_space<hbm>> -> memref<1x2x112xi32, #tpu.memory_space<hbm>>
        %dma_wait3A_313 = tpu.memref_squeeze %dma_wait3A_312 : memref<1x2x112xi32, #tpu.memory_space<hbm>> -> memref<2x112xi32, #tpu.memory_space<hbm>>
        %dma_wait3A_314 = arith.constant 0 : i32
        %dma_wait3A_315 = arith.constant 0 : i32
        %dma_wait3A_316 = tpu.memref_slice %arg6[%dma_wait3A_305, %dma_wait3A_314, %dma_wait3A_315] : memref<3x2x112xi32, #tpu.memory_space<vmem>> -> memref<1x2x112xi32, #tpu.memory_space<vmem>>
        %dma_wait3A_317 = tpu.memref_squeeze %dma_wait3A_316 : memref<1x2x112xi32, #tpu.memory_space<vmem>> -> memref<2x112xi32, #tpu.memory_space<vmem>>
        %dma_wait3A_318 = arith.constant 0 : i32
        %dma_wait3A_319 = arith.constant 0 : i32
        %dma_wait3A_320 = tpu.memref_slice %arg3[%mul3A_2, %dma_wait3A_318, %dma_wait3A_319] : memref<2880x2x112xi32, #tpu.memory_space<hbm>> -> memref<1x2x112xi32, #tpu.memory_space<hbm>>
        %dma_wait3A_321 = tpu.memref_squeeze %dma_wait3A_320 : memref<1x2x112xi32, #tpu.memory_space<hbm>> -> memref<2x112xi32, #tpu.memory_space<hbm>>
        tpu.wait_dma2 semaphore(%arg26 : memref<!tpu.dma_semaphore, #tpu.memory_space<semaphore_mem>>) src(%dma_wait3A_321 : memref<2x112xi32, #tpu.memory_space<hbm>>) dst(%dma_wait3A_317 : memref<2x112xi32, #tpu.memory_space<vmem>>)
        %dma_wait3A_322 = arith.constant 2 : i32
        %dma_wait3A_323 = arith.constant 0 : i32
        %dma_wait3A_324 = tpu.memref_slice %arg7[%dma_wait3A_322, %dma_wait3A_323] : memref<3x112xf32, #tpu.memory_space<vmem>> -> memref<1x112xf32, #tpu.memory_space<vmem>>
        %dma_wait3A_325 = tpu.memref_squeeze %dma_wait3A_324 : memref<1x112xf32, #tpu.memory_space<vmem>> -> memref<112xf32, #tpu.memory_space<vmem>>
        %dma_wait3A_326 = arith.constant 0 : i32
        %dma_wait3A_327 = tpu.memref_slice %arg4[%mul3A_2, %dma_wait3A_326] : memref<2880x112xf32, #tpu.memory_space<hbm>> -> memref<1x112xf32, #tpu.memory_space<hbm>>
        %dma_wait3A_328 = tpu.memref_squeeze %dma_wait3A_327 : memref<1x112xf32, #tpu.memory_space<hbm>> -> memref<112xf32, #tpu.memory_space<hbm>>
        %dma_wait3A_329 = arith.constant 0 : i32
        %dma_wait3A_330 = tpu.memref_slice %arg7[%dma_wait3A_322, %dma_wait3A_329] : memref<3x112xf32, #tpu.memory_space<vmem>> -> memref<1x112xf32, #tpu.memory_space<vmem>>
        %dma_wait3A_331 = tpu.memref_squeeze %dma_wait3A_330 : memref<1x112xf32, #tpu.memory_space<vmem>> -> memref<112xf32, #tpu.memory_space<vmem>>
        %dma_wait3A_332 = arith.constant 0 : i32
        %dma_wait3A_333 = tpu.memref_slice %arg4[%mul3A_2, %dma_wait3A_332] : memref<2880x112xf32, #tpu.memory_space<hbm>> -> memref<1x112xf32, #tpu.memory_space<hbm>>
        %dma_wait3A_334 = tpu.memref_squeeze %dma_wait3A_333 : memref<1x112xf32, #tpu.memory_space<hbm>> -> memref<112xf32, #tpu.memory_space<hbm>>
        tpu.wait_dma2 semaphore(%arg26 : memref<!tpu.dma_semaphore, #tpu.memory_space<semaphore_mem>>) src(%dma_wait3A_334 : memref<112xf32, #tpu.memory_space<hbm>>) dst(%dma_wait3A_331 : memref<112xf32, #tpu.memory_space<vmem>>)
        %scan3A_335 = arith.constant 0 : i32
        %scan3A_336 = arith.constant 0 : i32
        %scan3A_337 = arith.constant 7 : i32
        %scan3A_338 = arith.addi %scan3A_336, %scan3A_337 : i32
        %scan3A_339 = arith.constant 1 : i32
        scf.for %scan3A_344 = %scan3A_336 to %scan3A_338 step %scan3A_339  : i32 {
          %mul3A_345 = arith.constant 16 : i32
          %mul3A_346 = arith.muli %scan3A_344, %mul3A_345 : i32
          %get3A = arith.constant 2 : i32
          %get3A_347 = arith.constant 0 : i32
          %get3A_348 = arith.index_cast %get3A : i32 to index
          %get3A_349 = arith.index_cast %get3A_347 : i32 to index
          %get3A_350 = arith.index_cast %mul3A_346 : i32 to index
          %get3A_351 = tpu.vector_load %arg6[%get3A_348, %get3A_349, %get3A_350] {strides = array<i32>} : memref<3x2x112xi32, #tpu.memory_space<vmem>>, vector<1x1x16xi32>,
          %get3A_352 = vector.shape_cast %get3A_351 : vector<1x1x16xi32> to vector<16xi32>
          %mul3A_353 = arith.constant 16 : i32
          %mul3A_354 = arith.muli %scan3A_344, %mul3A_353 : i32
          %swap3A_355 = arith.index_cast %mul3A_354 : i32 to index
          %swap3A_356 = tpu.vector_load %arg10[%swap3A_355] {strides = array<i32>} : memref<112xi32, #tpu.memory_space<vmem>>, vector<16xi32>,
          %swap3A_357 = vector.shape_cast %swap3A_356 : vector<16xi32> to vector<16xi32>
          %swap3A_358 = vector.shape_cast %get3A_352 : vector<16xi32> to vector<16xi32>
          tpu.vector_store %arg10[%swap3A_355], %swap3A_358 {strides = array<i32>} : memref<112xi32, #tpu.memory_space<vmem>>, vector<16xi32>,
          %mul3A_359 = arith.constant 16 : i32
          %mul3A_360 = arith.muli %scan3A_344, %mul3A_359 : i32
          %get3A_361 = arith.constant 2 : i32
          %get3A_362 = arith.constant 1 : i32
          %get3A_363 = arith.index_cast %get3A_361 : i32 to index
          %get3A_364 = arith.index_cast %get3A_362 : i32 to index
          %get3A_365 = arith.index_cast %mul3A_360 : i32 to index
          %get3A_366 = tpu.vector_load %arg6[%get3A_363, %get3A_364, %get3A_365] {strides = array<i32>} : memref<3x2x112xi32, #tpu.memory_space<vmem>>, vector<1x1x16xi32>,
          %get3A_367 = vector.shape_cast %get3A_366 : vector<1x1x16xi32> to vector<16xi32>
          %mul3A_368 = arith.constant 16 : i32
          %mul3A_369 = arith.muli %scan3A_344, %mul3A_368 : i32
          %swap3A_370 = arith.index_cast %mul3A_369 : i32 to index
          %swap3A_371 = tpu.vector_load %arg13[%swap3A_370] {strides = array<i32>} : memref<112xi32, #tpu.memory_space<vmem>>, vector<16xi32>,
          %swap3A_372 = vector.shape_cast %swap3A_371 : vector<16xi32> to vector<16xi32>
          %swap3A_373 = vector.shape_cast %get3A_367 : vector<16xi32> to vector<16xi32>
          tpu.vector_store %arg13[%swap3A_370], %swap3A_373 {strides = array<i32>} : memref<112xi32, #tpu.memory_space<vmem>>, vector<16xi32>,
        }
        %scan3A_340 = arith.constant 7 : i32
        %dma_start3A_341 = arith.constant 0 : i32
        %dma_start3A_342 = arith.constant 0 : i32
        %dma_start3A_343 = tpu.memref_slice %arg2[%dma_start3A_341, %dma_start3A_342] : memref<10240x128xf32, #tpu.memory_space<hbm>> -> memref<10240x128xf32, #tpu.memory_space<hbm>>
        tpu.enqueue_indirect_dma source(%dma_start3A_343 : memref<10240x128xf32, #tpu.memory_space<hbm>>) target(%arg16 : memref<112x128xf32, #tpu.memory_space<vmem>>) offsets(%arg10 : memref<112xi32, #tpu.memory_space<vmem>>) semaphore(%arg20 : memref<!tpu.dma_semaphore, #tpu.memory_space<semaphore_mem>>)
      } else {
      }
      %dma_wait3A_263 = arith.constant 0 : i32
      %dma_wait3A_264 = arith.constant 0 : i32
      %dma_wait3A_265 = tpu.memref_slice %arg2[%dma_wait3A_263, %dma_wait3A_264] : memref<10240x128xf32, #tpu.memory_space<hbm>> -> memref<112x128xf32, #tpu.memory_space<hbm>>
      %dma_wait3A_266 = arith.constant 0 : i32
      %dma_wait3A_267 = arith.constant 0 : i32
      %dma_wait3A_268 = tpu.memref_slice %arg2[%dma_wait3A_266, %dma_wait3A_267] : memref<10240x128xf32, #tpu.memory_space<hbm>> -> memref<112x128xf32, #tpu.memory_space<hbm>>
      tpu.wait_dma2 semaphore(%arg19 : memref<!tpu.dma_semaphore, #tpu.memory_space<semaphore_mem>>) src(%dma_wait3A_268 : memref<112x128xf32, #tpu.memory_space<hbm>>) dst(%arg15 : memref<112x128xf32, #tpu.memory_space<vmem>>)
      %dma_start3A_269 = arith.constant 0 : i32
      %dma_start3A_270 = arith.constant 0 : i32
      %dma_start3A_271 = tpu.memref_slice %arg17[%dma_start3A_269, %dma_start3A_270] : memref<10240x128xf32, #tpu.memory_space<vmem_shared>> -> memref<10240x128xf32, #tpu.memory_space<vmem_shared>>
      tpu.enqueue_indirect_dma source(%arg15 : memref<112x128xf32, #tpu.memory_space<vmem>>) target(%dma_start3A_271 : memref<10240x128xf32, #tpu.memory_space<vmem_shared>>) offsets(%arg12 : memref<112xi32, #tpu.memory_space<vmem>>) semaphore(%arg22 : memref<!tpu.dma_semaphore, #tpu.memory_space<semaphore_mem>>) {add = true}
      %mul3A_272 = arith.constant 3 : i32
      %mul3A_273 = arith.muli %mul3A_272, %scan3A_234 : i32
      %add3A_274 = arith.constant 2 : i32
      %add3A_275 = arith.addi %mul3A_273, %add3A_274 : i32
      %add3A_276 = arith.constant 1 : i32
      %add3A_277 = arith.addi %add3A_275, %add3A_276 : i32
      %lt3A_278 = arith.constant 90 : i32
      %lt3A_279 = arith.cmpi slt, %add3A_277, %lt3A_278 : i32
      %convert_element_type3A_280 = arith.extui %lt3A_279 : i1 to i32
      %cond3A_281 = arith.constant 0 : i32
      %cond3A_282 = arith.cmpi ne, %convert_element_type3A_280, %cond3A_281 : i32
      scf.if %cond3A_282 {
        %add3A_292 = arith.constant 1 : i32
        %add3A_293 = arith.addi %add3A_277, %add3A_292 : i32
        %lt3A_294 = arith.constant 90 : i32
        %lt3A_295 = arith.cmpi slt, %add3A_293, %lt3A_294 : i32
        %convert_element_type3A_296 = arith.extui %lt3A_295 : i1 to i32
        %cond3A_297 = arith.constant 0 : i32
        %cond3A_298 = arith.cmpi ne, %convert_element_type3A_296, %cond3A_297 : i32
        scf.if %cond3A_298 {
          %add3A_344 = arith.constant 1 : i32
          %add3A_345 = arith.addi %add3A_277, %add3A_344 : i32
          %add3A_346 = arith.addi %mul3A_2, %add3A_345 : i32
          %dma_start3A_347 = arith.constant 1 : i32
          %dma_start3A_348 = arith.constant 0 : i32
          %dma_start3A_349 = arith.constant 0 : i32
          %dma_start3A_350 = tpu.memref_slice %arg6[%dma_start3A_347, %dma_start3A_348, %dma_start3A_349] : memref<3x2x112xi32, #tpu.memory_space<vmem>> -> memref<1x2x112xi32, #tpu.memory_space<vmem>>
          %dma_start3A_351 = tpu.memref_squeeze %dma_start3A_350 : memref<1x2x112xi32, #tpu.memory_space<vmem>> -> memref<2x112xi32, #tpu.memory_space<vmem>>
          %dma_start3A_352 = arith.constant 0 : i32
          %dma_start3A_353 = arith.constant 0 : i32
          %dma_start3A_354 = tpu.memref_slice %arg3[%add3A_346, %dma_start3A_352, %dma_start3A_353] : memref<2880x2x112xi32, #tpu.memory_space<hbm>> -> memref<1x2x112xi32, #tpu.memory_space<hbm>>
          %dma_start3A_355 = tpu.memref_squeeze %dma_start3A_354 : memref<1x2x112xi32, #tpu.memory_space<hbm>> -> memref<2x112xi32, #tpu.memory_space<hbm>>
          %dma_start3A_356 = arith.constant 0 : i32
          %dma_start3A_357 = arith.constant 0 : i32
          %dma_start3A_358 = tpu.memref_slice %arg6[%dma_start3A_347, %dma_start3A_356, %dma_start3A_357] : memref<3x2x112xi32, #tpu.memory_space<vmem>> -> memref<1x2x112xi32, #tpu.memory_space<vmem>>
          %dma_start3A_359 = tpu.memref_squeeze %dma_start3A_358 : memref<1x2x112xi32, #tpu.memory_space<vmem>> -> memref<2x112xi32, #tpu.memory_space<vmem>>
          %dma_start3A_360 = arith.constant 0 : i32
          %dma_start3A_361 = arith.constant 0 : i32
          %dma_start3A_362 = tpu.memref_slice %arg3[%add3A_346, %dma_start3A_360, %dma_start3A_361] : memref<2880x2x112xi32, #tpu.memory_space<hbm>> -> memref<1x2x112xi32, #tpu.memory_space<hbm>>
          %dma_start3A_363 = tpu.memref_squeeze %dma_start3A_362 : memref<1x2x112xi32, #tpu.memory_space<hbm>> -> memref<2x112xi32, #tpu.memory_space<hbm>>
          tpu.enqueue_dma source(%dma_start3A_363 : memref<2x112xi32, #tpu.memory_space<hbm>>) target(%dma_start3A_359 : memref<2x112xi32, #tpu.memory_space<vmem>>) target_semaphore(%arg25 : memref<!tpu.dma_semaphore, #tpu.memory_space<semaphore_mem>>)
          %add3A_364 = arith.addi %mul3A_2, %add3A_345 : i32
          %dma_start3A_365 = arith.constant 1 : i32
          %dma_start3A_366 = arith.constant 0 : i32
          %dma_start3A_367 = tpu.memref_slice %arg7[%dma_start3A_365, %dma_start3A_366] : memref<3x112xf32, #tpu.memory_space<vmem>> -> memref<1x112xf32, #tpu.memory_space<vmem>>
          %dma_start3A_368 = tpu.memref_squeeze %dma_start3A_367 : memref<1x112xf32, #tpu.memory_space<vmem>> -> memref<112xf32, #tpu.memory_space<vmem>>
          %dma_start3A_369 = arith.constant 0 : i32
          %dma_start3A_370 = tpu.memref_slice %arg4[%add3A_364, %dma_start3A_369] : memref<2880x112xf32, #tpu.memory_space<hbm>> -> memref<1x112xf32, #tpu.memory_space<hbm>>
          %dma_start3A_371 = tpu.memref_squeeze %dma_start3A_370 : memref<1x112xf32, #tpu.memory_space<hbm>> -> memref<112xf32, #tpu.memory_space<hbm>>
          %dma_start3A_372 = arith.constant 0 : i32
          %dma_start3A_373 = tpu.memref_slice %arg7[%dma_start3A_365, %dma_start3A_372] : memref<3x112xf32, #tpu.memory_space<vmem>> -> memref<1x112xf32, #tpu.memory_space<vmem>>
          %dma_start3A_374 = tpu.memref_squeeze %dma_start3A_373 : memref<1x112xf32, #tpu.memory_space<vmem>> -> memref<112xf32, #tpu.memory_space<vmem>>
          %dma_start3A_375 = arith.constant 0 : i32
          %dma_start3A_376 = tpu.memref_slice %arg4[%add3A_364, %dma_start3A_375] : memref<2880x112xf32, #tpu.memory_space<hbm>> -> memref<1x112xf32, #tpu.memory_space<hbm>>
          %dma_start3A_377 = tpu.memref_squeeze %dma_start3A_376 : memref<1x112xf32, #tpu.memory_space<hbm>> -> memref<112xf32, #tpu.memory_space<hbm>>
          tpu.enqueue_dma source(%dma_start3A_377 : memref<112xf32, #tpu.memory_space<hbm>>) target(%dma_start3A_374 : memref<112xf32, #tpu.memory_space<vmem>>) target_semaphore(%arg25 : memref<!tpu.dma_semaphore, #tpu.memory_space<semaphore_mem>>)
        } else {
        }
        %dma_wait3A_299 = arith.constant 0 : i32
        %dma_wait3A_300 = arith.constant 0 : i32
        %dma_wait3A_301 = tpu.memref_slice %arg2[%dma_wait3A_299, %dma_wait3A_300] : memref<10240x128xf32, #tpu.memory_space<hbm>> -> memref<112x128xf32, #tpu.memory_space<hbm>>
        %dma_wait3A_302 = arith.constant 0 : i32
        %dma_wait3A_303 = arith.constant 0 : i32
        %dma_wait3A_304 = tpu.memref_slice %arg2[%dma_wait3A_302, %dma_wait3A_303] : memref<10240x128xf32, #tpu.memory_space<hbm>> -> memref<112x128xf32, #tpu.memory_space<hbm>>
        tpu.wait_dma2 semaphore(%arg21 : memref<!tpu.dma_semaphore, #tpu.memory_space<semaphore_mem>>) src(%dma_wait3A_304 : memref<112x128xf32, #tpu.memory_space<hbm>>) dst(%arg14 : memref<112x128xf32, #tpu.memory_space<vmem>>)
        %dma_wait3A_305 = arith.constant 0 : i32
        %dma_wait3A_306 = arith.constant 0 : i32
        %dma_wait3A_307 = arith.constant 0 : i32
        %dma_wait3A_308 = tpu.memref_slice %arg6[%dma_wait3A_305, %dma_wait3A_306, %dma_wait3A_307] : memref<3x2x112xi32, #tpu.memory_space<vmem>> -> memref<1x2x112xi32, #tpu.memory_space<vmem>>
        %dma_wait3A_309 = tpu.memref_squeeze %dma_wait3A_308 : memref<1x2x112xi32, #tpu.memory_space<vmem>> -> memref<2x112xi32, #tpu.memory_space<vmem>>
        %dma_wait3A_310 = arith.constant 0 : i32
        %dma_wait3A_311 = arith.constant 0 : i32
        %dma_wait3A_312 = tpu.memref_slice %arg3[%mul3A_2, %dma_wait3A_310, %dma_wait3A_311] : memref<2880x2x112xi32, #tpu.memory_space<hbm>> -> memref<1x2x112xi32, #tpu.memory_space<hbm>>
        %dma_wait3A_313 = tpu.memref_squeeze %dma_wait3A_312 : memref<1x2x112xi32, #tpu.memory_space<hbm>> -> memref<2x112xi32, #tpu.memory_space<hbm>>
        %dma_wait3A_314 = arith.constant 0 : i32
        %dma_wait3A_315 = arith.constant 0 : i32
        %dma_wait3A_316 = tpu.memref_slice %arg6[%dma_wait3A_305, %dma_wait3A_314, %dma_wait3A_315] : memref<3x2x112xi32, #tpu.memory_space<vmem>> -> memref<1x2x112xi32, #tpu.memory_space<vmem>>
        %dma_wait3A_317 = tpu.memref_squeeze %dma_wait3A_316 : memref<1x2x112xi32, #tpu.memory_space<vmem>> -> memref<2x112xi32, #tpu.memory_space<vmem>>
        %dma_wait3A_318 = arith.constant 0 : i32
        %dma_wait3A_319 = arith.constant 0 : i32
        %dma_wait3A_320 = tpu.memref_slice %arg3[%mul3A_2, %dma_wait3A_318, %dma_wait3A_319] : memref<2880x2x112xi32, #tpu.memory_space<hbm>> -> memref<1x2x112xi32, #tpu.memory_space<hbm>>
        %dma_wait3A_321 = tpu.memref_squeeze %dma_wait3A_320 : memref<1x2x112xi32, #tpu.memory_space<hbm>> -> memref<2x112xi32, #tpu.memory_space<hbm>>
        tpu.wait_dma2 semaphore(%arg24 : memref<!tpu.dma_semaphore, #tpu.memory_space<semaphore_mem>>) src(%dma_wait3A_321 : memref<2x112xi32, #tpu.memory_space<hbm>>) dst(%dma_wait3A_317 : memref<2x112xi32, #tpu.memory_space<vmem>>)
        %dma_wait3A_322 = arith.constant 0 : i32
        %dma_wait3A_323 = arith.constant 0 : i32
        %dma_wait3A_324 = tpu.memref_slice %arg7[%dma_wait3A_322, %dma_wait3A_323] : memref<3x112xf32, #tpu.memory_space<vmem>> -> memref<1x112xf32, #tpu.memory_space<vmem>>
        %dma_wait3A_325 = tpu.memref_squeeze %dma_wait3A_324 : memref<1x112xf32, #tpu.memory_space<vmem>> -> memref<112xf32, #tpu.memory_space<vmem>>
        %dma_wait3A_326 = arith.constant 0 : i32
        %dma_wait3A_327 = tpu.memref_slice %arg4[%mul3A_2, %dma_wait3A_326] : memref<2880x112xf32, #tpu.memory_space<hbm>> -> memref<1x112xf32, #tpu.memory_space<hbm>>
        %dma_wait3A_328 = tpu.memref_squeeze %dma_wait3A_327 : memref<1x112xf32, #tpu.memory_space<hbm>> -> memref<112xf32, #tpu.memory_space<hbm>>
        %dma_wait3A_329 = arith.constant 0 : i32
        %dma_wait3A_330 = tpu.memref_slice %arg7[%dma_wait3A_322, %dma_wait3A_329] : memref<3x112xf32, #tpu.memory_space<vmem>> -> memref<1x112xf32, #tpu.memory_space<vmem>>
        %dma_wait3A_331 = tpu.memref_squeeze %dma_wait3A_330 : memref<1x112xf32, #tpu.memory_space<vmem>> -> memref<112xf32, #tpu.memory_space<vmem>>
        %dma_wait3A_332 = arith.constant 0 : i32
        %dma_wait3A_333 = tpu.memref_slice %arg4[%mul3A_2, %dma_wait3A_332] : memref<2880x112xf32, #tpu.memory_space<hbm>> -> memref<1x112xf32, #tpu.memory_space<hbm>>
        %dma_wait3A_334 = tpu.memref_squeeze %dma_wait3A_333 : memref<1x112xf32, #tpu.memory_space<hbm>> -> memref<112xf32, #tpu.memory_space<hbm>>
        tpu.wait_dma2 semaphore(%arg24 : memref<!tpu.dma_semaphore, #tpu.memory_space<semaphore_mem>>) src(%dma_wait3A_334 : memref<112xf32, #tpu.memory_space<hbm>>) dst(%dma_wait3A_331 : memref<112xf32, #tpu.memory_space<vmem>>)
        %scan3A_335 = arith.constant 0 : i32
        %scan3A_336 = arith.constant 0 : i32
        %scan3A_337 = arith.constant 7 : i32
        %scan3A_338 = arith.addi %scan3A_336, %scan3A_337 : i32
        %scan3A_339 = arith.constant 1 : i32
        scf.for %scan3A_344 = %scan3A_336 to %scan3A_338 step %scan3A_339  : i32 {
          %mul3A_345 = arith.constant 16 : i32
          %mul3A_346 = arith.muli %scan3A_344, %mul3A_345 : i32
          %get3A = arith.constant 0 : i32
          %get3A_347 = arith.constant 0 : i32
          %get3A_348 = arith.index_cast %get3A : i32 to index
          %get3A_349 = arith.index_cast %get3A_347 : i32 to index
          %get3A_350 = arith.index_cast %mul3A_346 : i32 to index
          %get3A_351 = tpu.vector_load %arg6[%get3A_348, %get3A_349, %get3A_350] {strides = array<i32>} : memref<3x2x112xi32, #tpu.memory_space<vmem>>, vector<1x1x16xi32>,
          %get3A_352 = vector.shape_cast %get3A_351 : vector<1x1x16xi32> to vector<16xi32>
          %mul3A_353 = arith.constant 16 : i32
          %mul3A_354 = arith.muli %scan3A_344, %mul3A_353 : i32
          %swap3A_355 = arith.index_cast %mul3A_354 : i32 to index
          %swap3A_356 = tpu.vector_load %arg8[%swap3A_355] {strides = array<i32>} : memref<112xi32, #tpu.memory_space<vmem>>, vector<16xi32>,
          %swap3A_357 = vector.shape_cast %swap3A_356 : vector<16xi32> to vector<16xi32>
          %swap3A_358 = vector.shape_cast %get3A_352 : vector<16xi32> to vector<16xi32>
          tpu.vector_store %arg8[%swap3A_355], %swap3A_358 {strides = array<i32>} : memref<112xi32, #tpu.memory_space<vmem>>, vector<16xi32>,
          %mul3A_359 = arith.constant 16 : i32
          %mul3A_360 = arith.muli %scan3A_344, %mul3A_359 : i32
          %get3A_361 = arith.constant 0 : i32
          %get3A_362 = arith.constant 1 : i32
          %get3A_363 = arith.index_cast %get3A_361 : i32 to index
          %get3A_364 = arith.index_cast %get3A_362 : i32 to index
          %get3A_365 = arith.index_cast %mul3A_360 : i32 to index
          %get3A_366 = tpu.vector_load %arg6[%get3A_363, %get3A_364, %get3A_365] {strides = array<i32>} : memref<3x2x112xi32, #tpu.memory_space<vmem>>, vector<1x1x16xi32>,
          %get3A_367 = vector.shape_cast %get3A_366 : vector<1x1x16xi32> to vector<16xi32>
          %mul3A_368 = arith.constant 16 : i32
          %mul3A_369 = arith.muli %scan3A_344, %mul3A_368 : i32
          %swap3A_370 = arith.index_cast %mul3A_369 : i32 to index
          %swap3A_371 = tpu.vector_load %arg11[%swap3A_370] {strides = array<i32>} : memref<112xi32, #tpu.memory_space<vmem>>, vector<16xi32>,
          %swap3A_372 = vector.shape_cast %swap3A_371 : vector<16xi32> to vector<16xi32>
          %swap3A_373 = vector.shape_cast %get3A_367 : vector<16xi32> to vector<16xi32>
          tpu.vector_store %arg11[%swap3A_370], %swap3A_373 {strides = array<i32>} : memref<112xi32, #tpu.memory_space<vmem>>, vector<16xi32>,
        }
        %scan3A_340 = arith.constant 7 : i32
        %dma_start3A_341 = arith.constant 0 : i32
        %dma_start3A_342 = arith.constant 0 : i32
        %dma_start3A_343 = tpu.memref_slice %arg2[%dma_start3A_341, %dma_start3A_342] : memref<10240x128xf32, #tpu.memory_space<hbm>> -> memref<10240x128xf32, #tpu.memory_space<hbm>>
        tpu.enqueue_indirect_dma source(%dma_start3A_343 : memref<10240x128xf32, #tpu.memory_space<hbm>>) target(%arg14 : memref<112x128xf32, #tpu.memory_space<vmem>>) offsets(%arg8 : memref<112xi32, #tpu.memory_space<vmem>>) semaphore(%arg18 : memref<!tpu.dma_semaphore, #tpu.memory_space<semaphore_mem>>)
      } else {
      }
      %dma_wait3A_283 = arith.constant 0 : i32
      %dma_wait3A_284 = arith.constant 0 : i32
      %dma_wait3A_285 = tpu.memref_slice %arg2[%dma_wait3A_283, %dma_wait3A_284] : memref<10240x128xf32, #tpu.memory_space<hbm>> -> memref<112x128xf32, #tpu.memory_space<hbm>>
      %dma_wait3A_286 = arith.constant 0 : i32
      %dma_wait3A_287 = arith.constant 0 : i32
      %dma_wait3A_288 = tpu.memref_slice %arg2[%dma_wait3A_286, %dma_wait3A_287] : memref<10240x128xf32, #tpu.memory_space<hbm>> -> memref<112x128xf32, #tpu.memory_space<hbm>>
      tpu.wait_dma2 semaphore(%arg20 : memref<!tpu.dma_semaphore, #tpu.memory_space<semaphore_mem>>) src(%dma_wait3A_288 : memref<112x128xf32, #tpu.memory_space<hbm>>) dst(%arg16 : memref<112x128xf32, #tpu.memory_space<vmem>>)
      %dma_start3A_289 = arith.constant 0 : i32
      %dma_start3A_290 = arith.constant 0 : i32
      %dma_start3A_291 = tpu.memref_slice %arg17[%dma_start3A_289, %dma_start3A_290] : memref<10240x128xf32, #tpu.memory_space<vmem_shared>> -> memref<10240x128xf32, #tpu.memory_space<vmem_shared>>
      tpu.enqueue_indirect_dma source(%arg16 : memref<112x128xf32, #tpu.memory_space<vmem>>) target(%dma_start3A_291 : memref<10240x128xf32, #tpu.memory_space<vmem_shared>>) offsets(%arg13 : memref<112xi32, #tpu.memory_space<vmem>>) semaphore(%arg23 : memref<!tpu.dma_semaphore, #tpu.memory_space<semaphore_mem>>) {add = true}
    }
    %scan3A_210 = arith.constant 30 : i32
    %dma_wait3A_211 = arith.constant 0 : i32
    %dma_wait3A_212 = arith.constant 0 : i32
    %dma_wait3A_213 = tpu.memref_slice %arg2[%dma_wait3A_211, %dma_wait3A_212] : memref<10240x128xf32, #tpu.memory_space<hbm>> -> memref<112x128xf32, #tpu.memory_space<hbm>>
    %dma_wait3A_214 = arith.constant 0 : i32
    %dma_wait3A_215 = arith.constant 0 : i32
    %dma_wait3A_216 = tpu.memref_slice %arg2[%dma_wait3A_214, %dma_wait3A_215] : memref<10240x128xf32, #tpu.memory_space<hbm>> -> memref<112x128xf32, #tpu.memory_space<hbm>>
    tpu.wait_dma2 semaphore(%arg21 : memref<!tpu.dma_semaphore, #tpu.memory_space<semaphore_mem>>) src(%dma_wait3A_216 : memref<112x128xf32, #tpu.memory_space<hbm>>) dst(%arg14 : memref<112x128xf32, #tpu.memory_space<vmem>>)
    %dma_wait3A_217 = arith.constant 0 : i32
    %dma_wait3A_218 = arith.constant 0 : i32
    %dma_wait3A_219 = tpu.memref_slice %arg2[%dma_wait3A_217, %dma_wait3A_218] : memref<10240x128xf32, #tpu.memory_space<hbm>> -> memref<112x128xf32, #tpu.memory_space<hbm>>
    %dma_wait3A_220 = arith.constant 0 : i32
    %dma_wait3A_221 = arith.constant 0 : i32
    %dma_wait3A_222 = tpu.memref_slice %arg2[%dma_wait3A_220, %dma_wait3A_221] : memref<10240x128xf32, #tpu.memory_space<hbm>> -> memref<112x128xf32, #tpu.memory_space<hbm>>
    tpu.wait_dma2 semaphore(%arg22 : memref<!tpu.dma_semaphore, #tpu.memory_space<semaphore_mem>>) src(%dma_wait3A_222 : memref<112x128xf32, #tpu.memory_space<hbm>>) dst(%arg15 : memref<112x128xf32, #tpu.memory_space<vmem>>)
    %dma_wait3A_223 = arith.constant 0 : i32
    %dma_wait3A_224 = arith.constant 0 : i32
    %dma_wait3A_225 = tpu.memref_slice %arg2[%dma_wait3A_223, %dma_wait3A_224] : memref<10240x128xf32, #tpu.memory_space<hbm>> -> memref<112x128xf32, #tpu.memory_space<hbm>>
    %dma_wait3A_226 = arith.constant 0 : i32
    %dma_wait3A_227 = arith.constant 0 : i32
    %dma_wait3A_228 = tpu.memref_slice %arg2[%dma_wait3A_226, %dma_wait3A_227] : memref<10240x128xf32, #tpu.memory_space<hbm>> -> memref<112x128xf32, #tpu.memory_space<hbm>>
    tpu.wait_dma2 semaphore(%arg23 : memref<!tpu.dma_semaphore, #tpu.memory_space<semaphore_mem>>) src(%dma_wait3A_228 : memref<112x128xf32, #tpu.memory_space<hbm>>) dst(%arg16 : memref<112x128xf32, #tpu.memory_space<vmem>>)
    %barrier3A_229 = arith.constant 0 : index
    tpu.barrier barrier_id(%barrier3A_229)
    %mul3A_230 = arith.constant 640 : i32
    %mul3A_231 = arith.muli %arg1, %mul3A_230 : i32
    %mul3A_232 = arith.constant 640 : i32
    %mul3A_233 = arith.muli %arg1, %mul3A_232 : i32
    "tpu.region"() ({
      %run_scoped3A = tpu.sem_alloc : memref<!tpu.dma_semaphore, #tpu.memory_space<semaphore_mem>>
      %dma_start3A_234 = arith.constant 0 : i32
      %dma_start3A_235 = tpu.memref_slice %arg5[%arg0, %mul3A_233, %dma_start3A_234] : memref<2x10240x128xf32, #tpu.memory_space<hbm>> -> memref<1x640x128xf32, #tpu.memory_space<hbm>>
      %dma_start3A_236 = tpu.memref_squeeze %dma_start3A_235 : memref<1x640x128xf32, #tpu.memory_space<hbm>> -> memref<640x128xf32, #tpu.memory_space<hbm>>
      %dma_start3A_237 = arith.constant 0 : i32
      %dma_start3A_238 = tpu.memref_slice %arg17[%mul3A_231, %dma_start3A_237] : memref<10240x128xf32, #tpu.memory_space<vmem_shared>> -> memref<640x128xf32, #tpu.memory_space<vmem_shared>>
      tpu.enqueue_dma source(%dma_start3A_238 : memref<640x128xf32, #tpu.memory_space<vmem_shared>>) target(%dma_start3A_236 : memref<640x128xf32, #tpu.memory_space<hbm>>) target_semaphore(%run_scoped3A : memref<!tpu.dma_semaphore, #tpu.memory_space<semaphore_mem>>)
      %dma_wait3A_239 = arith.constant 0 : i32
      %dma_wait3A_240 = tpu.memref_slice %arg5[%arg0, %mul3A_233, %dma_wait3A_239] : memref<2x10240x128xf32, #tpu.memory_space<hbm>> -> memref<1x640x128xf32, #tpu.memory_space<hbm>>
      %dma_wait3A_241 = tpu.memref_squeeze %dma_wait3A_240 : memref<1x640x128xf32, #tpu.memory_space<hbm>> -> memref<640x128xf32, #tpu.memory_space<hbm>>
      %dma_wait3A_242 = arith.constant 0 : i32
      %dma_wait3A_243 = tpu.memref_slice %arg17[%mul3A_231, %dma_wait3A_242] : memref<10240x128xf32, #tpu.memory_space<vmem_shared>> -> memref<640x128xf32, #tpu.memory_space<vmem_shared>>
      tpu.wait_dma2 semaphore(%run_scoped3A : memref<!tpu.dma_semaphore, #tpu.memory_space<semaphore_mem>>) src(%dma_wait3A_243 : memref<640x128xf32, #tpu.memory_space<vmem_shared>>) dst(%dma_wait3A_241 : memref<640x128xf32, #tpu.memory_space<hbm>>)
      tpu.yield
    }) : () -> ()
    return
  }
}

module attributes {stable_mosaic.version = 14 : i64} {
  func.func @_t_dinv_body(%arg0: memref<2x10240xf32, #tpu.memory_space<vmem>>, %arg1: memref<10240xf32, #tpu.memory_space<vmem>>) attributes {dimension_semantics = [], scalar_prefetch = 0 : i64, scratch_operands = 0 : i64, tpu.core_type = #tpu.core_type<tc>} {
    %get3A = arith.constant 0 : index
    %get3A_0 = arith.constant 0 : index
    %get3A_1 = vector.load %arg0[%get3A, %get3A_0] : memref<2x10240xf32, #tpu.memory_space<vmem>>, vector<2x10240xf32>
    %slice3A = vector.extract_strided_slice %get3A_1 {offsets = [0, 0], sizes = [1, 10240], strides = [1, 1]} : vector<2x10240xf32> to vector<1x10240xf32>
    %squeeze3A = vector.shape_cast %slice3A : vector<1x10240xf32> to vector<10240xf32>
    %add3A = arith.constant 1.000000e+00 : f32
    %add3A_2 = vector.broadcast %add3A : f32 to vector<10240xf32>
    %add3A_3 = arith.addf %add3A_2, %squeeze3A : vector<10240xf32>
    %slice3A_4 = vector.extract_strided_slice %get3A_1 {offsets = [1, 0], sizes = [1, 10240], strides = [1, 1]} : vector<2x10240xf32> to vector<1x10240xf32>
    %squeeze3A_5 = vector.shape_cast %slice3A_4 : vector<1x10240xf32> to vector<10240xf32>
    %add3A_6 = arith.addf %add3A_3, %squeeze3A_5 : vector<10240xf32>
    %rsqrt3A = math.rsqrt %add3A_6 : vector<10240xf32>
    %swap3A = arith.constant 0 : index
    %swap3A_7 = vector.load %arg1[%swap3A] : memref<10240xf32, #tpu.memory_space<vmem>>, vector<10240xf32>
    tpu.vector_store %arg1[%swap3A], %rsqrt3A {strides = array<i32>} : memref<10240xf32, #tpu.memory_space<vmem>>, vector<10240xf32>,
    return
  }
}

module attributes {stable_mosaic.version = 14 : i64} {
  func.func @_t_mm0_body(%arg0: memref<10000x128xf32, #tpu.memory_space<vmem>>, %arg1: memref<128x128xf32, #tpu.memory_space<vmem>>, %arg2: memref<10240x1xf32, #tpu.memory_space<vmem>>, %arg3: memref<10240x128xf32, #tpu.memory_space<vmem>>, %arg4: memref<10240x128xf32, #tpu.memory_space<vmem>>) attributes {dimension_semantics = [], scalar_prefetch = 0 : i64, scratch_operands = 0 : i64, tpu.core_type = #tpu.core_type<tc>} {
    %get3A = arith.constant 0 : index
    %get3A_0 = arith.constant 0 : index
    %get3A_1 = vector.load %arg0[%get3A, %get3A_0] : memref<10000x128xf32, #tpu.memory_space<vmem>>, vector<10000x128xf32>
    %get3A_2 = arith.constant 0 : index
    %get3A_3 = arith.constant 0 : index
    %get3A_4 = vector.load %arg1[%get3A_2, %get3A_3] : memref<128x128xf32, #tpu.memory_space<vmem>>, vector<128x128xf32>
    %dot_general3A = arith.constant dense<0.000000e+00> : vector<10000x128xf32>
    %dot_general3A_5 = tpu.matmul %get3A_1, %get3A_4, %dot_general3A {dimension_numbers = #tpu.dot_dimension_numbers<[1], [0], [0], [1], [0, 0, 1, 1], [], []>, transpose_lhs_hint = false} : vector<10000x128xf32>, vector<128x128xf32>, vector<10000x128xf32> -> vector<10000x128xf32>
    %get3A_6 = arith.constant 0 : index
    %get3A_7 = arith.constant 0 : index
    %get3A_8 = vector.load %arg2[%get3A_6, %get3A_7] : memref<10240x1xf32, #tpu.memory_space<vmem>>, vector<10000x1xf32>
    %broadcast_in_dim3A = arith.constant 0.000000e+00 : f32
    %broadcast_in_dim3A_9 = vector.broadcast %broadcast_in_dim3A : f32 to vector<240x128xf32>
    %swap3A = arith.constant 0 : index
    %swap3A_10 = arith.constant 0 : index
    %swap3A_11 = vector.load %arg3[%swap3A, %swap3A_10] : memref<10240x128xf32, #tpu.memory_space<vmem>>, vector<10000x128xf32>
    tpu.vector_store %arg3[%swap3A, %swap3A_10], %dot_general3A_5 {strides = array<i32>} : memref<10240x128xf32, #tpu.memory_space<vmem>>, vector<10000x128xf32>,
    %swap3A_12 = arith.constant 10000 : index
    %swap3A_13 = arith.constant 0 : index
    %swap3A_14 = vector.load %arg3[%swap3A_12, %swap3A_13] : memref<10240x128xf32, #tpu.memory_space<vmem>>, vector<240x128xf32>
    tpu.vector_store %arg3[%swap3A_12, %swap3A_13], %broadcast_in_dim3A_9 {strides = array<i32>} : memref<10240x128xf32, #tpu.memory_space<vmem>>, vector<240x128xf32>,
    %mul3A = vector.broadcast %get3A_8 : vector<10000x1xf32> to vector<10000x128xf32>
    %mul3A_15 = arith.mulf %mul3A, %dot_general3A_5 : vector<10000x128xf32>
    %swap3A_16 = arith.constant 0 : index
    %swap3A_17 = arith.constant 0 : index
    %swap3A_18 = vector.load %arg4[%swap3A_16, %swap3A_17] : memref<10240x128xf32, #tpu.memory_space<vmem>>, vector<10000x128xf32>
    tpu.vector_store %arg4[%swap3A_16, %swap3A_17], %mul3A_15 {strides = array<i32>} : memref<10240x128xf32, #tpu.memory_space<vmem>>, vector<10000x128xf32>,
    %swap3A_19 = arith.constant 10000 : index
    %swap3A_20 = arith.constant 0 : index
    %swap3A_21 = vector.load %arg4[%swap3A_19, %swap3A_20] : memref<10240x128xf32, #tpu.memory_space<vmem>>, vector<240x128xf32>
    tpu.vector_store %arg4[%swap3A_19, %swap3A_20], %broadcast_in_dim3A_9 {strides = array<i32>} : memref<10240x128xf32, #tpu.memory_space<vmem>>, vector<240x128xf32>,
    return
  }
}

module attributes {stable_mosaic.version = 14 : i64} {
  func.func @_t_layer_body(%arg0: memref<2x10240x128xf32, #tpu.memory_space<vmem>>, %arg1: memref<10240x128xf32, #tpu.memory_space<vmem>>, %arg2: memref<10240x1xf32, #tpu.memory_space<vmem>>, %arg3: memref<128xf32, #tpu.memory_space<vmem>>, %arg4: memref<128xf32, #tpu.memory_space<vmem>>, %arg5: memref<128xf32, #tpu.memory_space<vmem>>, %arg6: memref<128x128xf32, #tpu.memory_space<vmem>>, %arg7: memref<10240x128xf32, #tpu.memory_space<vmem>>, %arg8: memref<10240x128xf32, #tpu.memory_space<vmem>>) attributes {dimension_semantics = [], scalar_prefetch = 0 : i64, scratch_operands = 0 : i64, tpu.core_type = #tpu.core_type<tc>} {
    %get3A = arith.constant 0 : index
    %get3A_0 = arith.constant 0 : index
    %get3A_1 = arith.constant 0 : index
    %get3A_2 = vector.load %arg0[%get3A, %get3A_0, %get3A_1] : memref<2x10240x128xf32, #tpu.memory_space<vmem>>, vector<1x10000x128xf32>
    %get3A_3 = vector.shape_cast %get3A_2 : vector<1x10000x128xf32> to vector<10000x128xf32>
    %get3A_4 = arith.constant 1 : index
    %get3A_5 = arith.constant 0 : index
    %get3A_6 = arith.constant 0 : index
    %get3A_7 = vector.load %arg0[%get3A_4, %get3A_5, %get3A_6] : memref<2x10240x128xf32, #tpu.memory_space<vmem>>, vector<1x10000x128xf32>
    %get3A_8 = vector.shape_cast %get3A_7 : vector<1x10000x128xf32> to vector<10000x128xf32>
    %add3A = arith.addf %get3A_3, %get3A_8 : vector<10000x128xf32>
    %get3A_9 = arith.constant 0 : index
    %get3A_10 = arith.constant 0 : index
    %get3A_11 = vector.load %arg2[%get3A_9, %get3A_10] : memref<10240x1xf32, #tpu.memory_space<vmem>>, vector<10000x1xf32>
    %get3A_12 = arith.constant 0 : index
    %get3A_13 = arith.constant 0 : index
    %get3A_14 = vector.load %arg1[%get3A_12, %get3A_13] : memref<10240x128xf32, #tpu.memory_space<vmem>>, vector<10000x128xf32>
    %mul3A = vector.broadcast %get3A_11 : vector<10000x1xf32> to vector<10000x128xf32>
    %mul3A_15 = arith.mulf %mul3A, %get3A_14 : vector<10000x128xf32>
    %sub3A = arith.subf %add3A, %mul3A_15 : vector<10000x128xf32>
    %mul3A_16 = vector.broadcast %get3A_11 : vector<10000x1xf32> to vector<10000x128xf32>
    %mul3A_17 = arith.mulf %mul3A_16, %sub3A : vector<10000x128xf32>
    %get3A_18 = arith.constant 0 : index
    %get3A_19 = vector.load %arg3[%get3A_18] : memref<128xf32, #tpu.memory_space<vmem>>, vector<128xf32>
    %broadcast_in_dim3A = vector.shape_cast %get3A_19 : vector<128xf32> to vector<1x128xf32>
    %add3A_20 = vector.broadcast %broadcast_in_dim3A : vector<1x128xf32> to vector<10000x128xf32>
    %add3A_21 = arith.addf %mul3A_17, %add3A_20 : vector<10000x128xf32>
    %gt3A = arith.constant 0.000000e+00 : f32
    %gt3A_22 = vector.broadcast %gt3A : f32 to vector<10000x128xf32>
    %gt3A_23 = arith.cmpf ogt, %add3A_21, %gt3A_22 : vector<10000x128xf32>
    %mul3A_24 = arith.constant 2.000000e-01 : f32
    %mul3A_25 = vector.broadcast %mul3A_24 : f32 to vector<10000x128xf32>
    %mul3A_26 = arith.mulf %mul3A_25, %add3A_21 : vector<10000x128xf32>
    %select_n3A = arith.select %gt3A_23, %add3A_21, %mul3A_26 : vector<10000x128xi1>, vector<10000x128xf32>
    %reduce_sum3A = arith.constant dense<0.000000e+00> : vector<128xf32>
    %reduce_sum3A_27 = vector.multi_reduction <add>, %select_n3A, %reduce_sum3A [0] : vector<10000x128xf32> to vector<128xf32>
    %mul3A_28 = arith.constant 9.99999974E-5 : f32
    %mul3A_29 = vector.broadcast %mul3A_28 : f32 to vector<128xf32>
    %mul3A_30 = arith.mulf %reduce_sum3A_27, %mul3A_29 : vector<128xf32>
    %broadcast_in_dim3A_31 = vector.shape_cast %mul3A_30 : vector<128xf32> to vector<1x128xf32>
    %sub3A_32 = vector.broadcast %broadcast_in_dim3A_31 : vector<1x128xf32> to vector<10000x128xf32>
    %sub3A_33 = arith.subf %select_n3A, %sub3A_32 : vector<10000x128xf32>
    %mul3A_34 = arith.mulf %sub3A_33, %sub3A_33 : vector<10000x128xf32>
    %reduce_sum3A_35 = arith.constant dense<0.000000e+00> : vector<128xf32>
    %reduce_sum3A_36 = vector.multi_reduction <add>, %mul3A_34, %reduce_sum3A_35 [0] : vector<10000x128xf32> to vector<128xf32>
    %mul3A_37 = arith.constant 9.99999974E-5 : f32
    %mul3A_38 = vector.broadcast %mul3A_37 : f32 to vector<128xf32>
    %mul3A_39 = arith.mulf %reduce_sum3A_36, %mul3A_38 : vector<128xf32>
    %add3A_40 = arith.constant 9.99999974E-6 : f32
    %add3A_41 = vector.broadcast %add3A_40 : f32 to vector<128xf32>
    %add3A_42 = arith.addf %mul3A_39, %add3A_41 : vector<128xf32>
    %rsqrt3A = math.rsqrt %add3A_42 : vector<128xf32>
    %broadcast_in_dim3A_43 = vector.shape_cast %rsqrt3A : vector<128xf32> to vector<1x128xf32>
    %mul3A_44 = vector.broadcast %broadcast_in_dim3A_43 : vector<1x128xf32> to vector<10000x128xf32>
    %mul3A_45 = arith.mulf %sub3A_33, %mul3A_44 : vector<10000x128xf32>
    %get3A_46 = arith.constant 0 : index
    %get3A_47 = vector.load %arg4[%get3A_46] : memref<128xf32, #tpu.memory_space<vmem>>, vector<128xf32>
    %broadcast_in_dim3A_48 = vector.shape_cast %get3A_47 : vector<128xf32> to vector<1x128xf32>
    %mul3A_49 = vector.broadcast %broadcast_in_dim3A_48 : vector<1x128xf32> to vector<10000x128xf32>
    %mul3A_50 = arith.mulf %mul3A_45, %mul3A_49 : vector<10000x128xf32>
    %get3A_51 = arith.constant 0 : index
    %get3A_52 = vector.load %arg5[%get3A_51] : memref<128xf32, #tpu.memory_space<vmem>>, vector<128xf32>
    %broadcast_in_dim3A_53 = vector.shape_cast %get3A_52 : vector<128xf32> to vector<1x128xf32>
    %add3A_54 = vector.broadcast %broadcast_in_dim3A_53 : vector<1x128xf32> to vector<10000x128xf32>
    %add3A_55 = arith.addf %mul3A_50, %add3A_54 : vector<10000x128xf32>
    %get3A_56 = arith.constant 0 : index
    %get3A_57 = arith.constant 0 : index
    %get3A_58 = vector.load %arg6[%get3A_56, %get3A_57] : memref<128x128xf32, #tpu.memory_space<vmem>>, vector<128x128xf32>
    %dot_general3A = arith.constant dense<0.000000e+00> : vector<10000x128xf32>
    %dot_general3A_59 = tpu.matmul %add3A_55, %get3A_58, %dot_general3A {dimension_numbers = #tpu.dot_dimension_numbers<[1], [0], [0], [1], [0, 0, 1, 1], [], []>, transpose_lhs_hint = false} : vector<10000x128xf32>, vector<128x128xf32>, vector<10000x128xf32> -> vector<10000x128xf32>
    %get3A_60 = arith.constant 0 : index
    %get3A_61 = arith.constant 0 : index
    %get3A_62 = vector.load %arg2[%get3A_60, %get3A_61] : memref<10240x1xf32, #tpu.memory_space<vmem>>, vector<10000x1xf32>
    %broadcast_in_dim3A_63 = arith.constant 0.000000e+00 : f32
    %broadcast_in_dim3A_64 = vector.broadcast %broadcast_in_dim3A_63 : f32 to vector<240x128xf32>
    %swap3A = arith.constant 0 : index
    %swap3A_65 = arith.constant 0 : index
    %swap3A_66 = vector.load %arg7[%swap3A, %swap3A_65] : memref<10240x128xf32, #tpu.memory_space<vmem>>, vector<10000x128xf32>
    tpu.vector_store %arg7[%swap3A, %swap3A_65], %dot_general3A_59 {strides = array<i32>} : memref<10240x128xf32, #tpu.memory_space<vmem>>, vector<10000x128xf32>,
    %swap3A_67 = arith.constant 10000 : index
    %swap3A_68 = arith.constant 0 : index
    %swap3A_69 = vector.load %arg7[%swap3A_67, %swap3A_68] : memref<10240x128xf32, #tpu.memory_space<vmem>>, vector<240x128xf32>
    tpu.vector_store %arg7[%swap3A_67, %swap3A_68], %broadcast_in_dim3A_64 {strides = array<i32>} : memref<10240x128xf32, #tpu.memory_space<vmem>>, vector<240x128xf32>,
    %mul3A_70 = vector.broadcast %get3A_62 : vector<10000x1xf32> to vector<10000x128xf32>
    %mul3A_71 = arith.mulf %mul3A_70, %dot_general3A_59 : vector<10000x128xf32>
    %swap3A_72 = arith.constant 0 : index
    %swap3A_73 = arith.constant 0 : index
    %swap3A_74 = vector.load %arg8[%swap3A_72, %swap3A_73] : memref<10240x128xf32, #tpu.memory_space<vmem>>, vector<10000x128xf32>
    tpu.vector_store %arg8[%swap3A_72, %swap3A_73], %mul3A_71 {strides = array<i32>} : memref<10240x128xf32, #tpu.memory_space<vmem>>, vector<10000x128xf32>,
    %swap3A_75 = arith.constant 10000 : index
    %swap3A_76 = arith.constant 0 : index
    %swap3A_77 = vector.load %arg8[%swap3A_75, %swap3A_76] : memref<10240x128xf32, #tpu.memory_space<vmem>>, vector<240x128xf32>
    tpu.vector_store %arg8[%swap3A_75, %swap3A_76], %broadcast_in_dim3A_64 {strides = array<i32>} : memref<10240x128xf32, #tpu.memory_space<vmem>>, vector<240x128xf32>,
    return
  }
}

module attributes {stable_mosaic.version = 14 : i64} {
  func.func @_t_final_body(%arg0: memref<2x10240x128xf32, #tpu.memory_space<vmem>>, %arg1: memref<10240x128xf32, #tpu.memory_space<vmem>>, %arg2: memref<10240x1xf32, #tpu.memory_space<vmem>>, %arg3: memref<128xf32, #tpu.memory_space<vmem>>, %arg4: memref<128xf32, #tpu.memory_space<vmem>>, %arg5: memref<128xf32, #tpu.memory_space<vmem>>, %arg6: memref<10000xi32, #tpu.memory_space<vmem>>, %arg7: memref<128x128xf32, #tpu.memory_space<vmem>>, %arg8: memref<128xf32, #tpu.memory_space<vmem>>, %arg9: memref<128x2xf32, #tpu.memory_space<vmem>>, %arg10: memref<2xf32, #tpu.memory_space<vmem>>, %arg11: memref<8x2xf32, #tpu.memory_space<vmem>>) attributes {dimension_semantics = [], scalar_prefetch = 0 : i64, scratch_operands = 0 : i64, tpu.core_type = #tpu.core_type<tc>} {
    %get3A = arith.constant 0 : index
    %get3A_0 = arith.constant 0 : index
    %get3A_1 = arith.constant 0 : index
    %get3A_2 = vector.load %arg0[%get3A, %get3A_0, %get3A_1] : memref<2x10240x128xf32, #tpu.memory_space<vmem>>, vector<1x10000x128xf32>
    %get3A_3 = vector.shape_cast %get3A_2 : vector<1x10000x128xf32> to vector<10000x128xf32>
    %get3A_4 = arith.constant 1 : index
    %get3A_5 = arith.constant 0 : index
    %get3A_6 = arith.constant 0 : index
    %get3A_7 = vector.load %arg0[%get3A_4, %get3A_5, %get3A_6] : memref<2x10240x128xf32, #tpu.memory_space<vmem>>, vector<1x10000x128xf32>
    %get3A_8 = vector.shape_cast %get3A_7 : vector<1x10000x128xf32> to vector<10000x128xf32>
    %add3A = arith.addf %get3A_3, %get3A_8 : vector<10000x128xf32>
    %get3A_9 = arith.constant 0 : index
    %get3A_10 = arith.constant 0 : index
    %get3A_11 = vector.load %arg2[%get3A_9, %get3A_10] : memref<10240x1xf32, #tpu.memory_space<vmem>>, vector<10000x1xf32>
    %get3A_12 = arith.constant 0 : index
    %get3A_13 = arith.constant 0 : index
    %get3A_14 = vector.load %arg1[%get3A_12, %get3A_13] : memref<10240x128xf32, #tpu.memory_space<vmem>>, vector<10000x128xf32>
    %mul3A = vector.broadcast %get3A_11 : vector<10000x1xf32> to vector<10000x128xf32>
    %mul3A_15 = arith.mulf %mul3A, %get3A_14 : vector<10000x128xf32>
    %sub3A = arith.subf %add3A, %mul3A_15 : vector<10000x128xf32>
    %mul3A_16 = vector.broadcast %get3A_11 : vector<10000x1xf32> to vector<10000x128xf32>
    %mul3A_17 = arith.mulf %mul3A_16, %sub3A : vector<10000x128xf32>
    %get3A_18 = arith.constant 0 : index
    %get3A_19 = vector.load %arg3[%get3A_18] : memref<128xf32, #tpu.memory_space<vmem>>, vector<128xf32>
    %broadcast_in_dim3A = vector.shape_cast %get3A_19 : vector<128xf32> to vector<1x128xf32>
    %add3A_20 = vector.broadcast %broadcast_in_dim3A : vector<1x128xf32> to vector<10000x128xf32>
    %add3A_21 = arith.addf %mul3A_17, %add3A_20 : vector<10000x128xf32>
    %gt3A = arith.constant 0.000000e+00 : f32
    %gt3A_22 = vector.broadcast %gt3A : f32 to vector<10000x128xf32>
    %gt3A_23 = arith.cmpf ogt, %add3A_21, %gt3A_22 : vector<10000x128xf32>
    %mul3A_24 = arith.constant 2.000000e-01 : f32
    %mul3A_25 = vector.broadcast %mul3A_24 : f32 to vector<10000x128xf32>
    %mul3A_26 = arith.mulf %mul3A_25, %add3A_21 : vector<10000x128xf32>
    %select_n3A = arith.select %gt3A_23, %add3A_21, %mul3A_26 : vector<10000x128xi1>, vector<10000x128xf32>
    %reduce_sum3A = arith.constant dense<0.000000e+00> : vector<128xf32>
    %reduce_sum3A_27 = vector.multi_reduction <add>, %select_n3A, %reduce_sum3A [0] : vector<10000x128xf32> to vector<128xf32>
    %mul3A_28 = arith.constant 9.99999974E-5 : f32
    %mul3A_29 = vector.broadcast %mul3A_28 : f32 to vector<128xf32>
    %mul3A_30 = arith.mulf %reduce_sum3A_27, %mul3A_29 : vector<128xf32>
    %broadcast_in_dim3A_31 = vector.shape_cast %mul3A_30 : vector<128xf32> to vector<1x128xf32>
    %sub3A_32 = vector.broadcast %broadcast_in_dim3A_31 : vector<1x128xf32> to vector<10000x128xf32>
    %sub3A_33 = arith.subf %select_n3A, %sub3A_32 : vector<10000x128xf32>
    %mul3A_34 = arith.mulf %sub3A_33, %sub3A_33 : vector<10000x128xf32>
    %reduce_sum3A_35 = arith.constant dense<0.000000e+00> : vector<128xf32>
    %reduce_sum3A_36 = vector.multi_reduction <add>, %mul3A_34, %reduce_sum3A_35 [0] : vector<10000x128xf32> to vector<128xf32>
    %mul3A_37 = arith.constant 9.99999974E-5 : f32
    %mul3A_38 = vector.broadcast %mul3A_37 : f32 to vector<128xf32>
    %mul3A_39 = arith.mulf %reduce_sum3A_36, %mul3A_38 : vector<128xf32>
    %add3A_40 = arith.constant 9.99999974E-6 : f32
    %add3A_41 = vector.broadcast %add3A_40 : f32 to vector<128xf32>
    %add3A_42 = arith.addf %mul3A_39, %add3A_41 : vector<128xf32>
    %rsqrt3A = math.rsqrt %add3A_42 : vector<128xf32>
    %broadcast_in_dim3A_43 = vector.shape_cast %rsqrt3A : vector<128xf32> to vector<1x128xf32>
    %mul3A_44 = vector.broadcast %broadcast_in_dim3A_43 : vector<1x128xf32> to vector<10000x128xf32>
    %mul3A_45 = arith.mulf %sub3A_33, %mul3A_44 : vector<10000x128xf32>
    %get3A_46 = arith.constant 0 : index
    %get3A_47 = vector.load %arg4[%get3A_46] : memref<128xf32, #tpu.memory_space<vmem>>, vector<128xf32>
    %broadcast_in_dim3A_48 = vector.shape_cast %get3A_47 : vector<128xf32> to vector<1x128xf32>
    %mul3A_49 = vector.broadcast %broadcast_in_dim3A_48 : vector<1x128xf32> to vector<10000x128xf32>
    %mul3A_50 = arith.mulf %mul3A_45, %mul3A_49 : vector<10000x128xf32>
    %get3A_51 = arith.constant 0 : index
    %get3A_52 = vector.load %arg5[%get3A_51] : memref<128xf32, #tpu.memory_space<vmem>>, vector<128xf32>
    %broadcast_in_dim3A_53 = vector.shape_cast %get3A_52 : vector<128xf32> to vector<1x128xf32>
    %add3A_54 = vector.broadcast %broadcast_in_dim3A_53 : vector<1x128xf32> to vector<10000x128xf32>
    %add3A_55 = arith.addf %mul3A_50, %add3A_54 : vector<10000x128xf32>
    %get3A_56 = arith.constant 0 : index
    %get3A_57 = vector.load %arg6[%get3A_56] : memref<10000xi32, #tpu.memory_space<vmem>>, vector<10000xi32>
    %iota3A = tpu.iota {dimensions = array<i32: 0>} : vector<8x10000xi32>
    %broadcast_in_dim3A_58 = vector.shape_cast %get3A_57 : vector<10000xi32> to vector<1x10000xi32>
    %eq3A = vector.broadcast %broadcast_in_dim3A_58 : vector<1x10000xi32> to vector<8x10000xi32>
    %eq3A_59 = arith.cmpi eq, %iota3A, %eq3A : vector<8x10000xi32>
    %convert_element_type3A = arith.extui %eq3A_59 : vector<8x10000xi1> to vector<8x10000xi32>
    %convert_element_type3A_60 = arith.sitofp %convert_element_type3A : vector<8x10000xi32> to vector<8x10000xf32>
    %dot_general3A = arith.constant dense<0.000000e+00> : vector<8x128xf32>
    %dot_general3A_61 = tpu.matmul %convert_element_type3A_60, %add3A_55, %dot_general3A {dimension_numbers = #tpu.dot_dimension_numbers<[1], [0], [0], [1], [0, 0, 1, 1], [], []>, transpose_lhs_hint = false} : vector<8x10000xf32>, vector<10000x128xf32>, vector<8x128xf32> -> vector<8x128xf32>
    %broadcast_in_dim3A_62 = arith.constant 1.000000e+00 : f32
    %broadcast_in_dim3A_63 = vector.broadcast %broadcast_in_dim3A_62 : f32 to vector<10000x1xf32>
    %dot_general3A_64 = arith.constant dense<0.000000e+00> : vector<8x1xf32>
    %dot_general3A_65 = tpu.matmul %convert_element_type3A_60, %broadcast_in_dim3A_63, %dot_general3A_64 {dimension_numbers = #tpu.dot_dimension_numbers<[1], [0], [0], [1], [0, 0, 1, 1], [], []>, transpose_lhs_hint = false} : vector<8x10000xf32>, vector<10000x1xf32>, vector<8x1xf32> -> vector<8x1xf32>
    %max3A = arith.constant 1.000000e+00 : f32
    %max3A_66 = vector.broadcast %max3A : f32 to vector<8x1xf32>
    %max3A_67 = arith.maximumf %dot_general3A_65, %max3A_66 : vector<8x1xf32>
    %div3A = vector.broadcast %max3A_67 : vector<8x1xf32> to vector<8x128xf32>
    %div3A_68 = arith.divf %dot_general3A_61, %div3A : vector<8x128xf32>
    %get3A_69 = arith.constant 0 : index
    %get3A_70 = arith.constant 0 : index
    %get3A_71 = vector.load %arg7[%get3A_69, %get3A_70] : memref<128x128xf32, #tpu.memory_space<vmem>>, vector<128x128xf32>
    %dot_general3A_72 = arith.constant dense<0.000000e+00> : vector<8x128xf32>
    %dot_general3A_73 = tpu.matmul %div3A_68, %get3A_71, %dot_general3A_72 {dimension_numbers = #tpu.dot_dimension_numbers<[1], [0], [0], [1], [0, 0, 1, 1], [], []>, transpose_lhs_hint = false} : vector<8x128xf32>, vector<128x128xf32>, vector<8x128xf32> -> vector<8x128xf32>
    %get3A_74 = arith.constant 0 : index
    %get3A_75 = vector.load %arg8[%get3A_74] : memref<128xf32, #tpu.memory_space<vmem>>, vector<128xf32>
    %broadcast_in_dim3A_76 = vector.shape_cast %get3A_75 : vector<128xf32> to vector<1x128xf32>
    %add3A_77 = vector.broadcast %broadcast_in_dim3A_76 : vector<1x128xf32> to vector<8x128xf32>
    %add3A_78 = arith.addf %dot_general3A_73, %add3A_77 : vector<8x128xf32>
    %max3A_79 = arith.constant 0.000000e+00 : f32
    %max3A_80 = vector.broadcast %max3A_79 : f32 to vector<8x128xf32>
    %max3A_81 = arith.maximumf %add3A_78, %max3A_80 : vector<8x128xf32>
    %get3A_82 = arith.constant 0 : index
    %get3A_83 = arith.constant 0 : index
    %get3A_84 = vector.load %arg9[%get3A_82, %get3A_83] : memref<128x2xf32, #tpu.memory_space<vmem>>, vector<128x2xf32>
    %dot_general3A_85 = arith.constant dense<0.000000e+00> : vector<8x2xf32>
    %dot_general3A_86 = tpu.matmul %max3A_81, %get3A_84, %dot_general3A_85 {dimension_numbers = #tpu.dot_dimension_numbers<[1], [0], [0], [1], [0, 0, 1, 1], [], []>, transpose_lhs_hint = false} : vector<8x128xf32>, vector<128x2xf32>, vector<8x2xf32> -> vector<8x2xf32>
    %get3A_87 = arith.constant 0 : index
    %get3A_88 = vector.load %arg10[%get3A_87] : memref<2xf32, #tpu.memory_space<vmem>>, vector<2xf32>
    %broadcast_in_dim3A_89 = vector.shape_cast %get3A_88 : vector<2xf32> to vector<1x2xf32>
    %add3A_90 = vector.broadcast %broadcast_in_dim3A_89 : vector<1x2xf32> to vector<8x2xf32>
    %add3A_91 = arith.addf %dot_general3A_86, %add3A_90 : vector<8x2xf32>
    %swap3A = arith.constant 0 : index
    %swap3A_92 = arith.constant 0 : index
    %swap3A_93 = vector.load %arg11[%swap3A, %swap3A_92] : memref<8x2xf32, #tpu.memory_space<vmem>>, vector<8x2xf32>
    tpu.vector_store %arg11[%swap3A, %swap3A_92], %add3A_91 {strides = array<i32>} : memref<8x2xf32, #tpu.memory_space<vmem>>, vector<8x2xf32>,
    return
  }
}

</mosaic_0001>

<sc_bundles>
// kernel: kernel.11.cloned.1.call-start
scs
__scs_entry_jumppad:
0x0: {  	(pc) =	sbr.rel $0x88, $3  }
0x1: {  	(tag) =	ssettag $0x0;
	lr =	simm.s32 $0x1  }
0x2: {  	[smem:$0x3F8D] =	sst lr;
	_ =	strace $0xD0000000  }
0x3: {  	_ = 	snop  }
0x4: {  	_ = 	snop  }
0x5: {  	_ = 	snop  }
0x6: {  	_ = 	snop  }
0x7: {  	_ = 	snop  }
__scs_overlays_trampoline_lowered:
0x8: {  	[smem:$0x3F9C] =	sst s0  }
0x9: {  	[smem:$0x3F9D] =	sst s1  }
0xa: {  	[smem:$0x3F9E] =	sst s2  }
0xb: {  	[smem:$0x3F9F] =	sst s3  }
0xc: {  	[smem:$0x3FA0] =	sst s4  }
0xd: {  	[smem:$0x3FA1] =	sst s5  }
0xe: {  	[smem:$0x3FA2] =	sst s6  }
0xf: {  	[smem:$0x3FA3] =	sst s7  }
0x10: {  	[smem:$0x3FA4] =	sst s8  }
0x11: {  	[smem:$0x3FA5] =	sst s9;
	s0 =	simm.s32 @!p0 $0x0  }
0x12: {  	s1 =	sld [smem:$0x3F8B];
	s0 =	simm.s32 @p0 $0x1  }
0x13: {  	[smem:$0x3FA6] =	sst s0;
	s0 =	simm.s32 @!p1 $0x0  }
0x14: {  	s2 =	sld [smem:$0x3F8A];
	s0 =	simm.s32 @p1 $0x1  }
0x15: {  	[smem:$0x3FA7] =	sst s0;
	s0 =	simm.s32 @!p2 $0x0  }
0x16: {  	s3 =	sld [smem:$0x3FDB];
	s0 =	simm.s32 @p2 $0x1  }
0x17: {  	s4 =	simm.s32 $0x1BF5;
	[smem:$0x3FA9] =	sst s0  }
0x18: {  	s0 =	sld [smem:$0x3F8C];
	_ =	swait.ge [sflag:s4], $0x0  }
0x19: {  	s7 =	sld [smem:$0x3F8D]  }
0x1a: {  	s8 =	sadd.s32 $0xFFFFE003, lr  }
0x1b: {  	s9 =	sadd.s32 $0xFFFFFEF7, lr;
	s5 =	simm.s32 $0xFFFFFFFF;
	p2 =	slt.u32 s8, $0xFFFFF086  }
0x1c: {  	p1 =	slt.u32 s9, $0xF7A;
	s5 =	simm.s32 @!p2 $0x0  }
0x1d: {  	s5 =	simm.s32 @p1 $0x1;
	p0 =	seq.s32 s7, s2  }
0x1e: {  	s7 =	smul.u32 @!p0 $0xF7A, s2;
	p2 =	seq.s32 @!p0 s5, $0x0  }
0x1f: {  	s9 =	smul.u32 $0xF7A, s1;
	s8 =	simm.s32 @!p0 $0x1BF5;
	p2 =	por !p2, p0  }
0x20: {  	[sflag:s8] =	ssyncset.s32 @!p0 $0xFFFFF086;
	s6 =	sadd.s32 @!p0 s3, s7;
	s7 =	simm.s32 @!p0 $0x108  }
0x21: {  	s3 =	sadd.s32 s3, s9;
	s6 =	sadd.s32 @!p0 $0x88, s6;
	s7 =	simm.s32 @p2 $0x1082  }
0x22: {  	[simem:s7], [sflag:s8] =	dma.local @!p0 [hbm:s6], $0xF7A  }
0x23: {  	s9 =	sor.u32 $0xD0000000, s2;
	s6 =	simm.s32 $0x108;
	_ =	swait.ge @!p0 [sflag:s8], $0x0  }
0x24: {  	s3 =	sadd.s32 $0x88, s3;
	s6 =	simm.s32 @!p1 $0x1082;
	[sflag:s4] =	ssyncset.s32 $0xFFFFF086  }
0x25: {  	[simem:s6], [sflag:s4] =	dma.local [hbm:s3], $0xF7A  }
0x26: {  	[smem:$0x3F8D] =	sst s1;
	(tag) =	ssettag s2;
	_ =	strace s9  }
0x27: {  	s1 =	sld [smem:$0x3F9D]  }
0x28: {  	s2 =	sld [smem:$0x3F9E]  }
0x29: {  	s4 =	sld [smem:$0x3FA0]  }
0x2a: {  	p0 =	seq.s32 s5, $0x0;
	s5 =	sld [smem:$0x3FA1]  }
0x2b: {  	s6 =	sld [smem:$0x3FA2]  }
0x2c: {  	s7 =	sld [smem:$0x3FA3]  }
0x2d: {  	s3 =	simm.s32 $0x108;
	s8 =	sld [smem:$0x3FA4]  }
0x2e: {  	s3 =	simm.s32 @!p0 $0x1082;
	s9 =	sld [smem:$0x3FA5]  }
0x2f: {  	lr =	sadd.s32 s0, s3;
	s0 =	sld [smem:$0x3F9C]  }
0x30: {  	s3 =	sld [smem:$0x3F9F]  }
0x31: {  	[smem:$0x3FA8] =	sst s10  }
0x32: {  	s10 =	sld [smem:$0x3FA6];
	_ =	sdelay $0x3  }
0x33: {  	p0 =	seq.s32 s10, $0x1;
	s10 =	sld [smem:$0x3FA8];
	_ =	sdelay $0x3  }
0x34: {  	[smem:$0x3FA8] =	sst s10  }
0x35: {  	s10 =	sld [smem:$0x3FA7];
	_ =	sdelay $0x3  }
0x36: {  	p1 =	seq.s32 s10, $0x1;
	s10 =	sld [smem:$0x3FA8];
	_ =	sdelay $0x3  }
0x37: {  	[smem:$0x3FA8] =	sst s10  }
0x38: {  	s10 =	sld [smem:$0x3FA9]  }
0x39: {  	_ = 	snop;
	(pc) =	sbr.ind lr, $3  }
0x3a: {  	_ = 	snop  }
0x3b: {  	_ = 	snop  }
0x3c: {  	p2 =	seq.s32 s10, $0x1;
	s10 =	sld [smem:$0x3FA8]  }
0x3d: {  	_ =	shalt  }
0x3e: {  	_ =	shalt  }
0x3f: {  	_ =	shalt  }
0x40: {  	_ =	shalt  }
0x41: {  	_ =	shalt  }
0x42: {  	_ =	shalt  }
0x43: {  	_ =	shalt  }
0x44: {  	_ =	shalt  }
0x45: {  	_ =	shalt  }
0x46: {  	_ =	shalt  }
0x47: {  	_ =	shalt  }
0x48: {  	_ =	shalt  }
0x49: {  	_ =	shalt  }
0x4a: {  	_ =	shalt  }
0x4b: {  	_ =	shalt  }
0x4c: {  	_ =	shalt  }
0x4d: {  	_ =	shalt  }
0x4e: {  	_ =	shalt  }
0x4f: {  	_ =	shalt  }
0x50: {  	_ =	shalt  }
0x51: {  	_ =	shalt  }
0x52: {  	_ =	shalt  }
0x53: {  	_ =	shalt  }
0x54: {  	_ =	shalt  }
0x55: {  	_ =	shalt  }
0x56: {  	_ =	shalt  }
0x57: {  	_ =	shalt  }
0x58: {  	_ =	shalt  }
0x59: {  	_ =	shalt  }
0x5a: {  	_ =	shalt  }
0x5b: {  	_ =	shalt  }
0x5c: {  	_ =	shalt  }
0x5d: {  	_ =	shalt  }
0x5e: {  	_ =	shalt  }
0x5f: {  	_ =	shalt  }
0x60: {  	_ =	shalt  }
0x61: {  	_ =	shalt  }
0x62: {  	_ =	shalt  }
0x63: {  	_ =	shalt  }
0x64: {  	_ =	shalt  }
0x65: {  	_ =	shalt  }
0x66: {  	_ =	shalt  }
0x67: {  	_ =	shalt  }
0x68: {  	_ =	shalt  }
0x69: {  	_ =	shalt  }
0x6a: {  	_ =	shalt  }
0x6b: {  	_ =	shalt  }
0x6c: {  	_ =	shalt  }
0x6d: {  	_ =	shalt  }
0x6e: {  	_ =	shalt  }
0x6f: {  	_ =	shalt  }
0x70: {  	_ =	shalt  }
0x71: {  	_ =	shalt  }
0x72: {  	_ =	shalt  }
0x73: {  	_ =	shalt  }
0x74: {  	_ =	shalt  }
0x75: {  	_ =	shalt  }
0x76: {  	_ =	shalt  }
0x77: {  	_ =	shalt  }
0x78: {  	_ =	shalt  }
0x79: {  	_ =	shalt  }
0x7a: {  	_ =	shalt  }
0x7b: {  	_ =	shalt  }
0x7c: {  	_ =	shalt  }
0x7d: {  	_ =	shalt  }
0x7e: {  	_ =	shalt  }
0x7f: {  	_ =	shalt  }
0x80: {  	_ =	shalt  }
0x81: {  	_ =	shalt  }
0x82: {  	_ =	shalt  }
0x83: {  	_ =	shalt  }
0x84: {  	_ =	shalt  }
0x85: {  	_ =	shalt  }
0x86: {  	_ =	shalt  }
0x87: {  	_ =	shalt  }
.Lfunc_end0:
.L_simem_size_0:
called_computation_lowered:
.L_overlay_start_0:
0x88: {  	s2 =	sld [smem:$0x3FD9]  }
0x89: {  	s3 =	sld [smem:$0x3FFE];
	_ =	sdelay $0x1  }
0x8a: {  	s1 =	srdreg.scid  }
0x8b: {  	s0 =	sand.u32 $0x1, s1  }
0x8c: {  	s17 =	sshll.u32 s0, $0xA;
	s2 =	sadd.s32 s3, s2  }
0x8d: {  	s2 =	sadd.s32 s2, s17  }
0x8e: {  	[smem:$0x3FB4] =	sst s2  }
0x8f: {  	_ = 	snop  }
0x90: {  	s2 =	sld [smem:$0x3FC7];
	(tm) =	ssettm $0x1  }
0x91: {  	s18 =	sld [smem:$0x3FFB];
	_ =	sdelay $0x3  }
0x92: {  	_ =	strace s18  }
0x93: {  	s3 =	sld [smem:$0x3FFC];
	_ =	sdelay $0x3  }
0x94: {  	_ =	strace s3  }
0x95: {  	s3 =	sld [smem:$0x3FFD];
	_ =	sdelay $0x3  }
0x96: {  	_ =	strace s3  }
0x97: {  	_ =	strace $0x8FFFFFFF  }
0x98: {  	s19 =	sld [smem:$0x3FDB];
	_ =	sdelay $0x1  }
0x99: {  	s4 =	simm.s32 $_scs_section_size  }
0x9a: {  	s5 =	simm.s32 $_size__tile_overlayer_lowered;
	s6 =	simm.s32 $_tile_overlayer_lowered  }
0x9b: {  	s22 =	simm.s32 $0x1BFF;
	s21 =	sshll.u32 s6, $0x1;
	s3 =	sadd.s32 s4, s19  }
0x9c: {  	s7 =	simm.s32 $0x0;
	s20 =	sshll.u32 s5, $0x1;
	s5 =	sadd.s32 s21, s3  }
0x9d: {  	[timem:s7], [sflag:s22] =	dma.local [hbm:s5], s20  }
0x9e: {  	_ =	swait.ge [sflag:s22], s20  }
0x9f: {  	s4 =	ssub.s32 $0x0, s20;
	[sflag:s22] =	ssyncset.done $0x0  }
0xa0: {  	[sflag:s22] =	ssyncadd.s32 s4;
	_ =	sdelay $0x1  }
0xa1: {  	s23 =	simm.s32 $0x1B8B  }
0xa2: {  	_ =	swait.ge [sflag:s23], $0x1  }
0xa3: {  	[sflag:s23] =	ssyncset.done $0x0  }
0xa4: {  	s25 =	simm.s32 $0x1B8E;
	s24 =	sld [smem:$0x3FFE];
	[sflag:s23] =	ssyncadd.s32 $0xFFFFFFFF  }
0xa5: {  	s26 =	simm.s32 $execute0_lowered;
	[smem:$0x3FD2] =	sst s25  }
0xa6: {  	s5 =	sshll.u32 s26, $0x1;
	_ =	strace $0x80000046;
	[dreg:$0x1] =	wrdreg $0xFFFFFFFF  }
0xa7: {  	s28 =	simm.s32 $_size_execute0_lowered;
	s3 =	sadd.s32 s3, s5;
	[dreg:$0x0] =	wrdreg $0x0  }
0xa8: {  	s5 =	sshll.u32 s28, $0x1;
	[dreg:$0x2] =	wrdreg s3  }
0xa9: {  	[dreg:$0x3] =	wrdreg s5  }
0xaa: {  	[dreg:$0x4] =	wrdreg $0xC0  }
0xab: {  	_ =	task [dreg:s7], $0x5FFFF  }
0xac: {  	[dreg:$0x1] =	wrdreg $0xFFFFFFFF  }
0xad: {  	[dreg:$0x0] =	wrdreg $0x60  }
0xae: {  	[dreg:$0x2] =	wrdreg s24  }
0xaf: {  	[dreg:$0x3] =	wrdreg s2  }
0xb0: {  	[dreg:$0x4] =	wrdreg $0x3800  }
0xb1: {  	[dreg:$0x5] =	wrdreg $0x9  }
0xb2: {  	_ =	task.clear_ibuf [dreg:s7], $0x6FFFF;
	_ =	strace $0x90000046  }
0xb3: {  	s29 =	simm.s32 $0x9;
	_ =	strace $0x80000048  }
0xb4: {  	_ =	swait.ge [sflag:s29], $0x1  }
0xb5: {  	[sflag:s29] =	ssyncadd.s32 $0xFFFFFFFF  }
0xb6: {  	_ =	strace $0x90000048  }
0xb7: {  	_ =	sfence  }
0xb8: {  	s30 =	sld [smem:$0x0];
	_ =	sdelay $0x2  }
0xb9: {  	s31 =	sshll.u32 s1, $0xD;
	s1 =	sshrl.u32 s1, $0x2  }
0xba: {  	s3 =	sand.u32 $0x4000, s31;
	s1 =	sadd.s32 s1, s30  }
0xbb: {  	s0 =	sor.u32 s3, s0;
	s1 =	sshll.u32 s1, $0x11  }
0xbc: {  	s0 =	sor.u32 s1, s0  }
0xbd: {  	s0 =	sadd.s32 $0x8F2B, s0  }
0xbe: {  	[sflag:s0] =	ssyncadd.remote.s32 $0x1  }
0xbf: {  	_ =	sfence.sel $0xFFFF  }
0xc0: {  	[dreg:$0x0] =	wrdreg $0xFFFFFFFF;
	(pc) =	sbr.abs _section_cstart, $3  }
0xc1: {  	[dreg:$0x1] =	wrdreg $0xFFFFFFFF  }
0xc2: {  	_ =	task.clear_ibuf [dreg:s7], $0x2FFFF;
	_ =	strace $0x9FFFFFFF  }
0xc3: {  	(tm) =	ssettm $0x7FFFFFFF  }
tec
execute0_lowered:
.L_overlay_start_1:
0x0: {  	(tag) =	ssettag $0x1  }
0x1: {  	s4 =	rddreg [dreg:$0x0];
	s1 =	srdreg.scid  }
0x2: {  	s0 =	stileid.u32;
	s7 =	rddreg [dreg:$0x1]  }
0x3: {  	s2 =	rddreg [dreg:$0x2];
	s3 =	simm.s32 $0x0;
	s12 =	simm.s32 $0x50  }
0x4: {  	s15 =	simm.s32 $0x20;
	s16 =	simm.s32 $0x10;
	s6 =	smul.u32 $0x4E20, s0  }
0x5: {  	s5 =	sand.u32 $0x1, s1;
	s1 =	rddreg [dreg:$0x3];
	s28 =	smul.u32 $0x500, s0  }
0x6: {  	s17 =	simm.s32 $0x0;
	[smem:$0x7FF] =	sst s3;
	s30 =	smul.u32 $0xA00, s0  }
0x7: {  	s13 =	sshll.u32 s0, $0x6;
	s8 =	smul.u32 $0x2710, s5;
	_ =	strace $0x80000047  }
0x8: {  	s29 =	sshll.u32 s5, $0x7;
	s5 =	ssub.s32 $0x2, s5;
	s13 =	sor.u32 $0x1C01, s13  }
0x9: {  	s11 =	sshrl.u32 s5, $0x1;
	s31 =	sshrl.u32 s30, $0x2;
	s6 =	sadd.s32 s8, s6  }
0xa: {  	s11 =	ssub.s32 s5, s11;
	s9 =	sshrl.u32 s6, $0x3;
	s6 =	sor.u32 s29, s28  }
0xb: {  	s10 =	sadd.s32 s9, s4;
	s6 =	sshrl.u32 s6, $0x3;
	s7 =	sadd.s32 s9, s7  }
0xc: {  	s9 =	simm.s32 $0x100;
	s6 =	sadd.s32 s6, s4;
	s4 =	sadd.s32 s31, s2  }
0xd: {  	s8 =	sadd.s32 $0x4600, s10;
	s10 =	simm.s32 $0x1;
	s5 =	sadd.s32 $0xE400, s6  }
0xe: {  	v0 =	vimm.f32 $0.0e+00;
	s6 =	smax.u32 s11, $0x1;
	s11 =	simm.s32 $0x80;
	s14 =	sshrl.u32 s4, $0x3  }
.LBB2_1:
0xf: {  	[tilespmem:$0x100] =	vst v0  }
0x10: {  	[tilespmem:$0x110] =	vst v0  }
0x11: {  	[tilespmem:$0x120] =	vst v0  }
0x12: {  	[tilespmem:$0x130] =	vst v0  }
0x13: {  	[tilespmem:$0x140] =	vst v0  }
0x14: {  	[tilespmem:$0x150] =	vst v0  }
0x15: {  	[tilespmem:$0x160] =	vst v0  }
0x16: {  	[tilespmem:$0x170] =	vst v0  }
0x17: {  	[tilespmem:$0x180] =	vst v0  }
0x18: {  	[tilespmem:$0x190] =	vst v0  }
0x19: {  	[tilespmem:$0x1A0] =	vst v0  }
0x1a: {  	[tilespmem:$0x1B0] =	vst v0  }
0x1b: {  	[tilespmem:$0x1C0] =	vst v0  }
0x1c: {  	[tilespmem:$0x1D0] =	vst v0  }
0x1d: {  	[tilespmem:$0x1E0] =	vst v0  }
0x1e: {  	[tilespmem:$0x1F0] =	vst v0  }
0x1f: {  	[tilespmem:$0x200] =	vst v0  }
0x20: {  	[tilespmem:$0x210] =	vst v0  }
0x21: {  	[tilespmem:$0x220] =	vst v0  }
0x22: {  	[tilespmem:$0x230] =	vst v0  }
0x23: {  	[tilespmem:$0x240] =	vst v0  }
0x24: {  	[tilespmem:$0x250] =	vst v0  }
0x25: {  	[tilespmem:$0x260] =	vst v0  }
0x26: {  	[tilespmem:$0x270] =	vst v0  }
0x27: {  	[tilespmem:$0x280] =	vst v0  }
0x28: {  	[tilespmem:$0x290] =	vst v0  }
0x29: {  	[tilespmem:$0x2A0] =	vst v0  }
0x2a: {  	[tilespmem:$0x2B0] =	vst v0  }
0x2b: {  	[tilespmem:$0x2C0] =	vst v0  }
0x2c: {  	[tilespmem:$0x2D0] =	vst v0  }
0x2d: {  	[tilespmem:$0x2E0] =	vst v0  }
0x2e: {  	[tilespmem:$0x2F0] =	vst v0  }
0x2f: {  	[tilespmem:$0x300] =	vst v0  }
0x30: {  	[tilespmem:$0x310] =	vst v0  }
0x31: {  	[tilespmem:$0x320] =	vst v0  }
0x32: {  	[tilespmem:$0x330] =	vst v0  }
0x33: {  	[tilespmem:$0x340] =	vst v0  }
0x34: {  	[tilespmem:$0x350] =	vst v0  }
0x35: {  	[tilespmem:$0x360] =	vst v0  }
0x36: {  	[tilespmem:$0x370] =	vst v0  }
0x37: {  	[spmem:s4] =	stream.linear.scatter [tilespmem:s9], [sflag:$0x1], $0x280, $0x38;
	[tilespmem:$0x600] =	vst v63  }
0x38: {  	_ =	swait.ge [sflag:s10], $0x280  }
0x39: {  	[sflag:s10] =	ssyncset.done $0x0  }
0x3a: {  	[sflag:s10] =	ssyncadd.s32 $0xFFFFFD80  }
0x3b: {  	s18 =	sadd.s32 $0x0, s8;
	[bflag:$0x0] =	sbarrier.arrive $0xFFFF  }
0x3c: {  	[tilespmem:s3], [sflag:$0x1] =	stream.linear.gather [hbm4b:s18+s3], $0x50, $0x38;
	[tilespmem:$0x600] =	vst v63  }
0x3d: {  	_ =	swait.ge [sflag:s10], $0x50  }
0x3e: {  	[sflag:s10] =	ssyncset.done $0x0  }
0x3f: {  	s31 =	sadd.s32 $0x0, s7;
	[sflag:s10] =	ssyncadd.s32 $0xFFFFFFB0  }
0x40: {  	[tilespmem:s11], [sflag:$0x1] =	stream.linear.gather [hbm4b:s31+s3], $0x50, $0x38;
	[tilespmem:$0x600] =	vst v63  }
0x41: {  	_ =	swait.ge [sflag:s10], $0x50  }
0x42: {  	[sflag:s10] =	ssyncset.done $0x0  }
0x43: {  	[sflag:s10] =	ssyncadd.s32 $0xFFFFFFB0  }
0x44: {  	v1 =	vld [tilespmem:$0xC0]  }
0x45: {  	v2 =	vld [tilespmem:$0xA0]  }
0x46: {  	v3 =	vld [tilespmem:$0xB0]  }
0x47: {  	v4 =	vld [tilespmem:$0x90]  }
0x48: {  	v5 =	vld [tilespmem:$0x80]  }
0x49: {  	v1 =	vand.u32 $0x7FFFFFFF, v1  }
0x4a: {  	v2 =	vand.u32 $0x7FFFFFFF, v2;
	[tilespmem:$0xC0] =	vst v1  }
0x4b: {  	[tilespmem:$0xA0] =	vst v2;
	v1 =	vand.u32 $0x7FFFFFFF, v3  }
0x4c: {  	v2 =	vand.u32 $0x7FFFFFFF, v4;
	[tilespmem:$0xB0] =	vst v1  }
0x4d: {  	s18 =	simm.s32 $0xA;
	v1 =	vand.u32 $0x7FFFFFFF, v5;
	[tilespmem:$0x90] =	vst v2  }
.LBB2_2:
0x4e: {  	p0 =	sne.s32 s18, $0x4D8;
	[tilespmem:$0x80] =	vst v1;
	s19 =	smov.u32 s18;
	s18 =	sadd.s32 $0xA, s18  }
0x4f: {  	[spmem:s2] =	stream.indirect.scatter.add.f32 [tilespmem:s11], [sflag:$0x1], $0x1, s3, s12, $0xb8;
	[tilespmem:$0x600] =	vst v63  }
0x50: {  	_ =	swait.ge [sflag:s10], $0x50  }
0x51: {  	[sflag:s10] =	ssyncset.done $0x0  }
0x52: {  	s20 =	sadd.s32 s19, s8;
	[sflag:s10] =	ssyncadd.s32 $0xFFFFFFB0  }
0x53: {  	[tilespmem:s3], [sflag:$0x1] =	stream.linear.gather [hbm4b:s20+s3], $0x50, $0x38;
	[tilespmem:$0x600] =	vst v63  }
0x54: {  	_ =	swait.ge [sflag:s10], $0x50  }
0x55: {  	[sflag:s10] =	ssyncset.done $0x0  }
0x56: {  	s19 =	sadd.s32 s19, s7;
	[sflag:s10] =	ssyncadd.s32 $0xFFFFFFB0  }
0x57: {  	[tilespmem:s11], [sflag:$0x1] =	stream.linear.gather [hbm4b:s19+s3], $0x50, $0x38;
	[tilespmem:$0x600] =	vst v63  }
0x58: {  	_ =	swait.ge [sflag:s10], $0x50  }
0x59: {  	[sflag:s10] =	ssyncset.done $0x0  }
0x5a: {  	[sflag:s10] =	ssyncadd.s32 $0xFFFFFFB0  }
0x5b: {  	v1 =	vld [tilespmem:$0xC0]  }
0x5c: {  	v2 =	vld [tilespmem:$0xA0]  }
0x5d: {  	v3 =	vld [tilespmem:$0xB0]  }
0x5e: {  	v4 =	vld [tilespmem:$0x90]  }
0x5f: {  	v5 =	vld [tilespmem:$0x80]  }
.Ltmp0:
0x60: {  	v1 =	vand.u32 $0x7FFFFFFF, v1;
	(pc) =	sbr.rel @p0 .LBB2_2-.Ltmp0, $4  }
0x61: {  	v2 =	vand.u32 $0x7FFFFFFF, v2;
	[tilespmem:$0xC0] =	vst v1  }
0x62: {  	[tilespmem:$0xA0] =	vst v2;
	v1 =	vand.u32 $0x7FFFFFFF, v3  }
0x63: {  	v2 =	vand.u32 $0x7FFFFFFF, v4;
	[tilespmem:$0xB0] =	vst v1  }
0x64: {  	v1 =	vand.u32 $0x7FFFFFFF, v5;
	[tilespmem:$0x90] =	vst v2  }
0x65: {  	[tilespmem:$0x80] =	vst v1  }
0x66: {  	[spmem:s2] =	stream.indirect.scatter.add.f32 [tilespmem:s11], [sflag:$0x1], $0x1, s3, s12, $0xb8;
	[tilespmem:$0x600] =	vst v63  }
0x67: {  	_ =	swait.ge [sflag:s10], $0x50  }
0x68: {  	s17 =	sadd.s32 $0x1, s17;
	[sflag:s10] =	ssyncset.done $0x0  }
0x69: {  	p0 =	sne.s32 s17, s6;
	[sflag:s10] =	ssyncadd.s32 $0xFFFFFFB0  }
.Ltmp1:
0x6a: {  	[bflag:$0x0] =	sbarrier.arrive $0xFFFF;
	(pc) =	sbr.rel @p0 .LBB2_1-.Ltmp1, $4  }
0x6b: {  	[hbm:s5@s15], [sflag:s13] =	dma.strided [spmem:s14@s16], $0x50, s10, $0x10   }
0x6c: {  	_ =	swait.ge [sflag:s10], $0x50  }
0x6d: {  	[sflag:s10] =	ssyncset.done $0x0  }
0x6e: {  	[sflag:s10] =	ssyncadd.s32 $0xFFFFFFB0  }
0x6f: {  	_ =	sfence.sel $0x180000  }
0x70: {  	[bflag:$0x0] =	sbarrier.arrive $0xFFFF  }
0x71: {  	p0 =	sne.s32 s0, $0x0;
	_ =	strace $0x90000047  }
0x72: {  	s0 =	sadd.s32 @!p0 $0x100000, s1;
	[bflag:$0x2] =	sbarrier.arrive $0xFFFF  }
0x73: {  	[sflag:s0] =	ssyncadd.tile.s32 @!p0 $0x1;
	_ =	shalt  }
.Lfunc_end2:
_tile_overlayer_lowered:
.L_overlay_start_2:
0x74: {  	(tag) =	ssettag $0x2  }
0x75: {  	s0 =	rddreg [dreg:$0x0];
	s2 =	stileid.u32  }
0x76: {  	s1 =	rddreg [dreg:$0x1];
	p0 =	sne.s32 s2, $0x0  }
0x77: {  	s3 =	rddreg [dreg:$0x2];
	[bflag:$0x3] =	sbarrier.arrive $0xFFFF;
	s2 =	simm.s32 @!p0 $0x1C01  }
0x78: {  	[timem:s3], [sflag:s2] =	dma.local @!p0 [hbm:s0], s1  }
0x79: {  	s0 =	simm.s32 @!p0 $0x1  }
0x7a: {  	_ =	swait.ge @!p0 [sflag:s0], s1  }
0x7b: {  	s1 =	ssub.s32 @!p0 $0x0, s1;
	[sflag:s0] =	ssyncset.done @!p0 $0x0  }
0x7c: {  	[sflag:s0] =	ssyncadd.s32 @!p0 s1  }
0x7d: {  	[bflag:$0x3] =	sbarrier.arrive $0xFFFF  }
0x7e: {  	_ =	shalt  }

// kernel: kernel.14.cloned.1.call-start
scs
__scs_entry_jumppad:
0x0: {  	(pc) =	sbr.rel $0x88, $3  }
0x1: {  	(tag) =	ssettag $0x0;
	lr =	simm.s32 $0x1  }
0x2: {  	[smem:$0x3F8D] =	sst lr;
	_ =	strace $0xD0000000  }
0x3: {  	_ = 	snop  }
0x4: {  	_ = 	snop  }
0x5: {  	_ = 	snop  }
0x6: {  	_ = 	snop  }
0x7: {  	_ = 	snop  }
__scs_overlays_trampoline_lowered:
0x8: {  	[smem:$0x3F9C] =	sst s0  }
0x9: {  	[smem:$0x3F9D] =	sst s1  }
0xa: {  	[smem:$0x3F9E] =	sst s2  }
0xb: {  	[smem:$0x3F9F] =	sst s3  }
0xc: {  	[smem:$0x3FA0] =	sst s4  }
0xd: {  	[smem:$0x3FA1] =	sst s5  }
0xe: {  	[smem:$0x3FA2] =	sst s6  }
0xf: {  	[smem:$0x3FA3] =	sst s7  }
0x10: {  	[smem:$0x3FA4] =	sst s8  }
0x11: {  	[smem:$0x3FA5] =	sst s9;
	s0 =	simm.s32 @!p0 $0x0  }
0x12: {  	s1 =	sld [smem:$0x3F8B];
	s0 =	simm.s32 @p0 $0x1  }
0x13: {  	[smem:$0x3FA6] =	sst s0;
	s0 =	simm.s32 @!p1 $0x0  }
0x14: {  	s2 =	sld [smem:$0x3F8A];
	s0 =	simm.s32 @p1 $0x1  }
0x15: {  	[smem:$0x3FA7] =	sst s0;
	s0 =	simm.s32 @!p2 $0x0  }
0x16: {  	s3 =	sld [smem:$0x3FDB];
	s0 =	simm.s32 @p2 $0x1  }
0x17: {  	s4 =	simm.s32 $0x1BF5;
	[smem:$0x3FA9] =	sst s0  }
0x18: {  	s0 =	sld [smem:$0x3F8C];
	_ =	swait.ge [sflag:s4], $0x0  }
0x19: {  	s7 =	sld [smem:$0x3F8D]  }
0x1a: {  	s8 =	sadd.s32 $0xFFFFE003, lr  }
0x1b: {  	s9 =	sadd.s32 $0xFFFFFEF7, lr;
	s5 =	simm.s32 $0xFFFFFFFF;
	p2 =	slt.u32 s8, $0xFFFFF086  }
0x1c: {  	p1 =	slt.u32 s9, $0xF7A;
	s5 =	simm.s32 @!p2 $0x0  }
0x1d: {  	s5 =	simm.s32 @p1 $0x1;
	p0 =	seq.s32 s7, s2  }
0x1e: {  	s7 =	smul.u32 @!p0 $0xF7A, s2;
	p2 =	seq.s32 @!p0 s5, $0x0  }
0x1f: {  	s9 =	smul.u32 $0xF7A, s1;
	s8 =	simm.s32 @!p0 $0x1BF5;
	p2 =	por !p2, p0  }
0x20: {  	[sflag:s8] =	ssyncset.s32 @!p0 $0xFFFFF086;
	s6 =	sadd.s32 @!p0 s3, s7;
	s7 =	simm.s32 @!p0 $0x108  }
0x21: {  	s3 =	sadd.s32 s3, s9;
	s6 =	sadd.s32 @!p0 $0x88, s6;
	s7 =	simm.s32 @p2 $0x1082  }
0x22: {  	[simem:s7], [sflag:s8] =	dma.local @!p0 [hbm:s6], $0xF7A  }
0x23: {  	s9 =	sor.u32 $0xD0000000, s2;
	s6 =	simm.s32 $0x108;
	_ =	swait.ge @!p0 [sflag:s8], $0x0  }
0x24: {  	s3 =	sadd.s32 $0x88, s3;
	s6 =	simm.s32 @!p1 $0x1082;
	[sflag:s4] =	ssyncset.s32 $0xFFFFF086  }
0x25: {  	[simem:s6], [sflag:s4] =	dma.local [hbm:s3], $0xF7A  }
0x26: {  	[smem:$0x3F8D] =	sst s1;
	(tag) =	ssettag s2;
	_ =	strace s9  }
0x27: {  	s1 =	sld [smem:$0x3F9D]  }
0x28: {  	s2 =	sld [smem:$0x3F9E]  }
0x29: {  	s4 =	sld [smem:$0x3FA0]  }
0x2a: {  	p0 =	seq.s32 s5, $0x0;
	s5 =	sld [smem:$0x3FA1]  }
0x2b: {  	s6 =	sld [smem:$0x3FA2]  }
0x2c: {  	s7 =	sld [smem:$0x3FA3]  }
0x2d: {  	s3 =	simm.s32 $0x108;
	s8 =	sld [smem:$0x3FA4]  }
0x2e: {  	s3 =	simm.s32 @!p0 $0x1082;
	s9 =	sld [smem:$0x3FA5]  }
0x2f: {  	lr =	sadd.s32 s0, s3;
	s0 =	sld [smem:$0x3F9C]  }
0x30: {  	s3 =	sld [smem:$0x3F9F]  }
0x31: {  	[smem:$0x3FA8] =	sst s10  }
0x32: {  	s10 =	sld [smem:$0x3FA6];
	_ =	sdelay $0x3  }
0x33: {  	p0 =	seq.s32 s10, $0x1;
	s10 =	sld [smem:$0x3FA8];
	_ =	sdelay $0x3  }
0x34: {  	[smem:$0x3FA8] =	sst s10  }
0x35: {  	s10 =	sld [smem:$0x3FA7];
	_ =	sdelay $0x3  }
0x36: {  	p1 =	seq.s32 s10, $0x1;
	s10 =	sld [smem:$0x3FA8];
	_ =	sdelay $0x3  }
0x37: {  	[smem:$0x3FA8] =	sst s10  }
0x38: {  	s10 =	sld [smem:$0x3FA9]  }
0x39: {  	_ = 	snop;
	(pc) =	sbr.ind lr, $3  }
0x3a: {  	_ = 	snop  }
0x3b: {  	_ = 	snop  }
0x3c: {  	p2 =	seq.s32 s10, $0x1;
	s10 =	sld [smem:$0x3FA8]  }
0x3d: {  	_ =	shalt  }
0x3e: {  	_ =	shalt  }
0x3f: {  	_ =	shalt  }
0x40: {  	_ =	shalt  }
0x41: {  	_ =	shalt  }
0x42: {  	_ =	shalt  }
0x43: {  	_ =	shalt  }
0x44: {  	_ =	shalt  }
0x45: {  	_ =	shalt  }
0x46: {  	_ =	shalt  }
0x47: {  	_ =	shalt  }
0x48: {  	_ =	shalt  }
0x49: {  	_ =	shalt  }
0x4a: {  	_ =	shalt  }
0x4b: {  	_ =	shalt  }
0x4c: {  	_ =	shalt  }
0x4d: {  	_ =	shalt  }
0x4e: {  	_ =	shalt  }
0x4f: {  	_ =	shalt  }
0x50: {  	_ =	shalt  }
0x51: {  	_ =	shalt  }
0x52: {  	_ =	shalt  }
0x53: {  	_ =	shalt  }
0x54: {  	_ =	shalt  }
0x55: {  	_ =	shalt  }
0x56: {  	_ =	shalt  }
0x57: {  	_ =	shalt  }
0x58: {  	_ =	shalt  }
0x59: {  	_ =	shalt  }
0x5a: {  	_ =	shalt  }
0x5b: {  	_ =	shalt  }
0x5c: {  	_ =	shalt  }
0x5d: {  	_ =	shalt  }
0x5e: {  	_ =	shalt  }
0x5f: {  	_ =	shalt  }
0x60: {  	_ =	shalt  }
0x61: {  	_ =	shalt  }
0x62: {  	_ =	shalt  }
0x63: {  	_ =	shalt  }
0x64: {  	_ =	shalt  }
0x65: {  	_ =	shalt  }
0x66: {  	_ =	shalt  }
0x67: {  	_ =	shalt  }
0x68: {  	_ =	shalt  }
0x69: {  	_ =	shalt  }
0x6a: {  	_ =	shalt  }
0x6b: {  	_ =	shalt  }
0x6c: {  	_ =	shalt  }
0x6d: {  	_ =	shalt  }
0x6e: {  	_ =	shalt  }
0x6f: {  	_ =	shalt  }
0x70: {  	_ =	shalt  }
0x71: {  	_ =	shalt  }
0x72: {  	_ =	shalt  }
0x73: {  	_ =	shalt  }
0x74: {  	_ =	shalt  }
0x75: {  	_ =	shalt  }
0x76: {  	_ =	shalt  }
0x77: {  	_ =	shalt  }
0x78: {  	_ =	shalt  }
0x79: {  	_ =	shalt  }
0x7a: {  	_ =	shalt  }
0x7b: {  	_ =	shalt  }
0x7c: {  	_ =	shalt  }
0x7d: {  	_ =	shalt  }
0x7e: {  	_ =	shalt  }
0x7f: {  	_ =	shalt  }
0x80: {  	_ =	shalt  }
0x81: {  	_ =	shalt  }
0x82: {  	_ =	shalt  }
0x83: {  	_ =	shalt  }
0x84: {  	_ =	shalt  }
0x85: {  	_ =	shalt  }
0x86: {  	_ =	shalt  }
0x87: {  	_ =	shalt  }
.Lfunc_end0:
.L_simem_size_0:
called_computation.1_lowered:
.L_overlay_start_0:
0x88: {  	s2 =	sld [smem:$0x3FD9]  }
0x89: {  	s3 =	sld [smem:$0x3FFE];
	_ =	sdelay $0x1  }
0x8a: {  	s1 =	srdreg.scid  }
0x8b: {  	s0 =	sand.u32 $0x1, s1  }
0x8c: {  	s16 =	sshll.u32 s0, $0xA;
	s2 =	sadd.s32 s3, s2  }
0x8d: {  	s2 =	sadd.s32 s2, s16  }
0x8e: {  	[smem:$0x3FB4] =	sst s2  }
0x8f: {  	_ = 	snop  }
0x90: {  	(tm) =	ssettm $0x1  }
0x91: {  	s17 =	sld [smem:$0x3FFB];
	_ =	sdelay $0x3  }
0x92: {  	_ =	strace s17  }
0x93: {  	s2 =	sld [smem:$0x3FFC];
	_ =	sdelay $0x3  }
0x94: {  	_ =	strace s2  }
0x95: {  	s2 =	sld [smem:$0x3FFD];
	_ =	sdelay $0x3  }
0x96: {  	_ =	strace s2  }
0x97: {  	_ =	strace $0x8FFFFFFF  }
0x98: {  	s18 =	sld [smem:$0x3FDB];
	_ =	sdelay $0x1  }
0x99: {  	s19 =	simm.s32 $_scs_section_size  }
0x9a: {  	s4 =	simm.s32 $_size__tile_overlayer_lowered;
	s5 =	simm.s32 $_tile_overlayer_lowered  }
0x9b: {  	s22 =	simm.s32 $0x1BFF;
	s21 =	sshll.u32 s5, $0x1;
	s2 =	sadd.s32 s19, s18  }
0x9c: {  	s6 =	simm.s32 $0x0;
	s20 =	sshll.u32 s4, $0x1;
	s4 =	sadd.s32 s21, s2  }
0x9d: {  	[timem:s6], [sflag:s22] =	dma.local [hbm:s4], s20  }
0x9e: {  	_ =	swait.ge [sflag:s22], s20  }
0x9f: {  	s3 =	ssub.s32 $0x0, s20;
	[sflag:s22] =	ssyncset.done $0x0  }
0xa0: {  	[sflag:s22] =	ssyncadd.s32 s3;
	_ =	sdelay $0x1  }
0xa1: {  	s23 =	simm.s32 $0x1B8B  }
0xa2: {  	_ =	swait.ge [sflag:s23], $0x1  }
0xa3: {  	[sflag:s23] =	ssyncset.done $0x0  }
0xa4: {  	s25 =	simm.s32 $0x1B8E;
	s24 =	sld [smem:$0x3FFE];
	[sflag:s23] =	ssyncadd.s32 $0xFFFFFFFF  }
0xa5: {  	s26 =	simm.s32 $execute0_lowered;
	[smem:$0x3FD2] =	sst s25  }
0xa6: {  	s4 =	sshll.u32 s26, $0x1;
	_ =	strace $0x80000049;
	[dreg:$0x1] =	wrdreg $0xFFFFFFFF  }
0xa7: {  	s28 =	simm.s32 $_size_execute0_lowered;
	s2 =	sadd.s32 s2, s4;
	[dreg:$0x0] =	wrdreg $0x0  }
0xa8: {  	s4 =	sshll.u32 s28, $0x1;
	[dreg:$0x2] =	wrdreg s2  }
0xa9: {  	[dreg:$0x3] =	wrdreg s4  }
0xaa: {  	[dreg:$0x4] =	wrdreg $0xC0  }
0xab: {  	_ =	task [dreg:s6], $0x5FFFF  }
0xac: {  	[dreg:$0x1] =	wrdreg $0xFFFFFFFF  }
0xad: {  	[dreg:$0x0] =	wrdreg $0x60  }
0xae: {  	[dreg:$0x2] =	wrdreg s24  }
0xaf: {  	[dreg:$0x3] =	wrdreg $0xB0000  }
0xb0: {  	[dreg:$0x4] =	wrdreg $0x9  }
0xb1: {  	_ =	task.clear_ibuf [dreg:s6], $0x5FFFF;
	_ =	strace $0x90000049  }
0xb2: {  	s29 =	simm.s32 $0x9;
	_ =	strace $0x8000004B  }
0xb3: {  	_ =	swait.ge [sflag:s29], $0x1  }
0xb4: {  	[sflag:s29] =	ssyncadd.s32 $0xFFFFFFFF  }
0xb5: {  	_ =	strace $0x9000004B  }
0xb6: {  	_ =	sfence  }
0xb7: {  	s30 =	sld [smem:$0x0];
	_ =	sdelay $0x2  }
0xb8: {  	s31 =	sshll.u32 s1, $0xD;
	s1 =	sshrl.u32 s1, $0x2  }
0xb9: {  	s3 =	sand.u32 $0x4000, s31;
	s1 =	sadd.s32 s1, s30  }
0xba: {  	s0 =	sor.u32 s3, s0;
	s1 =	sshll.u32 s1, $0x11  }
0xbb: {  	s0 =	sor.u32 s1, s0  }
0xbc: {  	s0 =	sadd.s32 $0x8F2B, s0  }
0xbd: {  	[sflag:s0] =	ssyncadd.remote.s32 $0x1  }
0xbe: {  	_ =	sfence.sel $0xFFFF  }
0xbf: {  	[dreg:$0x0] =	wrdreg $0xFFFFFFFF;
	(pc) =	sbr.abs _section_cstart, $3  }
0xc0: {  	[dreg:$0x1] =	wrdreg $0xFFFFFFFF  }
0xc1: {  	_ =	task.clear_ibuf [dreg:s6], $0x2FFFF;
	_ =	strace $0x9FFFFFFF  }
0xc2: {  	(tm) =	ssettm $0x7FFFFFFF  }
0xc3: {  	_ =	shalt  }
tec
execute0_lowered:
.L_overlay_start_1:
0x0: {  	(tag) =	ssettag $0x1  }
0x1: {  	s0 =	rddreg [dreg:$0x0]  }
0x2: {  	s2 =	rddreg [dreg:$0x1]  }
0x3: {  	s1 =	srdreg.scid;
	s14 =	stileid.u32  }
0x4: {  	s3 =	simm.s32 $0x0;
	s29 =	simm.s32 $0x800;
	s30 =	simm.s32 $0x5  }
0x5: {  	s31 =	simm.s32 $0x8;
	s28 =	simm.s32 $0x4;
	s5 =	smul.u32 $0x14000, s14  }
0x6: {  	s1 =	sand.u32 $0x1, s1;
	[smem:$0x7FF] =	sst s3;
	s10 =	smul.u32 $0x50000, s14  }
0x7: {  	s11 =	sshll.u32 s14, $0x1;
	s24 =	sshll.u32 s14, $0x6;
	s14 =	smul.u32 $0xB4, s14  }
0x8: {  	s4 =	sadd.s32 $0x30A00, s0;
	s8 =	sadd.s32 $0x1A200, s0;
	s6 =	smul.u32 $0x140000, s1  }
0x9: {  	s7 =	ssub.s32 $0x2, s1;
	s11 =	sor.u32 s1, s11;
	s1 =	smul.u32 $0x5A, s1  }
0xa: {  	s9 =	sadd.s32 $0xEE00, s0;
	_ =	strace $0x8000004A;
	s23 =	smul.u32 $0x5A, s11  }
0xb: {  	s21 =	sshrl.u32 s7, $0x1;
	s22 =	sshrl.u32 s10, $0x2;
	s12 =	smul.u32 $0x2D00, s11  }
0xc: {  	s25 =	smul.u32 $0xB40, s11;
	s11 =	sshll.u32 s11, $0x8;
	s6 =	sadd.s32 s5, s6  }
0xd: {  	s5 =	sshrl.u32 s5, $0x3;
	s11 =	sand.u32 $0x300, s11;
	s1 =	sadd.s32 s1, s14  }
0xe: {  	s6 =	sshrl.u32 s6, $0x3;
	s5 =	sadd.s32 s4, s5;
	s12 =	sand.u32 $0x7FC00, s12  }
0xf: {  	s10 =	sor.u32 $0x1, s23;
	s15 =	sshll.u32 s1, $0x4;
	s18 =	sshll.u32 s1, $0x5  }
0x10: {  	s23 =	simm.s32 $0x400;
	s0 =	sadd.s32 s6, s0;
	s6 =	ssub.s32 s7, s21  }
0x11: {  	s7 =	sadd.s32 s22, s2;
	[dreg:$0xc] =	wrdreg s5;
	s11 =	sor.u32 s11, s12  }
0x12: {  	s13 =	sshll.u32 s10, $0x7;
	s5 =	sadd.s32 s8, s25;
	s10 =	sshll.u32 s10, $0x5  }
0x13: {  	s17 =	sadd.s32 s15, s9;
	s19 =	sadd.s32 s18, s8;
	s18 =	simm.s32 $0x70  }
0x14: {  	s22 =	simm.s32 $0x200;
	[dreg:$0x7] =	wrdreg s23;
	s25 =	simm.s32 $0x680  }
0x15: {  	s23 =	simm.s32 $0x9;
	[dreg:$0xb] =	wrdreg s7;
	s7 =	sor.u32 $0x1C0A, s24  }
0x16: {  	s11 =	sshrl.u32 s11, $0x3;
	s13 =	sand.u32 $0x380, s13;
	[dreg:$0xd] =	wrdreg s5  }
0x17: {  	s10 =	sadd.s32 s8, s10;
	s0 =	sadd.s32 $0x58A00, s0;
	[dreg:$0x6] =	wrdreg s22  }
0x18: {  	s24 =	simm.s32 $0x580;
	s22 =	simm.s32 $0x7800;
	[dreg:$0x9] =	wrdreg s25  }
0x19: {  	s25 =	simm.s32 $0x3;
	s26 =	sadd.s32 s9, s11;
	[dreg:$0xf] =	wrdreg s10  }
0x1a: {  	s11 =	sor.u32 s12, s13;
	s12 =	sadd.s32 $0x4, s1;
	[dreg:$0x11] =	wrdreg s0  }
0x1b: {  	s13 =	smax.u32 s6, $0x1;
	s1 =	sadd.s32 $0x2, s1;
	[dreg:$0x8] =	wrdreg s24  }
0x1c: {  	s10 =	sadd.s32 $0x60, s19;
	s19 =	simm.s32 $0x700;
	[dreg:$0xe] =	wrdreg s26  }
0x1d: {  	s24 =	simm.s32 $0x2;
	s5 =	sshrl.u32 s11, $0x3;
	[dreg:$0x12] =	wrdreg s13  }
0x1e: {  	s14 =	sshll.u32 s12, $0x4;
	s20 =	sshll.u32 s1, $0x4;
	s1 =	sshll.u32 s1, $0x5  }
0x1f: {  	s26 =	simm.s32 $0x600;
	s5 =	sadd.s32 s9, s5;
	s0 =	sadd.s32 s14, s9  }
0x20: {  	s21 =	sadd.s32 s20, s9;
	s9 =	sadd.s32 s1, s8;
	[dreg:$0xa] =	wrdreg s26  }
0x21: {  	s20 =	simm.s32 $0x4000;
	s26 =	simm.s32 $0x7;
	[dreg:$0x10] =	wrdreg s5  }
0x22: {  	s1 =	simm.s32 $0x6;
	s5 =	sshll.u32 s12, $0x5;
	[dreg:$0x3] =	wrdreg s0  }
0x23: {  	s0 =	sadd.s32 $0x30, s17;
	[dreg:$0x5] =	wrdreg s21;
	s17 =	simm.s32 $0xA  }
0x24: {  	s21 =	simm.s32 $0x780;
	s16 =	sadd.s32 s5, s8;
	[dreg:$0x4] =	wrdreg s0  }
0x25: {  	v0 =	vimm.f32 $0.0e+00;
	v1 =	vimm.s32 $0x0;
	s0 =	simm.s32 $0x1;
	s5 =	simm.s32 $0x0;
	[dreg:$0x13] =	wrdreg s16  }
.LBB2_1:
0x26: {  	s6 =	rddreg [dreg:$0xb]  }
0x27: {  	s8 =	rddreg [dreg:$0xc];
	s6 =	sshrl.u32 s6, $0x3  }
0x28: {  	[spmem:s6], [sflag:s7] =	dma.local [hbm:s8], $0x2800  }
0x29: {  	_ =	swait.ge [sflag:s17], $0x2800  }
0x2a: {  	[sflag:s17] =	ssyncset.done $0x0  }
0x2b: {  	s14 =	simm.s32 $0x200;
	s8 =	simm.s32 $0x0;
	[sflag:s17] =	ssyncadd.s32 $0xFFFFD800  }
.LBB2_2:
0x2c: {  	p0 =	sne.s32 s14, $0xDE00;
	[tilespmem:s8+$0x7870] =	vst v0  }
0x2d: {  	[tilespmem:s8+$0x4000] =	vst v0  }
0x2e: {  	[tilespmem:s8+$0x7800] =	vst v0  }
0x2f: {  	[tilespmem:s8+$0x4010] =	vst v0  }
0x30: {  	[tilespmem:s8+$0x7810] =	vst v0  }
0x31: {  	[tilespmem:s8+$0x4020] =	vst v0  }
0x32: {  	[tilespmem:s8+$0x7820] =	vst v0  }
0x33: {  	[tilespmem:s8+$0x4030] =	vst v0  }
0x34: {  	[tilespmem:s8+$0x7830] =	vst v0  }
0x35: {  	[tilespmem:s8+$0x4040] =	vst v0  }
0x36: {  	[tilespmem:s8+$0x7840] =	vst v0  }
.Ltmp0:
0x37: {  	[tilespmem:s8+$0x4050] =	vst v0;
	(pc) =	sbr.rel @p0 .LBB2_2-.Ltmp0, $4  }
0x38: {  	[tilespmem:s8+$0x7850] =	vst v0  }
0x39: {  	[tilespmem:s8+$0x4060] =	vst v0  }
0x3a: {  	[tilespmem:s8+$0x7860] =	vst v0  }
0x3b: {  	[tilespmem:s8+$0x4070] =	vst v0;
	s8 =	sshra.s32 s14, $0x2;
	s14 =	sadd.s32 $0x200, s14  }
0x3c: {  	[tilespmem:s8+$0x7870] =	vst v0  }
0x3d: {  	[tilespmem:s8+$0x4000] =	vst v0  }
0x3e: {  	[tilespmem:s8+$0x7800] =	vst v0  }
0x3f: {  	[tilespmem:s8+$0x4010] =	vst v0  }
0x40: {  	[tilespmem:s8+$0x7810] =	vst v0  }
0x41: {  	[tilespmem:s8+$0x4020] =	vst v0  }
0x42: {  	[tilespmem:s8+$0x7820] =	vst v0  }
0x43: {  	[tilespmem:s8+$0x4030] =	vst v0  }
0x44: {  	[tilespmem:s8+$0x7830] =	vst v0  }
0x45: {  	[tilespmem:s8+$0x4040] =	vst v0  }
0x46: {  	[tilespmem:s8+$0x7840] =	vst v0  }
0x47: {  	[tilespmem:s8+$0x4050] =	vst v0  }
0x48: {  	[tilespmem:s8+$0x7850] =	vst v0  }
0x49: {  	[tilespmem:s8+$0x4060] =	vst v0  }
0x4a: {  	[tilespmem:s8+$0x7860] =	vst v0  }
0x4b: {  	[tilespmem:s8+$0x4070] =	vst v0  }
0x4c: {  	[tilespmem:$0x700] =	vst v1  }
0x4d: {  	[tilespmem:$0x780] =	vst v1  }
0x4e: {  	[tilespmem:$0x710] =	vst v1  }
0x4f: {  	[tilespmem:$0x790] =	vst v1  }
0x50: {  	[tilespmem:$0x720] =	vst v1  }
0x51: {  	[tilespmem:$0x7A0] =	vst v1  }
0x52: {  	[tilespmem:$0x730] =	vst v1  }
0x53: {  	[tilespmem:$0x7B0] =	vst v1  }
0x54: {  	[tilespmem:$0x740] =	vst v1  }
0x55: {  	[tilespmem:$0x7C0] =	vst v1  }
0x56: {  	[tilespmem:$0x750] =	vst v1  }
0x57: {  	[tilespmem:$0x7D0] =	vst v1  }
0x58: {  	[tilespmem:$0x760] =	vst v1  }
0x59: {  	[tilespmem:$0x7E0] =	vst v1  }
0x5a: {  	[bflag:$0x0] =	sbarrier.arrive $0xFFFF  }
0x5b: {  	[spmem:s2] =	stream.indirect.scatter.add.f32 [tilespmem:s20], [sflag:$0x5], $0x80, s19, s18, $0xb8;
	[tilespmem:$0x1F000] =	vst v63  }
0x5c: {  	_ = 	snop  }
0x5d: {  	[spmem:s2] =	stream.indirect.scatter.add.f32 [tilespmem:s22], [sflag:$0x6], $0x80, s21, s18, $0xb8;
	[tilespmem:$0x1F000] =	vst v63  }
0x5e: {  	s8 =	simm.s32 $0x0;
	s11 =	rddreg [dreg:$0xd]  }
0x5f: {  	[tilespmem:s8], [sflag:$0x7] =	stream.linear.gather [hbm4b:s11+s8], $0x100, $0x38;
	[tilespmem:$0x1F000] =	vst v63  }
0x60: {  	s12 =	simm.s32 $0x300;
	s16 =	rddreg [dreg:$0xe]  }
0x61: {  	[tilespmem:s12], [sflag:$0x7] =	stream.linear.gather [hbm4b:s16+s8], $0x80, $0x38;
	[tilespmem:$0x1F000] =	vst v63  }
0x62: {  	s13 =	simm.s32 $0x100;
	s12 =	rddreg [dreg:$0xf]  }
0x63: {  	[tilespmem:s13], [sflag:$0x8] =	stream.linear.gather [hbm4b:s12+s8], $0x100, $0x38;
	[tilespmem:$0x1F000] =	vst v63  }
0x64: {  	s15 =	simm.s32 $0x380;
	s14 =	rddreg [dreg:$0x10]  }
0x65: {  	[tilespmem:s15], [sflag:$0x8] =	stream.linear.gather [hbm4b:s14+s8], $0x80, $0x38;
	[tilespmem:$0x1F000] =	vst v63  }
0x66: {  	_ =	swait.ge [sflag:s26], $0x100  }
0x67: {  	[sflag:s26] =	ssyncset.done $0x0  }
0x68: {  	[sflag:s26] =	ssyncadd.s32 $0xFFFFFF00  }
0x69: {  	_ =	swait.ge [sflag:s26], $0x80  }
0x6a: {  	[sflag:s26] =	ssyncset.done $0x0  }
0x6b: {  	[sflag:s26] =	ssyncadd.s32 $0xFFFFFF80  }
0x6c: {  	v2 =	vld [tilespmem:$0x0]  }
0x6d: {  	v3 =	vld [tilespmem:$0x80]  }
0x6e: {  	v4 =	vld [tilespmem:$0x10]  }
0x6f: {  	v5 =	vld [tilespmem:$0x90]  }
0x70: {  	v6 =	vld [tilespmem:$0x20]  }
0x71: {  	v59 =	vld [tilespmem:$0xB0];
	[tilespmem:$0x500] =	vst v2  }
0x72: {  	v60 =	vld [tilespmem:$0x40];
	[tilespmem:$0x680] =	vst v3  }
0x73: {  	v2 =	vld [tilespmem:$0xA0];
	[tilespmem:$0x510] =	vst v4  }
0x74: {  	v3 =	vld [tilespmem:$0x30];
	[tilespmem:$0x690] =	vst v5  }
0x75: {  	v61 =	vld [tilespmem:$0xC0];
	[tilespmem:$0x520] =	vst v6  }
0x76: {  	v62 =	vld [tilespmem:$0x60];
	[tilespmem:$0x6B0] =	vst v59  }
0x77: {  	v63 =	vld [tilespmem:$0xE0];
	[tilespmem:$0x540] =	vst v60  }
0x78: {  	[tilespmem:$0x6A0] =	vst v2;
	v2 =	vld [tilespmem:$0x50]  }
0x79: {  	[tilespmem:$0x530] =	vst v3;
	v3 =	vld [tilespmem:$0xD0]  }
0x7a: {  	[tilespmem:$0x6C0] =	vst v61  }
0x7b: {  	[tilespmem:$0x560] =	vst v62  }
0x7c: {  	[tilespmem:$0x6E0] =	vst v63  }
0x7d: {  	[tilespmem:$0x550] =	vst v2  }
0x7e: {  	s16 =	simm.s32 $0x500;
	[tilespmem:$0x6D0] =	vst v3  }
0x7f: {  	[tilespmem:s29], [sflag:$0x1] =	stream.indirect.gather [hbm4b:s4+s18], $0x80, s16, s18, $0xb8;
	[tilespmem:$0x1F000] =	vst v63  }
0x80: {  	s15 =	smov.u32 s10;
	s14 =	rddreg [dreg:$0x13];
	s16 =	smov.u32 s9  }
.LBB2_4:
0x81: {  	s12 =	rddreg [dreg:$0x6]  }
0x82: {  	s13 =	rddreg [dreg:$0x5]  }
0x83: {  	[tilespmem:s12], [sflag:$0x9] =	stream.linear.gather [hbm4b:s16+s3], $0x100, $0x38;
	[tilespmem:$0x1F000] =	vst v63  }
0x84: {  	s11 =	rddreg [dreg:$0x7];
	s13 =	sadd.s32 s8, s13  }
0x85: {  	[tilespmem:s11], [sflag:$0x9] =	stream.linear.gather [hbm4b:s13+s3], $0x80, $0x38;
	[tilespmem:$0x1F000] =	vst v63  }
0x86: {  	_ =	swait.ge [sflag:s30], $0x3800  }
0x87: {  	[sflag:s30] =	ssyncset.done $0x0  }
0x88: {  	[sflag:s30] =	ssyncadd.s32 $0xFFFFC800  }
0x89: {  	_ =	swait.ge [sflag:s31], $0x100  }
0x8a: {  	[sflag:s31] =	ssyncset.done $0x0  }
0x8b: {  	[sflag:s31] =	ssyncadd.s32 $0xFFFFFF00  }
0x8c: {  	_ =	swait.ge [sflag:s31], $0x80  }
0x8d: {  	[sflag:s31] =	ssyncset.done $0x0  }
0x8e: {  	[sflag:s31] =	ssyncadd.s32 $0xFFFFFF80  }
0x8f: {  	v2 =	vld [tilespmem:$0x100]  }
0x90: {  	v3 =	vld [tilespmem:$0x180]  }
0x91: {  	v4 =	vld [tilespmem:$0x110]  }
0x92: {  	v5 =	vld [tilespmem:$0x190]  }
0x93: {  	v6 =	vld [tilespmem:$0x120]  }
0x94: {  	v51 =	vld [tilespmem:$0x1B0];
	[tilespmem:$0x580] =	vst v2  }
0x95: {  	v52 =	vld [tilespmem:$0x140];
	[tilespmem:$0x700] =	vst v3  }
0x96: {  	v2 =	vld [tilespmem:$0x1A0];
	[tilespmem:$0x590] =	vst v4  }
0x97: {  	v3 =	vld [tilespmem:$0x130];
	[tilespmem:$0x710] =	vst v5  }
0x98: {  	v53 =	vld [tilespmem:$0x1C0];
	[tilespmem:$0x5A0] =	vst v6  }
0x99: {  	v54 =	vld [tilespmem:$0x160];
	[tilespmem:$0x730] =	vst v51  }
0x9a: {  	v55 =	vld [tilespmem:$0x1E0];
	[tilespmem:$0x5C0] =	vst v52  }
0x9b: {  	[tilespmem:$0x720] =	vst v2;
	v2 =	vld [tilespmem:$0x150]  }
0x9c: {  	[tilespmem:$0x5B0] =	vst v3;
	v3 =	vld [tilespmem:$0x1D0]  }
0x9d: {  	[tilespmem:$0x740] =	vst v53  }
0x9e: {  	[tilespmem:$0x5E0] =	vst v54  }
0x9f: {  	[tilespmem:$0x760] =	vst v55  }
0xa0: {  	[tilespmem:$0x5D0] =	vst v2  }
0xa1: {  	s13 =	rddreg [dreg:$0x8];
	[tilespmem:$0x750] =	vst v3  }
0xa2: {  	[tilespmem:s20], [sflag:$0x2] =	stream.indirect.gather [hbm4b:s4+s18], $0x80, s13, s18, $0xb8;
	[tilespmem:$0x1F000] =	vst v63  }
0xa3: {  	_ =	swait.ge [sflag:s0], $0x3800  }
0xa4: {  	[sflag:s0] =	ssyncset.done $0x0  }
0xa5: {  	p0 =	seq.s32 s8, $0x570;
	s12 =	rddreg [dreg:$0x9];
	[sflag:s0] =	ssyncadd.s32 $0xFFFFC800  }
0xa6: {  	[spmem:s2] =	stream.indirect.scatter.add.f32 [tilespmem:s29], [sflag:$0x4], $0x80, s12, s18, $0xb8;
	[tilespmem:$0x1F000] =	vst v63  }
0xa7: {  	s11 =	rddreg [dreg:$0x4];
	s12 =	simm.s32 @!p0 $0x0  }
0xa8: {  	[tilespmem:s12], [sflag:$0x7] =	stream.linear.gather @!p0 [hbm4b:s15+s12], $0x100, $0x38;
	[tilespmem:$0x1F000] =	vst v63  }
0xa9: {  	s13 =	simm.s32 @!p0 $0x300;
	s11 =	sadd.s32 @!p0 s8, s11  }
0xaa: {  	[tilespmem:s13], [sflag:$0x7] =	stream.linear.gather @!p0 [hbm4b:s11+s12], $0x80, $0x38;
	[tilespmem:$0x1F000] =	vst v63  }
0xab: {  	_ =	swait.ge [sflag:s1], $0x3800  }
0xac: {  	[sflag:s1] =	ssyncset.done $0x0  }
0xad: {  	[sflag:s1] =	ssyncadd.s32 $0xFFFFC800  }
0xae: {  	_ =	swait.ge [sflag:s23], $0x100  }
0xaf: {  	[sflag:s23] =	ssyncset.done $0x0  }
0xb0: {  	[sflag:s23] =	ssyncadd.s32 $0xFFFFFF00  }
0xb1: {  	_ =	swait.ge [sflag:s23], $0x80  }
0xb2: {  	[sflag:s23] =	ssyncset.done $0x0  }
0xb3: {  	[sflag:s23] =	ssyncadd.s32 $0xFFFFFF80  }
0xb4: {  	v2 =	vld [tilespmem:$0x200]  }
0xb5: {  	v3 =	vld [tilespmem:$0x280]  }
0xb6: {  	v56 =	vld [tilespmem:$0x210]  }
0xb7: {  	v57 =	vld [tilespmem:$0x290]  }
0xb8: {  	v58 =	vld [tilespmem:$0x220]  }
0xb9: {  	v59 =	vld [tilespmem:$0x2B0];
	[tilespmem:$0x600] =	vst v2  }
0xba: {  	v60 =	vld [tilespmem:$0x240];
	[tilespmem:$0x780] =	vst v3  }
0xbb: {  	v2 =	vld [tilespmem:$0x2A0];
	[tilespmem:$0x610] =	vst v56  }
0xbc: {  	v3 =	vld [tilespmem:$0x230];
	[tilespmem:$0x790] =	vst v57  }
0xbd: {  	v61 =	vld [tilespmem:$0x2C0];
	[tilespmem:$0x620] =	vst v58  }
0xbe: {  	v62 =	vld [tilespmem:$0x260];
	[tilespmem:$0x7B0] =	vst v59  }
0xbf: {  	v63 =	vld [tilespmem:$0x2E0];
	[tilespmem:$0x640] =	vst v60  }
0xc0: {  	[tilespmem:$0x7A0] =	vst v2;
	v2 =	vld [tilespmem:$0x250]  }
0xc1: {  	[tilespmem:$0x630] =	vst v3;
	v3 =	vld [tilespmem:$0x2D0]  }
0xc2: {  	[tilespmem:$0x7C0] =	vst v61  }
0xc3: {  	[tilespmem:$0x660] =	vst v62  }
0xc4: {  	[tilespmem:$0x7E0] =	vst v63  }
0xc5: {  	[tilespmem:$0x650] =	vst v2  }
0xc6: {  	s13 =	rddreg [dreg:$0xa];
	[tilespmem:$0x7D0] =	vst v3  }
0xc7: {  	[tilespmem:s22], [sflag:$0x3] =	stream.indirect.gather [hbm4b:s4+s18], $0x80, s13, s18, $0xb8;
	[tilespmem:$0x1F000] =	vst v63  }
0xc8: {  	_ =	swait.ge [sflag:s24], $0x3800  }
0xc9: {  	[sflag:s24] =	ssyncset.done $0x0  }
0xca: {  	[sflag:s24] =	ssyncadd.s32 $0xFFFFC800  }
0xcb: {  	[spmem:s2] =	stream.indirect.scatter.add.f32 [tilespmem:s20], [sflag:$0x5], $0x80, s19, s18, $0xb8;
	[tilespmem:$0x1F000] =	vst v63  }
0xcc: {  	s13 =	simm.s32 @!p0 $0x100;
	s11 =	rddreg [dreg:$0x3]  }
0xcd: {  	[tilespmem:s13], [sflag:$0x8] =	stream.linear.gather @!p0 [hbm4b:s14+s12], $0x100, $0x38;
	[tilespmem:$0x1F000] =	vst v63  }
0xce: {  	s11 =	sadd.s32 @!p0 s8, s11;
	s13 =	simm.s32 @!p0 $0x380  }
0xcf: {  	[tilespmem:s13], [sflag:$0x8] =	stream.linear.gather @!p0 [hbm4b:s11+s12], $0x80, $0x38;
	[tilespmem:$0x1F000] =	vst v63  }
0xd0: {  	s11 =	simm.s32 @!p0 $0x4  }
0xd1: {  	_ =	swait.ge @!p0 [sflag:s11], $0x3800  }
0xd2: {  	[sflag:s11] =	ssyncset.done @!p0 $0x0  }
0xd3: {  	[sflag:s11] =	ssyncadd.s32 @!p0 $0xFFFFC800;
	s11 =	simm.s32 @!p0 $0x7  }
0xd4: {  	_ =	swait.ge @!p0 [sflag:s11], $0x100  }
0xd5: {  	[sflag:s11] =	ssyncset.done @!p0 $0x0  }
0xd6: {  	[sflag:s11] =	ssyncadd.s32 @!p0 $0xFFFFFF00  }
0xd7: {  	_ =	swait.ge @!p0 [sflag:s11], $0x80  }
0xd8: {  	[sflag:s11] =	ssyncset.done @!p0 $0x0  }
0xd9: {  	[sflag:s11] =	ssyncadd.s32 @!p0 $0xFFFFFF80  }
0xda: {  	v2 =	vld @!p0 [tilespmem:$0x0]  }
0xdb: {  	v3 =	vld @!p0 [tilespmem:$0x80]  }
0xdc: {  	v4 =	vld @!p0 [tilespmem:$0x10]  }
0xdd: {  	v5 =	vld @!p0 [tilespmem:$0x90]  }
0xde: {  	v6 =	vld @!p0 [tilespmem:$0x20]  }
0xdf: {  	[tilespmem:$0x500] =	vst @!p0 v2;
	v2 =	vld @!p0 [tilespmem:$0xA0]  }
0xe0: {  	[tilespmem:$0x680] =	vst @!p0 v3;
	v3 =	vld @!p0 [tilespmem:$0x30]  }
0xe1: {  	[tilespmem:$0x510] =	vst @!p0 v4;
	v4 =	vld @!p0 [tilespmem:$0xB0]  }
0xe2: {  	[tilespmem:$0x690] =	vst @!p0 v5;
	v5 =	vld @!p0 [tilespmem:$0x40]  }
0xe3: {  	[tilespmem:$0x520] =	vst @!p0 v6;
	v6 =	vld @!p0 [tilespmem:$0xC0]  }
0xe4: {  	[tilespmem:$0x6A0] =	vst @!p0 v2;
	v2 =	vld @!p0 [tilespmem:$0x50]  }
0xe5: {  	[tilespmem:$0x530] =	vst @!p0 v3;
	v3 =	vld @!p0 [tilespmem:$0xD0]  }
0xe6: {  	[tilespmem:$0x6B0] =	vst @!p0 v4;
	v4 =	vld @!p0 [tilespmem:$0x60]  }
0xe7: {  	[tilespmem:$0x540] =	vst @!p0 v5;
	v5 =	vld @!p0 [tilespmem:$0xE0]  }
0xe8: {  	[tilespmem:$0x6C0] =	vst @!p0 v6  }
0xe9: {  	[tilespmem:$0x550] =	vst @!p0 v2  }
0xea: {  	[tilespmem:$0x6D0] =	vst @!p0 v3  }
0xeb: {  	s8 =	sadd.s32 $0x30, s8;
	[tilespmem:$0x560] =	vst @!p0 v4  }
0xec: {  	s12 =	simm.s32 @!p0 $0x500;
	s13 =	simm.s32 @!p0 $0x800;
	s11 =	simm.s32 @!p0 $0x70;
	[tilespmem:$0x6E0] =	vst @!p0 v5  }
0xed: {  	[tilespmem:s13], [sflag:$0x1] =	stream.indirect.gather @!p0 [hbm4b:s4+s11], $0x80, s12, s11, $0xb8;
	[tilespmem:$0x1F000] =	vst v63  }
0xee: {  	p0 =	sne.s32 s8, $0x5A0  }
.Ltmp1:
0xef: {  	_ = 	snop;
	(pc) =	sbr.rel @p0 .LBB2_4-.Ltmp1, $4  }
0xf0: {  	_ =	swait.ge [sflag:s25], $0x3800  }
0xf1: {  	s16 =	sadd.s32 $0x60, s16;
	[sflag:s25] =	ssyncset.done $0x0  }
0xf2: {  	s15 =	sadd.s32 $0x60, s15;
	s14 =	sadd.s32 $0x60, s14;
	[sflag:s25] =	ssyncadd.s32 $0xFFFFC800  }
0xf3: {  	[spmem:s2] =	stream.indirect.scatter.add.f32 [tilespmem:s22], [sflag:$0x6], $0x80, s21, s18, $0xb8;
	[tilespmem:$0x1F000] =	vst v63  }
0xf4: {  	_ =	swait.ge [sflag:s28], $0x3800  }
0xf5: {  	[sflag:s28] =	ssyncset.done $0x0  }
0xf6: {  	[sflag:s28] =	ssyncadd.s32 $0xFFFFC800  }
0xf7: {  	_ =	swait.ge [sflag:s30], $0x3800  }
0xf8: {  	[sflag:s30] =	ssyncset.done $0x0  }
0xf9: {  	[sflag:s30] =	ssyncadd.s32 $0xFFFFC800  }
0xfa: {  	_ =	swait.ge [sflag:s1], $0x3800  }
0xfb: {  	[sflag:s1] =	ssyncset.done $0x0  }
0xfc: {  	[sflag:s1] =	ssyncadd.s32 $0xFFFFC800  }
0xfd: {  	[bflag:$0x0] =	sbarrier.arrive $0xFFFF  }
0xfe: {  	s8 =	rddreg [dreg:$0x11]  }
0xff: {  	[hbm:s8], [sflag:s7] =	dma.local [spmem:s6], $0x2800  }
0x100: {  	_ =	swait.ge [sflag:s17], $0x2800  }
0x101: {  	s5 =	sadd.s32 $0x1, s5;
	s16 =	rddreg [dreg:$0x12]  }
0x102: {  	p0 =	sne.s32 s5, s16  }
.Ltmp2:
0x103: {  	_ = 	snop;
	(pc) =	sbr.rel @p0 .LBB2_1-.Ltmp2, $3  }
0x104: {  	_ =	sdelay $0x1  }
0x105: {  	[sflag:s17] =	ssyncset.done $0x0  }
0x106: {  	[sflag:s17] =	ssyncadd.s32 $0xFFFFD800  }
0x107: {  	_ =	sfence.sel $0x180000  }
0x108: {  	[bflag:$0x0] =	sbarrier.arrive $0xFFFF  }
0x109: {  	_ =	strace $0x9000004A  }
0x10a: {  	s0 =	stileid.u32;
	[bflag:$0x2] =	sbarrier.arrive $0xFFFF  }
0x10b: {  	p0 =	sne.s32 s0, $0x0;
	s0 =	rddreg [dreg:$0x2]  }
0x10c: {  	s0 =	sadd.s32 @!p0 $0x100000, s0  }
0x10d: {  	[sflag:s0] =	ssyncadd.tile.s32 @!p0 $0x1;
	_ =	shalt  }
.Lfunc_end2:
_tile_overlayer_lowered:
.L_overlay_start_2:
0x10e: {  	(tag) =	ssettag $0x2  }
0x10f: {  	s0 =	rddreg [dreg:$0x0];
	s2 =	stileid.u32  }
0x110: {  	s1 =	rddreg [dreg:$0x1];
	p0 =	sne.s32 s2, $0x0  }
0x111: {  	s3 =	rddreg [dreg:$0x2];
	[bflag:$0x3] =	sbarrier.arrive $0xFFFF;
	s2 =	simm.s32 @!p0 $0x1C0A  }
0x112: {  	[timem:s3], [sflag:s2] =	dma.local @!p0 [hbm:s0], s1  }
0x113: {  	s0 =	simm.s32 @!p0 $0xA  }
0x114: {  	_ =	swait.ge @!p0 [sflag:s0], s1  }
0x115: {  	s1 =	ssub.s32 @!p0 $0x0, s1;
	[sflag:s0] =	ssyncset.done @!p0 $0x0  }
0x116: {  	[sflag:s0] =	ssyncadd.s32 @!p0 s1  }
0x117: {  	[bflag:$0x3] =	sbarrier.arrive $0xFFFF  }
0x118: {  	_ =	shalt  }

// kernel: kernel.17.cloned.1.call-start
scs
__scs_entry_jumppad:
0x0: {  	(pc) =	sbr.rel $0x88, $3  }
0x1: {  	(tag) =	ssettag $0x0;
	lr =	simm.s32 $0x1  }
0x2: {  	[smem:$0x3F8D] =	sst lr;
	_ =	strace $0xD0000000  }
0x3: {  	_ = 	snop  }
0x4: {  	_ = 	snop  }
0x5: {  	_ = 	snop  }
0x6: {  	_ = 	snop  }
0x7: {  	_ = 	snop  }
__scs_overlays_trampoline_lowered:
0x8: {  	[smem:$0x3F9C] =	sst s0  }
0x9: {  	[smem:$0x3F9D] =	sst s1  }
0xa: {  	[smem:$0x3F9E] =	sst s2  }
0xb: {  	[smem:$0x3F9F] =	sst s3  }
0xc: {  	[smem:$0x3FA0] =	sst s4  }
0xd: {  	[smem:$0x3FA1] =	sst s5  }
0xe: {  	[smem:$0x3FA2] =	sst s6  }
0xf: {  	[smem:$0x3FA3] =	sst s7  }
0x10: {  	[smem:$0x3FA4] =	sst s8  }
0x11: {  	[smem:$0x3FA5] =	sst s9;
	s0 =	simm.s32 @!p0 $0x0  }
0x12: {  	s1 =	sld [smem:$0x3F8B];
	s0 =	simm.s32 @p0 $0x1  }
0x13: {  	[smem:$0x3FA6] =	sst s0;
	s0 =	simm.s32 @!p1 $0x0  }
0x14: {  	s2 =	sld [smem:$0x3F8A];
	s0 =	simm.s32 @p1 $0x1  }
0x15: {  	[smem:$0x3FA7] =	sst s0;
	s0 =	simm.s32 @!p2 $0x0  }
0x16: {  	s3 =	sld [smem:$0x3FDB];
	s0 =	simm.s32 @p2 $0x1  }
0x17: {  	s4 =	simm.s32 $0x1BF5;
	[smem:$0x3FA9] =	sst s0  }
0x18: {  	s0 =	sld [smem:$0x3F8C];
	_ =	swait.ge [sflag:s4], $0x0  }
0x19: {  	s7 =	sld [smem:$0x3F8D]  }
0x1a: {  	s8 =	sadd.s32 $0xFFFFE003, lr  }
0x1b: {  	s9 =	sadd.s32 $0xFFFFFEF7, lr;
	s5 =	simm.s32 $0xFFFFFFFF;
	p2 =	slt.u32 s8, $0xFFFFF086  }
0x1c: {  	p1 =	slt.u32 s9, $0xF7A;
	s5 =	simm.s32 @!p2 $0x0  }
0x1d: {  	s5 =	simm.s32 @p1 $0x1;
	p0 =	seq.s32 s7, s2  }
0x1e: {  	s7 =	smul.u32 @!p0 $0xF7A, s2;
	p2 =	seq.s32 @!p0 s5, $0x0  }
0x1f: {  	s9 =	smul.u32 $0xF7A, s1;
	s8 =	simm.s32 @!p0 $0x1BF5;
	p2 =	por !p2, p0  }
0x20: {  	[sflag:s8] =	ssyncset.s32 @!p0 $0xFFFFF086;
	s6 =	sadd.s32 @!p0 s3, s7;
	s7 =	simm.s32 @!p0 $0x108  }
0x21: {  	s3 =	sadd.s32 s3, s9;
	s6 =	sadd.s32 @!p0 $0x88, s6;
	s7 =	simm.s32 @p2 $0x1082  }
0x22: {  	[simem:s7], [sflag:s8] =	dma.local @!p0 [hbm:s6], $0xF7A  }
0x23: {  	s9 =	sor.u32 $0xD0000000, s2;
	s6 =	simm.s32 $0x108;
	_ =	swait.ge @!p0 [sflag:s8], $0x0  }
0x24: {  	s3 =	sadd.s32 $0x88, s3;
	s6 =	simm.s32 @!p1 $0x1082;
	[sflag:s4] =	ssyncset.s32 $0xFFFFF086  }
0x25: {  	[simem:s6], [sflag:s4] =	dma.local [hbm:s3], $0xF7A  }
0x26: {  	[smem:$0x3F8D] =	sst s1;
	(tag) =	ssettag s2;
	_ =	strace s9  }
0x27: {  	s1 =	sld [smem:$0x3F9D]  }
0x28: {  	s2 =	sld [smem:$0x3F9E]  }
0x29: {  	s4 =	sld [smem:$0x3FA0]  }
0x2a: {  	p0 =	seq.s32 s5, $0x0;
	s5 =	sld [smem:$0x3FA1]  }
0x2b: {  	s6 =	sld [smem:$0x3FA2]  }
0x2c: {  	s7 =	sld [smem:$0x3FA3]  }
0x2d: {  	s3 =	simm.s32 $0x108;
	s8 =	sld [smem:$0x3FA4]  }
0x2e: {  	s3 =	simm.s32 @!p0 $0x1082;
	s9 =	sld [smem:$0x3FA5]  }
0x2f: {  	lr =	sadd.s32 s0, s3;
	s0 =	sld [smem:$0x3F9C]  }
0x30: {  	s3 =	sld [smem:$0x3F9F]  }
0x31: {  	[smem:$0x3FA8] =	sst s10  }
0x32: {  	s10 =	sld [smem:$0x3FA6];
	_ =	sdelay $0x3  }
0x33: {  	p0 =	seq.s32 s10, $0x1;
	s10 =	sld [smem:$0x3FA8];
	_ =	sdelay $0x3  }
0x34: {  	[smem:$0x3FA8] =	sst s10  }
0x35: {  	s10 =	sld [smem:$0x3FA7];
	_ =	sdelay $0x3  }
0x36: {  	p1 =	seq.s32 s10, $0x1;
	s10 =	sld [smem:$0x3FA8];
	_ =	sdelay $0x3  }
0x37: {  	[smem:$0x3FA8] =	sst s10  }
0x38: {  	s10 =	sld [smem:$0x3FA9]  }
0x39: {  	_ = 	snop;
	(pc) =	sbr.ind lr, $3  }
0x3a: {  	_ = 	snop  }
0x3b: {  	_ = 	snop  }
0x3c: {  	p2 =	seq.s32 s10, $0x1;
	s10 =	sld [smem:$0x3FA8]  }
0x3d: {  	_ =	shalt  }
0x3e: {  	_ =	shalt  }
0x3f: {  	_ =	shalt  }
0x40: {  	_ =	shalt  }
0x41: {  	_ =	shalt  }
0x42: {  	_ =	shalt  }
0x43: {  	_ =	shalt  }
0x44: {  	_ =	shalt  }
0x45: {  	_ =	shalt  }
0x46: {  	_ =	shalt  }
0x47: {  	_ =	shalt  }
0x48: {  	_ =	shalt  }
0x49: {  	_ =	shalt  }
0x4a: {  	_ =	shalt  }
0x4b: {  	_ =	shalt  }
0x4c: {  	_ =	shalt  }
0x4d: {  	_ =	shalt  }
0x4e: {  	_ =	shalt  }
0x4f: {  	_ =	shalt  }
0x50: {  	_ =	shalt  }
0x51: {  	_ =	shalt  }
0x52: {  	_ =	shalt  }
0x53: {  	_ =	shalt  }
0x54: {  	_ =	shalt  }
0x55: {  	_ =	shalt  }
0x56: {  	_ =	shalt  }
0x57: {  	_ =	shalt  }
0x58: {  	_ =	shalt  }
0x59: {  	_ =	shalt  }
0x5a: {  	_ =	shalt  }
0x5b: {  	_ =	shalt  }
0x5c: {  	_ =	shalt  }
0x5d: {  	_ =	shalt  }
0x5e: {  	_ =	shalt  }
0x5f: {  	_ =	shalt  }
0x60: {  	_ =	shalt  }
0x61: {  	_ =	shalt  }
0x62: {  	_ =	shalt  }
0x63: {  	_ =	shalt  }
0x64: {  	_ =	shalt  }
0x65: {  	_ =	shalt  }
0x66: {  	_ =	shalt  }
0x67: {  	_ =	shalt  }
0x68: {  	_ =	shalt  }
0x69: {  	_ =	shalt  }
0x6a: {  	_ =	shalt  }
0x6b: {  	_ =	shalt  }
0x6c: {  	_ =	shalt  }
0x6d: {  	_ =	shalt  }
0x6e: {  	_ =	shalt  }
0x6f: {  	_ =	shalt  }
0x70: {  	_ =	shalt  }
0x71: {  	_ =	shalt  }
0x72: {  	_ =	shalt  }
0x73: {  	_ =	shalt  }
0x74: {  	_ =	shalt  }
0x75: {  	_ =	shalt  }
0x76: {  	_ =	shalt  }
0x77: {  	_ =	shalt  }
0x78: {  	_ =	shalt  }
0x79: {  	_ =	shalt  }
0x7a: {  	_ =	shalt  }
0x7b: {  	_ =	shalt  }
0x7c: {  	_ =	shalt  }
0x7d: {  	_ =	shalt  }
0x7e: {  	_ =	shalt  }
0x7f: {  	_ =	shalt  }
0x80: {  	_ =	shalt  }
0x81: {  	_ =	shalt  }
0x82: {  	_ =	shalt  }
0x83: {  	_ =	shalt  }
0x84: {  	_ =	shalt  }
0x85: {  	_ =	shalt  }
0x86: {  	_ =	shalt  }
0x87: {  	_ =	shalt  }
.Lfunc_end0:
.L_simem_size_0:
called_computation.2_lowered:
.L_overlay_start_0:
0x88: {  	s2 =	sld [smem:$0x3FD9]  }
0x89: {  	s3 =	sld [smem:$0x3FFE];
	_ =	sdelay $0x1  }
0x8a: {  	s1 =	srdreg.scid  }
0x8b: {  	s0 =	sand.u32 $0x1, s1  }
0x8c: {  	s16 =	sshll.u32 s0, $0xA;
	s2 =	sadd.s32 s3, s2  }
0x8d: {  	s2 =	sadd.s32 s2, s16  }
0x8e: {  	[smem:$0x3FB4] =	sst s2  }
0x8f: {  	_ = 	snop  }
0x90: {  	(tm) =	ssettm $0x1  }
0x91: {  	s17 =	sld [smem:$0x3FFB];
	_ =	sdelay $0x3  }
0x92: {  	_ =	strace s17  }
0x93: {  	s2 =	sld [smem:$0x3FFC];
	_ =	sdelay $0x3  }
0x94: {  	_ =	strace s2  }
0x95: {  	s2 =	sld [smem:$0x3FFD];
	_ =	sdelay $0x3  }
0x96: {  	_ =	strace s2  }
0x97: {  	_ =	strace $0x8FFFFFFF  }
0x98: {  	s18 =	sld [smem:$0x3FDB];
	_ =	sdelay $0x1  }
0x99: {  	s19 =	simm.s32 $_scs_section_size  }
0x9a: {  	s4 =	simm.s32 $_size__tile_overlayer_lowered;
	s5 =	simm.s32 $_tile_overlayer_lowered  }
0x9b: {  	s22 =	simm.s32 $0x1BFF;
	s21 =	sshll.u32 s5, $0x1;
	s2 =	sadd.s32 s19, s18  }
0x9c: {  	s6 =	simm.s32 $0x0;
	s20 =	sshll.u32 s4, $0x1;
	s4 =	sadd.s32 s21, s2  }
0x9d: {  	[timem:s6], [sflag:s22] =	dma.local [hbm:s4], s20  }
0x9e: {  	_ =	swait.ge [sflag:s22], s20  }
0x9f: {  	s3 =	ssub.s32 $0x0, s20;
	[sflag:s22] =	ssyncset.done $0x0  }
0xa0: {  	[sflag:s22] =	ssyncadd.s32 s3;
	_ =	sdelay $0x1  }
0xa1: {  	s23 =	simm.s32 $0x1B8B  }
0xa2: {  	_ =	swait.ge [sflag:s23], $0x1  }
0xa3: {  	[sflag:s23] =	ssyncset.done $0x0  }
0xa4: {  	s25 =	simm.s32 $0x1B8E;
	s24 =	sld [smem:$0x3FFE];
	[sflag:s23] =	ssyncadd.s32 $0xFFFFFFFF  }
0xa5: {  	s26 =	simm.s32 $execute0_lowered;
	[smem:$0x3FD2] =	sst s25  }
0xa6: {  	s4 =	sshll.u32 s26, $0x1;
	_ =	strace $0x8000004C;
	[dreg:$0x1] =	wrdreg $0xFFFFFFFF  }
0xa7: {  	s28 =	simm.s32 $_size_execute0_lowered;
	s2 =	sadd.s32 s2, s4;
	[dreg:$0x0] =	wrdreg $0x0  }
0xa8: {  	s4 =	sshll.u32 s28, $0x1;
	[dreg:$0x2] =	wrdreg s2  }
0xa9: {  	[dreg:$0x3] =	wrdreg s4  }
0xaa: {  	[dreg:$0x4] =	wrdreg $0xC0  }
0xab: {  	_ =	task [dreg:s6], $0x5FFFF  }
0xac: {  	[dreg:$0x1] =	wrdreg $0xFFFFFFFF  }
0xad: {  	[dreg:$0x0] =	wrdreg $0x60  }
0xae: {  	[dreg:$0x2] =	wrdreg s24  }
0xaf: {  	[dreg:$0x3] =	wrdreg $0xB0000  }
0xb0: {  	[dreg:$0x4] =	wrdreg $0x9  }
0xb1: {  	_ =	task.clear_ibuf [dreg:s6], $0x5FFFF;
	_ =	strace $0x9000004C  }
0xb2: {  	s29 =	simm.s32 $0x9;
	_ =	strace $0x8000004E  }
0xb3: {  	_ =	swait.ge [sflag:s29], $0x1  }
0xb4: {  	[sflag:s29] =	ssyncadd.s32 $0xFFFFFFFF  }
0xb5: {  	_ =	strace $0x9000004E  }
0xb6: {  	_ =	sfence  }
0xb7: {  	s30 =	sld [smem:$0x0];
	_ =	sdelay $0x2  }
0xb8: {  	s31 =	sshll.u32 s1, $0xD;
	s1 =	sshrl.u32 s1, $0x2  }
0xb9: {  	s3 =	sand.u32 $0x4000, s31;
	s1 =	sadd.s32 s1, s30  }
0xba: {  	s0 =	sor.u32 s3, s0;
	s1 =	sshll.u32 s1, $0x11  }
0xbb: {  	s0 =	sor.u32 s1, s0  }
0xbc: {  	s0 =	sadd.s32 $0x8F2B, s0  }
0xbd: {  	[sflag:s0] =	ssyncadd.remote.s32 $0x1  }
0xbe: {  	_ =	sfence.sel $0xFFFF  }
0xbf: {  	[dreg:$0x0] =	wrdreg $0xFFFFFFFF;
	(pc) =	sbr.abs _section_cstart, $3  }
0xc0: {  	[dreg:$0x1] =	wrdreg $0xFFFFFFFF  }
0xc1: {  	_ =	task.clear_ibuf [dreg:s6], $0x2FFFF;
	_ =	strace $0x9FFFFFFF  }
0xc2: {  	(tm) =	ssettm $0x7FFFFFFF  }
0xc3: {  	_ =	shalt  }
tec
execute0_lowered:
.L_overlay_start_1:
0x0: {  	(tag) =	ssettag $0x1  }
0x1: {  	s0 =	rddreg [dreg:$0x0]  }
0x2: {  	s2 =	rddreg [dreg:$0x1]  }
0x3: {  	s1 =	srdreg.scid;
	s14 =	stileid.u32  }
0x4: {  	s3 =	simm.s32 $0x0;
	s29 =	simm.s32 $0x800;
	s30 =	simm.s32 $0x5  }
0x5: {  	s31 =	simm.s32 $0x8;
	s28 =	simm.s32 $0x4;
	s5 =	smul.u32 $0x14000, s14  }
0x6: {  	s1 =	sand.u32 $0x1, s1;
	[smem:$0x7FF] =	sst s3;
	s10 =	smul.u32 $0x50000, s14  }
0x7: {  	s11 =	sshll.u32 s14, $0x1;
	s24 =	sshll.u32 s14, $0x6;
	s14 =	smul.u32 $0xB4, s14  }
0x8: {  	s4 =	sadd.s32 $0x30A00, s0;
	s8 =	sadd.s32 $0x1A200, s0;
	s6 =	smul.u32 $0x140000, s1  }
0x9: {  	s7 =	ssub.s32 $0x2, s1;
	s11 =	sor.u32 s1, s11;
	s1 =	smul.u32 $0x5A, s1  }
0xa: {  	s9 =	sadd.s32 $0xEE00, s0;
	_ =	strace $0x8000004D;
	s23 =	smul.u32 $0x5A, s11  }
0xb: {  	s21 =	sshrl.u32 s7, $0x1;
	s22 =	sshrl.u32 s10, $0x2;
	s12 =	smul.u32 $0x2D00, s11  }
0xc: {  	s25 =	smul.u32 $0xB40, s11;
	s11 =	sshll.u32 s11, $0x8;
	s6 =	sadd.s32 s5, s6  }
0xd: {  	s5 =	sshrl.u32 s5, $0x3;
	s11 =	sand.u32 $0x300, s11;
	s1 =	sadd.s32 s1, s14  }
0xe: {  	s6 =	sshrl.u32 s6, $0x3;
	s5 =	sadd.s32 s4, s5;
	s12 =	sand.u32 $0x7FC00, s12  }
0xf: {  	s10 =	sor.u32 $0x1, s23;
	s15 =	sshll.u32 s1, $0x4;
	s18 =	sshll.u32 s1, $0x5  }
0x10: {  	s23 =	simm.s32 $0x400;
	s0 =	sadd.s32 s6, s0;
	s6 =	ssub.s32 s7, s21  }
0x11: {  	s7 =	sadd.s32 s22, s2;
	[dreg:$0xc] =	wrdreg s5;
	s11 =	sor.u32 s11, s12  }
0x12: {  	s13 =	sshll.u32 s10, $0x7;
	s5 =	sadd.s32 s8, s25;
	s10 =	sshll.u32 s10, $0x5  }
0x13: {  	s17 =	sadd.s32 s15, s9;
	s19 =	sadd.s32 s18, s8;
	s18 =	simm.s32 $0x70  }
0x14: {  	s22 =	simm.s32 $0x200;
	[dreg:$0x7] =	wrdreg s23;
	s25 =	simm.s32 $0x680  }
0x15: {  	s23 =	simm.s32 $0x9;
	[dreg:$0xb] =	wrdreg s7;
	s7 =	sor.u32 $0x1C0A, s24  }
0x16: {  	s11 =	sshrl.u32 s11, $0x3;
	s13 =	sand.u32 $0x380, s13;
	[dreg:$0xd] =	wrdreg s5  }
0x17: {  	s10 =	sadd.s32 s8, s10;
	s0 =	sadd.s32 $0x58A00, s0;
	[dreg:$0x6] =	wrdreg s22  }
0x18: {  	s24 =	simm.s32 $0x580;
	s22 =	simm.s32 $0x7800;
	[dreg:$0x9] =	wrdreg s25  }
0x19: {  	s25 =	simm.s32 $0x3;
	s26 =	sadd.s32 s9, s11;
	[dreg:$0xf] =	wrdreg s10  }
0x1a: {  	s11 =	sor.u32 s12, s13;
	s12 =	sadd.s32 $0x4, s1;
	[dreg:$0x11] =	wrdreg s0  }
0x1b: {  	s13 =	smax.u32 s6, $0x1;
	s1 =	sadd.s32 $0x2, s1;
	[dreg:$0x8] =	wrdreg s24  }
0x1c: {  	s10 =	sadd.s32 $0x60, s19;
	s19 =	simm.s32 $0x700;
	[dreg:$0xe] =	wrdreg s26  }
0x1d: {  	s24 =	simm.s32 $0x2;
	s5 =	sshrl.u32 s11, $0x3;
	[dreg:$0x12] =	wrdreg s13  }
0x1e: {  	s14 =	sshll.u32 s12, $0x4;
	s20 =	sshll.u32 s1, $0x4;
	s1 =	sshll.u32 s1, $0x5  }
0x1f: {  	s26 =	simm.s32 $0x600;
	s5 =	sadd.s32 s9, s5;
	s0 =	sadd.s32 s14, s9  }
0x20: {  	s21 =	sadd.s32 s20, s9;
	s9 =	sadd.s32 s1, s8;
	[dreg:$0xa] =	wrdreg s26  }
0x21: {  	s20 =	simm.s32 $0x4000;
	s26 =	simm.s32 $0x7;
	[dreg:$0x10] =	wrdreg s5  }
0x22: {  	s1 =	simm.s32 $0x6;
	s5 =	sshll.u32 s12, $0x5;
	[dreg:$0x3] =	wrdreg s0  }
0x23: {  	s0 =	sadd.s32 $0x30, s17;
	[dreg:$0x5] =	wrdreg s21;
	s17 =	simm.s32 $0xA  }
0x24: {  	s21 =	simm.s32 $0x780;
	s16 =	sadd.s32 s5, s8;
	[dreg:$0x4] =	wrdreg s0  }
0x25: {  	v0 =	vimm.f32 $0.0e+00;
	v1 =	vimm.s32 $0x0;
	s0 =	simm.s32 $0x1;
	s5 =	simm.s32 $0x0;
	[dreg:$0x13] =	wrdreg s16  }
.LBB2_1:
0x26: {  	s6 =	rddreg [dreg:$0xb]  }
0x27: {  	s8 =	rddreg [dreg:$0xc];
	s6 =	sshrl.u32 s6, $0x3  }
0x28: {  	[spmem:s6], [sflag:s7] =	dma.local [hbm:s8], $0x2800  }
0x29: {  	_ =	swait.ge [sflag:s17], $0x2800  }
0x2a: {  	[sflag:s17] =	ssyncset.done $0x0  }
0x2b: {  	s14 =	simm.s32 $0x200;
	s8 =	simm.s32 $0x0;
	[sflag:s17] =	ssyncadd.s32 $0xFFFFD800  }
.LBB2_2:
0x2c: {  	p0 =	sne.s32 s14, $0xDE00;
	[tilespmem:s8+$0x7870] =	vst v0  }
0x2d: {  	[tilespmem:s8+$0x4000] =	vst v0  }
0x2e: {  	[tilespmem:s8+$0x7800] =	vst v0  }
0x2f: {  	[tilespmem:s8+$0x4010] =	vst v0  }
0x30: {  	[tilespmem:s8+$0x7810] =	vst v0  }
0x31: {  	[tilespmem:s8+$0x4020] =	vst v0  }
0x32: {  	[tilespmem:s8+$0x7820] =	vst v0  }
0x33: {  	[tilespmem:s8+$0x4030] =	vst v0  }
0x34: {  	[tilespmem:s8+$0x7830] =	vst v0  }
0x35: {  	[tilespmem:s8+$0x4040] =	vst v0  }
0x36: {  	[tilespmem:s8+$0x7840] =	vst v0  }
.Ltmp0:
0x37: {  	[tilespmem:s8+$0x4050] =	vst v0;
	(pc) =	sbr.rel @p0 .LBB2_2-.Ltmp0, $4  }
0x38: {  	[tilespmem:s8+$0x7850] =	vst v0  }
0x39: {  	[tilespmem:s8+$0x4060] =	vst v0  }
0x3a: {  	[tilespmem:s8+$0x7860] =	vst v0  }
0x3b: {  	[tilespmem:s8+$0x4070] =	vst v0;
	s8 =	sshra.s32 s14, $0x2;
	s14 =	sadd.s32 $0x200, s14  }
0x3c: {  	[tilespmem:s8+$0x7870] =	vst v0  }
0x3d: {  	[tilespmem:s8+$0x4000] =	vst v0  }
0x3e: {  	[tilespmem:s8+$0x7800] =	vst v0  }
0x3f: {  	[tilespmem:s8+$0x4010] =	vst v0  }
0x40: {  	[tilespmem:s8+$0x7810] =	vst v0  }
0x41: {  	[tilespmem:s8+$0x4020] =	vst v0  }
0x42: {  	[tilespmem:s8+$0x7820] =	vst v0  }
0x43: {  	[tilespmem:s8+$0x4030] =	vst v0  }
0x44: {  	[tilespmem:s8+$0x7830] =	vst v0  }
0x45: {  	[tilespmem:s8+$0x4040] =	vst v0  }
0x46: {  	[tilespmem:s8+$0x7840] =	vst v0  }
0x47: {  	[tilespmem:s8+$0x4050] =	vst v0  }
0x48: {  	[tilespmem:s8+$0x7850] =	vst v0  }
0x49: {  	[tilespmem:s8+$0x4060] =	vst v0  }
0x4a: {  	[tilespmem:s8+$0x7860] =	vst v0  }
0x4b: {  	[tilespmem:s8+$0x4070] =	vst v0  }
0x4c: {  	[tilespmem:$0x700] =	vst v1  }
0x4d: {  	[tilespmem:$0x780] =	vst v1  }
0x4e: {  	[tilespmem:$0x710] =	vst v1  }
0x4f: {  	[tilespmem:$0x790] =	vst v1  }
0x50: {  	[tilespmem:$0x720] =	vst v1  }
0x51: {  	[tilespmem:$0x7A0] =	vst v1  }
0x52: {  	[tilespmem:$0x730] =	vst v1  }
0x53: {  	[tilespmem:$0x7B0] =	vst v1  }
0x54: {  	[tilespmem:$0x740] =	vst v1  }
0x55: {  	[tilespmem:$0x7C0] =	vst v1  }
0x56: {  	[tilespmem:$0x750] =	vst v1  }
0x57: {  	[tilespmem:$0x7D0] =	vst v1  }
0x58: {  	[tilespmem:$0x760] =	vst v1  }
0x59: {  	[tilespmem:$0x7E0] =	vst v1  }
0x5a: {  	[bflag:$0x0] =	sbarrier.arrive $0xFFFF  }
0x5b: {  	[spmem:s2] =	stream.indirect.scatter.add.f32 [tilespmem:s20], [sflag:$0x5], $0x80, s19, s18, $0xb8;
	[tilespmem:$0x1F000] =	vst v63  }
0x5c: {  	_ = 	snop  }
0x5d: {  	[spmem:s2] =	stream.indirect.scatter.add.f32 [tilespmem:s22], [sflag:$0x6], $0x80, s21, s18, $0xb8;
	[tilespmem:$0x1F000] =	vst v63  }
0x5e: {  	s8 =	simm.s32 $0x0;
	s11 =	rddreg [dreg:$0xd]  }
0x5f: {  	[tilespmem:s8], [sflag:$0x7] =	stream.linear.gather [hbm4b:s11+s8], $0x100, $0x38;
	[tilespmem:$0x1F000] =	vst v63  }
0x60: {  	s12 =	simm.s32 $0x300;
	s16 =	rddreg [dreg:$0xe]  }
0x61: {  	[tilespmem:s12], [sflag:$0x7] =	stream.linear.gather [hbm4b:s16+s8], $0x80, $0x38;
	[tilespmem:$0x1F000] =	vst v63  }
0x62: {  	s13 =	simm.s32 $0x100;
	s12 =	rddreg [dreg:$0xf]  }
0x63: {  	[tilespmem:s13], [sflag:$0x8] =	stream.linear.gather [hbm4b:s12+s8], $0x100, $0x38;
	[tilespmem:$0x1F000] =	vst v63  }
0x64: {  	s15 =	simm.s32 $0x380;
	s14 =	rddreg [dreg:$0x10]  }
0x65: {  	[tilespmem:s15], [sflag:$0x8] =	stream.linear.gather [hbm4b:s14+s8], $0x80, $0x38;
	[tilespmem:$0x1F000] =	vst v63  }
0x66: {  	_ =	swait.ge [sflag:s26], $0x100  }
0x67: {  	[sflag:s26] =	ssyncset.done $0x0  }
0x68: {  	[sflag:s26] =	ssyncadd.s32 $0xFFFFFF00  }
0x69: {  	_ =	swait.ge [sflag:s26], $0x80  }
0x6a: {  	[sflag:s26] =	ssyncset.done $0x0  }
0x6b: {  	[sflag:s26] =	ssyncadd.s32 $0xFFFFFF80  }
0x6c: {  	v2 =	vld [tilespmem:$0x0]  }
0x6d: {  	v3 =	vld [tilespmem:$0x80]  }
0x6e: {  	v4 =	vld [tilespmem:$0x10]  }
0x6f: {  	v5 =	vld [tilespmem:$0x90]  }
0x70: {  	v6 =	vld [tilespmem:$0x20]  }
0x71: {  	v59 =	vld [tilespmem:$0xB0];
	[tilespmem:$0x500] =	vst v2  }
0x72: {  	v60 =	vld [tilespmem:$0x40];
	[tilespmem:$0x680] =	vst v3  }
0x73: {  	v2 =	vld [tilespmem:$0xA0];
	[tilespmem:$0x510] =	vst v4  }
0x74: {  	v3 =	vld [tilespmem:$0x30];
	[tilespmem:$0x690] =	vst v5  }
0x75: {  	v61 =	vld [tilespmem:$0xC0];
	[tilespmem:$0x520] =	vst v6  }
0x76: {  	v62 =	vld [tilespmem:$0x60];
	[tilespmem:$0x6B0] =	vst v59  }
0x77: {  	v63 =	vld [tilespmem:$0xE0];
	[tilespmem:$0x540] =	vst v60  }
0x78: {  	[tilespmem:$0x6A0] =	vst v2;
	v2 =	vld [tilespmem:$0x50]  }
0x79: {  	[tilespmem:$0x530] =	vst v3;
	v3 =	vld [tilespmem:$0xD0]  }
0x7a: {  	[tilespmem:$0x6C0] =	vst v61  }
0x7b: {  	[tilespmem:$0x560] =	vst v62  }
0x7c: {  	[tilespmem:$0x6E0] =	vst v63  }
0x7d: {  	[tilespmem:$0x550] =	vst v2  }
0x7e: {  	s16 =	simm.s32 $0x500;
	[tilespmem:$0x6D0] =	vst v3  }
0x7f: {  	[tilespmem:s29], [sflag:$0x1] =	stream.indirect.gather [hbm4b:s4+s18], $0x80, s16, s18, $0xb8;
	[tilespmem:$0x1F000] =	vst v63  }
0x80: {  	s15 =	smov.u32 s10;
	s14 =	rddreg [dreg:$0x13];
	s16 =	smov.u32 s9  }
.LBB2_4:
0x81: {  	s12 =	rddreg [dreg:$0x6]  }
0x82: {  	s13 =	rddreg [dreg:$0x5]  }
0x83: {  	[tilespmem:s12], [sflag:$0x9] =	stream.linear.gather [hbm4b:s16+s3], $0x100, $0x38;
	[tilespmem:$0x1F000] =	vst v63  }
0x84: {  	s11 =	rddreg [dreg:$0x7];
	s13 =	sadd.s32 s8, s13  }
0x85: {  	[tilespmem:s11], [sflag:$0x9] =	stream.linear.gather [hbm4b:s13+s3], $0x80, $0x38;
	[tilespmem:$0x1F000] =	vst v63  }
0x86: {  	_ =	swait.ge [sflag:s30], $0x3800  }
0x87: {  	[sflag:s30] =	ssyncset.done $0x0  }
0x88: {  	[sflag:s30] =	ssyncadd.s32 $0xFFFFC800  }
0x89: {  	_ =	swait.ge [sflag:s31], $0x100  }
0x8a: {  	[sflag:s31] =	ssyncset.done $0x0  }
0x8b: {  	[sflag:s31] =	ssyncadd.s32 $0xFFFFFF00  }
0x8c: {  	_ =	swait.ge [sflag:s31], $0x80  }
0x8d: {  	[sflag:s31] =	ssyncset.done $0x0  }
0x8e: {  	[sflag:s31] =	ssyncadd.s32 $0xFFFFFF80  }
0x8f: {  	v2 =	vld [tilespmem:$0x100]  }
0x90: {  	v3 =	vld [tilespmem:$0x180]  }
0x91: {  	v4 =	vld [tilespmem:$0x110]  }
0x92: {  	v5 =	vld [tilespmem:$0x190]  }
0x93: {  	v6 =	vld [tilespmem:$0x120]  }
0x94: {  	v51 =	vld [tilespmem:$0x1B0];
	[tilespmem:$0x580] =	vst v2  }
0x95: {  	v52 =	vld [tilespmem:$0x140];
	[tilespmem:$0x700] =	vst v3  }
0x96: {  	v2 =	vld [tilespmem:$0x1A0];
	[tilespmem:$0x590] =	vst v4  }
0x97: {  	v3 =	vld [tilespmem:$0x130];
	[tilespmem:$0x710] =	vst v5  }
0x98: {  	v53 =	vld [tilespmem:$0x1C0];
	[tilespmem:$0x5A0] =	vst v6  }
0x99: {  	v54 =	vld [tilespmem:$0x160];
	[tilespmem:$0x730] =	vst v51  }
0x9a: {  	v55 =	vld [tilespmem:$0x1E0];
	[tilespmem:$0x5C0] =	vst v52  }
0x9b: {  	[tilespmem:$0x720] =	vst v2;
	v2 =	vld [tilespmem:$0x150]  }
0x9c: {  	[tilespmem:$0x5B0] =	vst v3;
	v3 =	vld [tilespmem:$0x1D0]  }
0x9d: {  	[tilespmem:$0x740] =	vst v53  }
0x9e: {  	[tilespmem:$0x5E0] =	vst v54  }
0x9f: {  	[tilespmem:$0x760] =	vst v55  }
0xa0: {  	[tilespmem:$0x5D0] =	vst v2  }
0xa1: {  	s13 =	rddreg [dreg:$0x8];
	[tilespmem:$0x750] =	vst v3  }
0xa2: {  	[tilespmem:s20], [sflag:$0x2] =	stream.indirect.gather [hbm4b:s4+s18], $0x80, s13, s18, $0xb8;
	[tilespmem:$0x1F000] =	vst v63  }
0xa3: {  	_ =	swait.ge [sflag:s0], $0x3800  }
0xa4: {  	[sflag:s0] =	ssyncset.done $0x0  }
0xa5: {  	p0 =	seq.s32 s8, $0x570;
	s12 =	rddreg [dreg:$0x9];
	[sflag:s0] =	ssyncadd.s32 $0xFFFFC800  }
0xa6: {  	[spmem:s2] =	stream.indirect.scatter.add.f32 [tilespmem:s29], [sflag:$0x4], $0x80, s12, s18, $0xb8;
	[tilespmem:$0x1F000] =	vst v63  }
0xa7: {  	s11 =	rddreg [dreg:$0x4];
	s12 =	simm.s32 @!p0 $0x0  }
0xa8: {  	[tilespmem:s12], [sflag:$0x7] =	stream.linear.gather @!p0 [hbm4b:s15+s12], $0x100, $0x38;
	[tilespmem:$0x1F000] =	vst v63  }
0xa9: {  	s13 =	simm.s32 @!p0 $0x300;
	s11 =	sadd.s32 @!p0 s8, s11  }
0xaa: {  	[tilespmem:s13], [sflag:$0x7] =	stream.linear.gather @!p0 [hbm4b:s11+s12], $0x80, $0x38;
	[tilespmem:$0x1F000] =	vst v63  }
0xab: {  	_ =	swait.ge [sflag:s1], $0x3800  }
0xac: {  	[sflag:s1] =	ssyncset.done $0x0  }
0xad: {  	[sflag:s1] =	ssyncadd.s32 $0xFFFFC800  }
0xae: {  	_ =	swait.ge [sflag:s23], $0x100  }
0xaf: {  	[sflag:s23] =	ssyncset.done $0x0  }
0xb0: {  	[sflag:s23] =	ssyncadd.s32 $0xFFFFFF00  }
0xb1: {  	_ =	swait.ge [sflag:s23], $0x80  }
0xb2: {  	[sflag:s23] =	ssyncset.done $0x0  }
0xb3: {  	[sflag:s23] =	ssyncadd.s32 $0xFFFFFF80  }
0xb4: {  	v2 =	vld [tilespmem:$0x200]  }
0xb5: {  	v3 =	vld [tilespmem:$0x280]  }
0xb6: {  	v56 =	vld [tilespmem:$0x210]  }
0xb7: {  	v57 =	vld [tilespmem:$0x290]  }
0xb8: {  	v58 =	vld [tilespmem:$0x220]  }
0xb9: {  	v59 =	vld [tilespmem:$0x2B0];
	[tilespmem:$0x600] =	vst v2  }
0xba: {  	v60 =	vld [tilespmem:$0x240];
	[tilespmem:$0x780] =	vst v3  }
0xbb: {  	v2 =	vld [tilespmem:$0x2A0];
	[tilespmem:$0x610] =	vst v56  }
0xbc: {  	v3 =	vld [tilespmem:$0x230];
	[tilespmem:$0x790] =	vst v57  }
0xbd: {  	v61 =	vld [tilespmem:$0x2C0];
	[tilespmem:$0x620] =	vst v58  }
0xbe: {  	v62 =	vld [tilespmem:$0x260];
	[tilespmem:$0x7B0] =	vst v59  }
0xbf: {  	v63 =	vld [tilespmem:$0x2E0];
	[tilespmem:$0x640] =	vst v60  }
0xc0: {  	[tilespmem:$0x7A0] =	vst v2;
	v2 =	vld [tilespmem:$0x250]  }
0xc1: {  	[tilespmem:$0x630] =	vst v3;
	v3 =	vld [tilespmem:$0x2D0]  }
0xc2: {  	[tilespmem:$0x7C0] =	vst v61  }
0xc3: {  	[tilespmem:$0x660] =	vst v62  }
0xc4: {  	[tilespmem:$0x7E0] =	vst v63  }
0xc5: {  	[tilespmem:$0x650] =	vst v2  }
0xc6: {  	s13 =	rddreg [dreg:$0xa];
	[tilespmem:$0x7D0] =	vst v3  }
0xc7: {  	[tilespmem:s22], [sflag:$0x3] =	stream.indirect.gather [hbm4b:s4+s18], $0x80, s13, s18, $0xb8;
	[tilespmem:$0x1F000] =	vst v63  }
0xc8: {  	_ =	swait.ge [sflag:s24], $0x3800  }
0xc9: {  	[sflag:s24] =	ssyncset.done $0x0  }
0xca: {  	[sflag:s24] =	ssyncadd.s32 $0xFFFFC800  }
0xcb: {  	[spmem:s2] =	stream.indirect.scatter.add.f32 [tilespmem:s20], [sflag:$0x5], $0x80, s19, s18, $0xb8;
	[tilespmem:$0x1F000] =	vst v63  }
0xcc: {  	s13 =	simm.s32 @!p0 $0x100;
	s11 =	rddreg [dreg:$0x3]  }
0xcd: {  	[tilespmem:s13], [sflag:$0x8] =	stream.linear.gather @!p0 [hbm4b:s14+s12], $0x100, $0x38;
	[tilespmem:$0x1F000] =	vst v63  }
0xce: {  	s11 =	sadd.s32 @!p0 s8, s11;
	s13 =	simm.s32 @!p0 $0x380  }
0xcf: {  	[tilespmem:s13], [sflag:$0x8] =	stream.linear.gather @!p0 [hbm4b:s11+s12], $0x80, $0x38;
	[tilespmem:$0x1F000] =	vst v63  }
0xd0: {  	s11 =	simm.s32 @!p0 $0x4  }
0xd1: {  	_ =	swait.ge @!p0 [sflag:s11], $0x3800  }
0xd2: {  	[sflag:s11] =	ssyncset.done @!p0 $0x0  }
0xd3: {  	[sflag:s11] =	ssyncadd.s32 @!p0 $0xFFFFC800;
	s11 =	simm.s32 @!p0 $0x7  }
0xd4: {  	_ =	swait.ge @!p0 [sflag:s11], $0x100  }
0xd5: {  	[sflag:s11] =	ssyncset.done @!p0 $0x0  }
0xd6: {  	[sflag:s11] =	ssyncadd.s32 @!p0 $0xFFFFFF00  }
0xd7: {  	_ =	swait.ge @!p0 [sflag:s11], $0x80  }
0xd8: {  	[sflag:s11] =	ssyncset.done @!p0 $0x0  }
0xd9: {  	[sflag:s11] =	ssyncadd.s32 @!p0 $0xFFFFFF80  }
0xda: {  	v2 =	vld @!p0 [tilespmem:$0x0]  }
0xdb: {  	v3 =	vld @!p0 [tilespmem:$0x80]  }
0xdc: {  	v4 =	vld @!p0 [tilespmem:$0x10]  }
0xdd: {  	v5 =	vld @!p0 [tilespmem:$0x90]  }
0xde: {  	v6 =	vld @!p0 [tilespmem:$0x20]  }
0xdf: {  	[tilespmem:$0x500] =	vst @!p0 v2;
	v2 =	vld @!p0 [tilespmem:$0xA0]  }
0xe0: {  	[tilespmem:$0x680] =	vst @!p0 v3;
	v3 =	vld @!p0 [tilespmem:$0x30]  }
0xe1: {  	[tilespmem:$0x510] =	vst @!p0 v4;
	v4 =	vld @!p0 [tilespmem:$0xB0]  }
0xe2: {  	[tilespmem:$0x690] =	vst @!p0 v5;
	v5 =	vld @!p0 [tilespmem:$0x40]  }
0xe3: {  	[tilespmem:$0x520] =	vst @!p0 v6;
	v6 =	vld @!p0 [tilespmem:$0xC0]  }
0xe4: {  	[tilespmem:$0x6A0] =	vst @!p0 v2;
	v2 =	vld @!p0 [tilespmem:$0x50]  }
0xe5: {  	[tilespmem:$0x530] =	vst @!p0 v3;
	v3 =	vld @!p0 [tilespmem:$0xD0]  }
0xe6: {  	[tilespmem:$0x6B0] =	vst @!p0 v4;
	v4 =	vld @!p0 [tilespmem:$0x60]  }
0xe7: {  	[tilespmem:$0x540] =	vst @!p0 v5;
	v5 =	vld @!p0 [tilespmem:$0xE0]  }
0xe8: {  	[tilespmem:$0x6C0] =	vst @!p0 v6  }
0xe9: {  	[tilespmem:$0x550] =	vst @!p0 v2  }
0xea: {  	[tilespmem:$0x6D0] =	vst @!p0 v3  }
0xeb: {  	s8 =	sadd.s32 $0x30, s8;
	[tilespmem:$0x560] =	vst @!p0 v4  }
0xec: {  	s12 =	simm.s32 @!p0 $0x500;
	s13 =	simm.s32 @!p0 $0x800;
	s11 =	simm.s32 @!p0 $0x70;
	[tilespmem:$0x6E0] =	vst @!p0 v5  }
0xed: {  	[tilespmem:s13], [sflag:$0x1] =	stream.indirect.gather @!p0 [hbm4b:s4+s11], $0x80, s12, s11, $0xb8;
	[tilespmem:$0x1F000] =	vst v63  }
0xee: {  	p0 =	sne.s32 s8, $0x5A0  }
.Ltmp1:
0xef: {  	_ = 	snop;
	(pc) =	sbr.rel @p0 .LBB2_4-.Ltmp1, $4  }
0xf0: {  	_ =	swait.ge [sflag:s25], $0x3800  }
0xf1: {  	s16 =	sadd.s32 $0x60, s16;
	[sflag:s25] =	ssyncset.done $0x0  }
0xf2: {  	s15 =	sadd.s32 $0x60, s15;
	s14 =	sadd.s32 $0x60, s14;
	[sflag:s25] =	ssyncadd.s32 $0xFFFFC800  }
0xf3: {  	[spmem:s2] =	stream.indirect.scatter.add.f32 [tilespmem:s22], [sflag:$0x6], $0x80, s21, s18, $0xb8;
	[tilespmem:$0x1F000] =	vst v63  }
0xf4: {  	_ =	swait.ge [sflag:s28], $0x3800  }
0xf5: {  	[sflag:s28] =	ssyncset.done $0x0  }
0xf6: {  	[sflag:s28] =	ssyncadd.s32 $0xFFFFC800  }
0xf7: {  	_ =	swait.ge [sflag:s30], $0x3800  }
0xf8: {  	[sflag:s30] =	ssyncset.done $0x0  }
0xf9: {  	[sflag:s30] =	ssyncadd.s32 $0xFFFFC800  }
0xfa: {  	_ =	swait.ge [sflag:s1], $0x3800  }
0xfb: {  	[sflag:s1] =	ssyncset.done $0x0  }
0xfc: {  	[sflag:s1] =	ssyncadd.s32 $0xFFFFC800  }
0xfd: {  	[bflag:$0x0] =	sbarrier.arrive $0xFFFF  }
0xfe: {  	s8 =	rddreg [dreg:$0x11]  }
0xff: {  	[hbm:s8], [sflag:s7] =	dma.local [spmem:s6], $0x2800  }
0x100: {  	_ =	swait.ge [sflag:s17], $0x2800  }
0x101: {  	s5 =	sadd.s32 $0x1, s5;
	s16 =	rddreg [dreg:$0x12]  }
0x102: {  	p0 =	sne.s32 s5, s16  }
.Ltmp2:
0x103: {  	_ = 	snop;
	(pc) =	sbr.rel @p0 .LBB2_1-.Ltmp2, $3  }
0x104: {  	_ =	sdelay $0x1  }
0x105: {  	[sflag:s17] =	ssyncset.done $0x0  }
0x106: {  	[sflag:s17] =	ssyncadd.s32 $0xFFFFD800  }
0x107: {  	_ =	sfence.sel $0x180000  }
0x108: {  	[bflag:$0x0] =	sbarrier.arrive $0xFFFF  }
0x109: {  	_ =	strace $0x9000004D  }
0x10a: {  	s0 =	stileid.u32;
	[bflag:$0x2] =	sbarrier.arrive $0xFFFF  }
0x10b: {  	p0 =	sne.s32 s0, $0x0;
	s0 =	rddreg [dreg:$0x2]  }
0x10c: {  	s0 =	sadd.s32 @!p0 $0x100000, s0  }
0x10d: {  	[sflag:s0] =	ssyncadd.tile.s32 @!p0 $0x1;
	_ =	shalt  }
.Lfunc_end2:
_tile_overlayer_lowered:
.L_overlay_start_2:
0x10e: {  	(tag) =	ssettag $0x2  }
0x10f: {  	s0 =	rddreg [dreg:$0x0];
	s2 =	stileid.u32  }
0x110: {  	s1 =	rddreg [dreg:$0x1];
	p0 =	sne.s32 s2, $0x0  }
0x111: {  	s3 =	rddreg [dreg:$0x2];
	[bflag:$0x3] =	sbarrier.arrive $0xFFFF;
	s2 =	simm.s32 @!p0 $0x1C0A  }
0x112: {  	[timem:s3], [sflag:s2] =	dma.local @!p0 [hbm:s0], s1  }
0x113: {  	s0 =	simm.s32 @!p0 $0xA  }
0x114: {  	_ =	swait.ge @!p0 [sflag:s0], s1  }
0x115: {  	s1 =	ssub.s32 @!p0 $0x0, s1;
	[sflag:s0] =	ssyncset.done @!p0 $0x0  }
0x116: {  	[sflag:s0] =	ssyncadd.s32 @!p0 s1  }
0x117: {  	[bflag:$0x3] =	sbarrier.arrive $0xFFFF  }
0x118: {  	_ =	shalt  }

// kernel: kernel.20.cloned.1.call-start
scs
__scs_entry_jumppad:
0x0: {  	(pc) =	sbr.rel $0x88, $3  }
0x1: {  	(tag) =	ssettag $0x0;
	lr =	simm.s32 $0x1  }
0x2: {  	[smem:$0x3F8D] =	sst lr;
	_ =	strace $0xD0000000  }
0x3: {  	_ = 	snop  }
0x4: {  	_ = 	snop  }
0x5: {  	_ = 	snop  }
0x6: {  	_ = 	snop  }
0x7: {  	_ = 	snop  }
__scs_overlays_trampoline_lowered:
0x8: {  	[smem:$0x3F9C] =	sst s0  }
0x9: {  	[smem:$0x3F9D] =	sst s1  }
0xa: {  	[smem:$0x3F9E] =	sst s2  }
0xb: {  	[smem:$0x3F9F] =	sst s3  }
0xc: {  	[smem:$0x3FA0] =	sst s4  }
0xd: {  	[smem:$0x3FA1] =	sst s5  }
0xe: {  	[smem:$0x3FA2] =	sst s6  }
0xf: {  	[smem:$0x3FA3] =	sst s7  }
0x10: {  	[smem:$0x3FA4] =	sst s8  }
0x11: {  	[smem:$0x3FA5] =	sst s9;
	s0 =	simm.s32 @!p0 $0x0  }
0x12: {  	s1 =	sld [smem:$0x3F8B];
	s0 =	simm.s32 @p0 $0x1  }
0x13: {  	[smem:$0x3FA6] =	sst s0;
	s0 =	simm.s32 @!p1 $0x0  }
0x14: {  	s2 =	sld [smem:$0x3F8A];
	s0 =	simm.s32 @p1 $0x1  }
0x15: {  	[smem:$0x3FA7] =	sst s0;
	s0 =	simm.s32 @!p2 $0x0  }
0x16: {  	s3 =	sld [smem:$0x3FDB];
	s0 =	simm.s32 @p2 $0x1  }
0x17: {  	s4 =	simm.s32 $0x1BF5;
	[smem:$0x3FA9] =	sst s0  }
0x18: {  	s0 =	sld [smem:$0x3F8C];
	_ =	swait.ge [sflag:s4], $0x0  }
0x19: {  	s7 =	sld [smem:$0x3F8D]  }
0x1a: {  	s8 =	sadd.s32 $0xFFFFE003, lr  }
0x1b: {  	s9 =	sadd.s32 $0xFFFFFEF7, lr;
	s5 =	simm.s32 $0xFFFFFFFF;
	p2 =	slt.u32 s8, $0xFFFFF086  }
0x1c: {  	p1 =	slt.u32 s9, $0xF7A;
	s5 =	simm.s32 @!p2 $0x0  }
0x1d: {  	s5 =	simm.s32 @p1 $0x1;
	p0 =	seq.s32 s7, s2  }
0x1e: {  	s7 =	smul.u32 @!p0 $0xF7A, s2;
	p2 =	seq.s32 @!p0 s5, $0x0  }
0x1f: {  	s9 =	smul.u32 $0xF7A, s1;
	s8 =	simm.s32 @!p0 $0x1BF5;
	p2 =	por !p2, p0  }
0x20: {  	[sflag:s8] =	ssyncset.s32 @!p0 $0xFFFFF086;
	s6 =	sadd.s32 @!p0 s3, s7;
	s7 =	simm.s32 @!p0 $0x108  }
0x21: {  	s3 =	sadd.s32 s3, s9;
	s6 =	sadd.s32 @!p0 $0x88, s6;
	s7 =	simm.s32 @p2 $0x1082  }
0x22: {  	[simem:s7], [sflag:s8] =	dma.local @!p0 [hbm:s6], $0xF7A  }
0x23: {  	s9 =	sor.u32 $0xD0000000, s2;
	s6 =	simm.s32 $0x108;
	_ =	swait.ge @!p0 [sflag:s8], $0x0  }
0x24: {  	s3 =	sadd.s32 $0x88, s3;
	s6 =	simm.s32 @!p1 $0x1082;
	[sflag:s4] =	ssyncset.s32 $0xFFFFF086  }
0x25: {  	[simem:s6], [sflag:s4] =	dma.local [hbm:s3], $0xF7A  }
0x26: {  	[smem:$0x3F8D] =	sst s1;
	(tag) =	ssettag s2;
	_ =	strace s9  }
0x27: {  	s1 =	sld [smem:$0x3F9D]  }
0x28: {  	s2 =	sld [smem:$0x3F9E]  }
0x29: {  	s4 =	sld [smem:$0x3FA0]  }
0x2a: {  	p0 =	seq.s32 s5, $0x0;
	s5 =	sld [smem:$0x3FA1]  }
0x2b: {  	s6 =	sld [smem:$0x3FA2]  }
0x2c: {  	s7 =	sld [smem:$0x3FA3]  }
0x2d: {  	s3 =	simm.s32 $0x108;
	s8 =	sld [smem:$0x3FA4]  }
0x2e: {  	s3 =	simm.s32 @!p0 $0x1082;
	s9 =	sld [smem:$0x3FA5]  }
0x2f: {  	lr =	sadd.s32 s0, s3;
	s0 =	sld [smem:$0x3F9C]  }
0x30: {  	s3 =	sld [smem:$0x3F9F]  }
0x31: {  	[smem:$0x3FA8] =	sst s10  }
0x32: {  	s10 =	sld [smem:$0x3FA6];
	_ =	sdelay $0x3  }
0x33: {  	p0 =	seq.s32 s10, $0x1;
	s10 =	sld [smem:$0x3FA8];
	_ =	sdelay $0x3  }
0x34: {  	[smem:$0x3FA8] =	sst s10  }
0x35: {  	s10 =	sld [smem:$0x3FA7];
	_ =	sdelay $0x3  }
0x36: {  	p1 =	seq.s32 s10, $0x1;
	s10 =	sld [smem:$0x3FA8];
	_ =	sdelay $0x3  }
0x37: {  	[smem:$0x3FA8] =	sst s10  }
0x38: {  	s10 =	sld [smem:$0x3FA9]  }
0x39: {  	_ = 	snop;
	(pc) =	sbr.ind lr, $3  }
0x3a: {  	_ = 	snop  }
0x3b: {  	_ = 	snop  }
0x3c: {  	p2 =	seq.s32 s10, $0x1;
	s10 =	sld [smem:$0x3FA8]  }
0x3d: {  	_ =	shalt  }
0x3e: {  	_ =	shalt  }
0x3f: {  	_ =	shalt  }
0x40: {  	_ =	shalt  }
0x41: {  	_ =	shalt  }
0x42: {  	_ =	shalt  }
0x43: {  	_ =	shalt  }
0x44: {  	_ =	shalt  }
0x45: {  	_ =	shalt  }
0x46: {  	_ =	shalt  }
0x47: {  	_ =	shalt  }
0x48: {  	_ =	shalt  }
0x49: {  	_ =	shalt  }
0x4a: {  	_ =	shalt  }
0x4b: {  	_ =	shalt  }
0x4c: {  	_ =	shalt  }
0x4d: {  	_ =	shalt  }
0x4e: {  	_ =	shalt  }
0x4f: {  	_ =	shalt  }
0x50: {  	_ =	shalt  }
0x51: {  	_ =	shalt  }
0x52: {  	_ =	shalt  }
0x53: {  	_ =	shalt  }
0x54: {  	_ =	shalt  }
0x55: {  	_ =	shalt  }
0x56: {  	_ =	shalt  }
0x57: {  	_ =	shalt  }
0x58: {  	_ =	shalt  }
0x59: {  	_ =	shalt  }
0x5a: {  	_ =	shalt  }
0x5b: {  	_ =	shalt  }
0x5c: {  	_ =	shalt  }
0x5d: {  	_ =	shalt  }
0x5e: {  	_ =	shalt  }
0x5f: {  	_ =	shalt  }
0x60: {  	_ =	shalt  }
0x61: {  	_ =	shalt  }
0x62: {  	_ =	shalt  }
0x63: {  	_ =	shalt  }
0x64: {  	_ =	shalt  }
0x65: {  	_ =	shalt  }
0x66: {  	_ =	shalt  }
0x67: {  	_ =	shalt  }
0x68: {  	_ =	shalt  }
0x69: {  	_ =	shalt  }
0x6a: {  	_ =	shalt  }
0x6b: {  	_ =	shalt  }
0x6c: {  	_ =	shalt  }
0x6d: {  	_ =	shalt  }
0x6e: {  	_ =	shalt  }
0x6f: {  	_ =	shalt  }
0x70: {  	_ =	shalt  }
0x71: {  	_ =	shalt  }
0x72: {  	_ =	shalt  }
0x73: {  	_ =	shalt  }
0x74: {  	_ =	shalt  }
0x75: {  	_ =	shalt  }
0x76: {  	_ =	shalt  }
0x77: {  	_ =	shalt  }
0x78: {  	_ =	shalt  }
0x79: {  	_ =	shalt  }
0x7a: {  	_ =	shalt  }
0x7b: {  	_ =	shalt  }
0x7c: {  	_ =	shalt  }
0x7d: {  	_ =	shalt  }
0x7e: {  	_ =	shalt  }
0x7f: {  	_ =	shalt  }
0x80: {  	_ =	shalt  }
0x81: {  	_ =	shalt  }
0x82: {  	_ =	shalt  }
0x83: {  	_ =	shalt  }
0x84: {  	_ =	shalt  }
0x85: {  	_ =	shalt  }
0x86: {  	_ =	shalt  }
0x87: {  	_ =	shalt  }
.Lfunc_end0:
.L_simem_size_0:
called_computation.3_lowered:
.L_overlay_start_0:
0x88: {  	s2 =	sld [smem:$0x3FD9]  }
0x89: {  	s3 =	sld [smem:$0x3FFE];
	_ =	sdelay $0x1  }
0x8a: {  	s1 =	srdreg.scid  }
0x8b: {  	s0 =	sand.u32 $0x1, s1  }
0x8c: {  	s16 =	sshll.u32 s0, $0xA;
	s2 =	sadd.s32 s3, s2  }
0x8d: {  	s2 =	sadd.s32 s2, s16  }
0x8e: {  	[smem:$0x3FB4] =	sst s2  }
0x8f: {  	_ = 	snop  }
0x90: {  	(tm) =	ssettm $0x1  }
0x91: {  	s17 =	sld [smem:$0x3FFB];
	_ =	sdelay $0x3  }
0x92: {  	_ =	strace s17  }
0x93: {  	s2 =	sld [smem:$0x3FFC];
	_ =	sdelay $0x3  }
0x94: {  	_ =	strace s2  }
0x95: {  	s2 =	sld [smem:$0x3FFD];
	_ =	sdelay $0x3  }
0x96: {  	_ =	strace s2  }
0x97: {  	_ =	strace $0x8FFFFFFF  }
0x98: {  	s18 =	sld [smem:$0x3FDB];
	_ =	sdelay $0x1  }
0x99: {  	s19 =	simm.s32 $_scs_section_size  }
0x9a: {  	s4 =	simm.s32 $_size__tile_overlayer_lowered;
	s5 =	simm.s32 $_tile_overlayer_lowered  }
0x9b: {  	s22 =	simm.s32 $0x1BFF;
	s21 =	sshll.u32 s5, $0x1;
	s2 =	sadd.s32 s19, s18  }
0x9c: {  	s6 =	simm.s32 $0x0;
	s20 =	sshll.u32 s4, $0x1;
	s4 =	sadd.s32 s21, s2  }
0x9d: {  	[timem:s6], [sflag:s22] =	dma.local [hbm:s4], s20  }
0x9e: {  	_ =	swait.ge [sflag:s22], s20  }
0x9f: {  	s3 =	ssub.s32 $0x0, s20;
	[sflag:s22] =	ssyncset.done $0x0  }
0xa0: {  	[sflag:s22] =	ssyncadd.s32 s3;
	_ =	sdelay $0x1  }
0xa1: {  	s23 =	simm.s32 $0x1B8B  }
0xa2: {  	_ =	swait.ge [sflag:s23], $0x1  }
0xa3: {  	[sflag:s23] =	ssyncset.done $0x0  }
0xa4: {  	s25 =	simm.s32 $0x1B8E;
	s24 =	sld [smem:$0x3FFE];
	[sflag:s23] =	ssyncadd.s32 $0xFFFFFFFF  }
0xa5: {  	s26 =	simm.s32 $execute0_lowered;
	[smem:$0x3FD2] =	sst s25  }
0xa6: {  	s4 =	sshll.u32 s26, $0x1;
	_ =	strace $0x8000004F;
	[dreg:$0x1] =	wrdreg $0xFFFFFFFF  }
0xa7: {  	s28 =	simm.s32 $_size_execute0_lowered;
	s2 =	sadd.s32 s2, s4;
	[dreg:$0x0] =	wrdreg $0x0  }
0xa8: {  	s4 =	sshll.u32 s28, $0x1;
	[dreg:$0x2] =	wrdreg s2  }
0xa9: {  	[dreg:$0x3] =	wrdreg s4  }
0xaa: {  	[dreg:$0x4] =	wrdreg $0xC0  }
0xab: {  	_ =	task [dreg:s6], $0x5FFFF  }
0xac: {  	[dreg:$0x1] =	wrdreg $0xFFFFFFFF  }
0xad: {  	[dreg:$0x0] =	wrdreg $0x60  }
0xae: {  	[dreg:$0x2] =	wrdreg s24  }
0xaf: {  	[dreg:$0x3] =	wrdreg $0xB0000  }
0xb0: {  	[dreg:$0x4] =	wrdreg $0x9  }
0xb1: {  	_ =	task.clear_ibuf [dreg:s6], $0x5FFFF;
	_ =	strace $0x9000004F  }
0xb2: {  	s29 =	simm.s32 $0x9;
	_ =	strace $0x80000051  }
0xb3: {  	_ =	swait.ge [sflag:s29], $0x1  }
0xb4: {  	[sflag:s29] =	ssyncadd.s32 $0xFFFFFFFF  }
0xb5: {  	_ =	strace $0x90000051  }
0xb6: {  	_ =	sfence  }
0xb7: {  	s30 =	sld [smem:$0x0];
	_ =	sdelay $0x2  }
0xb8: {  	s31 =	sshll.u32 s1, $0xD;
	s1 =	sshrl.u32 s1, $0x2  }
0xb9: {  	s3 =	sand.u32 $0x4000, s31;
	s1 =	sadd.s32 s1, s30  }
0xba: {  	s0 =	sor.u32 s3, s0;
	s1 =	sshll.u32 s1, $0x11  }
0xbb: {  	s0 =	sor.u32 s1, s0  }
0xbc: {  	s0 =	sadd.s32 $0x8F2B, s0  }
0xbd: {  	[sflag:s0] =	ssyncadd.remote.s32 $0x1  }
0xbe: {  	_ =	sfence.sel $0xFFFF  }
0xbf: {  	[dreg:$0x0] =	wrdreg $0xFFFFFFFF;
	(pc) =	sbr.abs _section_cstart, $3  }
0xc0: {  	[dreg:$0x1] =	wrdreg $0xFFFFFFFF  }
0xc1: {  	_ =	task.clear_ibuf [dreg:s6], $0x2FFFF;
	_ =	strace $0x9FFFFFFF  }
0xc2: {  	(tm) =	ssettm $0x7FFFFFFF  }
0xc3: {  	_ =	shalt  }
tec
execute0_lowered:
.L_overlay_start_1:
0x0: {  	(tag) =	ssettag $0x1  }
0x1: {  	s0 =	rddreg [dreg:$0x0]  }
0x2: {  	s2 =	rddreg [dreg:$0x1]  }
0x3: {  	s1 =	srdreg.scid;
	s14 =	stileid.u32  }
0x4: {  	s3 =	simm.s32 $0x0;
	s29 =	simm.s32 $0x800;
	s30 =	simm.s32 $0x5  }
0x5: {  	s31 =	simm.s32 $0x8;
	s28 =	simm.s32 $0x4;
	s5 =	smul.u32 $0x14000, s14  }
0x6: {  	s1 =	sand.u32 $0x1, s1;
	[smem:$0x7FF] =	sst s3;
	s10 =	smul.u32 $0x50000, s14  }
0x7: {  	s11 =	sshll.u32 s14, $0x1;
	s24 =	sshll.u32 s14, $0x6;
	s14 =	smul.u32 $0xB4, s14  }
0x8: {  	s4 =	sadd.s32 $0x30A00, s0;
	s8 =	sadd.s32 $0x1A200, s0;
	s6 =	smul.u32 $0x140000, s1  }
0x9: {  	s7 =	ssub.s32 $0x2, s1;
	s11 =	sor.u32 s1, s11;
	s1 =	smul.u32 $0x5A, s1  }
0xa: {  	s9 =	sadd.s32 $0xEE00, s0;
	_ =	strace $0x80000050;
	s23 =	smul.u32 $0x5A, s11  }
0xb: {  	s21 =	sshrl.u32 s7, $0x1;
	s22 =	sshrl.u32 s10, $0x2;
	s12 =	smul.u32 $0x2D00, s11  }
0xc: {  	s25 =	smul.u32 $0xB40, s11;
	s11 =	sshll.u32 s11, $0x8;
	s6 =	sadd.s32 s5, s6  }
0xd: {  	s5 =	sshrl.u32 s5, $0x3;
	s11 =	sand.u32 $0x300, s11;
	s1 =	sadd.s32 s1, s14  }
0xe: {  	s6 =	sshrl.u32 s6, $0x3;
	s5 =	sadd.s32 s4, s5;
	s12 =	sand.u32 $0x7FC00, s12  }
0xf: {  	s10 =	sor.u32 $0x1, s23;
	s15 =	sshll.u32 s1, $0x4;
	s18 =	sshll.u32 s1, $0x5  }
0x10: {  	s23 =	simm.s32 $0x400;
	s0 =	sadd.s32 s6, s0;
	s6 =	ssub.s32 s7, s21  }
0x11: {  	s7 =	sadd.s32 s22, s2;
	[dreg:$0xc] =	wrdreg s5;
	s11 =	sor.u32 s11, s12  }
0x12: {  	s13 =	sshll.u32 s10, $0x7;
	s5 =	sadd.s32 s8, s25;
	s10 =	sshll.u32 s10, $0x5  }
0x13: {  	s17 =	sadd.s32 s15, s9;
	s19 =	sadd.s32 s18, s8;
	s18 =	simm.s32 $0x70  }
0x14: {  	s22 =	simm.s32 $0x200;
	[dreg:$0x7] =	wrdreg s23;
	s25 =	simm.s32 $0x680  }
0x15: {  	s23 =	simm.s32 $0x9;
	[dreg:$0xb] =	wrdreg s7;
	s7 =	sor.u32 $0x1C0A, s24  }
0x16: {  	s11 =	sshrl.u32 s11, $0x3;
	s13 =	sand.u32 $0x380, s13;
	[dreg:$0xd] =	wrdreg s5  }
0x17: {  	s10 =	sadd.s32 s8, s10;
	s0 =	sadd.s32 $0x58A00, s0;
	[dreg:$0x6] =	wrdreg s22  }
0x18: {  	s24 =	simm.s32 $0x580;
	s22 =	simm.s32 $0x7800;
	[dreg:$0x9] =	wrdreg s25  }
0x19: {  	s25 =	simm.s32 $0x3;
	s26 =	sadd.s32 s9, s11;
	[dreg:$0xf] =	wrdreg s10  }
0x1a: {  	s11 =	sor.u32 s12, s13;
	s12 =	sadd.s32 $0x4, s1;
	[dreg:$0x11] =	wrdreg s0  }
0x1b: {  	s13 =	smax.u32 s6, $0x1;
	s1 =	sadd.s32 $0x2, s1;
	[dreg:$0x8] =	wrdreg s24  }
0x1c: {  	s10 =	sadd.s32 $0x60, s19;
	s19 =	simm.s32 $0x700;
	[dreg:$0xe] =	wrdreg s26  }
0x1d: {  	s24 =	simm.s32 $0x2;
	s5 =	sshrl.u32 s11, $0x3;
	[dreg:$0x12] =	wrdreg s13  }
0x1e: {  	s14 =	sshll.u32 s12, $0x4;
	s20 =	sshll.u32 s1, $0x4;
	s1 =	sshll.u32 s1, $0x5  }
0x1f: {  	s26 =	simm.s32 $0x600;
	s5 =	sadd.s32 s9, s5;
	s0 =	sadd.s32 s14, s9  }
0x20: {  	s21 =	sadd.s32 s20, s9;
	s9 =	sadd.s32 s1, s8;
	[dreg:$0xa] =	wrdreg s26  }
0x21: {  	s20 =	simm.s32 $0x4000;
	s26 =	simm.s32 $0x7;
	[dreg:$0x10] =	wrdreg s5  }
0x22: {  	s1 =	simm.s32 $0x6;
	s5 =	sshll.u32 s12, $0x5;
	[dreg:$0x3] =	wrdreg s0  }
0x23: {  	s0 =	sadd.s32 $0x30, s17;
	[dreg:$0x5] =	wrdreg s21;
	s17 =	simm.s32 $0xA  }
0x24: {  	s21 =	simm.s32 $0x780;
	s16 =	sadd.s32 s5, s8;
	[dreg:$0x4] =	wrdreg s0  }
0x25: {  	v0 =	vimm.f32 $0.0e+00;
	v1 =	vimm.s32 $0x0;
	s0 =	simm.s32 $0x1;
	s5 =	simm.s32 $0x0;
	[dreg:$0x13] =	wrdreg s16  }
.LBB2_1:
0x26: {  	s6 =	rddreg [dreg:$0xb]  }
0x27: {  	s8 =	rddreg [dreg:$0xc];
	s6 =	sshrl.u32 s6, $0x3  }
0x28: {  	[spmem:s6], [sflag:s7] =	dma.local [hbm:s8], $0x2800  }
0x29: {  	_ =	swait.ge [sflag:s17], $0x2800  }
0x2a: {  	[sflag:s17] =	ssyncset.done $0x0  }
0x2b: {  	s14 =	simm.s32 $0x200;
	s8 =	simm.s32 $0x0;
	[sflag:s17] =	ssyncadd.s32 $0xFFFFD800  }
.LBB2_2:
0x2c: {  	p0 =	sne.s32 s14, $0xDE00;
	[tilespmem:s8+$0x7870] =	vst v0  }
0x2d: {  	[tilespmem:s8+$0x4000] =	vst v0  }
0x2e: {  	[tilespmem:s8+$0x7800] =	vst v0  }
0x2f: {  	[tilespmem:s8+$0x4010] =	vst v0  }
0x30: {  	[tilespmem:s8+$0x7810] =	vst v0  }
0x31: {  	[tilespmem:s8+$0x4020] =	vst v0  }
0x32: {  	[tilespmem:s8+$0x7820] =	vst v0  }
0x33: {  	[tilespmem:s8+$0x4030] =	vst v0  }
0x34: {  	[tilespmem:s8+$0x7830] =	vst v0  }
0x35: {  	[tilespmem:s8+$0x4040] =	vst v0  }
0x36: {  	[tilespmem:s8+$0x7840] =	vst v0  }
.Ltmp0:
0x37: {  	[tilespmem:s8+$0x4050] =	vst v0;
	(pc) =	sbr.rel @p0 .LBB2_2-.Ltmp0, $4  }
0x38: {  	[tilespmem:s8+$0x7850] =	vst v0  }
0x39: {  	[tilespmem:s8+$0x4060] =	vst v0  }
0x3a: {  	[tilespmem:s8+$0x7860] =	vst v0  }
0x3b: {  	[tilespmem:s8+$0x4070] =	vst v0;
	s8 =	sshra.s32 s14, $0x2;
	s14 =	sadd.s32 $0x200, s14  }
0x3c: {  	[tilespmem:s8+$0x7870] =	vst v0  }
0x3d: {  	[tilespmem:s8+$0x4000] =	vst v0  }
0x3e: {  	[tilespmem:s8+$0x7800] =	vst v0  }
0x3f: {  	[tilespmem:s8+$0x4010] =	vst v0  }
0x40: {  	[tilespmem:s8+$0x7810] =	vst v0  }
0x41: {  	[tilespmem:s8+$0x4020] =	vst v0  }
0x42: {  	[tilespmem:s8+$0x7820] =	vst v0  }
0x43: {  	[tilespmem:s8+$0x4030] =	vst v0  }
0x44: {  	[tilespmem:s8+$0x7830] =	vst v0  }
0x45: {  	[tilespmem:s8+$0x4040] =	vst v0  }
0x46: {  	[tilespmem:s8+$0x7840] =	vst v0  }
0x47: {  	[tilespmem:s8+$0x4050] =	vst v0  }
0x48: {  	[tilespmem:s8+$0x7850] =	vst v0  }
0x49: {  	[tilespmem:s8+$0x4060] =	vst v0  }
0x4a: {  	[tilespmem:s8+$0x7860] =	vst v0  }
0x4b: {  	[tilespmem:s8+$0x4070] =	vst v0  }
0x4c: {  	[tilespmem:$0x700] =	vst v1  }
0x4d: {  	[tilespmem:$0x780] =	vst v1  }
0x4e: {  	[tilespmem:$0x710] =	vst v1  }
0x4f: {  	[tilespmem:$0x790] =	vst v1  }
0x50: {  	[tilespmem:$0x720] =	vst v1  }
0x51: {  	[tilespmem:$0x7A0] =	vst v1  }
0x52: {  	[tilespmem:$0x730] =	vst v1  }
0x53: {  	[tilespmem:$0x7B0] =	vst v1  }
0x54: {  	[tilespmem:$0x740] =	vst v1  }
0x55: {  	[tilespmem:$0x7C0] =	vst v1  }
0x56: {  	[tilespmem:$0x750] =	vst v1  }
0x57: {  	[tilespmem:$0x7D0] =	vst v1  }
0x58: {  	[tilespmem:$0x760] =	vst v1  }
0x59: {  	[tilespmem:$0x7E0] =	vst v1  }
0x5a: {  	[bflag:$0x0] =	sbarrier.arrive $0xFFFF  }
0x5b: {  	[spmem:s2] =	stream.indirect.scatter.add.f32 [tilespmem:s20], [sflag:$0x5], $0x80, s19, s18, $0xb8;
	[tilespmem:$0x1F000] =	vst v63  }
0x5c: {  	_ = 	snop  }
0x5d: {  	[spmem:s2] =	stream.indirect.scatter.add.f32 [tilespmem:s22], [sflag:$0x6], $0x80, s21, s18, $0xb8;
	[tilespmem:$0x1F000] =	vst v63  }
0x5e: {  	s8 =	simm.s32 $0x0;
	s11 =	rddreg [dreg:$0xd]  }
0x5f: {  	[tilespmem:s8], [sflag:$0x7] =	stream.linear.gather [hbm4b:s11+s8], $0x100, $0x38;
	[tilespmem:$0x1F000] =	vst v63  }
0x60: {  	s12 =	simm.s32 $0x300;
	s16 =	rddreg [dreg:$0xe]  }
0x61: {  	[tilespmem:s12], [sflag:$0x7] =	stream.linear.gather [hbm4b:s16+s8], $0x80, $0x38;
	[tilespmem:$0x1F000] =	vst v63  }
0x62: {  	s13 =	simm.s32 $0x100;
	s12 =	rddreg [dreg:$0xf]  }
0x63: {  	[tilespmem:s13], [sflag:$0x8] =	stream.linear.gather [hbm4b:s12+s8], $0x100, $0x38;
	[tilespmem:$0x1F000] =	vst v63  }
0x64: {  	s15 =	simm.s32 $0x380;
	s14 =	rddreg [dreg:$0x10]  }
0x65: {  	[tilespmem:s15], [sflag:$0x8] =	stream.linear.gather [hbm4b:s14+s8], $0x80, $0x38;
	[tilespmem:$0x1F000] =	vst v63  }
0x66: {  	_ =	swait.ge [sflag:s26], $0x100  }
0x67: {  	[sflag:s26] =	ssyncset.done $0x0  }
0x68: {  	[sflag:s26] =	ssyncadd.s32 $0xFFFFFF00  }
0x69: {  	_ =	swait.ge [sflag:s26], $0x80  }
0x6a: {  	[sflag:s26] =	ssyncset.done $0x0  }
0x6b: {  	[sflag:s26] =	ssyncadd.s32 $0xFFFFFF80  }
0x6c: {  	v2 =	vld [tilespmem:$0x0]  }
0x6d: {  	v3 =	vld [tilespmem:$0x80]  }
0x6e: {  	v4 =	vld [tilespmem:$0x10]  }
0x6f: {  	v5 =	vld [tilespmem:$0x90]  }
0x70: {  	v6 =	vld [tilespmem:$0x20]  }
0x71: {  	v59 =	vld [tilespmem:$0xB0];
	[tilespmem:$0x500] =	vst v2  }
0x72: {  	v60 =	vld [tilespmem:$0x40];
	[tilespmem:$0x680] =	vst v3  }
0x73: {  	v2 =	vld [tilespmem:$0xA0];
	[tilespmem:$0x510] =	vst v4  }
0x74: {  	v3 =	vld [tilespmem:$0x30];
	[tilespmem:$0x690] =	vst v5  }
0x75: {  	v61 =	vld [tilespmem:$0xC0];
	[tilespmem:$0x520] =	vst v6  }
0x76: {  	v62 =	vld [tilespmem:$0x60];
	[tilespmem:$0x6B0] =	vst v59  }
0x77: {  	v63 =	vld [tilespmem:$0xE0];
	[tilespmem:$0x540] =	vst v60  }
0x78: {  	[tilespmem:$0x6A0] =	vst v2;
	v2 =	vld [tilespmem:$0x50]  }
0x79: {  	[tilespmem:$0x530] =	vst v3;
	v3 =	vld [tilespmem:$0xD0]  }
0x7a: {  	[tilespmem:$0x6C0] =	vst v61  }
0x7b: {  	[tilespmem:$0x560] =	vst v62  }
0x7c: {  	[tilespmem:$0x6E0] =	vst v63  }
0x7d: {  	[tilespmem:$0x550] =	vst v2  }
0x7e: {  	s16 =	simm.s32 $0x500;
	[tilespmem:$0x6D0] =	vst v3  }
0x7f: {  	[tilespmem:s29], [sflag:$0x1] =	stream.indirect.gather [hbm4b:s4+s18], $0x80, s16, s18, $0xb8;
	[tilespmem:$0x1F000] =	vst v63  }
0x80: {  	s15 =	smov.u32 s10;
	s14 =	rddreg [dreg:$0x13];
	s16 =	smov.u32 s9  }
.LBB2_4:
0x81: {  	s12 =	rddreg [dreg:$0x6]  }
0x82: {  	s13 =	rddreg [dreg:$0x5]  }
0x83: {  	[tilespmem:s12], [sflag:$0x9] =	stream.linear.gather [hbm4b:s16+s3], $0x100, $0x38;
	[tilespmem:$0x1F000] =	vst v63  }
0x84: {  	s11 =	rddreg [dreg:$0x7];
	s13 =	sadd.s32 s8, s13  }
0x85: {  	[tilespmem:s11], [sflag:$0x9] =	stream.linear.gather [hbm4b:s13+s3], $0x80, $0x38;
	[tilespmem:$0x1F000] =	vst v63  }
0x86: {  	_ =	swait.ge [sflag:s30], $0x3800  }
0x87: {  	[sflag:s30] =	ssyncset.done $0x0  }
0x88: {  	[sflag:s30] =	ssyncadd.s32 $0xFFFFC800  }
0x89: {  	_ =	swait.ge [sflag:s31], $0x100  }
0x8a: {  	[sflag:s31] =	ssyncset.done $0x0  }
0x8b: {  	[sflag:s31] =	ssyncadd.s32 $0xFFFFFF00  }
0x8c: {  	_ =	swait.ge [sflag:s31], $0x80  }
0x8d: {  	[sflag:s31] =	ssyncset.done $0x0  }
0x8e: {  	[sflag:s31] =	ssyncadd.s32 $0xFFFFFF80  }
0x8f: {  	v2 =	vld [tilespmem:$0x100]  }
0x90: {  	v3 =	vld [tilespmem:$0x180]  }
0x91: {  	v4 =	vld [tilespmem:$0x110]  }
0x92: {  	v5 =	vld [tilespmem:$0x190]  }
0x93: {  	v6 =	vld [tilespmem:$0x120]  }
0x94: {  	v51 =	vld [tilespmem:$0x1B0];
	[tilespmem:$0x580] =	vst v2  }
0x95: {  	v52 =	vld [tilespmem:$0x140];
	[tilespmem:$0x700] =	vst v3  }
0x96: {  	v2 =	vld [tilespmem:$0x1A0];
	[tilespmem:$0x590] =	vst v4  }
0x97: {  	v3 =	vld [tilespmem:$0x130];
	[tilespmem:$0x710] =	vst v5  }
0x98: {  	v53 =	vld [tilespmem:$0x1C0];
	[tilespmem:$0x5A0] =	vst v6  }
0x99: {  	v54 =	vld [tilespmem:$0x160];
	[tilespmem:$0x730] =	vst v51  }
0x9a: {  	v55 =	vld [tilespmem:$0x1E0];
	[tilespmem:$0x5C0] =	vst v52  }
0x9b: {  	[tilespmem:$0x720] =	vst v2;
	v2 =	vld [tilespmem:$0x150]  }
0x9c: {  	[tilespmem:$0x5B0] =	vst v3;
	v3 =	vld [tilespmem:$0x1D0]  }
0x9d: {  	[tilespmem:$0x740] =	vst v53  }
0x9e: {  	[tilespmem:$0x5E0] =	vst v54  }
0x9f: {  	[tilespmem:$0x760] =	vst v55  }
0xa0: {  	[tilespmem:$0x5D0] =	vst v2  }
0xa1: {  	s13 =	rddreg [dreg:$0x8];
	[tilespmem:$0x750] =	vst v3  }
0xa2: {  	[tilespmem:s20], [sflag:$0x2] =	stream.indirect.gather [hbm4b:s4+s18], $0x80, s13, s18, $0xb8;
	[tilespmem:$0x1F000] =	vst v63  }
0xa3: {  	_ =	swait.ge [sflag:s0], $0x3800  }
0xa4: {  	[sflag:s0] =	ssyncset.done $0x0  }
0xa5: {  	p0 =	seq.s32 s8, $0x570;
	s12 =	rddreg [dreg:$0x9];
	[sflag:s0] =	ssyncadd.s32 $0xFFFFC800  }
0xa6: {  	[spmem:s2] =	stream.indirect.scatter.add.f32 [tilespmem:s29], [sflag:$0x4], $0x80, s12, s18, $0xb8;
	[tilespmem:$0x1F000] =	vst v63  }
0xa7: {  	s11 =	rddreg [dreg:$0x4];
	s12 =	simm.s32 @!p0 $0x0  }
0xa8: {  	[tilespmem:s12], [sflag:$0x7] =	stream.linear.gather @!p0 [hbm4b:s15+s12], $0x100, $0x38;
	[tilespmem:$0x1F000] =	vst v63  }
0xa9: {  	s13 =	simm.s32 @!p0 $0x300;
	s11 =	sadd.s32 @!p0 s8, s11  }
0xaa: {  	[tilespmem:s13], [sflag:$0x7] =	stream.linear.gather @!p0 [hbm4b:s11+s12], $0x80, $0x38;
	[tilespmem:$0x1F000] =	vst v63  }
0xab: {  	_ =	swait.ge [sflag:s1], $0x3800  }
0xac: {  	[sflag:s1] =	ssyncset.done $0x0  }
0xad: {  	[sflag:s1] =	ssyncadd.s32 $0xFFFFC800  }
0xae: {  	_ =	swait.ge [sflag:s23], $0x100  }
0xaf: {  	[sflag:s23] =	ssyncset.done $0x0  }
0xb0: {  	[sflag:s23] =	ssyncadd.s32 $0xFFFFFF00  }
0xb1: {  	_ =	swait.ge [sflag:s23], $0x80  }
0xb2: {  	[sflag:s23] =	ssyncset.done $0x0  }
0xb3: {  	[sflag:s23] =	ssyncadd.s32 $0xFFFFFF80  }
0xb4: {  	v2 =	vld [tilespmem:$0x200]  }
0xb5: {  	v3 =	vld [tilespmem:$0x280]  }
0xb6: {  	v56 =	vld [tilespmem:$0x210]  }
0xb7: {  	v57 =	vld [tilespmem:$0x290]  }
0xb8: {  	v58 =	vld [tilespmem:$0x220]  }
0xb9: {  	v59 =	vld [tilespmem:$0x2B0];
	[tilespmem:$0x600] =	vst v2  }
0xba: {  	v60 =	vld [tilespmem:$0x240];
	[tilespmem:$0x780] =	vst v3  }
0xbb: {  	v2 =	vld [tilespmem:$0x2A0];
	[tilespmem:$0x610] =	vst v56  }
0xbc: {  	v3 =	vld [tilespmem:$0x230];
	[tilespmem:$0x790] =	vst v57  }
0xbd: {  	v61 =	vld [tilespmem:$0x2C0];
	[tilespmem:$0x620] =	vst v58  }
0xbe: {  	v62 =	vld [tilespmem:$0x260];
	[tilespmem:$0x7B0] =	vst v59  }
0xbf: {  	v63 =	vld [tilespmem:$0x2E0];
	[tilespmem:$0x640] =	vst v60  }
0xc0: {  	[tilespmem:$0x7A0] =	vst v2;
	v2 =	vld [tilespmem:$0x250]  }
0xc1: {  	[tilespmem:$0x630] =	vst v3;
	v3 =	vld [tilespmem:$0x2D0]  }
0xc2: {  	[tilespmem:$0x7C0] =	vst v61  }
0xc3: {  	[tilespmem:$0x660] =	vst v62  }
0xc4: {  	[tilespmem:$0x7E0] =	vst v63  }
0xc5: {  	[tilespmem:$0x650] =	vst v2  }
0xc6: {  	s13 =	rddreg [dreg:$0xa];
	[tilespmem:$0x7D0] =	vst v3  }
0xc7: {  	[tilespmem:s22], [sflag:$0x3] =	stream.indirect.gather [hbm4b:s4+s18], $0x80, s13, s18, $0xb8;
	[tilespmem:$0x1F000] =	vst v63  }
0xc8: {  	_ =	swait.ge [sflag:s24], $0x3800  }
0xc9: {  	[sflag:s24] =	ssyncset.done $0x0  }
0xca: {  	[sflag:s24] =	ssyncadd.s32 $0xFFFFC800  }
0xcb: {  	[spmem:s2] =	stream.indirect.scatter.add.f32 [tilespmem:s20], [sflag:$0x5], $0x80, s19, s18, $0xb8;
	[tilespmem:$0x1F000] =	vst v63  }
0xcc: {  	s13 =	simm.s32 @!p0 $0x100;
	s11 =	rddreg [dreg:$0x3]  }
0xcd: {  	[tilespmem:s13], [sflag:$0x8] =	stream.linear.gather @!p0 [hbm4b:s14+s12], $0x100, $0x38;
	[tilespmem:$0x1F000] =	vst v63  }
0xce: {  	s11 =	sadd.s32 @!p0 s8, s11;
	s13 =	simm.s32 @!p0 $0x380  }
0xcf: {  	[tilespmem:s13], [sflag:$0x8] =	stream.linear.gather @!p0 [hbm4b:s11+s12], $0x80, $0x38;
	[tilespmem:$0x1F000] =	vst v63  }
0xd0: {  	s11 =	simm.s32 @!p0 $0x4  }
0xd1: {  	_ =	swait.ge @!p0 [sflag:s11], $0x3800  }
0xd2: {  	[sflag:s11] =	ssyncset.done @!p0 $0x0  }
0xd3: {  	[sflag:s11] =	ssyncadd.s32 @!p0 $0xFFFFC800;
	s11 =	simm.s32 @!p0 $0x7  }
0xd4: {  	_ =	swait.ge @!p0 [sflag:s11], $0x100  }
0xd5: {  	[sflag:s11] =	ssyncset.done @!p0 $0x0  }
0xd6: {  	[sflag:s11] =	ssyncadd.s32 @!p0 $0xFFFFFF00  }
0xd7: {  	_ =	swait.ge @!p0 [sflag:s11], $0x80  }
0xd8: {  	[sflag:s11] =	ssyncset.done @!p0 $0x0  }
0xd9: {  	[sflag:s11] =	ssyncadd.s32 @!p0 $0xFFFFFF80  }
0xda: {  	v2 =	vld @!p0 [tilespmem:$0x0]  }
0xdb: {  	v3 =	vld @!p0 [tilespmem:$0x80]  }
0xdc: {  	v4 =	vld @!p0 [tilespmem:$0x10]  }
0xdd: {  	v5 =	vld @!p0 [tilespmem:$0x90]  }
0xde: {  	v6 =	vld @!p0 [tilespmem:$0x20]  }
0xdf: {  	[tilespmem:$0x500] =	vst @!p0 v2;
	v2 =	vld @!p0 [tilespmem:$0xA0]  }
0xe0: {  	[tilespmem:$0x680] =	vst @!p0 v3;
	v3 =	vld @!p0 [tilespmem:$0x30]  }
0xe1: {  	[tilespmem:$0x510] =	vst @!p0 v4;
	v4 =	vld @!p0 [tilespmem:$0xB0]  }
0xe2: {  	[tilespmem:$0x690] =	vst @!p0 v5;
	v5 =	vld @!p0 [tilespmem:$0x40]  }
0xe3: {  	[tilespmem:$0x520] =	vst @!p0 v6;
	v6 =	vld @!p0 [tilespmem:$0xC0]  }
0xe4: {  	[tilespmem:$0x6A0] =	vst @!p0 v2;
	v2 =	vld @!p0 [tilespmem:$0x50]  }
0xe5: {  	[tilespmem:$0x530] =	vst @!p0 v3;
	v3 =	vld @!p0 [tilespmem:$0xD0]  }
0xe6: {  	[tilespmem:$0x6B0] =	vst @!p0 v4;
	v4 =	vld @!p0 [tilespmem:$0x60]  }
0xe7: {  	[tilespmem:$0x540] =	vst @!p0 v5;
	v5 =	vld @!p0 [tilespmem:$0xE0]  }
0xe8: {  	[tilespmem:$0x6C0] =	vst @!p0 v6  }
0xe9: {  	[tilespmem:$0x550] =	vst @!p0 v2  }
0xea: {  	[tilespmem:$0x6D0] =	vst @!p0 v3  }
0xeb: {  	s8 =	sadd.s32 $0x30, s8;
	[tilespmem:$0x560] =	vst @!p0 v4  }
0xec: {  	s12 =	simm.s32 @!p0 $0x500;
	s13 =	simm.s32 @!p0 $0x800;
	s11 =	simm.s32 @!p0 $0x70;
	[tilespmem:$0x6E0] =	vst @!p0 v5  }
0xed: {  	[tilespmem:s13], [sflag:$0x1] =	stream.indirect.gather @!p0 [hbm4b:s4+s11], $0x80, s12, s11, $0xb8;
	[tilespmem:$0x1F000] =	vst v63  }
0xee: {  	p0 =	sne.s32 s8, $0x5A0  }
.Ltmp1:
0xef: {  	_ = 	snop;
	(pc) =	sbr.rel @p0 .LBB2_4-.Ltmp1, $4  }
0xf0: {  	_ =	swait.ge [sflag:s25], $0x3800  }
0xf1: {  	s16 =	sadd.s32 $0x60, s16;
	[sflag:s25] =	ssyncset.done $0x0  }
0xf2: {  	s15 =	sadd.s32 $0x60, s15;
	s14 =	sadd.s32 $0x60, s14;
	[sflag:s25] =	ssyncadd.s32 $0xFFFFC800  }
0xf3: {  	[spmem:s2] =	stream.indirect.scatter.add.f32 [tilespmem:s22], [sflag:$0x6], $0x80, s21, s18, $0xb8;
	[tilespmem:$0x1F000] =	vst v63  }
0xf4: {  	_ =	swait.ge [sflag:s28], $0x3800  }
0xf5: {  	[sflag:s28] =	ssyncset.done $0x0  }
0xf6: {  	[sflag:s28] =	ssyncadd.s32 $0xFFFFC800  }
0xf7: {  	_ =	swait.ge [sflag:s30], $0x3800  }
0xf8: {  	[sflag:s30] =	ssyncset.done $0x0  }
0xf9: {  	[sflag:s30] =	ssyncadd.s32 $0xFFFFC800  }
0xfa: {  	_ =	swait.ge [sflag:s1], $0x3800  }
0xfb: {  	[sflag:s1] =	ssyncset.done $0x0  }
0xfc: {  	[sflag:s1] =	ssyncadd.s32 $0xFFFFC800  }
0xfd: {  	[bflag:$0x0] =	sbarrier.arrive $0xFFFF  }
0xfe: {  	s8 =	rddreg [dreg:$0x11]  }
0xff: {  	[hbm:s8], [sflag:s7] =	dma.local [spmem:s6], $0x2800  }
0x100: {  	_ =	swait.ge [sflag:s17], $0x2800  }
0x101: {  	s5 =	sadd.s32 $0x1, s5;
	s16 =	rddreg [dreg:$0x12]  }
0x102: {  	p0 =	sne.s32 s5, s16  }
.Ltmp2:
0x103: {  	_ = 	snop;
	(pc) =	sbr.rel @p0 .LBB2_1-.Ltmp2, $3  }
0x104: {  	_ =	sdelay $0x1  }
0x105: {  	[sflag:s17] =	ssyncset.done $0x0  }
0x106: {  	[sflag:s17] =	ssyncadd.s32 $0xFFFFD800  }
0x107: {  	_ =	sfence.sel $0x180000  }
0x108: {  	[bflag:$0x0] =	sbarrier.arrive $0xFFFF  }
0x109: {  	_ =	strace $0x90000050  }
0x10a: {  	s0 =	stileid.u32;
	[bflag:$0x2] =	sbarrier.arrive $0xFFFF  }
0x10b: {  	p0 =	sne.s32 s0, $0x0;
	s0 =	rddreg [dreg:$0x2]  }
0x10c: {  	s0 =	sadd.s32 @!p0 $0x100000, s0  }
0x10d: {  	[sflag:s0] =	ssyncadd.tile.s32 @!p0 $0x1;
	_ =	shalt  }
.Lfunc_end2:
_tile_overlayer_lowered:
.L_overlay_start_2:
0x10e: {  	(tag) =	ssettag $0x2  }
0x10f: {  	s0 =	rddreg [dreg:$0x0];
	s2 =	stileid.u32  }
0x110: {  	s1 =	rddreg [dreg:$0x1];
	p0 =	sne.s32 s2, $0x0  }
0x111: {  	s3 =	rddreg [dreg:$0x2];
	[bflag:$0x3] =	sbarrier.arrive $0xFFFF;
	s2 =	simm.s32 @!p0 $0x1C0A  }
0x112: {  	[timem:s3], [sflag:s2] =	dma.local @!p0 [hbm:s0], s1  }
0x113: {  	s0 =	simm.s32 @!p0 $0xA  }
0x114: {  	_ =	swait.ge @!p0 [sflag:s0], s1  }
0x115: {  	s1 =	ssub.s32 @!p0 $0x0, s1;
	[sflag:s0] =	ssyncset.done @!p0 $0x0  }
0x116: {  	[sflag:s0] =	ssyncadd.s32 @!p0 s1  }
0x117: {  	[bflag:$0x3] =	sbarrier.arrive $0xFFFF  }
0x118: {  	_ =	shalt  }

</sc_bundles>
